<compile_context>
chip_gen: v7x
topology: tpu7x:2x2x1
jax: 0.10.2.dev20260603
libtpu: 0.0.44.dev20260713+nightly
codegen_flags: <defaults>
</compile_context>

<pallas_src>
import functools
import numpy as np
import jax
import jax.numpy as jnp
from jax import lax
from jax.experimental import pallas as pl
from jax.experimental.pallas import tpu as pltpu
from jax.experimental.pallas import tpu_sc as plsc

_T = 64
_NS = 5
_SLOTS = _NS * _NS
_NH = 64
_SEL_PAD = 32

_PERM = np.array([7, 4, 16, 19, 2, 5, 3, 22, 6, 18, 10, 11, 15, 20, 8, 24,
                  9, 13, 14, 17, 23, 0, 21, 1, 12], dtype=np.int32)
_INV_PERM = np.argsort(_PERM).astype(np.int32)

_OUT_ROWS = 3 * _NS * _T * _NS
_ACTIVE_W = 30
_RPW = _OUT_ROWS // _ACTIVE_W


_NSPLIT = 8
_SW = 4096 // _NSPLIT
_RB = 4
_STEPS = _NH // _RB


def _scores_topk_body(*refs):
    (img_refs, (inv_perm_ref, img_any, sel_ref, cand_any, acc_ref,
                sem)) = refs[:_NSPLIT], refs[_NSPLIT:]
    i = pl.program_id(0)
    for j, img_ref in enumerate(img_refs):
        x = img_ref[...]
        for rb in range(_RB):
            x2 = x[:, rb * _T:(rb + 1) * _T, :].reshape(3 * _T, _SW)
            acc_ref[pl.ds(i * _RB + rb, 1), pl.ds(j * _SW, _SW)] = jnp.sum(
                x2, axis=0, keepdims=True)

    @pl.when(i == _STEPS - 1)
    def _():
        lane = lax.broadcasted_iota(jnp.int32, (4096, _NH), 0)
        col = lax.broadcasted_iota(jnp.int32, (4096, _NH), 1)
        S = (lane // _T == col).astype(jnp.float32)
        scores = jnp.dot(acc_ref[...], S,
                         precision=jax.lax.Precision.HIGHEST,
                         preferred_element_type=jnp.float32)
        ig = (lax.broadcasted_iota(jnp.int32, (_NH, _NH), 0) * _NH
              + lax.broadcasted_iota(jnp.int32, (_NH, _NH), 1))

        def body(k, s):
            m = jnp.max(s)
            idx = jnp.min(jnp.where(s == m, ig, jnp.int32(1 << 30)))
            sel_ref[inv_perm_ref[k]] = idx
            return jnp.where(ig == idx, jnp.float32(-jnp.inf), s)

        lax.fori_loop(0, _SLOTS, body, scores)
        for z in range(_SLOTS, _SEL_PAD):
            sel_ref[z] = 0

        copies = []
        for k in range(_SLOTS):
            s = sel_ref[k]
            ti = s // _NH
            tjc = lax.rem(s, _NH) // 2
            copies.append(pltpu.make_async_copy(
                img_any.at[:, pl.ds(ti * _T, _T), pl.ds(tjc * 2 * _T, 2 * _T)],
                cand_any.at[k],
                sem,
            ))
        for c in copies:
            c.start()
        for c in copies:
            c.wait()


def _select_tiles(img):
    inv_perm = jnp.asarray(_INV_PERM)
    return pl.pallas_call(
        _scores_topk_body,
        grid=(_STEPS,),
        in_specs=[
            pl.BlockSpec((3, _RB * _T, _SW), functools.partial(
                lambda j, i: (0, i, j), j))
            for j in range(_NSPLIT)
        ] + [
            pl.BlockSpec(memory_space=pltpu.SMEM),
            pl.BlockSpec(memory_space=pl.ANY),
        ],
        out_specs=[
            pl.BlockSpec(memory_space=pltpu.SMEM),
            pl.BlockSpec(memory_space=pl.ANY),
        ],
        out_shape=[
            jax.ShapeDtypeStruct((_SEL_PAD,), jnp.int32),
            jax.ShapeDtypeStruct((_SLOTS, 3, _T, 2 * _T), jnp.float32),
        ],
        scratch_shapes=[
            pltpu.VMEM((_NH, 4096), jnp.float32),
            pltpu.SemaphoreType.DMA,
        ],
    )(*([img] * _NSPLIT), inv_perm, img)


def _sc_gather_body(cand_hbm, sel_hbm, out_hbm, sel_v, idx0_v, idx1_v,
                    rows0_v, rows1_v, sem):
    info = plsc.get_sparse_core_info()
    wid = lax.axis_index("s") * info.num_cores + lax.axis_index("c")

    @pl.when(wid < _ACTIVE_W)
    def _():
        pltpu.sync_copy(sel_hbm, sel_v)
        base = wid * _RPW
        half = _RPW // 2
        for g in range(_RPW // 16):
            r = base + g * 16 + lax.iota(jnp.int32, 16)
            c = lax.div(r, 1600)
            rem = r - c * 1600
            irow = lax.div(rem, _NS)
            jcol = rem - irow * _NS
            islot = lax.div(irow, _T)
            kslot = islot * _NS + jcol
            a = irow - islot * _T
            selk = plsc.load_gather(sel_v, [kslot])
            tj = selk - lax.div(selk, _NH) * _NH
            h = tj - lax.div(tj, 2) * 2
            src = 2 * (kslot * (3 * _T) + c * _T + a) + h
            if g < half // 16:
                idx0_v[pl.ds(g * 16, 16)] = src
            else:
                idx1_v[pl.ds(g * 16 - half, 16)] = src
        cp0 = pltpu.async_copy(cand_hbm.at[idx0_v], rows0_v, sem)
        cp1 = pltpu.async_copy(cand_hbm.at[idx1_v], rows1_v, sem)
        cp0.wait()
        cp1.wait()
        pltpu.sync_copy(rows0_v, out_hbm.at[pl.ds(base, half)])
        pltpu.sync_copy(rows1_v, out_hbm.at[pl.ds(base + half, half)])


def _place_tiles(cand2, sel):
    mesh = plsc.VectorSubcoreMesh(core_axis_name="c", subcore_axis_name="s")
    f = functools.partial(
        pl.kernel,
        mesh=mesh,
        out_type=jax.ShapeDtypeStruct((_OUT_ROWS, _T), jnp.float32),
        compiler_params=pltpu.CompilerParams(
            use_tc_tiling_on_sc=False, needs_layout_passes=False),
        scratch_types=[
            pltpu.VMEM((_SEL_PAD,), jnp.int32),
            pltpu.VMEM((_RPW // 2,), jnp.int32),
            pltpu.VMEM((_RPW // 2,), jnp.int32),
            pltpu.VMEM((_RPW // 2, _T), jnp.float32),
            pltpu.VMEM((_RPW // 2, _T), jnp.float32),
            pltpu.SemaphoreType.DMA,
        ],
    )(_sc_gather_body)
    return f(cand2, sel)


def kernel(img):
    sel, cand = _select_tiles(img)
    cand2 = cand.reshape(_SLOTS * 3 * _T * 2, _T)
    out2 = _place_tiles(cand2, sel)
    return out2.reshape(3, _NS * _T, _NS * _T)

# --- scband reference (transcript-rebuilt; emitter-appended) ---
"""Pipeline reference for scband-texture-harvest-64536178590235 (READ-ONLY COPY).

The authoritative reference and input builder live on the scoring server;
editing this copy changes nothing except your own understanding.
"""

import jax, jax.numpy as jnp
import numpy as np

TARGET_SIZE = 320
TILE_SIZE = 64


def setup_inputs(seed: int = 0) -> dict:
    key = jax.random.key(seed)
    img = jax.random.normal(key, (3, 4096, 4096), dtype=jnp.float32)
    return {"img": img}


def reference(img):
    C, H, W = img.shape
    t = TILE_SIZE
    ns = TARGET_SIZE // t
    total_slots = ns * ns
    nh, nw = H // t, W // t
    # torch unfold(1,t,t).unfold(2,t,t) -> tiles[c,i,j,a,b] = img[c, i*t+a, j*t+b]
    tiles = img.reshape(C, nh, t, nw, t).transpose(0, 1, 3, 2, 4)  # [C, nh, nw, t, t]
    scores = tiles.sum(axis=(0, 3, 4))  # [nh, nw]
    flat_scores = scores.reshape(-1)
    _, top_idx = jax.lax.top_k(flat_scores, total_slots)
    flat_tiles = tiles.transpose(1, 2, 0, 3, 4).reshape(-1, C, t, t)  # [nh*nw, C, t, t]
    best_tiles = flat_tiles[top_idx]  # gather
    perm = jax.random.permutation(jax.random.key(42), total_slots)
    best_tiles = best_tiles[perm]
    # assemble mosaic: slot k = i*ns + j placed at rows i*t, cols j*t
    new_img = best_tiles.reshape(ns, ns, C, t, t).transpose(2, 0, 3, 1, 4).reshape(C, TARGET_SIZE, TARGET_SIZE)
    return new_img

if __name__ == "__main__":
    import jax
    _d = setup_inputs()
    print(jax.jit(kernel)(*tuple(_d.values())))

</pallas_src>

<mosaic_0001>
#map = affine_map<(d0, d1) -> (0, 0)>
#map1 = affine_map<(d0, d1) -> (0)>
module attributes {stable_mosaic.version = 14 : i64} {
  func.func @_sc_gather_body(%arg0: i32, %arg1: i32, %arg2: memref<9600x64xf32, #tpu.memory_space<hbm>>, %arg3: memref<32xi32, #tpu.memory_space<hbm>>, %arg4: memref<4800x64xf32, #tpu.memory_space<hbm>>, %arg5: memref<32xi32, #tpu.memory_space<vmem>>, %arg6: memref<80xi32, #tpu.memory_space<vmem>>, %arg7: memref<80xi32, #tpu.memory_space<vmem>>, %arg8: memref<80x64xf32, #tpu.memory_space<vmem>>, %arg9: memref<80x64xf32, #tpu.memory_space<vmem>>, %arg10: memref<!tpu.dma_semaphore, #tpu.memory_space<semaphore_mem>>) attributes {dimension_semantics = [#tpu.dimension_semantics<core_parallel>, #tpu.dimension_semantics<subcore_parallel>], iteration_bounds = array<i64: 2, 16>, scalar_prefetch = 0 : i64, scratch_operands = 6 : i64, tpu.core_type = #tpu.core_type<sc_vector_subcore>, window_params = [{transform_indices = #map}, {transform_indices = #map1}, {transform_indices = #map}]} {
    %mul3A = arith.constant 2 : i32
    %mul3A_0 = arith.muli %arg1, %mul3A : i32
    %add3A = arith.addi %mul3A_0, %arg0 : i32
    %lt3A = arith.constant 30 : i32
    %lt3A_1 = arith.cmpi slt, %add3A, %lt3A : i32
    %convert_element_type3A = arith.extui %lt3A_1 : i1 to i32
    %cond3A = arith.constant 0 : i32
    %cond3A_2 = arith.cmpi ne, %convert_element_type3A, %cond3A : i32
    scf.if %cond3A_2 {
      "tpu.region"() ({
        %run_scoped3A = tpu.sem_alloc : memref<!tpu.dma_semaphore, #tpu.memory_space<semaphore_mem>>
        tpu.enqueue_dma source(%arg3 : memref<32xi32, #tpu.memory_space<hbm>>) target(%arg5 : memref<32xi32, #tpu.memory_space<vmem>>) target_semaphore(%run_scoped3A : memref<!tpu.dma_semaphore, #tpu.memory_space<semaphore_mem>>)
        tpu.wait_dma2 semaphore(%run_scoped3A : memref<!tpu.dma_semaphore, #tpu.memory_space<semaphore_mem>>) src(%arg3 : memref<32xi32, #tpu.memory_space<hbm>>) dst(%arg5 : memref<32xi32, #tpu.memory_space<vmem>>)
        tpu.yield
      }) : () -> ()
      %mul3A_3 = arith.constant 160 : i32
      %mul3A_4 = arith.muli %add3A, %mul3A_3 : i32
      %add3A_5 = arith.constant 0 : i32
      %add3A_6 = arith.addi %mul3A_4, %add3A_5 : i32
      %iota3A = tpu.iota {dimensions = array<i32: 0>} : vector<16xi32>
      %add3A_7 = vector.broadcast %add3A_6 : i32 to vector<16xi32>
      %add3A_8 = arith.addi %add3A_7, %iota3A : vector<16xi32>
      %div3A = arith.constant 1600 : i32
      %div3A_9 = vector.broadcast %div3A : i32 to vector<16xi32>
      %div3A_10 = arith.divsi %add3A_8, %div3A_9 : vector<16xi32>
      %mul3A_11 = arith.constant 1600 : i32
      %mul3A_12 = vector.broadcast %mul3A_11 : i32 to vector<16xi32>
      %mul3A_13 = arith.muli %div3A_10, %mul3A_12 : vector<16xi32>
      %sub3A = arith.subi %add3A_8, %mul3A_13 : vector<16xi32>
      %div3A_14 = arith.constant 5 : i32
      %div3A_15 = vector.broadcast %div3A_14 : i32 to vector<16xi32>
      %div3A_16 = arith.divsi %sub3A, %div3A_15 : vector<16xi32>
      %mul3A_17 = arith.constant 5 : i32
      %mul3A_18 = vector.broadcast %mul3A_17 : i32 to vector<16xi32>
      %mul3A_19 = arith.muli %div3A_16, %mul3A_18 : vector<16xi32>
      %sub3A_20 = arith.subi %sub3A, %mul3A_19 : vector<16xi32>
      %div3A_21 = arith.constant 64 : i32
      %div3A_22 = vector.broadcast %div3A_21 : i32 to vector<16xi32>
      %div3A_23 = arith.divsi %div3A_16, %div3A_22 : vector<16xi32>
      %mul3A_24 = arith.constant 5 : i32
      %mul3A_25 = vector.broadcast %mul3A_24 : i32 to vector<16xi32>
      %mul3A_26 = arith.muli %div3A_23, %mul3A_25 : vector<16xi32>
      %add3A_27 = arith.addi %mul3A_26, %sub3A_20 : vector<16xi32>
      %mul3A_28 = arith.constant 64 : i32
      %mul3A_29 = vector.broadcast %mul3A_28 : i32 to vector<16xi32>
      %mul3A_30 = arith.muli %div3A_23, %mul3A_29 : vector<16xi32>
      %sub3A_31 = arith.subi %div3A_16, %mul3A_30 : vector<16xi32>
      %gather3A = tpu.vector_load_idx %arg5[%add3A_27] : memref<32xi32, #tpu.memory_space<vmem>>[vector<16xi32>], vector<16xi32>,
      %div3A_32 = arith.constant 64 : i32
      %div3A_33 = vector.broadcast %div3A_32 : i32 to vector<16xi32>
      %div3A_34 = arith.divsi %gather3A, %div3A_33 : vector<16xi32>
      %mul3A_35 = arith.constant 64 : i32
      %mul3A_36 = vector.broadcast %mul3A_35 : i32 to vector<16xi32>
      %mul3A_37 = arith.muli %div3A_34, %mul3A_36 : vector<16xi32>
      %sub3A_38 = arith.subi %gather3A, %mul3A_37 : vector<16xi32>
      %div3A_39 = arith.constant 2 : i32
      %div3A_40 = vector.broadcast %div3A_39 : i32 to vector<16xi32>
      %div3A_41 = arith.divsi %sub3A_38, %div3A_40 : vector<16xi32>
      %mul3A_42 = arith.constant 2 : i32
      %mul3A_43 = vector.broadcast %mul3A_42 : i32 to vector<16xi32>
      %mul3A_44 = arith.muli %div3A_41, %mul3A_43 : vector<16xi32>
      %sub3A_45 = arith.subi %sub3A_38, %mul3A_44 : vector<16xi32>
      %mul3A_46 = arith.constant 192 : i32
      %mul3A_47 = vector.broadcast %mul3A_46 : i32 to vector<16xi32>
      %mul3A_48 = arith.muli %add3A_27, %mul3A_47 : vector<16xi32>
      %mul3A_49 = arith.constant 64 : i32
      %mul3A_50 = vector.broadcast %mul3A_49 : i32 to vector<16xi32>
      %mul3A_51 = arith.muli %div3A_10, %mul3A_50 : vector<16xi32>
      %add3A_52 = arith.addi %mul3A_48, %mul3A_51 : vector<16xi32>
      %add3A_53 = arith.addi %add3A_52, %sub3A_31 : vector<16xi32>
      %mul3A_54 = arith.constant 2 : i32
      %mul3A_55 = vector.broadcast %mul3A_54 : i32 to vector<16xi32>
      %mul3A_56 = arith.muli %mul3A_55, %add3A_53 : vector<16xi32>
      %add3A_57 = arith.addi %mul3A_56, %sub3A_45 : vector<16xi32>
      %swap3A = arith.constant 0 : index
      %swap3A_58 = tpu.vector_load %arg6[%swap3A] {strides = array<i32>} : memref<80xi32, #tpu.memory_space<vmem>>, vector<16xi32>,
      tpu.vector_store %arg6[%swap3A], %add3A_57 {strides = array<i32>} : memref<80xi32, #tpu.memory_space<vmem>>, vector<16xi32>,
      %add3A_59 = arith.constant 16 : i32
      %add3A_60 = arith.addi %mul3A_4, %add3A_59 : i32
      %iota3A_61 = tpu.iota {dimensions = array<i32: 0>} : vector<16xi32>
      %add3A_62 = vector.broadcast %add3A_60 : i32 to vector<16xi32>
      %add3A_63 = arith.addi %add3A_62, %iota3A_61 : vector<16xi32>
      %div3A_64 = arith.constant 1600 : i32
      %div3A_65 = vector.broadcast %div3A_64 : i32 to vector<16xi32>
      %div3A_66 = arith.divsi %add3A_63, %div3A_65 : vector<16xi32>
      %mul3A_67 = arith.constant 1600 : i32
      %mul3A_68 = vector.broadcast %mul3A_67 : i32 to vector<16xi32>
      %mul3A_69 = arith.muli %div3A_66, %mul3A_68 : vector<16xi32>
      %sub3A_70 = arith.subi %add3A_63, %mul3A_69 : vector<16xi32>
      %div3A_71 = arith.constant 5 : i32
      %div3A_72 = vector.broadcast %div3A_71 : i32 to vector<16xi32>
      %div3A_73 = arith.divsi %sub3A_70, %div3A_72 : vector<16xi32>
      %mul3A_74 = arith.constant 5 : i32
      %mul3A_75 = vector.broadcast %mul3A_74 : i32 to vector<16xi32>
      %mul3A_76 = arith.muli %div3A_73, %mul3A_75 : vector<16xi32>
      %sub3A_77 = arith.subi %sub3A_70, %mul3A_76 : vector<16xi32>
      %div3A_78 = arith.constant 64 : i32
      %div3A_79 = vector.broadcast %div3A_78 : i32 to vector<16xi32>
      %div3A_80 = arith.divsi %div3A_73, %div3A_79 : vector<16xi32>
      %mul3A_81 = arith.constant 5 : i32
      %mul3A_82 = vector.broadcast %mul3A_81 : i32 to vector<16xi32>
      %mul3A_83 = arith.muli %div3A_80, %mul3A_82 : vector<16xi32>
      %add3A_84 = arith.addi %mul3A_83, %sub3A_77 : vector<16xi32>
      %mul3A_85 = arith.constant 64 : i32
      %mul3A_86 = vector.broadcast %mul3A_85 : i32 to vector<16xi32>
      %mul3A_87 = arith.muli %div3A_80, %mul3A_86 : vector<16xi32>
      %sub3A_88 = arith.subi %div3A_73, %mul3A_87 : vector<16xi32>
      %gather3A_89 = tpu.vector_load_idx %arg5[%add3A_84] : memref<32xi32, #tpu.memory_space<vmem>>[vector<16xi32>], vector<16xi32>,
      %div3A_90 = arith.constant 64 : i32
      %div3A_91 = vector.broadcast %div3A_90 : i32 to vector<16xi32>
      %div3A_92 = arith.divsi %gather3A_89, %div3A_91 : vector<16xi32>
      %mul3A_93 = arith.constant 64 : i32
      %mul3A_94 = vector.broadcast %mul3A_93 : i32 to vector<16xi32>
      %mul3A_95 = arith.muli %div3A_92, %mul3A_94 : vector<16xi32>
      %sub3A_96 = arith.subi %gather3A_89, %mul3A_95 : vector<16xi32>
      %div3A_97 = arith.constant 2 : i32
      %div3A_98 = vector.broadcast %div3A_97 : i32 to vector<16xi32>
      %div3A_99 = arith.divsi %sub3A_96, %div3A_98 : vector<16xi32>
      %mul3A_100 = arith.constant 2 : i32
      %mul3A_101 = vector.broadcast %mul3A_100 : i32 to vector<16xi32>
      %mul3A_102 = arith.muli %div3A_99, %mul3A_101 : vector<16xi32>
      %sub3A_103 = arith.subi %sub3A_96, %mul3A_102 : vector<16xi32>
      %mul3A_104 = arith.constant 192 : i32
      %mul3A_105 = vector.broadcast %mul3A_104 : i32 to vector<16xi32>
      %mul3A_106 = arith.muli %add3A_84, %mul3A_105 : vector<16xi32>
      %mul3A_107 = arith.constant 64 : i32
      %mul3A_108 = vector.broadcast %mul3A_107 : i32 to vector<16xi32>
      %mul3A_109 = arith.muli %div3A_66, %mul3A_108 : vector<16xi32>
      %add3A_110 = arith.addi %mul3A_106, %mul3A_109 : vector<16xi32>
      %add3A_111 = arith.addi %add3A_110, %sub3A_88 : vector<16xi32>
      %mul3A_112 = arith.constant 2 : i32
      %mul3A_113 = vector.broadcast %mul3A_112 : i32 to vector<16xi32>
      %mul3A_114 = arith.muli %mul3A_113, %add3A_111 : vector<16xi32>
      %add3A_115 = arith.addi %mul3A_114, %sub3A_103 : vector<16xi32>
      %swap3A_116 = arith.constant 16 : index
      %swap3A_117 = tpu.vector_load %arg6[%swap3A_116] {strides = array<i32>} : memref<80xi32, #tpu.memory_space<vmem>>, vector<16xi32>,
      tpu.vector_store %arg6[%swap3A_116], %add3A_115 {strides = array<i32>} : memref<80xi32, #tpu.memory_space<vmem>>, vector<16xi32>,
      %add3A_118 = arith.constant 32 : i32
      %add3A_119 = arith.addi %mul3A_4, %add3A_118 : i32
      %iota3A_120 = tpu.iota {dimensions = array<i32: 0>} : vector<16xi32>
      %add3A_121 = vector.broadcast %add3A_119 : i32 to vector<16xi32>
      %add3A_122 = arith.addi %add3A_121, %iota3A_120 : vector<16xi32>
      %div3A_123 = arith.constant 1600 : i32
      %div3A_124 = vector.broadcast %div3A_123 : i32 to vector<16xi32>
      %div3A_125 = arith.divsi %add3A_122, %div3A_124 : vector<16xi32>
      %mul3A_126 = arith.constant 1600 : i32
      %mul3A_127 = vector.broadcast %mul3A_126 : i32 to vector<16xi32>
      %mul3A_128 = arith.muli %div3A_125, %mul3A_127 : vector<16xi32>
      %sub3A_129 = arith.subi %add3A_122, %mul3A_128 : vector<16xi32>
      %div3A_130 = arith.constant 5 : i32
      %div3A_131 = vector.broadcast %div3A_130 : i32 to vector<16xi32>
      %div3A_132 = arith.divsi %sub3A_129, %div3A_131 : vector<16xi32>
      %mul3A_133 = arith.constant 5 : i32
      %mul3A_134 = vector.broadcast %mul3A_133 : i32 to vector<16xi32>
      %mul3A_135 = arith.muli %div3A_132, %mul3A_134 : vector<16xi32>
      %sub3A_136 = arith.subi %sub3A_129, %mul3A_135 : vector<16xi32>
      %div3A_137 = arith.constant 64 : i32
      %div3A_138 = vector.broadcast %div3A_137 : i32 to vector<16xi32>
      %div3A_139 = arith.divsi %div3A_132, %div3A_138 : vector<16xi32>
      %mul3A_140 = arith.constant 5 : i32
      %mul3A_141 = vector.broadcast %mul3A_140 : i32 to vector<16xi32>
      %mul3A_142 = arith.muli %div3A_139, %mul3A_141 : vector<16xi32>
      %add3A_143 = arith.addi %mul3A_142, %sub3A_136 : vector<16xi32>
      %mul3A_144 = arith.constant 64 : i32
      %mul3A_145 = vector.broadcast %mul3A_144 : i32 to vector<16xi32>
      %mul3A_146 = arith.muli %div3A_139, %mul3A_145 : vector<16xi32>
      %sub3A_147 = arith.subi %div3A_132, %mul3A_146 : vector<16xi32>
      %gather3A_148 = tpu.vector_load_idx %arg5[%add3A_143] : memref<32xi32, #tpu.memory_space<vmem>>[vector<16xi32>], vector<16xi32>,
      %div3A_149 = arith.constant 64 : i32
      %div3A_150 = vector.broadcast %div3A_149 : i32 to vector<16xi32>
      %div3A_151 = arith.divsi %gather3A_148, %div3A_150 : vector<16xi32>
      %mul3A_152 = arith.constant 64 : i32
      %mul3A_153 = vector.broadcast %mul3A_152 : i32 to vector<16xi32>
      %mul3A_154 = arith.muli %div3A_151, %mul3A_153 : vector<16xi32>
      %sub3A_155 = arith.subi %gather3A_148, %mul3A_154 : vector<16xi32>
      %div3A_156 = arith.constant 2 : i32
      %div3A_157 = vector.broadcast %div3A_156 : i32 to vector<16xi32>
      %div3A_158 = arith.divsi %sub3A_155, %div3A_157 : vector<16xi32>
      %mul3A_159 = arith.constant 2 : i32
      %mul3A_160 = vector.broadcast %mul3A_159 : i32 to vector<16xi32>
      %mul3A_161 = arith.muli %div3A_158, %mul3A_160 : vector<16xi32>
      %sub3A_162 = arith.subi %sub3A_155, %mul3A_161 : vector<16xi32>
      %mul3A_163 = arith.constant 192 : i32
      %mul3A_164 = vector.broadcast %mul3A_163 : i32 to vector<16xi32>
      %mul3A_165 = arith.muli %add3A_143, %mul3A_164 : vector<16xi32>
      %mul3A_166 = arith.constant 64 : i32
      %mul3A_167 = vector.broadcast %mul3A_166 : i32 to vector<16xi32>
      %mul3A_168 = arith.muli %div3A_125, %mul3A_167 : vector<16xi32>
      %add3A_169 = arith.addi %mul3A_165, %mul3A_168 : vector<16xi32>
      %add3A_170 = arith.addi %add3A_169, %sub3A_147 : vector<16xi32>
      %mul3A_171 = arith.constant 2 : i32
      %mul3A_172 = vector.broadcast %mul3A_171 : i32 to vector<16xi32>
      %mul3A_173 = arith.muli %mul3A_172, %add3A_170 : vector<16xi32>
      %add3A_174 = arith.addi %mul3A_173, %sub3A_162 : vector<16xi32>
      %swap3A_175 = arith.constant 32 : index
      %swap3A_176 = tpu.vector_load %arg6[%swap3A_175] {strides = array<i32>} : memref<80xi32, #tpu.memory_space<vmem>>, vector<16xi32>,
      tpu.vector_store %arg6[%swap3A_175], %add3A_174 {strides = array<i32>} : memref<80xi32, #tpu.memory_space<vmem>>, vector<16xi32>,
      %add3A_177 = arith.constant 48 : i32
      %add3A_178 = arith.addi %mul3A_4, %add3A_177 : i32
      %iota3A_179 = tpu.iota {dimensions = array<i32: 0>} : vector<16xi32>
      %add3A_180 = vector.broadcast %add3A_178 : i32 to vector<16xi32>
      %add3A_181 = arith.addi %add3A_180, %iota3A_179 : vector<16xi32>
      %div3A_182 = arith.constant 1600 : i32
      %div3A_183 = vector.broadcast %div3A_182 : i32 to vector<16xi32>
      %div3A_184 = arith.divsi %add3A_181, %div3A_183 : vector<16xi32>
      %mul3A_185 = arith.constant 1600 : i32
      %mul3A_186 = vector.broadcast %mul3A_185 : i32 to vector<16xi32>
      %mul3A_187 = arith.muli %div3A_184, %mul3A_186 : vector<16xi32>
      %sub3A_188 = arith.subi %add3A_181, %mul3A_187 : vector<16xi32>
      %div3A_189 = arith.constant 5 : i32
      %div3A_190 = vector.broadcast %div3A_189 : i32 to vector<16xi32>
      %div3A_191 = arith.divsi %sub3A_188, %div3A_190 : vector<16xi32>
      %mul3A_192 = arith.constant 5 : i32
      %mul3A_193 = vector.broadcast %mul3A_192 : i32 to vector<16xi32>
      %mul3A_194 = arith.muli %div3A_191, %mul3A_193 : vector<16xi32>
      %sub3A_195 = arith.subi %sub3A_188, %mul3A_194 : vector<16xi32>
      %div3A_196 = arith.constant 64 : i32
      %div3A_197 = vector.broadcast %div3A_196 : i32 to vector<16xi32>
      %div3A_198 = arith.divsi %div3A_191, %div3A_197 : vector<16xi32>
      %mul3A_199 = arith.constant 5 : i32
      %mul3A_200 = vector.broadcast %mul3A_199 : i32 to vector<16xi32>
      %mul3A_201 = arith.muli %div3A_198, %mul3A_200 : vector<16xi32>
      %add3A_202 = arith.addi %mul3A_201, %sub3A_195 : vector<16xi32>
      %mul3A_203 = arith.constant 64 : i32
      %mul3A_204 = vector.broadcast %mul3A_203 : i32 to vector<16xi32>
      %mul3A_205 = arith.muli %div3A_198, %mul3A_204 : vector<16xi32>
      %sub3A_206 = arith.subi %div3A_191, %mul3A_205 : vector<16xi32>
      %gather3A_207 = tpu.vector_load_idx %arg5[%add3A_202] : memref<32xi32, #tpu.memory_space<vmem>>[vector<16xi32>], vector<16xi32>,
      %div3A_208 = arith.constant 64 : i32
      %div3A_209 = vector.broadcast %div3A_208 : i32 to vector<16xi32>
      %div3A_210 = arith.divsi %gather3A_207, %div3A_209 : vector<16xi32>
      %mul3A_211 = arith.constant 64 : i32
      %mul3A_212 = vector.broadcast %mul3A_211 : i32 to vector<16xi32>
      %mul3A_213 = arith.muli %div3A_210, %mul3A_212 : vector<16xi32>
      %sub3A_214 = arith.subi %gather3A_207, %mul3A_213 : vector<16xi32>
      %div3A_215 = arith.constant 2 : i32
      %div3A_216 = vector.broadcast %div3A_215 : i32 to vector<16xi32>
      %div3A_217 = arith.divsi %sub3A_214, %div3A_216 : vector<16xi32>
      %mul3A_218 = arith.constant 2 : i32
      %mul3A_219 = vector.broadcast %mul3A_218 : i32 to vector<16xi32>
      %mul3A_220 = arith.muli %div3A_217, %mul3A_219 : vector<16xi32>
      %sub3A_221 = arith.subi %sub3A_214, %mul3A_220 : vector<16xi32>
      %mul3A_222 = arith.constant 192 : i32
      %mul3A_223 = vector.broadcast %mul3A_222 : i32 to vector<16xi32>
      %mul3A_224 = arith.muli %add3A_202, %mul3A_223 : vector<16xi32>
      %mul3A_225 = arith.constant 64 : i32
      %mul3A_226 = vector.broadcast %mul3A_225 : i32 to vector<16xi32>
      %mul3A_227 = arith.muli %div3A_184, %mul3A_226 : vector<16xi32>
      %add3A_228 = arith.addi %mul3A_224, %mul3A_227 : vector<16xi32>
      %add3A_229 = arith.addi %add3A_228, %sub3A_206 : vector<16xi32>
      %mul3A_230 = arith.constant 2 : i32
      %mul3A_231 = vector.broadcast %mul3A_230 : i32 to vector<16xi32>
      %mul3A_232 = arith.muli %mul3A_231, %add3A_229 : vector<16xi32>
      %add3A_233 = arith.addi %mul3A_232, %sub3A_221 : vector<16xi32>
      %swap3A_234 = arith.constant 48 : index
      %swap3A_235 = tpu.vector_load %arg6[%swap3A_234] {strides = array<i32>} : memref<80xi32, #tpu.memory_space<vmem>>, vector<16xi32>,
      tpu.vector_store %arg6[%swap3A_234], %add3A_233 {strides = array<i32>} : memref<80xi32, #tpu.memory_space<vmem>>, vector<16xi32>,
      %add3A_236 = arith.constant 64 : i32
      %add3A_237 = arith.addi %mul3A_4, %add3A_236 : i32
      %iota3A_238 = tpu.iota {dimensions = array<i32: 0>} : vector<16xi32>
      %add3A_239 = vector.broadcast %add3A_237 : i32 to vector<16xi32>
      %add3A_240 = arith.addi %add3A_239, %iota3A_238 : vector<16xi32>
      %div3A_241 = arith.constant 1600 : i32
      %div3A_242 = vector.broadcast %div3A_241 : i32 to vector<16xi32>
      %div3A_243 = arith.divsi %add3A_240, %div3A_242 : vector<16xi32>
      %mul3A_244 = arith.constant 1600 : i32
      %mul3A_245 = vector.broadcast %mul3A_244 : i32 to vector<16xi32>
      %mul3A_246 = arith.muli %div3A_243, %mul3A_245 : vector<16xi32>
      %sub3A_247 = arith.subi %add3A_240, %mul3A_246 : vector<16xi32>
      %div3A_248 = arith.constant 5 : i32
      %div3A_249 = vector.broadcast %div3A_248 : i32 to vector<16xi32>
      %div3A_250 = arith.divsi %sub3A_247, %div3A_249 : vector<16xi32>
      %mul3A_251 = arith.constant 5 : i32
      %mul3A_252 = vector.broadcast %mul3A_251 : i32 to vector<16xi32>
      %mul3A_253 = arith.muli %div3A_250, %mul3A_252 : vector<16xi32>
      %sub3A_254 = arith.subi %sub3A_247, %mul3A_253 : vector<16xi32>
      %div3A_255 = arith.constant 64 : i32
      %div3A_256 = vector.broadcast %div3A_255 : i32 to vector<16xi32>
      %div3A_257 = arith.divsi %div3A_250, %div3A_256 : vector<16xi32>
      %mul3A_258 = arith.constant 5 : i32
      %mul3A_259 = vector.broadcast %mul3A_258 : i32 to vector<16xi32>
      %mul3A_260 = arith.muli %div3A_257, %mul3A_259 : vector<16xi32>
      %add3A_261 = arith.addi %mul3A_260, %sub3A_254 : vector<16xi32>
      %mul3A_262 = arith.constant 64 : i32
      %mul3A_263 = vector.broadcast %mul3A_262 : i32 to vector<16xi32>
      %mul3A_264 = arith.muli %div3A_257, %mul3A_263 : vector<16xi32>
      %sub3A_265 = arith.subi %div3A_250, %mul3A_264 : vector<16xi32>
      %gather3A_266 = tpu.vector_load_idx %arg5[%add3A_261] : memref<32xi32, #tpu.memory_space<vmem>>[vector<16xi32>], vector<16xi32>,
      %div3A_267 = arith.constant 64 : i32
      %div3A_268 = vector.broadcast %div3A_267 : i32 to vector<16xi32>
      %div3A_269 = arith.divsi %gather3A_266, %div3A_268 : vector<16xi32>
      %mul3A_270 = arith.constant 64 : i32
      %mul3A_271 = vector.broadcast %mul3A_270 : i32 to vector<16xi32>
      %mul3A_272 = arith.muli %div3A_269, %mul3A_271 : vector<16xi32>
      %sub3A_273 = arith.subi %gather3A_266, %mul3A_272 : vector<16xi32>
      %div3A_274 = arith.constant 2 : i32
      %div3A_275 = vector.broadcast %div3A_274 : i32 to vector<16xi32>
      %div3A_276 = arith.divsi %sub3A_273, %div3A_275 : vector<16xi32>
      %mul3A_277 = arith.constant 2 : i32
      %mul3A_278 = vector.broadcast %mul3A_277 : i32 to vector<16xi32>
      %mul3A_279 = arith.muli %div3A_276, %mul3A_278 : vector<16xi32>
      %sub3A_280 = arith.subi %sub3A_273, %mul3A_279 : vector<16xi32>
      %mul3A_281 = arith.constant 192 : i32
      %mul3A_282 = vector.broadcast %mul3A_281 : i32 to vector<16xi32>
      %mul3A_283 = arith.muli %add3A_261, %mul3A_282 : vector<16xi32>
      %mul3A_284 = arith.constant 64 : i32
      %mul3A_285 = vector.broadcast %mul3A_284 : i32 to vector<16xi32>
      %mul3A_286 = arith.muli %div3A_243, %mul3A_285 : vector<16xi32>
      %add3A_287 = arith.addi %mul3A_283, %mul3A_286 : vector<16xi32>
      %add3A_288 = arith.addi %add3A_287, %sub3A_265 : vector<16xi32>
      %mul3A_289 = arith.constant 2 : i32
      %mul3A_290 = vector.broadcast %mul3A_289 : i32 to vector<16xi32>
      %mul3A_291 = arith.muli %mul3A_290, %add3A_288 : vector<16xi32>
      %add3A_292 = arith.addi %mul3A_291, %sub3A_280 : vector<16xi32>
      %swap3A_293 = arith.constant 64 : index
      %swap3A_294 = tpu.vector_load %arg6[%swap3A_293] {strides = array<i32>} : memref<80xi32, #tpu.memory_space<vmem>>, vector<16xi32>,
      tpu.vector_store %arg6[%swap3A_293], %add3A_292 {strides = array<i32>} : memref<80xi32, #tpu.memory_space<vmem>>, vector<16xi32>,
      %add3A_295 = arith.constant 80 : i32
      %add3A_296 = arith.addi %mul3A_4, %add3A_295 : i32
      %iota3A_297 = tpu.iota {dimensions = array<i32: 0>} : vector<16xi32>
      %add3A_298 = vector.broadcast %add3A_296 : i32 to vector<16xi32>
      %add3A_299 = arith.addi %add3A_298, %iota3A_297 : vector<16xi32>
      %div3A_300 = arith.constant 1600 : i32
      %div3A_301 = vector.broadcast %div3A_300 : i32 to vector<16xi32>
      %div3A_302 = arith.divsi %add3A_299, %div3A_301 : vector<16xi32>
      %mul3A_303 = arith.constant 1600 : i32
      %mul3A_304 = vector.broadcast %mul3A_303 : i32 to vector<16xi32>
      %mul3A_305 = arith.muli %div3A_302, %mul3A_304 : vector<16xi32>
      %sub3A_306 = arith.subi %add3A_299, %mul3A_305 : vector<16xi32>
      %div3A_307 = arith.constant 5 : i32
      %div3A_308 = vector.broadcast %div3A_307 : i32 to vector<16xi32>
      %div3A_309 = arith.divsi %sub3A_306, %div3A_308 : vector<16xi32>
      %mul3A_310 = arith.constant 5 : i32
      %mul3A_311 = vector.broadcast %mul3A_310 : i32 to vector<16xi32>
      %mul3A_312 = arith.muli %div3A_309, %mul3A_311 : vector<16xi32>
      %sub3A_313 = arith.subi %sub3A_306, %mul3A_312 : vector<16xi32>
      %div3A_314 = arith.constant 64 : i32
      %div3A_315 = vector.broadcast %div3A_314 : i32 to vector<16xi32>
      %div3A_316 = arith.divsi %div3A_309, %div3A_315 : vector<16xi32>
      %mul3A_317 = arith.constant 5 : i32
      %mul3A_318 = vector.broadcast %mul3A_317 : i32 to vector<16xi32>
      %mul3A_319 = arith.muli %div3A_316, %mul3A_318 : vector<16xi32>
      %add3A_320 = arith.addi %mul3A_319, %sub3A_313 : vector<16xi32>
      %mul3A_321 = arith.constant 64 : i32
      %mul3A_322 = vector.broadcast %mul3A_321 : i32 to vector<16xi32>
      %mul3A_323 = arith.muli %div3A_316, %mul3A_322 : vector<16xi32>
      %sub3A_324 = arith.subi %div3A_309, %mul3A_323 : vector<16xi32>
      %gather3A_325 = tpu.vector_load_idx %arg5[%add3A_320] : memref<32xi32, #tpu.memory_space<vmem>>[vector<16xi32>], vector<16xi32>,
      %div3A_326 = arith.constant 64 : i32
      %div3A_327 = vector.broadcast %div3A_326 : i32 to vector<16xi32>
      %div3A_328 = arith.divsi %gather3A_325, %div3A_327 : vector<16xi32>
      %mul3A_329 = arith.constant 64 : i32
      %mul3A_330 = vector.broadcast %mul3A_329 : i32 to vector<16xi32>
      %mul3A_331 = arith.muli %div3A_328, %mul3A_330 : vector<16xi32>
      %sub3A_332 = arith.subi %gather3A_325, %mul3A_331 : vector<16xi32>
      %div3A_333 = arith.constant 2 : i32
      %div3A_334 = vector.broadcast %div3A_333 : i32 to vector<16xi32>
      %div3A_335 = arith.divsi %sub3A_332, %div3A_334 : vector<16xi32>
      %mul3A_336 = arith.constant 2 : i32
      %mul3A_337 = vector.broadcast %mul3A_336 : i32 to vector<16xi32>
      %mul3A_338 = arith.muli %div3A_335, %mul3A_337 : vector<16xi32>
      %sub3A_339 = arith.subi %sub3A_332, %mul3A_338 : vector<16xi32>
      %mul3A_340 = arith.constant 192 : i32
      %mul3A_341 = vector.broadcast %mul3A_340 : i32 to vector<16xi32>
      %mul3A_342 = arith.muli %add3A_320, %mul3A_341 : vector<16xi32>
      %mul3A_343 = arith.constant 64 : i32
      %mul3A_344 = vector.broadcast %mul3A_343 : i32 to vector<16xi32>
      %mul3A_345 = arith.muli %div3A_302, %mul3A_344 : vector<16xi32>
      %add3A_346 = arith.addi %mul3A_342, %mul3A_345 : vector<16xi32>
      %add3A_347 = arith.addi %add3A_346, %sub3A_324 : vector<16xi32>
      %mul3A_348 = arith.constant 2 : i32
      %mul3A_349 = vector.broadcast %mul3A_348 : i32 to vector<16xi32>
      %mul3A_350 = arith.muli %mul3A_349, %add3A_347 : vector<16xi32>
      %add3A_351 = arith.addi %mul3A_350, %sub3A_339 : vector<16xi32>
      %swap3A_352 = arith.constant 0 : index
      %swap3A_353 = tpu.vector_load %arg7[%swap3A_352] {strides = array<i32>} : memref<80xi32, #tpu.memory_space<vmem>>, vector<16xi32>,
      tpu.vector_store %arg7[%swap3A_352], %add3A_351 {strides = array<i32>} : memref<80xi32, #tpu.memory_space<vmem>>, vector<16xi32>,
      %add3A_354 = arith.constant 96 : i32
      %add3A_355 = arith.addi %mul3A_4, %add3A_354 : i32
      %iota3A_356 = tpu.iota {dimensions = array<i32: 0>} : vector<16xi32>
      %add3A_357 = vector.broadcast %add3A_355 : i32 to vector<16xi32>
      %add3A_358 = arith.addi %add3A_357, %iota3A_356 : vector<16xi32>
      %div3A_359 = arith.constant 1600 : i32
      %div3A_360 = vector.broadcast %div3A_359 : i32 to vector<16xi32>
      %div3A_361 = arith.divsi %add3A_358, %div3A_360 : vector<16xi32>
      %mul3A_362 = arith.constant 1600 : i32
      %mul3A_363 = vector.broadcast %mul3A_362 : i32 to vector<16xi32>
      %mul3A_364 = arith.muli %div3A_361, %mul3A_363 : vector<16xi32>
      %sub3A_365 = arith.subi %add3A_358, %mul3A_364 : vector<16xi32>
      %div3A_366 = arith.constant 5 : i32
      %div3A_367 = vector.broadcast %div3A_366 : i32 to vector<16xi32>
      %div3A_368 = arith.divsi %sub3A_365, %div3A_367 : vector<16xi32>
      %mul3A_369 = arith.constant 5 : i32
      %mul3A_370 = vector.broadcast %mul3A_369 : i32 to vector<16xi32>
      %mul3A_371 = arith.muli %div3A_368, %mul3A_370 : vector<16xi32>
      %sub3A_372 = arith.subi %sub3A_365, %mul3A_371 : vector<16xi32>
      %div3A_373 = arith.constant 64 : i32
      %div3A_374 = vector.broadcast %div3A_373 : i32 to vector<16xi32>
      %div3A_375 = arith.divsi %div3A_368, %div3A_374 : vector<16xi32>
      %mul3A_376 = arith.constant 5 : i32
      %mul3A_377 = vector.broadcast %mul3A_376 : i32 to vector<16xi32>
      %mul3A_378 = arith.muli %div3A_375, %mul3A_377 : vector<16xi32>
      %add3A_379 = arith.addi %mul3A_378, %sub3A_372 : vector<16xi32>
      %mul3A_380 = arith.constant 64 : i32
      %mul3A_381 = vector.broadcast %mul3A_380 : i32 to vector<16xi32>
      %mul3A_382 = arith.muli %div3A_375, %mul3A_381 : vector<16xi32>
      %sub3A_383 = arith.subi %div3A_368, %mul3A_382 : vector<16xi32>
      %gather3A_384 = tpu.vector_load_idx %arg5[%add3A_379] : memref<32xi32, #tpu.memory_space<vmem>>[vector<16xi32>], vector<16xi32>,
      %div3A_385 = arith.constant 64 : i32
      %div3A_386 = vector.broadcast %div3A_385 : i32 to vector<16xi32>
      %div3A_387 = arith.divsi %gather3A_384, %div3A_386 : vector<16xi32>
      %mul3A_388 = arith.constant 64 : i32
      %mul3A_389 = vector.broadcast %mul3A_388 : i32 to vector<16xi32>
      %mul3A_390 = arith.muli %div3A_387, %mul3A_389 : vector<16xi32>
      %sub3A_391 = arith.subi %gather3A_384, %mul3A_390 : vector<16xi32>
      %div3A_392 = arith.constant 2 : i32
      %div3A_393 = vector.broadcast %div3A_392 : i32 to vector<16xi32>
      %div3A_394 = arith.divsi %sub3A_391, %div3A_393 : vector<16xi32>
      %mul3A_395 = arith.constant 2 : i32
      %mul3A_396 = vector.broadcast %mul3A_395 : i32 to vector<16xi32>
      %mul3A_397 = arith.muli %div3A_394, %mul3A_396 : vector<16xi32>
      %sub3A_398 = arith.subi %sub3A_391, %mul3A_397 : vector<16xi32>
      %mul3A_399 = arith.constant 192 : i32
      %mul3A_400 = vector.broadcast %mul3A_399 : i32 to vector<16xi32>
      %mul3A_401 = arith.muli %add3A_379, %mul3A_400 : vector<16xi32>
      %mul3A_402 = arith.constant 64 : i32
      %mul3A_403 = vector.broadcast %mul3A_402 : i32 to vector<16xi32>
      %mul3A_404 = arith.muli %div3A_361, %mul3A_403 : vector<16xi32>
      %add3A_405 = arith.addi %mul3A_401, %mul3A_404 : vector<16xi32>
      %add3A_406 = arith.addi %add3A_405, %sub3A_383 : vector<16xi32>
      %mul3A_407 = arith.constant 2 : i32
      %mul3A_408 = vector.broadcast %mul3A_407 : i32 to vector<16xi32>
      %mul3A_409 = arith.muli %mul3A_408, %add3A_406 : vector<16xi32>
      %add3A_410 = arith.addi %mul3A_409, %sub3A_398 : vector<16xi32>
      %swap3A_411 = arith.constant 16 : index
      %swap3A_412 = tpu.vector_load %arg7[%swap3A_411] {strides = array<i32>} : memref<80xi32, #tpu.memory_space<vmem>>, vector<16xi32>,
      tpu.vector_store %arg7[%swap3A_411], %add3A_410 {strides = array<i32>} : memref<80xi32, #tpu.memory_space<vmem>>, vector<16xi32>,
      %add3A_413 = arith.constant 112 : i32
      %add3A_414 = arith.addi %mul3A_4, %add3A_413 : i32
      %iota3A_415 = tpu.iota {dimensions = array<i32: 0>} : vector<16xi32>
      %add3A_416 = vector.broadcast %add3A_414 : i32 to vector<16xi32>
      %add3A_417 = arith.addi %add3A_416, %iota3A_415 : vector<16xi32>
      %div3A_418 = arith.constant 1600 : i32
      %div3A_419 = vector.broadcast %div3A_418 : i32 to vector<16xi32>
      %div3A_420 = arith.divsi %add3A_417, %div3A_419 : vector<16xi32>
      %mul3A_421 = arith.constant 1600 : i32
      %mul3A_422 = vector.broadcast %mul3A_421 : i32 to vector<16xi32>
      %mul3A_423 = arith.muli %div3A_420, %mul3A_422 : vector<16xi32>
      %sub3A_424 = arith.subi %add3A_417, %mul3A_423 : vector<16xi32>
      %div3A_425 = arith.constant 5 : i32
      %div3A_426 = vector.broadcast %div3A_425 : i32 to vector<16xi32>
      %div3A_427 = arith.divsi %sub3A_424, %div3A_426 : vector<16xi32>
      %mul3A_428 = arith.constant 5 : i32
      %mul3A_429 = vector.broadcast %mul3A_428 : i32 to vector<16xi32>
      %mul3A_430 = arith.muli %div3A_427, %mul3A_429 : vector<16xi32>
      %sub3A_431 = arith.subi %sub3A_424, %mul3A_430 : vector<16xi32>
      %div3A_432 = arith.constant 64 : i32
      %div3A_433 = vector.broadcast %div3A_432 : i32 to vector<16xi32>
      %div3A_434 = arith.divsi %div3A_427, %div3A_433 : vector<16xi32>
      %mul3A_435 = arith.constant 5 : i32
      %mul3A_436 = vector.broadcast %mul3A_435 : i32 to vector<16xi32>
      %mul3A_437 = arith.muli %div3A_434, %mul3A_436 : vector<16xi32>
      %add3A_438 = arith.addi %mul3A_437, %sub3A_431 : vector<16xi32>
      %mul3A_439 = arith.constant 64 : i32
      %mul3A_440 = vector.broadcast %mul3A_439 : i32 to vector<16xi32>
      %mul3A_441 = arith.muli %div3A_434, %mul3A_440 : vector<16xi32>
      %sub3A_442 = arith.subi %div3A_427, %mul3A_441 : vector<16xi32>
      %gather3A_443 = tpu.vector_load_idx %arg5[%add3A_438] : memref<32xi32, #tpu.memory_space<vmem>>[vector<16xi32>], vector<16xi32>,
      %div3A_444 = arith.constant 64 : i32
      %div3A_445 = vector.broadcast %div3A_444 : i32 to vector<16xi32>
      %div3A_446 = arith.divsi %gather3A_443, %div3A_445 : vector<16xi32>
      %mul3A_447 = arith.constant 64 : i32
      %mul3A_448 = vector.broadcast %mul3A_447 : i32 to vector<16xi32>
      %mul3A_449 = arith.muli %div3A_446, %mul3A_448 : vector<16xi32>
      %sub3A_450 = arith.subi %gather3A_443, %mul3A_449 : vector<16xi32>
      %div3A_451 = arith.constant 2 : i32
      %div3A_452 = vector.broadcast %div3A_451 : i32 to vector<16xi32>
      %div3A_453 = arith.divsi %sub3A_450, %div3A_452 : vector<16xi32>
      %mul3A_454 = arith.constant 2 : i32
      %mul3A_455 = vector.broadcast %mul3A_454 : i32 to vector<16xi32>
      %mul3A_456 = arith.muli %div3A_453, %mul3A_455 : vector<16xi32>
      %sub3A_457 = arith.subi %sub3A_450, %mul3A_456 : vector<16xi32>
      %mul3A_458 = arith.constant 192 : i32
      %mul3A_459 = vector.broadcast %mul3A_458 : i32 to vector<16xi32>
      %mul3A_460 = arith.muli %add3A_438, %mul3A_459 : vector<16xi32>
      %mul3A_461 = arith.constant 64 : i32
      %mul3A_462 = vector.broadcast %mul3A_461 : i32 to vector<16xi32>
      %mul3A_463 = arith.muli %div3A_420, %mul3A_462 : vector<16xi32>
      %add3A_464 = arith.addi %mul3A_460, %mul3A_463 : vector<16xi32>
      %add3A_465 = arith.addi %add3A_464, %sub3A_442 : vector<16xi32>
      %mul3A_466 = arith.constant 2 : i32
      %mul3A_467 = vector.broadcast %mul3A_466 : i32 to vector<16xi32>
      %mul3A_468 = arith.muli %mul3A_467, %add3A_465 : vector<16xi32>
      %add3A_469 = arith.addi %mul3A_468, %sub3A_457 : vector<16xi32>
      %swap3A_470 = arith.constant 32 : index
      %swap3A_471 = tpu.vector_load %arg7[%swap3A_470] {strides = array<i32>} : memref<80xi32, #tpu.memory_space<vmem>>, vector<16xi32>,
      tpu.vector_store %arg7[%swap3A_470], %add3A_469 {strides = array<i32>} : memref<80xi32, #tpu.memory_space<vmem>>, vector<16xi32>,
      %add3A_472 = arith.constant 128 : i32
      %add3A_473 = arith.addi %mul3A_4, %add3A_472 : i32
      %iota3A_474 = tpu.iota {dimensions = array<i32: 0>} : vector<16xi32>
      %add3A_475 = vector.broadcast %add3A_473 : i32 to vector<16xi32>
      %add3A_476 = arith.addi %add3A_475, %iota3A_474 : vector<16xi32>
      %div3A_477 = arith.constant 1600 : i32
      %div3A_478 = vector.broadcast %div3A_477 : i32 to vector<16xi32>
      %div3A_479 = arith.divsi %add3A_476, %div3A_478 : vector<16xi32>
      %mul3A_480 = arith.constant 1600 : i32
      %mul3A_481 = vector.broadcast %mul3A_480 : i32 to vector<16xi32>
      %mul3A_482 = arith.muli %div3A_479, %mul3A_481 : vector<16xi32>
      %sub3A_483 = arith.subi %add3A_476, %mul3A_482 : vector<16xi32>
      %div3A_484 = arith.constant 5 : i32
      %div3A_485 = vector.broadcast %div3A_484 : i32 to vector<16xi32>
      %div3A_486 = arith.divsi %sub3A_483, %div3A_485 : vector<16xi32>
      %mul3A_487 = arith.constant 5 : i32
      %mul3A_488 = vector.broadcast %mul3A_487 : i32 to vector<16xi32>
      %mul3A_489 = arith.muli %div3A_486, %mul3A_488 : vector<16xi32>
      %sub3A_490 = arith.subi %sub3A_483, %mul3A_489 : vector<16xi32>
      %div3A_491 = arith.constant 64 : i32
      %div3A_492 = vector.broadcast %div3A_491 : i32 to vector<16xi32>
      %div3A_493 = arith.divsi %div3A_486, %div3A_492 : vector<16xi32>
      %mul3A_494 = arith.constant 5 : i32
      %mul3A_495 = vector.broadcast %mul3A_494 : i32 to vector<16xi32>
      %mul3A_496 = arith.muli %div3A_493, %mul3A_495 : vector<16xi32>
      %add3A_497 = arith.addi %mul3A_496, %sub3A_490 : vector<16xi32>
      %mul3A_498 = arith.constant 64 : i32
      %mul3A_499 = vector.broadcast %mul3A_498 : i32 to vector<16xi32>
      %mul3A_500 = arith.muli %div3A_493, %mul3A_499 : vector<16xi32>
      %sub3A_501 = arith.subi %div3A_486, %mul3A_500 : vector<16xi32>
      %gather3A_502 = tpu.vector_load_idx %arg5[%add3A_497] : memref<32xi32, #tpu.memory_space<vmem>>[vector<16xi32>], vector<16xi32>,
      %div3A_503 = arith.constant 64 : i32
      %div3A_504 = vector.broadcast %div3A_503 : i32 to vector<16xi32>
      %div3A_505 = arith.divsi %gather3A_502, %div3A_504 : vector<16xi32>
      %mul3A_506 = arith.constant 64 : i32
      %mul3A_507 = vector.broadcast %mul3A_506 : i32 to vector<16xi32>
      %mul3A_508 = arith.muli %div3A_505, %mul3A_507 : vector<16xi32>
      %sub3A_509 = arith.subi %gather3A_502, %mul3A_508 : vector<16xi32>
      %div3A_510 = arith.constant 2 : i32
      %div3A_511 = vector.broadcast %div3A_510 : i32 to vector<16xi32>
      %div3A_512 = arith.divsi %sub3A_509, %div3A_511 : vector<16xi32>
      %mul3A_513 = arith.constant 2 : i32
      %mul3A_514 = vector.broadcast %mul3A_513 : i32 to vector<16xi32>
      %mul3A_515 = arith.muli %div3A_512, %mul3A_514 : vector<16xi32>
      %sub3A_516 = arith.subi %sub3A_509, %mul3A_515 : vector<16xi32>
      %mul3A_517 = arith.constant 192 : i32
      %mul3A_518 = vector.broadcast %mul3A_517 : i32 to vector<16xi32>
      %mul3A_519 = arith.muli %add3A_497, %mul3A_518 : vector<16xi32>
      %mul3A_520 = arith.constant 64 : i32
      %mul3A_521 = vector.broadcast %mul3A_520 : i32 to vector<16xi32>
      %mul3A_522 = arith.muli %div3A_479, %mul3A_521 : vector<16xi32>
      %add3A_523 = arith.addi %mul3A_519, %mul3A_522 : vector<16xi32>
      %add3A_524 = arith.addi %add3A_523, %sub3A_501 : vector<16xi32>
      %mul3A_525 = arith.constant 2 : i32
      %mul3A_526 = vector.broadcast %mul3A_525 : i32 to vector<16xi32>
      %mul3A_527 = arith.muli %mul3A_526, %add3A_524 : vector<16xi32>
      %add3A_528 = arith.addi %mul3A_527, %sub3A_516 : vector<16xi32>
      %swap3A_529 = arith.constant 48 : index
      %swap3A_530 = tpu.vector_load %arg7[%swap3A_529] {strides = array<i32>} : memref<80xi32, #tpu.memory_space<vmem>>, vector<16xi32>,
      tpu.vector_store %arg7[%swap3A_529], %add3A_528 {strides = array<i32>} : memref<80xi32, #tpu.memory_space<vmem>>, vector<16xi32>,
      %add3A_531 = arith.constant 144 : i32
      %add3A_532 = arith.addi %mul3A_4, %add3A_531 : i32
      %iota3A_533 = tpu.iota {dimensions = array<i32: 0>} : vector<16xi32>
      %add3A_534 = vector.broadcast %add3A_532 : i32 to vector<16xi32>
      %add3A_535 = arith.addi %add3A_534, %iota3A_533 : vector<16xi32>
      %div3A_536 = arith.constant 1600 : i32
      %div3A_537 = vector.broadcast %div3A_536 : i32 to vector<16xi32>
      %div3A_538 = arith.divsi %add3A_535, %div3A_537 : vector<16xi32>
      %mul3A_539 = arith.constant 1600 : i32
      %mul3A_540 = vector.broadcast %mul3A_539 : i32 to vector<16xi32>
      %mul3A_541 = arith.muli %div3A_538, %mul3A_540 : vector<16xi32>
      %sub3A_542 = arith.subi %add3A_535, %mul3A_541 : vector<16xi32>
      %div3A_543 = arith.constant 5 : i32
      %div3A_544 = vector.broadcast %div3A_543 : i32 to vector<16xi32>
      %div3A_545 = arith.divsi %sub3A_542, %div3A_544 : vector<16xi32>
      %mul3A_546 = arith.constant 5 : i32
      %mul3A_547 = vector.broadcast %mul3A_546 : i32 to vector<16xi32>
      %mul3A_548 = arith.muli %div3A_545, %mul3A_547 : vector<16xi32>
      %sub3A_549 = arith.subi %sub3A_542, %mul3A_548 : vector<16xi32>
      %div3A_550 = arith.constant 64 : i32
      %div3A_551 = vector.broadcast %div3A_550 : i32 to vector<16xi32>
      %div3A_552 = arith.divsi %div3A_545, %div3A_551 : vector<16xi32>
      %mul3A_553 = arith.constant 5 : i32
      %mul3A_554 = vector.broadcast %mul3A_553 : i32 to vector<16xi32>
      %mul3A_555 = arith.muli %div3A_552, %mul3A_554 : vector<16xi32>
      %add3A_556 = arith.addi %mul3A_555, %sub3A_549 : vector<16xi32>
      %mul3A_557 = arith.constant 64 : i32
      %mul3A_558 = vector.broadcast %mul3A_557 : i32 to vector<16xi32>
      %mul3A_559 = arith.muli %div3A_552, %mul3A_558 : vector<16xi32>
      %sub3A_560 = arith.subi %div3A_545, %mul3A_559 : vector<16xi32>
      %gather3A_561 = tpu.vector_load_idx %arg5[%add3A_556] : memref<32xi32, #tpu.memory_space<vmem>>[vector<16xi32>], vector<16xi32>,
      %div3A_562 = arith.constant 64 : i32
      %div3A_563 = vector.broadcast %div3A_562 : i32 to vector<16xi32>
      %div3A_564 = arith.divsi %gather3A_561, %div3A_563 : vector<16xi32>
      %mul3A_565 = arith.constant 64 : i32
      %mul3A_566 = vector.broadcast %mul3A_565 : i32 to vector<16xi32>
      %mul3A_567 = arith.muli %div3A_564, %mul3A_566 : vector<16xi32>
      %sub3A_568 = arith.subi %gather3A_561, %mul3A_567 : vector<16xi32>
      %div3A_569 = arith.constant 2 : i32
      %div3A_570 = vector.broadcast %div3A_569 : i32 to vector<16xi32>
      %div3A_571 = arith.divsi %sub3A_568, %div3A_570 : vector<16xi32>
      %mul3A_572 = arith.constant 2 : i32
      %mul3A_573 = vector.broadcast %mul3A_572 : i32 to vector<16xi32>
      %mul3A_574 = arith.muli %div3A_571, %mul3A_573 : vector<16xi32>
      %sub3A_575 = arith.subi %sub3A_568, %mul3A_574 : vector<16xi32>
      %mul3A_576 = arith.constant 192 : i32
      %mul3A_577 = vector.broadcast %mul3A_576 : i32 to vector<16xi32>
      %mul3A_578 = arith.muli %add3A_556, %mul3A_577 : vector<16xi32>
      %mul3A_579 = arith.constant 64 : i32
      %mul3A_580 = vector.broadcast %mul3A_579 : i32 to vector<16xi32>
      %mul3A_581 = arith.muli %div3A_538, %mul3A_580 : vector<16xi32>
      %add3A_582 = arith.addi %mul3A_578, %mul3A_581 : vector<16xi32>
      %add3A_583 = arith.addi %add3A_582, %sub3A_560 : vector<16xi32>
      %mul3A_584 = arith.constant 2 : i32
      %mul3A_585 = vector.broadcast %mul3A_584 : i32 to vector<16xi32>
      %mul3A_586 = arith.muli %mul3A_585, %add3A_583 : vector<16xi32>
      %add3A_587 = arith.addi %mul3A_586, %sub3A_575 : vector<16xi32>
      %swap3A_588 = arith.constant 64 : index
      %swap3A_589 = tpu.vector_load %arg7[%swap3A_588] {strides = array<i32>} : memref<80xi32, #tpu.memory_space<vmem>>, vector<16xi32>,
      tpu.vector_store %arg7[%swap3A_588], %add3A_587 {strides = array<i32>} : memref<80xi32, #tpu.memory_space<vmem>>, vector<16xi32>,
      %dma_start3A = arith.constant 0 : i32
      %dma_start3A_590 = arith.constant 0 : i32
      %dma_start3A_591 = tpu.memref_slice %arg2[%dma_start3A, %dma_start3A_590] : memref<9600x64xf32, #tpu.memory_space<hbm>> -> memref<9600x64xf32, #tpu.memory_space<hbm>>
      tpu.enqueue_indirect_dma source(%dma_start3A_591 : memref<9600x64xf32, #tpu.memory_space<hbm>>) target(%arg8 : memref<80x64xf32, #tpu.memory_space<vmem>>) offsets(%arg6 : memref<80xi32, #tpu.memory_space<vmem>>) semaphore(%arg10 : memref<!tpu.dma_semaphore, #tpu.memory_space<semaphore_mem>>)
      %dma_start3A_592 = arith.constant 0 : i32
      %dma_start3A_593 = arith.constant 0 : i32
      %dma_start3A_594 = tpu.memref_slice %arg2[%dma_start3A_592, %dma_start3A_593] : memref<9600x64xf32, #tpu.memory_space<hbm>> -> memref<9600x64xf32, #tpu.memory_space<hbm>>
      tpu.enqueue_indirect_dma source(%dma_start3A_594 : memref<9600x64xf32, #tpu.memory_space<hbm>>) target(%arg9 : memref<80x64xf32, #tpu.memory_space<vmem>>) offsets(%arg7 : memref<80xi32, #tpu.memory_space<vmem>>) semaphore(%arg10 : memref<!tpu.dma_semaphore, #tpu.memory_space<semaphore_mem>>)
      %dma_wait3A = arith.constant 0 : i32
      %dma_wait3A_595 = arith.constant 0 : i32
      %dma_wait3A_596 = tpu.memref_slice %arg2[%dma_wait3A, %dma_wait3A_595] : memref<9600x64xf32, #tpu.memory_space<hbm>> -> memref<9600x64xf32, #tpu.memory_space<hbm>>
      tpu.wait_indirect_dma semaphore(%arg10 : memref<!tpu.dma_semaphore, #tpu.memory_space<semaphore_mem>>) src(%dma_wait3A_596 : memref<9600x64xf32, #tpu.memory_space<hbm>>) dst(%arg8 : memref<80x64xf32, #tpu.memory_space<vmem>>)
      %dma_wait3A_597 = arith.constant 0 : i32
      %dma_wait3A_598 = arith.constant 0 : i32
      %dma_wait3A_599 = tpu.memref_slice %arg2[%dma_wait3A_597, %dma_wait3A_598] : memref<9600x64xf32, #tpu.memory_space<hbm>> -> memref<9600x64xf32, #tpu.memory_space<hbm>>
      tpu.wait_indirect_dma semaphore(%arg10 : memref<!tpu.dma_semaphore, #tpu.memory_space<semaphore_mem>>) src(%dma_wait3A_599 : memref<9600x64xf32, #tpu.memory_space<hbm>>) dst(%arg9 : memref<80x64xf32, #tpu.memory_space<vmem>>)
      "tpu.region"() ({
        %run_scoped3A = tpu.sem_alloc : memref<!tpu.dma_semaphore, #tpu.memory_space<semaphore_mem>>
        %dma_start3A_602 = arith.constant 0 : i32
        %dma_start3A_603 = tpu.memref_slice %arg4[%mul3A_4, %dma_start3A_602] : memref<4800x64xf32, #tpu.memory_space<hbm>> -> memref<80x64xf32, #tpu.memory_space<hbm>>
        %dma_start3A_604 = arith.constant 0 : i32
        %dma_start3A_605 = tpu.memref_slice %arg4[%mul3A_4, %dma_start3A_604] : memref<4800x64xf32, #tpu.memory_space<hbm>> -> memref<80x64xf32, #tpu.memory_space<hbm>>
        tpu.enqueue_dma source(%arg8 : memref<80x64xf32, #tpu.memory_space<vmem>>) target(%dma_start3A_605 : memref<80x64xf32, #tpu.memory_space<hbm>>) target_semaphore(%run_scoped3A : memref<!tpu.dma_semaphore, #tpu.memory_space<semaphore_mem>>)
        %dma_wait3A_606 = arith.constant 0 : i32
        %dma_wait3A_607 = tpu.memref_slice %arg4[%mul3A_4, %dma_wait3A_606] : memref<4800x64xf32, #tpu.memory_space<hbm>> -> memref<80x64xf32, #tpu.memory_space<hbm>>
        %dma_wait3A_608 = arith.constant 0 : i32
        %dma_wait3A_609 = tpu.memref_slice %arg4[%mul3A_4, %dma_wait3A_608] : memref<4800x64xf32, #tpu.memory_space<hbm>> -> memref<80x64xf32, #tpu.memory_space<hbm>>
        tpu.wait_dma2 semaphore(%run_scoped3A : memref<!tpu.dma_semaphore, #tpu.memory_space<semaphore_mem>>) src(%arg8 : memref<80x64xf32, #tpu.memory_space<vmem>>) dst(%dma_wait3A_609 : memref<80x64xf32, #tpu.memory_space<hbm>>)
        tpu.yield
      }) : () -> ()
      %add3A_600 = arith.constant 80 : i32
      %add3A_601 = arith.addi %mul3A_4, %add3A_600 : i32
      "tpu.region"() ({
        %run_scoped3A = tpu.sem_alloc : memref<!tpu.dma_semaphore, #tpu.memory_space<semaphore_mem>>
        %dma_start3A_602 = arith.constant 0 : i32
        %dma_start3A_603 = tpu.memref_slice %arg4[%add3A_601, %dma_start3A_602] : memref<4800x64xf32, #tpu.memory_space<hbm>> -> memref<80x64xf32, #tpu.memory_space<hbm>>
        %dma_start3A_604 = arith.constant 0 : i32
        %dma_start3A_605 = tpu.memref_slice %arg4[%add3A_601, %dma_start3A_604] : memref<4800x64xf32, #tpu.memory_space<hbm>> -> memref<80x64xf32, #tpu.memory_space<hbm>>
        tpu.enqueue_dma source(%arg9 : memref<80x64xf32, #tpu.memory_space<vmem>>) target(%dma_start3A_605 : memref<80x64xf32, #tpu.memory_space<hbm>>) target_semaphore(%run_scoped3A : memref<!tpu.dma_semaphore, #tpu.memory_space<semaphore_mem>>)
        %dma_wait3A_606 = arith.constant 0 : i32
        %dma_wait3A_607 = tpu.memref_slice %arg4[%add3A_601, %dma_wait3A_606] : memref<4800x64xf32, #tpu.memory_space<hbm>> -> memref<80x64xf32, #tpu.memory_space<hbm>>
        %dma_wait3A_608 = arith.constant 0 : i32
        %dma_wait3A_609 = tpu.memref_slice %arg4[%add3A_601, %dma_wait3A_608] : memref<4800x64xf32, #tpu.memory_space<hbm>> -> memref<80x64xf32, #tpu.memory_space<hbm>>
        tpu.wait_dma2 semaphore(%run_scoped3A : memref<!tpu.dma_semaphore, #tpu.memory_space<semaphore_mem>>) src(%arg9 : memref<80x64xf32, #tpu.memory_space<vmem>>) dst(%dma_wait3A_609 : memref<80x64xf32, #tpu.memory_space<hbm>>)
        tpu.yield
      }) : () -> ()
    } else {
    }
    return
  }
}

module attributes {stable_mosaic.version = 14 : i64} {
  func.func @_scores_topk_body(%arg0: i32, %arg1: memref<3x256x512xf32, #tpu.memory_space<vmem>>, %arg2: memref<3x256x512xf32, #tpu.memory_space<vmem>>, %arg3: memref<3x256x512xf32, #tpu.memory_space<vmem>>, %arg4: memref<3x256x512xf32, #tpu.memory_space<vmem>>, %arg5: memref<3x256x512xf32, #tpu.memory_space<vmem>>, %arg6: memref<3x256x512xf32, #tpu.memory_space<vmem>>, %arg7: memref<3x256x512xf32, #tpu.memory_space<vmem>>, %arg8: memref<3x256x512xf32, #tpu.memory_space<vmem>>, %arg9: memref<25xi32, #tpu.memory_space<smem>>, %arg10: memref<3x4096x4096xf32, #tpu.memory_space<any>>, %arg11: memref<32xi32, #tpu.memory_space<smem>>, %arg12: memref<25x3x64x128xf32, #tpu.memory_space<any>>, %arg13: memref<64x4096xf32, #tpu.memory_space<vmem>>, %arg14: memref<!tpu.dma_semaphore, #tpu.memory_space<semaphore_mem>>) attributes {dimension_semantics = [#tpu.dimension_semantics<arbitrary>], iteration_bounds = array<i64: 16>, scalar_prefetch = 0 : i64, scratch_operands = 2 : i64, tpu.core_type = #tpu.core_type<tc>, window_params = [{transform_indices = @transform_0, window_bounds = array<i64: 3, 256, 512>}, {transform_indices = @transform_1, window_bounds = array<i64: 3, 256, 512>}, {transform_indices = @transform_2, window_bounds = array<i64: 3, 256, 512>}, {transform_indices = @transform_3, window_bounds = array<i64: 3, 256, 512>}, {transform_indices = @transform_4, window_bounds = array<i64: 3, 256, 512>}, {transform_indices = @transform_5, window_bounds = array<i64: 3, 256, 512>}, {transform_indices = @transform_6, window_bounds = array<i64: 3, 256, 512>}, {transform_indices = @transform_7, window_bounds = array<i64: 3, 256, 512>}, {transform_indices = @transform_8, window_bounds = array<i64: 25>}, {}, {transform_indices = @transform_10, window_bounds = array<i64: 32>}, {}]} {
    %get3A = arith.constant 0 : index
    %get3A_0 = arith.constant 0 : index
    %get3A_1 = arith.constant 0 : index
    %get3A_2 = vector.load %arg1[%get3A, %get3A_0, %get3A_1] : memref<3x256x512xf32, #tpu.memory_space<vmem>>, vector<3x256x512xf32>
    %slice3A = vector.extract_strided_slice %get3A_2 {offsets = [0, 0, 0], sizes = [3, 64, 512], strides = [1, 1, 1]} : vector<3x256x512xf32> to vector<3x64x512xf32>
    %reshape3A = vector.shape_cast %slice3A : vector<3x64x512xf32> to vector<192x512xf32>
    %reduce_sum3A = arith.constant dense<0.000000e+00> : vector<512xf32>
    %reduce_sum3A_3 = vector.multi_reduction <add>, %reshape3A, %reduce_sum3A [0] : vector<192x512xf32> to vector<512xf32>
    %broadcast_in_dim3A = vector.shape_cast %reduce_sum3A_3 : vector<512xf32> to vector<1x512xf32>
    %mul3A = arith.constant 4 : i32
    %mul3A_4 = arith.muli %arg0, %mul3A : i32
    %add3A = arith.constant 0 : i32
    %add3A_5 = arith.addi %mul3A_4, %add3A : i32
    %swap3A = arith.index_cast %add3A_5 : i32 to index
    %swap3A_6 = arith.constant 0 : index
    %swap3A_7 = vector.load %arg13[%swap3A, %swap3A_6] : memref<64x4096xf32, #tpu.memory_space<vmem>>, vector<1x512xf32>
    tpu.vector_store %arg13[%swap3A, %swap3A_6], %broadcast_in_dim3A {strides = array<i32>} : memref<64x4096xf32, #tpu.memory_space<vmem>>, vector<1x512xf32>,
    %slice3A_8 = vector.extract_strided_slice %get3A_2 {offsets = [0, 64, 0], sizes = [3, 64, 512], strides = [1, 1, 1]} : vector<3x256x512xf32> to vector<3x64x512xf32>
    %reshape3A_9 = vector.shape_cast %slice3A_8 : vector<3x64x512xf32> to vector<192x512xf32>
    %reduce_sum3A_10 = arith.constant dense<0.000000e+00> : vector<512xf32>
    %reduce_sum3A_11 = vector.multi_reduction <add>, %reshape3A_9, %reduce_sum3A_10 [0] : vector<192x512xf32> to vector<512xf32>
    %broadcast_in_dim3A_12 = vector.shape_cast %reduce_sum3A_11 : vector<512xf32> to vector<1x512xf32>
    %mul3A_13 = arith.constant 4 : i32
    %mul3A_14 = arith.muli %arg0, %mul3A_13 : i32
    %add3A_15 = arith.constant 1 : i32
    %add3A_16 = arith.addi %mul3A_14, %add3A_15 : i32
    %swap3A_17 = arith.index_cast %add3A_16 : i32 to index
    %swap3A_18 = arith.constant 0 : index
    %swap3A_19 = vector.load %arg13[%swap3A_17, %swap3A_18] : memref<64x4096xf32, #tpu.memory_space<vmem>>, vector<1x512xf32>
    tpu.vector_store %arg13[%swap3A_17, %swap3A_18], %broadcast_in_dim3A_12 {strides = array<i32>} : memref<64x4096xf32, #tpu.memory_space<vmem>>, vector<1x512xf32>,
    %slice3A_20 = vector.extract_strided_slice %get3A_2 {offsets = [0, 128, 0], sizes = [3, 64, 512], strides = [1, 1, 1]} : vector<3x256x512xf32> to vector<3x64x512xf32>
    %reshape3A_21 = vector.shape_cast %slice3A_20 : vector<3x64x512xf32> to vector<192x512xf32>
    %reduce_sum3A_22 = arith.constant dense<0.000000e+00> : vector<512xf32>
    %reduce_sum3A_23 = vector.multi_reduction <add>, %reshape3A_21, %reduce_sum3A_22 [0] : vector<192x512xf32> to vector<512xf32>
    %broadcast_in_dim3A_24 = vector.shape_cast %reduce_sum3A_23 : vector<512xf32> to vector<1x512xf32>
    %mul3A_25 = arith.constant 4 : i32
    %mul3A_26 = arith.muli %arg0, %mul3A_25 : i32
    %add3A_27 = arith.constant 2 : i32
    %add3A_28 = arith.addi %mul3A_26, %add3A_27 : i32
    %swap3A_29 = arith.index_cast %add3A_28 : i32 to index
    %swap3A_30 = arith.constant 0 : index
    %swap3A_31 = vector.load %arg13[%swap3A_29, %swap3A_30] : memref<64x4096xf32, #tpu.memory_space<vmem>>, vector<1x512xf32>
    tpu.vector_store %arg13[%swap3A_29, %swap3A_30], %broadcast_in_dim3A_24 {strides = array<i32>} : memref<64x4096xf32, #tpu.memory_space<vmem>>, vector<1x512xf32>,
    %slice3A_32 = vector.extract_strided_slice %get3A_2 {offsets = [0, 192, 0], sizes = [3, 64, 512], strides = [1, 1, 1]} : vector<3x256x512xf32> to vector<3x64x512xf32>
    %reshape3A_33 = vector.shape_cast %slice3A_32 : vector<3x64x512xf32> to vector<192x512xf32>
    %reduce_sum3A_34 = arith.constant dense<0.000000e+00> : vector<512xf32>
    %reduce_sum3A_35 = vector.multi_reduction <add>, %reshape3A_33, %reduce_sum3A_34 [0] : vector<192x512xf32> to vector<512xf32>
    %broadcast_in_dim3A_36 = vector.shape_cast %reduce_sum3A_35 : vector<512xf32> to vector<1x512xf32>
    %mul3A_37 = arith.constant 4 : i32
    %mul3A_38 = arith.muli %arg0, %mul3A_37 : i32
    %add3A_39 = arith.constant 3 : i32
    %add3A_40 = arith.addi %mul3A_38, %add3A_39 : i32
    %swap3A_41 = arith.index_cast %add3A_40 : i32 to index
    %swap3A_42 = arith.constant 0 : index
    %swap3A_43 = vector.load %arg13[%swap3A_41, %swap3A_42] : memref<64x4096xf32, #tpu.memory_space<vmem>>, vector<1x512xf32>
    tpu.vector_store %arg13[%swap3A_41, %swap3A_42], %broadcast_in_dim3A_36 {strides = array<i32>} : memref<64x4096xf32, #tpu.memory_space<vmem>>, vector<1x512xf32>,
    %get3A_44 = arith.constant 0 : index
    %get3A_45 = arith.constant 0 : index
    %get3A_46 = arith.constant 0 : index
    %get3A_47 = vector.load %arg2[%get3A_44, %get3A_45, %get3A_46] : memref<3x256x512xf32, #tpu.memory_space<vmem>>, vector<3x256x512xf32>
    %slice3A_48 = vector.extract_strided_slice %get3A_47 {offsets = [0, 0, 0], sizes = [3, 64, 512], strides = [1, 1, 1]} : vector<3x256x512xf32> to vector<3x64x512xf32>
    %reshape3A_49 = vector.shape_cast %slice3A_48 : vector<3x64x512xf32> to vector<192x512xf32>
    %reduce_sum3A_50 = arith.constant dense<0.000000e+00> : vector<512xf32>
    %reduce_sum3A_51 = vector.multi_reduction <add>, %reshape3A_49, %reduce_sum3A_50 [0] : vector<192x512xf32> to vector<512xf32>
    %broadcast_in_dim3A_52 = vector.shape_cast %reduce_sum3A_51 : vector<512xf32> to vector<1x512xf32>
    %mul3A_53 = arith.constant 4 : i32
    %mul3A_54 = arith.muli %arg0, %mul3A_53 : i32
    %add3A_55 = arith.constant 0 : i32
    %add3A_56 = arith.addi %mul3A_54, %add3A_55 : i32
    %swap3A_57 = arith.index_cast %add3A_56 : i32 to index
    %swap3A_58 = arith.constant 512 : index
    %swap3A_59 = vector.load %arg13[%swap3A_57, %swap3A_58] : memref<64x4096xf32, #tpu.memory_space<vmem>>, vector<1x512xf32>
    tpu.vector_store %arg13[%swap3A_57, %swap3A_58], %broadcast_in_dim3A_52 {strides = array<i32>} : memref<64x4096xf32, #tpu.memory_space<vmem>>, vector<1x512xf32>,
    %slice3A_60 = vector.extract_strided_slice %get3A_47 {offsets = [0, 64, 0], sizes = [3, 64, 512], strides = [1, 1, 1]} : vector<3x256x512xf32> to vector<3x64x512xf32>
    %reshape3A_61 = vector.shape_cast %slice3A_60 : vector<3x64x512xf32> to vector<192x512xf32>
    %reduce_sum3A_62 = arith.constant dense<0.000000e+00> : vector<512xf32>
    %reduce_sum3A_63 = vector.multi_reduction <add>, %reshape3A_61, %reduce_sum3A_62 [0] : vector<192x512xf32> to vector<512xf32>
    %broadcast_in_dim3A_64 = vector.shape_cast %reduce_sum3A_63 : vector<512xf32> to vector<1x512xf32>
    %mul3A_65 = arith.constant 4 : i32
    %mul3A_66 = arith.muli %arg0, %mul3A_65 : i32
    %add3A_67 = arith.constant 1 : i32
    %add3A_68 = arith.addi %mul3A_66, %add3A_67 : i32
    %swap3A_69 = arith.index_cast %add3A_68 : i32 to index
    %swap3A_70 = arith.constant 512 : index
    %swap3A_71 = vector.load %arg13[%swap3A_69, %swap3A_70] : memref<64x4096xf32, #tpu.memory_space<vmem>>, vector<1x512xf32>
    tpu.vector_store %arg13[%swap3A_69, %swap3A_70], %broadcast_in_dim3A_64 {strides = array<i32>} : memref<64x4096xf32, #tpu.memory_space<vmem>>, vector<1x512xf32>,
    %slice3A_72 = vector.extract_strided_slice %get3A_47 {offsets = [0, 128, 0], sizes = [3, 64, 512], strides = [1, 1, 1]} : vector<3x256x512xf32> to vector<3x64x512xf32>
    %reshape3A_73 = vector.shape_cast %slice3A_72 : vector<3x64x512xf32> to vector<192x512xf32>
    %reduce_sum3A_74 = arith.constant dense<0.000000e+00> : vector<512xf32>
    %reduce_sum3A_75 = vector.multi_reduction <add>, %reshape3A_73, %reduce_sum3A_74 [0] : vector<192x512xf32> to vector<512xf32>
    %broadcast_in_dim3A_76 = vector.shape_cast %reduce_sum3A_75 : vector<512xf32> to vector<1x512xf32>
    %mul3A_77 = arith.constant 4 : i32
    %mul3A_78 = arith.muli %arg0, %mul3A_77 : i32
    %add3A_79 = arith.constant 2 : i32
    %add3A_80 = arith.addi %mul3A_78, %add3A_79 : i32
    %swap3A_81 = arith.index_cast %add3A_80 : i32 to index
    %swap3A_82 = arith.constant 512 : index
    %swap3A_83 = vector.load %arg13[%swap3A_81, %swap3A_82] : memref<64x4096xf32, #tpu.memory_space<vmem>>, vector<1x512xf32>
    tpu.vector_store %arg13[%swap3A_81, %swap3A_82], %broadcast_in_dim3A_76 {strides = array<i32>} : memref<64x4096xf32, #tpu.memory_space<vmem>>, vector<1x512xf32>,
    %slice3A_84 = vector.extract_strided_slice %get3A_47 {offsets = [0, 192, 0], sizes = [3, 64, 512], strides = [1, 1, 1]} : vector<3x256x512xf32> to vector<3x64x512xf32>
    %reshape3A_85 = vector.shape_cast %slice3A_84 : vector<3x64x512xf32> to vector<192x512xf32>
    %reduce_sum3A_86 = arith.constant dense<0.000000e+00> : vector<512xf32>
    %reduce_sum3A_87 = vector.multi_reduction <add>, %reshape3A_85, %reduce_sum3A_86 [0] : vector<192x512xf32> to vector<512xf32>
    %broadcast_in_dim3A_88 = vector.shape_cast %reduce_sum3A_87 : vector<512xf32> to vector<1x512xf32>
    %mul3A_89 = arith.constant 4 : i32
    %mul3A_90 = arith.muli %arg0, %mul3A_89 : i32
    %add3A_91 = arith.constant 3 : i32
    %add3A_92 = arith.addi %mul3A_90, %add3A_91 : i32
    %swap3A_93 = arith.index_cast %add3A_92 : i32 to index
    %swap3A_94 = arith.constant 512 : index
    %swap3A_95 = vector.load %arg13[%swap3A_93, %swap3A_94] : memref<64x4096xf32, #tpu.memory_space<vmem>>, vector<1x512xf32>
    tpu.vector_store %arg13[%swap3A_93, %swap3A_94], %broadcast_in_dim3A_88 {strides = array<i32>} : memref<64x4096xf32, #tpu.memory_space<vmem>>, vector<1x512xf32>,
    %get3A_96 = arith.constant 0 : index
    %get3A_97 = arith.constant 0 : index
    %get3A_98 = arith.constant 0 : index
    %get3A_99 = vector.load %arg3[%get3A_96, %get3A_97, %get3A_98] : memref<3x256x512xf32, #tpu.memory_space<vmem>>, vector<3x256x512xf32>
    %slice3A_100 = vector.extract_strided_slice %get3A_99 {offsets = [0, 0, 0], sizes = [3, 64, 512], strides = [1, 1, 1]} : vector<3x256x512xf32> to vector<3x64x512xf32>
    %reshape3A_101 = vector.shape_cast %slice3A_100 : vector<3x64x512xf32> to vector<192x512xf32>
    %reduce_sum3A_102 = arith.constant dense<0.000000e+00> : vector<512xf32>
    %reduce_sum3A_103 = vector.multi_reduction <add>, %reshape3A_101, %reduce_sum3A_102 [0] : vector<192x512xf32> to vector<512xf32>
    %broadcast_in_dim3A_104 = vector.shape_cast %reduce_sum3A_103 : vector<512xf32> to vector<1x512xf32>
    %mul3A_105 = arith.constant 4 : i32
    %mul3A_106 = arith.muli %arg0, %mul3A_105 : i32
    %add3A_107 = arith.constant 0 : i32
    %add3A_108 = arith.addi %mul3A_106, %add3A_107 : i32
    %swap3A_109 = arith.index_cast %add3A_108 : i32 to index
    %swap3A_110 = arith.constant 1024 : index
    %swap3A_111 = vector.load %arg13[%swap3A_109, %swap3A_110] : memref<64x4096xf32, #tpu.memory_space<vmem>>, vector<1x512xf32>
    tpu.vector_store %arg13[%swap3A_109, %swap3A_110], %broadcast_in_dim3A_104 {strides = array<i32>} : memref<64x4096xf32, #tpu.memory_space<vmem>>, vector<1x512xf32>,
    %slice3A_112 = vector.extract_strided_slice %get3A_99 {offsets = [0, 64, 0], sizes = [3, 64, 512], strides = [1, 1, 1]} : vector<3x256x512xf32> to vector<3x64x512xf32>
    %reshape3A_113 = vector.shape_cast %slice3A_112 : vector<3x64x512xf32> to vector<192x512xf32>
    %reduce_sum3A_114 = arith.constant dense<0.000000e+00> : vector<512xf32>
    %reduce_sum3A_115 = vector.multi_reduction <add>, %reshape3A_113, %reduce_sum3A_114 [0] : vector<192x512xf32> to vector<512xf32>
    %broadcast_in_dim3A_116 = vector.shape_cast %reduce_sum3A_115 : vector<512xf32> to vector<1x512xf32>
    %mul3A_117 = arith.constant 4 : i32
    %mul3A_118 = arith.muli %arg0, %mul3A_117 : i32
    %add3A_119 = arith.constant 1 : i32
    %add3A_120 = arith.addi %mul3A_118, %add3A_119 : i32
    %swap3A_121 = arith.index_cast %add3A_120 : i32 to index
    %swap3A_122 = arith.constant 1024 : index
    %swap3A_123 = vector.load %arg13[%swap3A_121, %swap3A_122] : memref<64x4096xf32, #tpu.memory_space<vmem>>, vector<1x512xf32>
    tpu.vector_store %arg13[%swap3A_121, %swap3A_122], %broadcast_in_dim3A_116 {strides = array<i32>} : memref<64x4096xf32, #tpu.memory_space<vmem>>, vector<1x512xf32>,
    %slice3A_124 = vector.extract_strided_slice %get3A_99 {offsets = [0, 128, 0], sizes = [3, 64, 512], strides = [1, 1, 1]} : vector<3x256x512xf32> to vector<3x64x512xf32>
    %reshape3A_125 = vector.shape_cast %slice3A_124 : vector<3x64x512xf32> to vector<192x512xf32>
    %reduce_sum3A_126 = arith.constant dense<0.000000e+00> : vector<512xf32>
    %reduce_sum3A_127 = vector.multi_reduction <add>, %reshape3A_125, %reduce_sum3A_126 [0] : vector<192x512xf32> to vector<512xf32>
    %broadcast_in_dim3A_128 = vector.shape_cast %reduce_sum3A_127 : vector<512xf32> to vector<1x512xf32>
    %mul3A_129 = arith.constant 4 : i32
    %mul3A_130 = arith.muli %arg0, %mul3A_129 : i32
    %add3A_131 = arith.constant 2 : i32
    %add3A_132 = arith.addi %mul3A_130, %add3A_131 : i32
    %swap3A_133 = arith.index_cast %add3A_132 : i32 to index
    %swap3A_134 = arith.constant 1024 : index
    %swap3A_135 = vector.load %arg13[%swap3A_133, %swap3A_134] : memref<64x4096xf32, #tpu.memory_space<vmem>>, vector<1x512xf32>
    tpu.vector_store %arg13[%swap3A_133, %swap3A_134], %broadcast_in_dim3A_128 {strides = array<i32>} : memref<64x4096xf32, #tpu.memory_space<vmem>>, vector<1x512xf32>,
    %slice3A_136 = vector.extract_strided_slice %get3A_99 {offsets = [0, 192, 0], sizes = [3, 64, 512], strides = [1, 1, 1]} : vector<3x256x512xf32> to vector<3x64x512xf32>
    %reshape3A_137 = vector.shape_cast %slice3A_136 : vector<3x64x512xf32> to vector<192x512xf32>
    %reduce_sum3A_138 = arith.constant dense<0.000000e+00> : vector<512xf32>
    %reduce_sum3A_139 = vector.multi_reduction <add>, %reshape3A_137, %reduce_sum3A_138 [0] : vector<192x512xf32> to vector<512xf32>
    %broadcast_in_dim3A_140 = vector.shape_cast %reduce_sum3A_139 : vector<512xf32> to vector<1x512xf32>
    %mul3A_141 = arith.constant 4 : i32
    %mul3A_142 = arith.muli %arg0, %mul3A_141 : i32
    %add3A_143 = arith.constant 3 : i32
    %add3A_144 = arith.addi %mul3A_142, %add3A_143 : i32
    %swap3A_145 = arith.index_cast %add3A_144 : i32 to index
    %swap3A_146 = arith.constant 1024 : index
    %swap3A_147 = vector.load %arg13[%swap3A_145, %swap3A_146] : memref<64x4096xf32, #tpu.memory_space<vmem>>, vector<1x512xf32>
    tpu.vector_store %arg13[%swap3A_145, %swap3A_146], %broadcast_in_dim3A_140 {strides = array<i32>} : memref<64x4096xf32, #tpu.memory_space<vmem>>, vector<1x512xf32>,
    %get3A_148 = arith.constant 0 : index
    %get3A_149 = arith.constant 0 : index
    %get3A_150 = arith.constant 0 : index
    %get3A_151 = vector.load %arg4[%get3A_148, %get3A_149, %get3A_150] : memref<3x256x512xf32, #tpu.memory_space<vmem>>, vector<3x256x512xf32>
    %slice3A_152 = vector.extract_strided_slice %get3A_151 {offsets = [0, 0, 0], sizes = [3, 64, 512], strides = [1, 1, 1]} : vector<3x256x512xf32> to vector<3x64x512xf32>
    %reshape3A_153 = vector.shape_cast %slice3A_152 : vector<3x64x512xf32> to vector<192x512xf32>
    %reduce_sum3A_154 = arith.constant dense<0.000000e+00> : vector<512xf32>
    %reduce_sum3A_155 = vector.multi_reduction <add>, %reshape3A_153, %reduce_sum3A_154 [0] : vector<192x512xf32> to vector<512xf32>
    %broadcast_in_dim3A_156 = vector.shape_cast %reduce_sum3A_155 : vector<512xf32> to vector<1x512xf32>
    %mul3A_157 = arith.constant 4 : i32
    %mul3A_158 = arith.muli %arg0, %mul3A_157 : i32
    %add3A_159 = arith.constant 0 : i32
    %add3A_160 = arith.addi %mul3A_158, %add3A_159 : i32
    %swap3A_161 = arith.index_cast %add3A_160 : i32 to index
    %swap3A_162 = arith.constant 1536 : index
    %swap3A_163 = vector.load %arg13[%swap3A_161, %swap3A_162] : memref<64x4096xf32, #tpu.memory_space<vmem>>, vector<1x512xf32>
    tpu.vector_store %arg13[%swap3A_161, %swap3A_162], %broadcast_in_dim3A_156 {strides = array<i32>} : memref<64x4096xf32, #tpu.memory_space<vmem>>, vector<1x512xf32>,
    %slice3A_164 = vector.extract_strided_slice %get3A_151 {offsets = [0, 64, 0], sizes = [3, 64, 512], strides = [1, 1, 1]} : vector<3x256x512xf32> to vector<3x64x512xf32>
    %reshape3A_165 = vector.shape_cast %slice3A_164 : vector<3x64x512xf32> to vector<192x512xf32>
    %reduce_sum3A_166 = arith.constant dense<0.000000e+00> : vector<512xf32>
    %reduce_sum3A_167 = vector.multi_reduction <add>, %reshape3A_165, %reduce_sum3A_166 [0] : vector<192x512xf32> to vector<512xf32>
    %broadcast_in_dim3A_168 = vector.shape_cast %reduce_sum3A_167 : vector<512xf32> to vector<1x512xf32>
    %mul3A_169 = arith.constant 4 : i32
    %mul3A_170 = arith.muli %arg0, %mul3A_169 : i32
    %add3A_171 = arith.constant 1 : i32
    %add3A_172 = arith.addi %mul3A_170, %add3A_171 : i32
    %swap3A_173 = arith.index_cast %add3A_172 : i32 to index
    %swap3A_174 = arith.constant 1536 : index
    %swap3A_175 = vector.load %arg13[%swap3A_173, %swap3A_174] : memref<64x4096xf32, #tpu.memory_space<vmem>>, vector<1x512xf32>
    tpu.vector_store %arg13[%swap3A_173, %swap3A_174], %broadcast_in_dim3A_168 {strides = array<i32>} : memref<64x4096xf32, #tpu.memory_space<vmem>>, vector<1x512xf32>,
    %slice3A_176 = vector.extract_strided_slice %get3A_151 {offsets = [0, 128, 0], sizes = [3, 64, 512], strides = [1, 1, 1]} : vector<3x256x512xf32> to vector<3x64x512xf32>
    %reshape3A_177 = vector.shape_cast %slice3A_176 : vector<3x64x512xf32> to vector<192x512xf32>
    %reduce_sum3A_178 = arith.constant dense<0.000000e+00> : vector<512xf32>
    %reduce_sum3A_179 = vector.multi_reduction <add>, %reshape3A_177, %reduce_sum3A_178 [0] : vector<192x512xf32> to vector<512xf32>
    %broadcast_in_dim3A_180 = vector.shape_cast %reduce_sum3A_179 : vector<512xf32> to vector<1x512xf32>
    %mul3A_181 = arith.constant 4 : i32
    %mul3A_182 = arith.muli %arg0, %mul3A_181 : i32
    %add3A_183 = arith.constant 2 : i32
    %add3A_184 = arith.addi %mul3A_182, %add3A_183 : i32
    %swap3A_185 = arith.index_cast %add3A_184 : i32 to index
    %swap3A_186 = arith.constant 1536 : index
    %swap3A_187 = vector.load %arg13[%swap3A_185, %swap3A_186] : memref<64x4096xf32, #tpu.memory_space<vmem>>, vector<1x512xf32>
    tpu.vector_store %arg13[%swap3A_185, %swap3A_186], %broadcast_in_dim3A_180 {strides = array<i32>} : memref<64x4096xf32, #tpu.memory_space<vmem>>, vector<1x512xf32>,
    %slice3A_188 = vector.extract_strided_slice %get3A_151 {offsets = [0, 192, 0], sizes = [3, 64, 512], strides = [1, 1, 1]} : vector<3x256x512xf32> to vector<3x64x512xf32>
    %reshape3A_189 = vector.shape_cast %slice3A_188 : vector<3x64x512xf32> to vector<192x512xf32>
    %reduce_sum3A_190 = arith.constant dense<0.000000e+00> : vector<512xf32>
    %reduce_sum3A_191 = vector.multi_reduction <add>, %reshape3A_189, %reduce_sum3A_190 [0] : vector<192x512xf32> to vector<512xf32>
    %broadcast_in_dim3A_192 = vector.shape_cast %reduce_sum3A_191 : vector<512xf32> to vector<1x512xf32>
    %mul3A_193 = arith.constant 4 : i32
    %mul3A_194 = arith.muli %arg0, %mul3A_193 : i32
    %add3A_195 = arith.constant 3 : i32
    %add3A_196 = arith.addi %mul3A_194, %add3A_195 : i32
    %swap3A_197 = arith.index_cast %add3A_196 : i32 to index
    %swap3A_198 = arith.constant 1536 : index
    %swap3A_199 = vector.load %arg13[%swap3A_197, %swap3A_198] : memref<64x4096xf32, #tpu.memory_space<vmem>>, vector<1x512xf32>
    tpu.vector_store %arg13[%swap3A_197, %swap3A_198], %broadcast_in_dim3A_192 {strides = array<i32>} : memref<64x4096xf32, #tpu.memory_space<vmem>>, vector<1x512xf32>,
    %get3A_200 = arith.constant 0 : index
    %get3A_201 = arith.constant 0 : index
    %get3A_202 = arith.constant 0 : index
    %get3A_203 = vector.load %arg5[%get3A_200, %get3A_201, %get3A_202] : memref<3x256x512xf32, #tpu.memory_space<vmem>>, vector<3x256x512xf32>
    %slice3A_204 = vector.extract_strided_slice %get3A_203 {offsets = [0, 0, 0], sizes = [3, 64, 512], strides = [1, 1, 1]} : vector<3x256x512xf32> to vector<3x64x512xf32>
    %reshape3A_205 = vector.shape_cast %slice3A_204 : vector<3x64x512xf32> to vector<192x512xf32>
    %reduce_sum3A_206 = arith.constant dense<0.000000e+00> : vector<512xf32>
    %reduce_sum3A_207 = vector.multi_reduction <add>, %reshape3A_205, %reduce_sum3A_206 [0] : vector<192x512xf32> to vector<512xf32>
    %broadcast_in_dim3A_208 = vector.shape_cast %reduce_sum3A_207 : vector<512xf32> to vector<1x512xf32>
    %mul3A_209 = arith.constant 4 : i32
    %mul3A_210 = arith.muli %arg0, %mul3A_209 : i32
    %add3A_211 = arith.constant 0 : i32
    %add3A_212 = arith.addi %mul3A_210, %add3A_211 : i32
    %swap3A_213 = arith.index_cast %add3A_212 : i32 to index
    %swap3A_214 = arith.constant 2048 : index
    %swap3A_215 = vector.load %arg13[%swap3A_213, %swap3A_214] : memref<64x4096xf32, #tpu.memory_space<vmem>>, vector<1x512xf32>
    tpu.vector_store %arg13[%swap3A_213, %swap3A_214], %broadcast_in_dim3A_208 {strides = array<i32>} : memref<64x4096xf32, #tpu.memory_space<vmem>>, vector<1x512xf32>,
    %slice3A_216 = vector.extract_strided_slice %get3A_203 {offsets = [0, 64, 0], sizes = [3, 64, 512], strides = [1, 1, 1]} : vector<3x256x512xf32> to vector<3x64x512xf32>
    %reshape3A_217 = vector.shape_cast %slice3A_216 : vector<3x64x512xf32> to vector<192x512xf32>
    %reduce_sum3A_218 = arith.constant dense<0.000000e+00> : vector<512xf32>
    %reduce_sum3A_219 = vector.multi_reduction <add>, %reshape3A_217, %reduce_sum3A_218 [0] : vector<192x512xf32> to vector<512xf32>
    %broadcast_in_dim3A_220 = vector.shape_cast %reduce_sum3A_219 : vector<512xf32> to vector<1x512xf32>
    %mul3A_221 = arith.constant 4 : i32
    %mul3A_222 = arith.muli %arg0, %mul3A_221 : i32
    %add3A_223 = arith.constant 1 : i32
    %add3A_224 = arith.addi %mul3A_222, %add3A_223 : i32
    %swap3A_225 = arith.index_cast %add3A_224 : i32 to index
    %swap3A_226 = arith.constant 2048 : index
    %swap3A_227 = vector.load %arg13[%swap3A_225, %swap3A_226] : memref<64x4096xf32, #tpu.memory_space<vmem>>, vector<1x512xf32>
    tpu.vector_store %arg13[%swap3A_225, %swap3A_226], %broadcast_in_dim3A_220 {strides = array<i32>} : memref<64x4096xf32, #tpu.memory_space<vmem>>, vector<1x512xf32>,
    %slice3A_228 = vector.extract_strided_slice %get3A_203 {offsets = [0, 128, 0], sizes = [3, 64, 512], strides = [1, 1, 1]} : vector<3x256x512xf32> to vector<3x64x512xf32>
    %reshape3A_229 = vector.shape_cast %slice3A_228 : vector<3x64x512xf32> to vector<192x512xf32>
    %reduce_sum3A_230 = arith.constant dense<0.000000e+00> : vector<512xf32>
    %reduce_sum3A_231 = vector.multi_reduction <add>, %reshape3A_229, %reduce_sum3A_230 [0] : vector<192x512xf32> to vector<512xf32>
    %broadcast_in_dim3A_232 = vector.shape_cast %reduce_sum3A_231 : vector<512xf32> to vector<1x512xf32>
    %mul3A_233 = arith.constant 4 : i32
    %mul3A_234 = arith.muli %arg0, %mul3A_233 : i32
    %add3A_235 = arith.constant 2 : i32
    %add3A_236 = arith.addi %mul3A_234, %add3A_235 : i32
    %swap3A_237 = arith.index_cast %add3A_236 : i32 to index
    %swap3A_238 = arith.constant 2048 : index
    %swap3A_239 = vector.load %arg13[%swap3A_237, %swap3A_238] : memref<64x4096xf32, #tpu.memory_space<vmem>>, vector<1x512xf32>
    tpu.vector_store %arg13[%swap3A_237, %swap3A_238], %broadcast_in_dim3A_232 {strides = array<i32>} : memref<64x4096xf32, #tpu.memory_space<vmem>>, vector<1x512xf32>,
    %slice3A_240 = vector.extract_strided_slice %get3A_203 {offsets = [0, 192, 0], sizes = [3, 64, 512], strides = [1, 1, 1]} : vector<3x256x512xf32> to vector<3x64x512xf32>
    %reshape3A_241 = vector.shape_cast %slice3A_240 : vector<3x64x512xf32> to vector<192x512xf32>
    %reduce_sum3A_242 = arith.constant dense<0.000000e+00> : vector<512xf32>
    %reduce_sum3A_243 = vector.multi_reduction <add>, %reshape3A_241, %reduce_sum3A_242 [0] : vector<192x512xf32> to vector<512xf32>
    %broadcast_in_dim3A_244 = vector.shape_cast %reduce_sum3A_243 : vector<512xf32> to vector<1x512xf32>
    %mul3A_245 = arith.constant 4 : i32
    %mul3A_246 = arith.muli %arg0, %mul3A_245 : i32
    %add3A_247 = arith.constant 3 : i32
    %add3A_248 = arith.addi %mul3A_246, %add3A_247 : i32
    %swap3A_249 = arith.index_cast %add3A_248 : i32 to index
    %swap3A_250 = arith.constant 2048 : index
    %swap3A_251 = vector.load %arg13[%swap3A_249, %swap3A_250] : memref<64x4096xf32, #tpu.memory_space<vmem>>, vector<1x512xf32>
    tpu.vector_store %arg13[%swap3A_249, %swap3A_250], %broadcast_in_dim3A_244 {strides = array<i32>} : memref<64x4096xf32, #tpu.memory_space<vmem>>, vector<1x512xf32>,
    %get3A_252 = arith.constant 0 : index
    %get3A_253 = arith.constant 0 : index
    %get3A_254 = arith.constant 0 : index
    %get3A_255 = vector.load %arg6[%get3A_252, %get3A_253, %get3A_254] : memref<3x256x512xf32, #tpu.memory_space<vmem>>, vector<3x256x512xf32>
    %slice3A_256 = vector.extract_strided_slice %get3A_255 {offsets = [0, 0, 0], sizes = [3, 64, 512], strides = [1, 1, 1]} : vector<3x256x512xf32> to vector<3x64x512xf32>
    %reshape3A_257 = vector.shape_cast %slice3A_256 : vector<3x64x512xf32> to vector<192x512xf32>
    %reduce_sum3A_258 = arith.constant dense<0.000000e+00> : vector<512xf32>
    %reduce_sum3A_259 = vector.multi_reduction <add>, %reshape3A_257, %reduce_sum3A_258 [0] : vector<192x512xf32> to vector<512xf32>
    %broadcast_in_dim3A_260 = vector.shape_cast %reduce_sum3A_259 : vector<512xf32> to vector<1x512xf32>
    %mul3A_261 = arith.constant 4 : i32
    %mul3A_262 = arith.muli %arg0, %mul3A_261 : i32
    %add3A_263 = arith.constant 0 : i32
    %add3A_264 = arith.addi %mul3A_262, %add3A_263 : i32
    %swap3A_265 = arith.index_cast %add3A_264 : i32 to index
    %swap3A_266 = arith.constant 2560 : index
    %swap3A_267 = vector.load %arg13[%swap3A_265, %swap3A_266] : memref<64x4096xf32, #tpu.memory_space<vmem>>, vector<1x512xf32>
    tpu.vector_store %arg13[%swap3A_265, %swap3A_266], %broadcast_in_dim3A_260 {strides = array<i32>} : memref<64x4096xf32, #tpu.memory_space<vmem>>, vector<1x512xf32>,
    %slice3A_268 = vector.extract_strided_slice %get3A_255 {offsets = [0, 64, 0], sizes = [3, 64, 512], strides = [1, 1, 1]} : vector<3x256x512xf32> to vector<3x64x512xf32>
    %reshape3A_269 = vector.shape_cast %slice3A_268 : vector<3x64x512xf32> to vector<192x512xf32>
    %reduce_sum3A_270 = arith.constant dense<0.000000e+00> : vector<512xf32>
    %reduce_sum3A_271 = vector.multi_reduction <add>, %reshape3A_269, %reduce_sum3A_270 [0] : vector<192x512xf32> to vector<512xf32>
    %broadcast_in_dim3A_272 = vector.shape_cast %reduce_sum3A_271 : vector<512xf32> to vector<1x512xf32>
    %mul3A_273 = arith.constant 4 : i32
    %mul3A_274 = arith.muli %arg0, %mul3A_273 : i32
    %add3A_275 = arith.constant 1 : i32
    %add3A_276 = arith.addi %mul3A_274, %add3A_275 : i32
    %swap3A_277 = arith.index_cast %add3A_276 : i32 to index
    %swap3A_278 = arith.constant 2560 : index
    %swap3A_279 = vector.load %arg13[%swap3A_277, %swap3A_278] : memref<64x4096xf32, #tpu.memory_space<vmem>>, vector<1x512xf32>
    tpu.vector_store %arg13[%swap3A_277, %swap3A_278], %broadcast_in_dim3A_272 {strides = array<i32>} : memref<64x4096xf32, #tpu.memory_space<vmem>>, vector<1x512xf32>,
    %slice3A_280 = vector.extract_strided_slice %get3A_255 {offsets = [0, 128, 0], sizes = [3, 64, 512], strides = [1, 1, 1]} : vector<3x256x512xf32> to vector<3x64x512xf32>
    %reshape3A_281 = vector.shape_cast %slice3A_280 : vector<3x64x512xf32> to vector<192x512xf32>
    %reduce_sum3A_282 = arith.constant dense<0.000000e+00> : vector<512xf32>
    %reduce_sum3A_283 = vector.multi_reduction <add>, %reshape3A_281, %reduce_sum3A_282 [0] : vector<192x512xf32> to vector<512xf32>
    %broadcast_in_dim3A_284 = vector.shape_cast %reduce_sum3A_283 : vector<512xf32> to vector<1x512xf32>
    %mul3A_285 = arith.constant 4 : i32
    %mul3A_286 = arith.muli %arg0, %mul3A_285 : i32
    %add3A_287 = arith.constant 2 : i32
    %add3A_288 = arith.addi %mul3A_286, %add3A_287 : i32
    %swap3A_289 = arith.index_cast %add3A_288 : i32 to index
    %swap3A_290 = arith.constant 2560 : index
    %swap3A_291 = vector.load %arg13[%swap3A_289, %swap3A_290] : memref<64x4096xf32, #tpu.memory_space<vmem>>, vector<1x512xf32>
    tpu.vector_store %arg13[%swap3A_289, %swap3A_290], %broadcast_in_dim3A_284 {strides = array<i32>} : memref<64x4096xf32, #tpu.memory_space<vmem>>, vector<1x512xf32>,
    %slice3A_292 = vector.extract_strided_slice %get3A_255 {offsets = [0, 192, 0], sizes = [3, 64, 512], strides = [1, 1, 1]} : vector<3x256x512xf32> to vector<3x64x512xf32>
    %reshape3A_293 = vector.shape_cast %slice3A_292 : vector<3x64x512xf32> to vector<192x512xf32>
    %reduce_sum3A_294 = arith.constant dense<0.000000e+00> : vector<512xf32>
    %reduce_sum3A_295 = vector.multi_reduction <add>, %reshape3A_293, %reduce_sum3A_294 [0] : vector<192x512xf32> to vector<512xf32>
    %broadcast_in_dim3A_296 = vector.shape_cast %reduce_sum3A_295 : vector<512xf32> to vector<1x512xf32>
    %mul3A_297 = arith.constant 4 : i32
    %mul3A_298 = arith.muli %arg0, %mul3A_297 : i32
    %add3A_299 = arith.constant 3 : i32
    %add3A_300 = arith.addi %mul3A_298, %add3A_299 : i32
    %swap3A_301 = arith.index_cast %add3A_300 : i32 to index
    %swap3A_302 = arith.constant 2560 : index
    %swap3A_303 = vector.load %arg13[%swap3A_301, %swap3A_302] : memref<64x4096xf32, #tpu.memory_space<vmem>>, vector<1x512xf32>
    tpu.vector_store %arg13[%swap3A_301, %swap3A_302], %broadcast_in_dim3A_296 {strides = array<i32>} : memref<64x4096xf32, #tpu.memory_space<vmem>>, vector<1x512xf32>,
    %get3A_304 = arith.constant 0 : index
    %get3A_305 = arith.constant 0 : index
    %get3A_306 = arith.constant 0 : index
    %get3A_307 = vector.load %arg7[%get3A_304, %get3A_305, %get3A_306] : memref<3x256x512xf32, #tpu.memory_space<vmem>>, vector<3x256x512xf32>
    %slice3A_308 = vector.extract_strided_slice %get3A_307 {offsets = [0, 0, 0], sizes = [3, 64, 512], strides = [1, 1, 1]} : vector<3x256x512xf32> to vector<3x64x512xf32>
    %reshape3A_309 = vector.shape_cast %slice3A_308 : vector<3x64x512xf32> to vector<192x512xf32>
    %reduce_sum3A_310 = arith.constant dense<0.000000e+00> : vector<512xf32>
    %reduce_sum3A_311 = vector.multi_reduction <add>, %reshape3A_309, %reduce_sum3A_310 [0] : vector<192x512xf32> to vector<512xf32>
    %broadcast_in_dim3A_312 = vector.shape_cast %reduce_sum3A_311 : vector<512xf32> to vector<1x512xf32>
    %mul3A_313 = arith.constant 4 : i32
    %mul3A_314 = arith.muli %arg0, %mul3A_313 : i32
    %add3A_315 = arith.constant 0 : i32
    %add3A_316 = arith.addi %mul3A_314, %add3A_315 : i32
    %swap3A_317 = arith.index_cast %add3A_316 : i32 to index
    %swap3A_318 = arith.constant 3072 : index
    %swap3A_319 = vector.load %arg13[%swap3A_317, %swap3A_318] : memref<64x4096xf32, #tpu.memory_space<vmem>>, vector<1x512xf32>
    tpu.vector_store %arg13[%swap3A_317, %swap3A_318], %broadcast_in_dim3A_312 {strides = array<i32>} : memref<64x4096xf32, #tpu.memory_space<vmem>>, vector<1x512xf32>,
    %slice3A_320 = vector.extract_strided_slice %get3A_307 {offsets = [0, 64, 0], sizes = [3, 64, 512], strides = [1, 1, 1]} : vector<3x256x512xf32> to vector<3x64x512xf32>
    %reshape3A_321 = vector.shape_cast %slice3A_320 : vector<3x64x512xf32> to vector<192x512xf32>
    %reduce_sum3A_322 = arith.constant dense<0.000000e+00> : vector<512xf32>
    %reduce_sum3A_323 = vector.multi_reduction <add>, %reshape3A_321, %reduce_sum3A_322 [0] : vector<192x512xf32> to vector<512xf32>
    %broadcast_in_dim3A_324 = vector.shape_cast %reduce_sum3A_323 : vector<512xf32> to vector<1x512xf32>
    %mul3A_325 = arith.constant 4 : i32
    %mul3A_326 = arith.muli %arg0, %mul3A_325 : i32
    %add3A_327 = arith.constant 1 : i32
    %add3A_328 = arith.addi %mul3A_326, %add3A_327 : i32
    %swap3A_329 = arith.index_cast %add3A_328 : i32 to index
    %swap3A_330 = arith.constant 3072 : index
    %swap3A_331 = vector.load %arg13[%swap3A_329, %swap3A_330] : memref<64x4096xf32, #tpu.memory_space<vmem>>, vector<1x512xf32>
    tpu.vector_store %arg13[%swap3A_329, %swap3A_330], %broadcast_in_dim3A_324 {strides = array<i32>} : memref<64x4096xf32, #tpu.memory_space<vmem>>, vector<1x512xf32>,
    %slice3A_332 = vector.extract_strided_slice %get3A_307 {offsets = [0, 128, 0], sizes = [3, 64, 512], strides = [1, 1, 1]} : vector<3x256x512xf32> to vector<3x64x512xf32>
    %reshape3A_333 = vector.shape_cast %slice3A_332 : vector<3x64x512xf32> to vector<192x512xf32>
    %reduce_sum3A_334 = arith.constant dense<0.000000e+00> : vector<512xf32>
    %reduce_sum3A_335 = vector.multi_reduction <add>, %reshape3A_333, %reduce_sum3A_334 [0] : vector<192x512xf32> to vector<512xf32>
    %broadcast_in_dim3A_336 = vector.shape_cast %reduce_sum3A_335 : vector<512xf32> to vector<1x512xf32>
    %mul3A_337 = arith.constant 4 : i32
    %mul3A_338 = arith.muli %arg0, %mul3A_337 : i32
    %add3A_339 = arith.constant 2 : i32
    %add3A_340 = arith.addi %mul3A_338, %add3A_339 : i32
    %swap3A_341 = arith.index_cast %add3A_340 : i32 to index
    %swap3A_342 = arith.constant 3072 : index
    %swap3A_343 = vector.load %arg13[%swap3A_341, %swap3A_342] : memref<64x4096xf32, #tpu.memory_space<vmem>>, vector<1x512xf32>
    tpu.vector_store %arg13[%swap3A_341, %swap3A_342], %broadcast_in_dim3A_336 {strides = array<i32>} : memref<64x4096xf32, #tpu.memory_space<vmem>>, vector<1x512xf32>,
    %slice3A_344 = vector.extract_strided_slice %get3A_307 {offsets = [0, 192, 0], sizes = [3, 64, 512], strides = [1, 1, 1]} : vector<3x256x512xf32> to vector<3x64x512xf32>
    %reshape3A_345 = vector.shape_cast %slice3A_344 : vector<3x64x512xf32> to vector<192x512xf32>
    %reduce_sum3A_346 = arith.constant dense<0.000000e+00> : vector<512xf32>
    %reduce_sum3A_347 = vector.multi_reduction <add>, %reshape3A_345, %reduce_sum3A_346 [0] : vector<192x512xf32> to vector<512xf32>
    %broadcast_in_dim3A_348 = vector.shape_cast %reduce_sum3A_347 : vector<512xf32> to vector<1x512xf32>
    %mul3A_349 = arith.constant 4 : i32
    %mul3A_350 = arith.muli %arg0, %mul3A_349 : i32
    %add3A_351 = arith.constant 3 : i32
    %add3A_352 = arith.addi %mul3A_350, %add3A_351 : i32
    %swap3A_353 = arith.index_cast %add3A_352 : i32 to index
    %swap3A_354 = arith.constant 3072 : index
    %swap3A_355 = vector.load %arg13[%swap3A_353, %swap3A_354] : memref<64x4096xf32, #tpu.memory_space<vmem>>, vector<1x512xf32>
    tpu.vector_store %arg13[%swap3A_353, %swap3A_354], %broadcast_in_dim3A_348 {strides = array<i32>} : memref<64x4096xf32, #tpu.memory_space<vmem>>, vector<1x512xf32>,
    %get3A_356 = arith.constant 0 : index
    %get3A_357 = arith.constant 0 : index
    %get3A_358 = arith.constant 0 : index
    %get3A_359 = vector.load %arg8[%get3A_356, %get3A_357, %get3A_358] : memref<3x256x512xf32, #tpu.memory_space<vmem>>, vector<3x256x512xf32>
    %slice3A_360 = vector.extract_strided_slice %get3A_359 {offsets = [0, 0, 0], sizes = [3, 64, 512], strides = [1, 1, 1]} : vector<3x256x512xf32> to vector<3x64x512xf32>
    %reshape3A_361 = vector.shape_cast %slice3A_360 : vector<3x64x512xf32> to vector<192x512xf32>
    %reduce_sum3A_362 = arith.constant dense<0.000000e+00> : vector<512xf32>
    %reduce_sum3A_363 = vector.multi_reduction <add>, %reshape3A_361, %reduce_sum3A_362 [0] : vector<192x512xf32> to vector<512xf32>
    %broadcast_in_dim3A_364 = vector.shape_cast %reduce_sum3A_363 : vector<512xf32> to vector<1x512xf32>
    %mul3A_365 = arith.constant 4 : i32
    %mul3A_366 = arith.muli %arg0, %mul3A_365 : i32
    %add3A_367 = arith.constant 0 : i32
    %add3A_368 = arith.addi %mul3A_366, %add3A_367 : i32
    %swap3A_369 = arith.index_cast %add3A_368 : i32 to index
    %swap3A_370 = arith.constant 3584 : index
    %swap3A_371 = vector.load %arg13[%swap3A_369, %swap3A_370] : memref<64x4096xf32, #tpu.memory_space<vmem>>, vector<1x512xf32>
    tpu.vector_store %arg13[%swap3A_369, %swap3A_370], %broadcast_in_dim3A_364 {strides = array<i32>} : memref<64x4096xf32, #tpu.memory_space<vmem>>, vector<1x512xf32>,
    %slice3A_372 = vector.extract_strided_slice %get3A_359 {offsets = [0, 64, 0], sizes = [3, 64, 512], strides = [1, 1, 1]} : vector<3x256x512xf32> to vector<3x64x512xf32>
    %reshape3A_373 = vector.shape_cast %slice3A_372 : vector<3x64x512xf32> to vector<192x512xf32>
    %reduce_sum3A_374 = arith.constant dense<0.000000e+00> : vector<512xf32>
    %reduce_sum3A_375 = vector.multi_reduction <add>, %reshape3A_373, %reduce_sum3A_374 [0] : vector<192x512xf32> to vector<512xf32>
    %broadcast_in_dim3A_376 = vector.shape_cast %reduce_sum3A_375 : vector<512xf32> to vector<1x512xf32>
    %mul3A_377 = arith.constant 4 : i32
    %mul3A_378 = arith.muli %arg0, %mul3A_377 : i32
    %add3A_379 = arith.constant 1 : i32
    %add3A_380 = arith.addi %mul3A_378, %add3A_379 : i32
    %swap3A_381 = arith.index_cast %add3A_380 : i32 to index
    %swap3A_382 = arith.constant 3584 : index
    %swap3A_383 = vector.load %arg13[%swap3A_381, %swap3A_382] : memref<64x4096xf32, #tpu.memory_space<vmem>>, vector<1x512xf32>
    tpu.vector_store %arg13[%swap3A_381, %swap3A_382], %broadcast_in_dim3A_376 {strides = array<i32>} : memref<64x4096xf32, #tpu.memory_space<vmem>>, vector<1x512xf32>,
    %slice3A_384 = vector.extract_strided_slice %get3A_359 {offsets = [0, 128, 0], sizes = [3, 64, 512], strides = [1, 1, 1]} : vector<3x256x512xf32> to vector<3x64x512xf32>
    %reshape3A_385 = vector.shape_cast %slice3A_384 : vector<3x64x512xf32> to vector<192x512xf32>
    %reduce_sum3A_386 = arith.constant dense<0.000000e+00> : vector<512xf32>
    %reduce_sum3A_387 = vector.multi_reduction <add>, %reshape3A_385, %reduce_sum3A_386 [0] : vector<192x512xf32> to vector<512xf32>
    %broadcast_in_dim3A_388 = vector.shape_cast %reduce_sum3A_387 : vector<512xf32> to vector<1x512xf32>
    %mul3A_389 = arith.constant 4 : i32
    %mul3A_390 = arith.muli %arg0, %mul3A_389 : i32
    %add3A_391 = arith.constant 2 : i32
    %add3A_392 = arith.addi %mul3A_390, %add3A_391 : i32
    %swap3A_393 = arith.index_cast %add3A_392 : i32 to index
    %swap3A_394 = arith.constant 3584 : index
    %swap3A_395 = vector.load %arg13[%swap3A_393, %swap3A_394] : memref<64x4096xf32, #tpu.memory_space<vmem>>, vector<1x512xf32>
    tpu.vector_store %arg13[%swap3A_393, %swap3A_394], %broadcast_in_dim3A_388 {strides = array<i32>} : memref<64x4096xf32, #tpu.memory_space<vmem>>, vector<1x512xf32>,
    %slice3A_396 = vector.extract_strided_slice %get3A_359 {offsets = [0, 192, 0], sizes = [3, 64, 512], strides = [1, 1, 1]} : vector<3x256x512xf32> to vector<3x64x512xf32>
    %reshape3A_397 = vector.shape_cast %slice3A_396 : vector<3x64x512xf32> to vector<192x512xf32>
    %reduce_sum3A_398 = arith.constant dense<0.000000e+00> : vector<512xf32>
    %reduce_sum3A_399 = vector.multi_reduction <add>, %reshape3A_397, %reduce_sum3A_398 [0] : vector<192x512xf32> to vector<512xf32>
    %broadcast_in_dim3A_400 = vector.shape_cast %reduce_sum3A_399 : vector<512xf32> to vector<1x512xf32>
    %mul3A_401 = arith.constant 4 : i32
    %mul3A_402 = arith.muli %arg0, %mul3A_401 : i32
    %add3A_403 = arith.constant 3 : i32
    %add3A_404 = arith.addi %mul3A_402, %add3A_403 : i32
    %swap3A_405 = arith.index_cast %add3A_404 : i32 to index
    %swap3A_406 = arith.constant 3584 : index
    %swap3A_407 = vector.load %arg13[%swap3A_405, %swap3A_406] : memref<64x4096xf32, #tpu.memory_space<vmem>>, vector<1x512xf32>
    tpu.vector_store %arg13[%swap3A_405, %swap3A_406], %broadcast_in_dim3A_400 {strides = array<i32>} : memref<64x4096xf32, #tpu.memory_space<vmem>>, vector<1x512xf32>,
    %eq3A = arith.constant 15 : i32
    %eq3A_408 = arith.cmpi eq, %arg0, %eq3A : i32
    %convert_element_type3A = arith.extui %eq3A_408 : i1 to i32
    %cond3A = arith.constant 0 : i32
    %cond3A_409 = arith.cmpi ne, %convert_element_type3A, %cond3A : i32
    scf.if %cond3A_409 {
      %iota3A = tpu.iota {dimensions = array<i32: 0>} : vector<4096x64xi32>
      %iota3A_410 = tpu.iota {dimensions = array<i32: 1>} : vector<4096x64xi32>
      %jit3A = arith.constant 64 : i32
      %div3A = vector.broadcast %jit3A : i32 to vector<4096x64xi32>
      %div3A_411 = arith.divsi %iota3A, %div3A : vector<4096x64xi32>
      %sign3A = arith.constant 0 : i32
      %sign3A_412 = vector.broadcast %sign3A : i32 to vector<4096x64xi32>
      %sign3A_413 = arith.cmpi sgt, %iota3A, %sign3A_412 : vector<4096x64xi32>
      %sign3A_414 = arith.extui %sign3A_413 : vector<4096x64xi1> to vector<4096x64xi32>
      %sign3A_415 = arith.constant 0 : i32
      %sign3A_416 = vector.broadcast %sign3A_415 : i32 to vector<4096x64xi32>
      %sign3A_417 = arith.cmpi slt, %iota3A, %sign3A_416 : vector<4096x64xi32>
      %sign3A_418 = arith.extui %sign3A_417 : vector<4096x64xi1> to vector<4096x64xi32>
      %sign3A_419 = arith.subi %sign3A_414, %sign3A_418 : vector<4096x64xi32>
      %sign3A_420 = arith.constant 0 : i32
      %sign3A_421 = arith.cmpi sgt, %jit3A, %sign3A_420 : i32
      %sign3A_422 = arith.extui %sign3A_421 : i1 to i32
      %sign3A_423 = arith.constant 0 : i32
      %sign3A_424 = arith.cmpi slt, %jit3A, %sign3A_423 : i32
      %sign3A_425 = arith.extui %sign3A_424 : i1 to i32
      %sign3A_426 = arith.subi %sign3A_422, %sign3A_425 : i32
      %ne3A = vector.broadcast %sign3A_426 : i32 to vector<4096x64xi32>
      %ne3A_427 = arith.cmpi ne, %sign3A_419, %ne3A : vector<4096x64xi32>
      %rem3A = vector.broadcast %jit3A : i32 to vector<4096x64xi32>
      %rem3A_428 = arith.remsi %iota3A, %rem3A : vector<4096x64xi32>
      %ne3A_429 = arith.constant 0 : i32
      %ne3A_430 = vector.broadcast %ne3A_429 : i32 to vector<4096x64xi32>
      %ne3A_431 = arith.cmpi ne, %rem3A_428, %ne3A_430 : vector<4096x64xi32>
      %and3A = arith.andi %ne3A_427, %ne3A_431 : vector<4096x64xi1>
      %sub3A = arith.constant 1 : i32
      %sub3A_432 = vector.broadcast %sub3A : i32 to vector<4096x64xi32>
      %sub3A_433 = arith.subi %div3A_411, %sub3A_432 : vector<4096x64xi32>
      %select_n3A = arith.select %and3A, %sub3A_433, %div3A_411 : vector<4096x64xi1>, vector<4096x64xi32>
      %eq3A_434 = arith.cmpi eq, %select_n3A, %iota3A_410 : vector<4096x64xi32>
      %convert_element_type3A_435 = arith.extui %eq3A_434 : vector<4096x64xi1> to vector<4096x64xi32>
      %convert_element_type3A_436 = arith.sitofp %convert_element_type3A_435 : vector<4096x64xi32> to vector<4096x64xf32>
      %get3A_437 = arith.constant 0 : index
      %get3A_438 = arith.constant 0 : index
      %get3A_439 = vector.load %arg13[%get3A_437, %get3A_438] : memref<64x4096xf32, #tpu.memory_space<vmem>>, vector<64x4096xf32>
      %dot_general3A = arith.constant dense<0.000000e+00> : vector<64x64xf32>
      %dot_general3A_440 = tpu.matmul %get3A_439, %convert_element_type3A_436, %dot_general3A {dimension_numbers = #tpu.dot_dimension_numbers<[1], [0], [0], [1], [0, 0, 1, 1], [], []>, precision = #tpu.contract_precision<fp32>, transpose_lhs_hint = false} : vector<64x4096xf32>, vector<4096x64xf32>, vector<64x64xf32> -> vector<64x64xf32>
      %iota3A_441 = tpu.iota {dimensions = array<i32: 0>} : vector<64x64xi32>
      %mul3A_442 = arith.constant 64 : i32
      %mul3A_443 = vector.broadcast %mul3A_442 : i32 to vector<64x64xi32>
      %mul3A_444 = arith.muli %iota3A_441, %mul3A_443 : vector<64x64xi32>
      %iota3A_445 = tpu.iota {dimensions = array<i32: 1>} : vector<64x64xi32>
      %add3A_446 = arith.addi %mul3A_444, %iota3A_445 : vector<64x64xi32>
      %scan3A = arith.constant 0 : i32
      %scan3A_447 = arith.constant 25 : i32
      %scan3A_448 = arith.addi %scan3A, %scan3A_447 : i32
      %scan3A_449 = arith.constant 1 : i32
      %scan3A_450 = scf.for %scan3A_2321 = %scan3A to %scan3A_448 step %scan3A_449 iter_args(%scan3A_2322 = %dot_general3A_440) -> (vector<64x64xf32>)  : i32 {
        %reduce_max3A = vector.shape_cast %scan3A_2322 : vector<64x64xf32> to vector<1x64x64xf32>
        %reduce_max3A_2323 = arith.constant dense<0xFF800000> : vector<1xf32>
        %reduce_max3A_2324 = vector.multi_reduction <maximumf>, %reduce_max3A, %reduce_max3A_2323 [1, 2] : vector<1x64x64xf32> to vector<1xf32>
        %reduce_max3A_2325 = vector.shape_cast %reduce_max3A_2324 : vector<1xf32> to vector<1x1x1xf32>
        %reduce_max3A_2326 = vector.extract %reduce_max3A_2325[0, 0, 0] : f32 from vector<1x1x1xf32>
        %eq3A_2327 = vector.broadcast %reduce_max3A_2326 : f32 to vector<64x64xf32>
        %eq3A_2328 = arith.cmpf oeq, %scan3A_2322, %eq3A_2327 : vector<64x64xf32>
        %jit3A_2329 = arith.constant 1073741824 : i32
        %broadcast_in_dim3A_2330 = vector.broadcast %jit3A_2329 : i32 to vector<64x64xi32>
        %select_n3A_2331 = arith.select %eq3A_2328, %add3A_446, %broadcast_in_dim3A_2330 : vector<64x64xi1>, vector<64x64xi32>
        %reduce_min3A = vector.shape_cast %select_n3A_2331 : vector<64x64xi32> to vector<1x64x64xi32>
        %reduce_min3A_2332 = arith.constant dense<2147483647> : vector<1xi32>
        %reduce_min3A_2333 = vector.multi_reduction <minsi>, %reduce_min3A, %reduce_min3A_2332 [1, 2] : vector<1x64x64xi32> to vector<1xi32>
        %reduce_min3A_2334 = vector.shape_cast %reduce_min3A_2333 : vector<1xi32> to vector<1x1x1xi32>
        %reduce_min3A_2335 = vector.extract %reduce_min3A_2334[0, 0, 0] : i32 from vector<1x1x1xi32>
        %get3A_2336 = arith.index_cast %scan3A_2321 : i32 to index
        %get3A_2337 = memref.load %arg9[%get3A_2336] : memref<25xi32, #tpu.memory_space<smem>>
        %swap3A_2338 = arith.index_cast %get3A_2337 : i32 to index
        %swap3A_2339 = memref.load %arg11[%swap3A_2338] : memref<32xi32, #tpu.memory_space<smem>>
        memref.store %reduce_min3A_2335, %arg11[%swap3A_2338] : memref<32xi32, #tpu.memory_space<smem>>
        %eq3A_2340 = vector.broadcast %reduce_min3A_2335 : i32 to vector<64x64xi32>
        %eq3A_2341 = arith.cmpi eq, %add3A_446, %eq3A_2340 : vector<64x64xi32>
        %jit3A_2342 = arith.constant 0xFF800000 : f32
        %broadcast_in_dim3A_2343 = vector.broadcast %jit3A_2342 : f32 to vector<64x64xf32>
        %select_n3A_2344 = arith.select %eq3A_2341, %broadcast_in_dim3A_2343, %scan3A_2322 : vector<64x64xi1>, vector<64x64xf32>
        scf.yield %select_n3A_2344 : vector<64x64xf32>
      }
      %scan3A_451 = arith.constant 25 : i32
      %swap3A_452 = arith.constant 0 : i32
      %swap3A_453 = arith.constant 25 : index
      %swap3A_454 = memref.load %arg11[%swap3A_453] : memref<32xi32, #tpu.memory_space<smem>>
      memref.store %swap3A_452, %arg11[%swap3A_453] : memref<32xi32, #tpu.memory_space<smem>>
      %swap3A_455 = arith.constant 0 : i32
      %swap3A_456 = arith.constant 26 : index
      %swap3A_457 = memref.load %arg11[%swap3A_456] : memref<32xi32, #tpu.memory_space<smem>>
      memref.store %swap3A_455, %arg11[%swap3A_456] : memref<32xi32, #tpu.memory_space<smem>>
      %swap3A_458 = arith.constant 0 : i32
      %swap3A_459 = arith.constant 27 : index
      %swap3A_460 = memref.load %arg11[%swap3A_459] : memref<32xi32, #tpu.memory_space<smem>>
      memref.store %swap3A_458, %arg11[%swap3A_459] : memref<32xi32, #tpu.memory_space<smem>>
      %swap3A_461 = arith.constant 0 : i32
      %swap3A_462 = arith.constant 28 : index
      %swap3A_463 = memref.load %arg11[%swap3A_462] : memref<32xi32, #tpu.memory_space<smem>>
      memref.store %swap3A_461, %arg11[%swap3A_462] : memref<32xi32, #tpu.memory_space<smem>>
      %swap3A_464 = arith.constant 0 : i32
      %swap3A_465 = arith.constant 29 : index
      %swap3A_466 = memref.load %arg11[%swap3A_465] : memref<32xi32, #tpu.memory_space<smem>>
      memref.store %swap3A_464, %arg11[%swap3A_465] : memref<32xi32, #tpu.memory_space<smem>>
      %swap3A_467 = arith.constant 0 : i32
      %swap3A_468 = arith.constant 30 : index
      %swap3A_469 = memref.load %arg11[%swap3A_468] : memref<32xi32, #tpu.memory_space<smem>>
      memref.store %swap3A_467, %arg11[%swap3A_468] : memref<32xi32, #tpu.memory_space<smem>>
      %swap3A_470 = arith.constant 0 : i32
      %swap3A_471 = arith.constant 31 : index
      %swap3A_472 = memref.load %arg11[%swap3A_471] : memref<32xi32, #tpu.memory_space<smem>>
      memref.store %swap3A_470, %arg11[%swap3A_471] : memref<32xi32, #tpu.memory_space<smem>>
      %get3A_473 = arith.constant 0 : index
      %get3A_474 = memref.load %arg11[%get3A_473] : memref<32xi32, #tpu.memory_space<smem>>
      %jit3A_475 = arith.constant 64 : i32
      %div3A_476 = arith.divsi %get3A_474, %jit3A_475 : i32
      %sign3A_477 = arith.constant 0 : i32
      %sign3A_478 = arith.cmpi sgt, %get3A_474, %sign3A_477 : i32
      %sign3A_479 = arith.extui %sign3A_478 : i1 to i32
      %sign3A_480 = arith.constant 0 : i32
      %sign3A_481 = arith.cmpi slt, %get3A_474, %sign3A_480 : i32
      %sign3A_482 = arith.extui %sign3A_481 : i1 to i32
      %sign3A_483 = arith.subi %sign3A_479, %sign3A_482 : i32
      %sign3A_484 = arith.constant 0 : i32
      %sign3A_485 = arith.cmpi sgt, %jit3A_475, %sign3A_484 : i32
      %sign3A_486 = arith.extui %sign3A_485 : i1 to i32
      %sign3A_487 = arith.constant 0 : i32
      %sign3A_488 = arith.cmpi slt, %jit3A_475, %sign3A_487 : i32
      %sign3A_489 = arith.extui %sign3A_488 : i1 to i32
      %sign3A_490 = arith.subi %sign3A_486, %sign3A_489 : i32
      %ne3A_491 = arith.cmpi ne, %sign3A_483, %sign3A_490 : i32
      %rem3A_492 = arith.remsi %get3A_474, %jit3A_475 : i32
      %ne3A_493 = arith.constant 0 : i32
      %ne3A_494 = arith.cmpi ne, %rem3A_492, %ne3A_493 : i32
      %and3A_495 = arith.andi %ne3A_491, %ne3A_494 : i1
      %sub3A_496 = arith.constant 1 : i32
      %sub3A_497 = arith.subi %div3A_476, %sub3A_496 : i32
      %select_n3A_498 = arith.select %and3A_495, %sub3A_497, %div3A_476 : i32
      %rem3A_499 = arith.constant 64 : i32
      %rem3A_500 = arith.remsi %get3A_474, %rem3A_499 : i32
      %jit3A_501 = arith.constant 2 : i32
      %div3A_502 = arith.divsi %rem3A_500, %jit3A_501 : i32
      %sign3A_503 = arith.constant 0 : i32
      %sign3A_504 = arith.cmpi sgt, %rem3A_500, %sign3A_503 : i32
      %sign3A_505 = arith.extui %sign3A_504 : i1 to i32
      %sign3A_506 = arith.constant 0 : i32
      %sign3A_507 = arith.cmpi slt, %rem3A_500, %sign3A_506 : i32
      %sign3A_508 = arith.extui %sign3A_507 : i1 to i32
      %sign3A_509 = arith.subi %sign3A_505, %sign3A_508 : i32
      %sign3A_510 = arith.constant 0 : i32
      %sign3A_511 = arith.cmpi sgt, %jit3A_501, %sign3A_510 : i32
      %sign3A_512 = arith.extui %sign3A_511 : i1 to i32
      %sign3A_513 = arith.constant 0 : i32
      %sign3A_514 = arith.cmpi slt, %jit3A_501, %sign3A_513 : i32
      %sign3A_515 = arith.extui %sign3A_514 : i1 to i32
      %sign3A_516 = arith.subi %sign3A_512, %sign3A_515 : i32
      %ne3A_517 = arith.cmpi ne, %sign3A_509, %sign3A_516 : i32
      %rem3A_518 = arith.remsi %rem3A_500, %jit3A_501 : i32
      %ne3A_519 = arith.constant 0 : i32
      %ne3A_520 = arith.cmpi ne, %rem3A_518, %ne3A_519 : i32
      %and3A_521 = arith.andi %ne3A_517, %ne3A_520 : i1
      %sub3A_522 = arith.constant 1 : i32
      %sub3A_523 = arith.subi %div3A_502, %sub3A_522 : i32
      %select_n3A_524 = arith.select %and3A_521, %sub3A_523, %div3A_502 : i32
      %mul3A_525 = arith.constant 64 : i32
      %mul3A_526 = arith.muli %select_n3A_498, %mul3A_525 : i32
      %mul3A_527 = arith.constant 2 : i32
      %mul3A_528 = arith.muli %select_n3A_524, %mul3A_527 : i32
      %mul3A_529 = arith.constant 64 : i32
      %mul3A_530 = arith.muli %mul3A_528, %mul3A_529 : i32
      %get3A_531 = arith.constant 1 : index
      %get3A_532 = memref.load %arg11[%get3A_531] : memref<32xi32, #tpu.memory_space<smem>>
      %jit3A_533 = arith.constant 64 : i32
      %div3A_534 = arith.divsi %get3A_532, %jit3A_533 : i32
      %sign3A_535 = arith.constant 0 : i32
      %sign3A_536 = arith.cmpi sgt, %get3A_532, %sign3A_535 : i32
      %sign3A_537 = arith.extui %sign3A_536 : i1 to i32
      %sign3A_538 = arith.constant 0 : i32
      %sign3A_539 = arith.cmpi slt, %get3A_532, %sign3A_538 : i32
      %sign3A_540 = arith.extui %sign3A_539 : i1 to i32
      %sign3A_541 = arith.subi %sign3A_537, %sign3A_540 : i32
      %sign3A_542 = arith.constant 0 : i32
      %sign3A_543 = arith.cmpi sgt, %jit3A_533, %sign3A_542 : i32
      %sign3A_544 = arith.extui %sign3A_543 : i1 to i32
      %sign3A_545 = arith.constant 0 : i32
      %sign3A_546 = arith.cmpi slt, %jit3A_533, %sign3A_545 : i32
      %sign3A_547 = arith.extui %sign3A_546 : i1 to i32
      %sign3A_548 = arith.subi %sign3A_544, %sign3A_547 : i32
      %ne3A_549 = arith.cmpi ne, %sign3A_541, %sign3A_548 : i32
      %rem3A_550 = arith.remsi %get3A_532, %jit3A_533 : i32
      %ne3A_551 = arith.constant 0 : i32
      %ne3A_552 = arith.cmpi ne, %rem3A_550, %ne3A_551 : i32
      %and3A_553 = arith.andi %ne3A_549, %ne3A_552 : i1
      %sub3A_554 = arith.constant 1 : i32
      %sub3A_555 = arith.subi %div3A_534, %sub3A_554 : i32
      %select_n3A_556 = arith.select %and3A_553, %sub3A_555, %div3A_534 : i32
      %rem3A_557 = arith.constant 64 : i32
      %rem3A_558 = arith.remsi %get3A_532, %rem3A_557 : i32
      %jit3A_559 = arith.constant 2 : i32
      %div3A_560 = arith.divsi %rem3A_558, %jit3A_559 : i32
      %sign3A_561 = arith.constant 0 : i32
      %sign3A_562 = arith.cmpi sgt, %rem3A_558, %sign3A_561 : i32
      %sign3A_563 = arith.extui %sign3A_562 : i1 to i32
      %sign3A_564 = arith.constant 0 : i32
      %sign3A_565 = arith.cmpi slt, %rem3A_558, %sign3A_564 : i32
      %sign3A_566 = arith.extui %sign3A_565 : i1 to i32
      %sign3A_567 = arith.subi %sign3A_563, %sign3A_566 : i32
      %sign3A_568 = arith.constant 0 : i32
      %sign3A_569 = arith.cmpi sgt, %jit3A_559, %sign3A_568 : i32
      %sign3A_570 = arith.extui %sign3A_569 : i1 to i32
      %sign3A_571 = arith.constant 0 : i32
      %sign3A_572 = arith.cmpi slt, %jit3A_559, %sign3A_571 : i32
      %sign3A_573 = arith.extui %sign3A_572 : i1 to i32
      %sign3A_574 = arith.subi %sign3A_570, %sign3A_573 : i32
      %ne3A_575 = arith.cmpi ne, %sign3A_567, %sign3A_574 : i32
      %rem3A_576 = arith.remsi %rem3A_558, %jit3A_559 : i32
      %ne3A_577 = arith.constant 0 : i32
      %ne3A_578 = arith.cmpi ne, %rem3A_576, %ne3A_577 : i32
      %and3A_579 = arith.andi %ne3A_575, %ne3A_578 : i1
      %sub3A_580 = arith.constant 1 : i32
      %sub3A_581 = arith.subi %div3A_560, %sub3A_580 : i32
      %select_n3A_582 = arith.select %and3A_579, %sub3A_581, %div3A_560 : i32
      %mul3A_583 = arith.constant 64 : i32
      %mul3A_584 = arith.muli %select_n3A_556, %mul3A_583 : i32
      %mul3A_585 = arith.constant 2 : i32
      %mul3A_586 = arith.muli %select_n3A_582, %mul3A_585 : i32
      %mul3A_587 = arith.constant 64 : i32
      %mul3A_588 = arith.muli %mul3A_586, %mul3A_587 : i32
      %get3A_589 = arith.constant 2 : index
      %get3A_590 = memref.load %arg11[%get3A_589] : memref<32xi32, #tpu.memory_space<smem>>
      %jit3A_591 = arith.constant 64 : i32
      %div3A_592 = arith.divsi %get3A_590, %jit3A_591 : i32
      %sign3A_593 = arith.constant 0 : i32
      %sign3A_594 = arith.cmpi sgt, %get3A_590, %sign3A_593 : i32
      %sign3A_595 = arith.extui %sign3A_594 : i1 to i32
      %sign3A_596 = arith.constant 0 : i32
      %sign3A_597 = arith.cmpi slt, %get3A_590, %sign3A_596 : i32
      %sign3A_598 = arith.extui %sign3A_597 : i1 to i32
      %sign3A_599 = arith.subi %sign3A_595, %sign3A_598 : i32
      %sign3A_600 = arith.constant 0 : i32
      %sign3A_601 = arith.cmpi sgt, %jit3A_591, %sign3A_600 : i32
      %sign3A_602 = arith.extui %sign3A_601 : i1 to i32
      %sign3A_603 = arith.constant 0 : i32
      %sign3A_604 = arith.cmpi slt, %jit3A_591, %sign3A_603 : i32
      %sign3A_605 = arith.extui %sign3A_604 : i1 to i32
      %sign3A_606 = arith.subi %sign3A_602, %sign3A_605 : i32
      %ne3A_607 = arith.cmpi ne, %sign3A_599, %sign3A_606 : i32
      %rem3A_608 = arith.remsi %get3A_590, %jit3A_591 : i32
      %ne3A_609 = arith.constant 0 : i32
      %ne3A_610 = arith.cmpi ne, %rem3A_608, %ne3A_609 : i32
      %and3A_611 = arith.andi %ne3A_607, %ne3A_610 : i1
      %sub3A_612 = arith.constant 1 : i32
      %sub3A_613 = arith.subi %div3A_592, %sub3A_612 : i32
      %select_n3A_614 = arith.select %and3A_611, %sub3A_613, %div3A_592 : i32
      %rem3A_615 = arith.constant 64 : i32
      %rem3A_616 = arith.remsi %get3A_590, %rem3A_615 : i32
      %jit3A_617 = arith.constant 2 : i32
      %div3A_618 = arith.divsi %rem3A_616, %jit3A_617 : i32
      %sign3A_619 = arith.constant 0 : i32
      %sign3A_620 = arith.cmpi sgt, %rem3A_616, %sign3A_619 : i32
      %sign3A_621 = arith.extui %sign3A_620 : i1 to i32
      %sign3A_622 = arith.constant 0 : i32
      %sign3A_623 = arith.cmpi slt, %rem3A_616, %sign3A_622 : i32
      %sign3A_624 = arith.extui %sign3A_623 : i1 to i32
      %sign3A_625 = arith.subi %sign3A_621, %sign3A_624 : i32
      %sign3A_626 = arith.constant 0 : i32
      %sign3A_627 = arith.cmpi sgt, %jit3A_617, %sign3A_626 : i32
      %sign3A_628 = arith.extui %sign3A_627 : i1 to i32
      %sign3A_629 = arith.constant 0 : i32
      %sign3A_630 = arith.cmpi slt, %jit3A_617, %sign3A_629 : i32
      %sign3A_631 = arith.extui %sign3A_630 : i1 to i32
      %sign3A_632 = arith.subi %sign3A_628, %sign3A_631 : i32
      %ne3A_633 = arith.cmpi ne, %sign3A_625, %sign3A_632 : i32
      %rem3A_634 = arith.remsi %rem3A_616, %jit3A_617 : i32
      %ne3A_635 = arith.constant 0 : i32
      %ne3A_636 = arith.cmpi ne, %rem3A_634, %ne3A_635 : i32
      %and3A_637 = arith.andi %ne3A_633, %ne3A_636 : i1
      %sub3A_638 = arith.constant 1 : i32
      %sub3A_639 = arith.subi %div3A_618, %sub3A_638 : i32
      %select_n3A_640 = arith.select %and3A_637, %sub3A_639, %div3A_618 : i32
      %mul3A_641 = arith.constant 64 : i32
      %mul3A_642 = arith.muli %select_n3A_614, %mul3A_641 : i32
      %mul3A_643 = arith.constant 2 : i32
      %mul3A_644 = arith.muli %select_n3A_640, %mul3A_643 : i32
      %mul3A_645 = arith.constant 64 : i32
      %mul3A_646 = arith.muli %mul3A_644, %mul3A_645 : i32
      %get3A_647 = arith.constant 3 : index
      %get3A_648 = memref.load %arg11[%get3A_647] : memref<32xi32, #tpu.memory_space<smem>>
      %jit3A_649 = arith.constant 64 : i32
      %div3A_650 = arith.divsi %get3A_648, %jit3A_649 : i32
      %sign3A_651 = arith.constant 0 : i32
      %sign3A_652 = arith.cmpi sgt, %get3A_648, %sign3A_651 : i32
      %sign3A_653 = arith.extui %sign3A_652 : i1 to i32
      %sign3A_654 = arith.constant 0 : i32
      %sign3A_655 = arith.cmpi slt, %get3A_648, %sign3A_654 : i32
      %sign3A_656 = arith.extui %sign3A_655 : i1 to i32
      %sign3A_657 = arith.subi %sign3A_653, %sign3A_656 : i32
      %sign3A_658 = arith.constant 0 : i32
      %sign3A_659 = arith.cmpi sgt, %jit3A_649, %sign3A_658 : i32
      %sign3A_660 = arith.extui %sign3A_659 : i1 to i32
      %sign3A_661 = arith.constant 0 : i32
      %sign3A_662 = arith.cmpi slt, %jit3A_649, %sign3A_661 : i32
      %sign3A_663 = arith.extui %sign3A_662 : i1 to i32
      %sign3A_664 = arith.subi %sign3A_660, %sign3A_663 : i32
      %ne3A_665 = arith.cmpi ne, %sign3A_657, %sign3A_664 : i32
      %rem3A_666 = arith.remsi %get3A_648, %jit3A_649 : i32
      %ne3A_667 = arith.constant 0 : i32
      %ne3A_668 = arith.cmpi ne, %rem3A_666, %ne3A_667 : i32
      %and3A_669 = arith.andi %ne3A_665, %ne3A_668 : i1
      %sub3A_670 = arith.constant 1 : i32
      %sub3A_671 = arith.subi %div3A_650, %sub3A_670 : i32
      %select_n3A_672 = arith.select %and3A_669, %sub3A_671, %div3A_650 : i32
      %rem3A_673 = arith.constant 64 : i32
      %rem3A_674 = arith.remsi %get3A_648, %rem3A_673 : i32
      %jit3A_675 = arith.constant 2 : i32
      %div3A_676 = arith.divsi %rem3A_674, %jit3A_675 : i32
      %sign3A_677 = arith.constant 0 : i32
      %sign3A_678 = arith.cmpi sgt, %rem3A_674, %sign3A_677 : i32
      %sign3A_679 = arith.extui %sign3A_678 : i1 to i32
      %sign3A_680 = arith.constant 0 : i32
      %sign3A_681 = arith.cmpi slt, %rem3A_674, %sign3A_680 : i32
      %sign3A_682 = arith.extui %sign3A_681 : i1 to i32
      %sign3A_683 = arith.subi %sign3A_679, %sign3A_682 : i32
      %sign3A_684 = arith.constant 0 : i32
      %sign3A_685 = arith.cmpi sgt, %jit3A_675, %sign3A_684 : i32
      %sign3A_686 = arith.extui %sign3A_685 : i1 to i32
      %sign3A_687 = arith.constant 0 : i32
      %sign3A_688 = arith.cmpi slt, %jit3A_675, %sign3A_687 : i32
      %sign3A_689 = arith.extui %sign3A_688 : i1 to i32
      %sign3A_690 = arith.subi %sign3A_686, %sign3A_689 : i32
      %ne3A_691 = arith.cmpi ne, %sign3A_683, %sign3A_690 : i32
      %rem3A_692 = arith.remsi %rem3A_674, %jit3A_675 : i32
      %ne3A_693 = arith.constant 0 : i32
      %ne3A_694 = arith.cmpi ne, %rem3A_692, %ne3A_693 : i32
      %and3A_695 = arith.andi %ne3A_691, %ne3A_694 : i1
      %sub3A_696 = arith.constant 1 : i32
      %sub3A_697 = arith.subi %div3A_676, %sub3A_696 : i32
      %select_n3A_698 = arith.select %and3A_695, %sub3A_697, %div3A_676 : i32
      %mul3A_699 = arith.constant 64 : i32
      %mul3A_700 = arith.muli %select_n3A_672, %mul3A_699 : i32
      %mul3A_701 = arith.constant 2 : i32
      %mul3A_702 = arith.muli %select_n3A_698, %mul3A_701 : i32
      %mul3A_703 = arith.constant 64 : i32
      %mul3A_704 = arith.muli %mul3A_702, %mul3A_703 : i32
      %get3A_705 = arith.constant 4 : index
      %get3A_706 = memref.load %arg11[%get3A_705] : memref<32xi32, #tpu.memory_space<smem>>
      %jit3A_707 = arith.constant 64 : i32
      %div3A_708 = arith.divsi %get3A_706, %jit3A_707 : i32
      %sign3A_709 = arith.constant 0 : i32
      %sign3A_710 = arith.cmpi sgt, %get3A_706, %sign3A_709 : i32
      %sign3A_711 = arith.extui %sign3A_710 : i1 to i32
      %sign3A_712 = arith.constant 0 : i32
      %sign3A_713 = arith.cmpi slt, %get3A_706, %sign3A_712 : i32
      %sign3A_714 = arith.extui %sign3A_713 : i1 to i32
      %sign3A_715 = arith.subi %sign3A_711, %sign3A_714 : i32
      %sign3A_716 = arith.constant 0 : i32
      %sign3A_717 = arith.cmpi sgt, %jit3A_707, %sign3A_716 : i32
      %sign3A_718 = arith.extui %sign3A_717 : i1 to i32
      %sign3A_719 = arith.constant 0 : i32
      %sign3A_720 = arith.cmpi slt, %jit3A_707, %sign3A_719 : i32
      %sign3A_721 = arith.extui %sign3A_720 : i1 to i32
      %sign3A_722 = arith.subi %sign3A_718, %sign3A_721 : i32
      %ne3A_723 = arith.cmpi ne, %sign3A_715, %sign3A_722 : i32
      %rem3A_724 = arith.remsi %get3A_706, %jit3A_707 : i32
      %ne3A_725 = arith.constant 0 : i32
      %ne3A_726 = arith.cmpi ne, %rem3A_724, %ne3A_725 : i32
      %and3A_727 = arith.andi %ne3A_723, %ne3A_726 : i1
      %sub3A_728 = arith.constant 1 : i32
      %sub3A_729 = arith.subi %div3A_708, %sub3A_728 : i32
      %select_n3A_730 = arith.select %and3A_727, %sub3A_729, %div3A_708 : i32
      %rem3A_731 = arith.constant 64 : i32
      %rem3A_732 = arith.remsi %get3A_706, %rem3A_731 : i32
      %jit3A_733 = arith.constant 2 : i32
      %div3A_734 = arith.divsi %rem3A_732, %jit3A_733 : i32
      %sign3A_735 = arith.constant 0 : i32
      %sign3A_736 = arith.cmpi sgt, %rem3A_732, %sign3A_735 : i32
      %sign3A_737 = arith.extui %sign3A_736 : i1 to i32
      %sign3A_738 = arith.constant 0 : i32
      %sign3A_739 = arith.cmpi slt, %rem3A_732, %sign3A_738 : i32
      %sign3A_740 = arith.extui %sign3A_739 : i1 to i32
      %sign3A_741 = arith.subi %sign3A_737, %sign3A_740 : i32
      %sign3A_742 = arith.constant 0 : i32
      %sign3A_743 = arith.cmpi sgt, %jit3A_733, %sign3A_742 : i32
      %sign3A_744 = arith.extui %sign3A_743 : i1 to i32
      %sign3A_745 = arith.constant 0 : i32
      %sign3A_746 = arith.cmpi slt, %jit3A_733, %sign3A_745 : i32
      %sign3A_747 = arith.extui %sign3A_746 : i1 to i32
      %sign3A_748 = arith.subi %sign3A_744, %sign3A_747 : i32
      %ne3A_749 = arith.cmpi ne, %sign3A_741, %sign3A_748 : i32
      %rem3A_750 = arith.remsi %rem3A_732, %jit3A_733 : i32
      %ne3A_751 = arith.constant 0 : i32
      %ne3A_752 = arith.cmpi ne, %rem3A_750, %ne3A_751 : i32
      %and3A_753 = arith.andi %ne3A_749, %ne3A_752 : i1
      %sub3A_754 = arith.constant 1 : i32
      %sub3A_755 = arith.subi %div3A_734, %sub3A_754 : i32
      %select_n3A_756 = arith.select %and3A_753, %sub3A_755, %div3A_734 : i32
      %mul3A_757 = arith.constant 64 : i32
      %mul3A_758 = arith.muli %select_n3A_730, %mul3A_757 : i32
      %mul3A_759 = arith.constant 2 : i32
      %mul3A_760 = arith.muli %select_n3A_756, %mul3A_759 : i32
      %mul3A_761 = arith.constant 64 : i32
      %mul3A_762 = arith.muli %mul3A_760, %mul3A_761 : i32
      %get3A_763 = arith.constant 5 : index
      %get3A_764 = memref.load %arg11[%get3A_763] : memref<32xi32, #tpu.memory_space<smem>>
      %jit3A_765 = arith.constant 64 : i32
      %div3A_766 = arith.divsi %get3A_764, %jit3A_765 : i32
      %sign3A_767 = arith.constant 0 : i32
      %sign3A_768 = arith.cmpi sgt, %get3A_764, %sign3A_767 : i32
      %sign3A_769 = arith.extui %sign3A_768 : i1 to i32
      %sign3A_770 = arith.constant 0 : i32
      %sign3A_771 = arith.cmpi slt, %get3A_764, %sign3A_770 : i32
      %sign3A_772 = arith.extui %sign3A_771 : i1 to i32
      %sign3A_773 = arith.subi %sign3A_769, %sign3A_772 : i32
      %sign3A_774 = arith.constant 0 : i32
      %sign3A_775 = arith.cmpi sgt, %jit3A_765, %sign3A_774 : i32
      %sign3A_776 = arith.extui %sign3A_775 : i1 to i32
      %sign3A_777 = arith.constant 0 : i32
      %sign3A_778 = arith.cmpi slt, %jit3A_765, %sign3A_777 : i32
      %sign3A_779 = arith.extui %sign3A_778 : i1 to i32
      %sign3A_780 = arith.subi %sign3A_776, %sign3A_779 : i32
      %ne3A_781 = arith.cmpi ne, %sign3A_773, %sign3A_780 : i32
      %rem3A_782 = arith.remsi %get3A_764, %jit3A_765 : i32
      %ne3A_783 = arith.constant 0 : i32
      %ne3A_784 = arith.cmpi ne, %rem3A_782, %ne3A_783 : i32
      %and3A_785 = arith.andi %ne3A_781, %ne3A_784 : i1
      %sub3A_786 = arith.constant 1 : i32
      %sub3A_787 = arith.subi %div3A_766, %sub3A_786 : i32
      %select_n3A_788 = arith.select %and3A_785, %sub3A_787, %div3A_766 : i32
      %rem3A_789 = arith.constant 64 : i32
      %rem3A_790 = arith.remsi %get3A_764, %rem3A_789 : i32
      %jit3A_791 = arith.constant 2 : i32
      %div3A_792 = arith.divsi %rem3A_790, %jit3A_791 : i32
      %sign3A_793 = arith.constant 0 : i32
      %sign3A_794 = arith.cmpi sgt, %rem3A_790, %sign3A_793 : i32
      %sign3A_795 = arith.extui %sign3A_794 : i1 to i32
      %sign3A_796 = arith.constant 0 : i32
      %sign3A_797 = arith.cmpi slt, %rem3A_790, %sign3A_796 : i32
      %sign3A_798 = arith.extui %sign3A_797 : i1 to i32
      %sign3A_799 = arith.subi %sign3A_795, %sign3A_798 : i32
      %sign3A_800 = arith.constant 0 : i32
      %sign3A_801 = arith.cmpi sgt, %jit3A_791, %sign3A_800 : i32
      %sign3A_802 = arith.extui %sign3A_801 : i1 to i32
      %sign3A_803 = arith.constant 0 : i32
      %sign3A_804 = arith.cmpi slt, %jit3A_791, %sign3A_803 : i32
      %sign3A_805 = arith.extui %sign3A_804 : i1 to i32
      %sign3A_806 = arith.subi %sign3A_802, %sign3A_805 : i32
      %ne3A_807 = arith.cmpi ne, %sign3A_799, %sign3A_806 : i32
      %rem3A_808 = arith.remsi %rem3A_790, %jit3A_791 : i32
      %ne3A_809 = arith.constant 0 : i32
      %ne3A_810 = arith.cmpi ne, %rem3A_808, %ne3A_809 : i32
      %and3A_811 = arith.andi %ne3A_807, %ne3A_810 : i1
      %sub3A_812 = arith.constant 1 : i32
      %sub3A_813 = arith.subi %div3A_792, %sub3A_812 : i32
      %select_n3A_814 = arith.select %and3A_811, %sub3A_813, %div3A_792 : i32
      %mul3A_815 = arith.constant 64 : i32
      %mul3A_816 = arith.muli %select_n3A_788, %mul3A_815 : i32
      %mul3A_817 = arith.constant 2 : i32
      %mul3A_818 = arith.muli %select_n3A_814, %mul3A_817 : i32
      %mul3A_819 = arith.constant 64 : i32
      %mul3A_820 = arith.muli %mul3A_818, %mul3A_819 : i32
      %get3A_821 = arith.constant 6 : index
      %get3A_822 = memref.load %arg11[%get3A_821] : memref<32xi32, #tpu.memory_space<smem>>
      %jit3A_823 = arith.constant 64 : i32
      %div3A_824 = arith.divsi %get3A_822, %jit3A_823 : i32
      %sign3A_825 = arith.constant 0 : i32
      %sign3A_826 = arith.cmpi sgt, %get3A_822, %sign3A_825 : i32
      %sign3A_827 = arith.extui %sign3A_826 : i1 to i32
      %sign3A_828 = arith.constant 0 : i32
      %sign3A_829 = arith.cmpi slt, %get3A_822, %sign3A_828 : i32
      %sign3A_830 = arith.extui %sign3A_829 : i1 to i32
      %sign3A_831 = arith.subi %sign3A_827, %sign3A_830 : i32
      %sign3A_832 = arith.constant 0 : i32
      %sign3A_833 = arith.cmpi sgt, %jit3A_823, %sign3A_832 : i32
      %sign3A_834 = arith.extui %sign3A_833 : i1 to i32
      %sign3A_835 = arith.constant 0 : i32
      %sign3A_836 = arith.cmpi slt, %jit3A_823, %sign3A_835 : i32
      %sign3A_837 = arith.extui %sign3A_836 : i1 to i32
      %sign3A_838 = arith.subi %sign3A_834, %sign3A_837 : i32
      %ne3A_839 = arith.cmpi ne, %sign3A_831, %sign3A_838 : i32
      %rem3A_840 = arith.remsi %get3A_822, %jit3A_823 : i32
      %ne3A_841 = arith.constant 0 : i32
      %ne3A_842 = arith.cmpi ne, %rem3A_840, %ne3A_841 : i32
      %and3A_843 = arith.andi %ne3A_839, %ne3A_842 : i1
      %sub3A_844 = arith.constant 1 : i32
      %sub3A_845 = arith.subi %div3A_824, %sub3A_844 : i32
      %select_n3A_846 = arith.select %and3A_843, %sub3A_845, %div3A_824 : i32
      %rem3A_847 = arith.constant 64 : i32
      %rem3A_848 = arith.remsi %get3A_822, %rem3A_847 : i32
      %jit3A_849 = arith.constant 2 : i32
      %div3A_850 = arith.divsi %rem3A_848, %jit3A_849 : i32
      %sign3A_851 = arith.constant 0 : i32
      %sign3A_852 = arith.cmpi sgt, %rem3A_848, %sign3A_851 : i32
      %sign3A_853 = arith.extui %sign3A_852 : i1 to i32
      %sign3A_854 = arith.constant 0 : i32
      %sign3A_855 = arith.cmpi slt, %rem3A_848, %sign3A_854 : i32
      %sign3A_856 = arith.extui %sign3A_855 : i1 to i32
      %sign3A_857 = arith.subi %sign3A_853, %sign3A_856 : i32
      %sign3A_858 = arith.constant 0 : i32
      %sign3A_859 = arith.cmpi sgt, %jit3A_849, %sign3A_858 : i32
      %sign3A_860 = arith.extui %sign3A_859 : i1 to i32
      %sign3A_861 = arith.constant 0 : i32
      %sign3A_862 = arith.cmpi slt, %jit3A_849, %sign3A_861 : i32
      %sign3A_863 = arith.extui %sign3A_862 : i1 to i32
      %sign3A_864 = arith.subi %sign3A_860, %sign3A_863 : i32
      %ne3A_865 = arith.cmpi ne, %sign3A_857, %sign3A_864 : i32
      %rem3A_866 = arith.remsi %rem3A_848, %jit3A_849 : i32
      %ne3A_867 = arith.constant 0 : i32
      %ne3A_868 = arith.cmpi ne, %rem3A_866, %ne3A_867 : i32
      %and3A_869 = arith.andi %ne3A_865, %ne3A_868 : i1
      %sub3A_870 = arith.constant 1 : i32
      %sub3A_871 = arith.subi %div3A_850, %sub3A_870 : i32
      %select_n3A_872 = arith.select %and3A_869, %sub3A_871, %div3A_850 : i32
      %mul3A_873 = arith.constant 64 : i32
      %mul3A_874 = arith.muli %select_n3A_846, %mul3A_873 : i32
      %mul3A_875 = arith.constant 2 : i32
      %mul3A_876 = arith.muli %select_n3A_872, %mul3A_875 : i32
      %mul3A_877 = arith.constant 64 : i32
      %mul3A_878 = arith.muli %mul3A_876, %mul3A_877 : i32
      %get3A_879 = arith.constant 7 : index
      %get3A_880 = memref.load %arg11[%get3A_879] : memref<32xi32, #tpu.memory_space<smem>>
      %jit3A_881 = arith.constant 64 : i32
      %div3A_882 = arith.divsi %get3A_880, %jit3A_881 : i32
      %sign3A_883 = arith.constant 0 : i32
      %sign3A_884 = arith.cmpi sgt, %get3A_880, %sign3A_883 : i32
      %sign3A_885 = arith.extui %sign3A_884 : i1 to i32
      %sign3A_886 = arith.constant 0 : i32
      %sign3A_887 = arith.cmpi slt, %get3A_880, %sign3A_886 : i32
      %sign3A_888 = arith.extui %sign3A_887 : i1 to i32
      %sign3A_889 = arith.subi %sign3A_885, %sign3A_888 : i32
      %sign3A_890 = arith.constant 0 : i32
      %sign3A_891 = arith.cmpi sgt, %jit3A_881, %sign3A_890 : i32
      %sign3A_892 = arith.extui %sign3A_891 : i1 to i32
      %sign3A_893 = arith.constant 0 : i32
      %sign3A_894 = arith.cmpi slt, %jit3A_881, %sign3A_893 : i32
      %sign3A_895 = arith.extui %sign3A_894 : i1 to i32
      %sign3A_896 = arith.subi %sign3A_892, %sign3A_895 : i32
      %ne3A_897 = arith.cmpi ne, %sign3A_889, %sign3A_896 : i32
      %rem3A_898 = arith.remsi %get3A_880, %jit3A_881 : i32
      %ne3A_899 = arith.constant 0 : i32
      %ne3A_900 = arith.cmpi ne, %rem3A_898, %ne3A_899 : i32
      %and3A_901 = arith.andi %ne3A_897, %ne3A_900 : i1
      %sub3A_902 = arith.constant 1 : i32
      %sub3A_903 = arith.subi %div3A_882, %sub3A_902 : i32
      %select_n3A_904 = arith.select %and3A_901, %sub3A_903, %div3A_882 : i32
      %rem3A_905 = arith.constant 64 : i32
      %rem3A_906 = arith.remsi %get3A_880, %rem3A_905 : i32
      %jit3A_907 = arith.constant 2 : i32
      %div3A_908 = arith.divsi %rem3A_906, %jit3A_907 : i32
      %sign3A_909 = arith.constant 0 : i32
      %sign3A_910 = arith.cmpi sgt, %rem3A_906, %sign3A_909 : i32
      %sign3A_911 = arith.extui %sign3A_910 : i1 to i32
      %sign3A_912 = arith.constant 0 : i32
      %sign3A_913 = arith.cmpi slt, %rem3A_906, %sign3A_912 : i32
      %sign3A_914 = arith.extui %sign3A_913 : i1 to i32
      %sign3A_915 = arith.subi %sign3A_911, %sign3A_914 : i32
      %sign3A_916 = arith.constant 0 : i32
      %sign3A_917 = arith.cmpi sgt, %jit3A_907, %sign3A_916 : i32
      %sign3A_918 = arith.extui %sign3A_917 : i1 to i32
      %sign3A_919 = arith.constant 0 : i32
      %sign3A_920 = arith.cmpi slt, %jit3A_907, %sign3A_919 : i32
      %sign3A_921 = arith.extui %sign3A_920 : i1 to i32
      %sign3A_922 = arith.subi %sign3A_918, %sign3A_921 : i32
      %ne3A_923 = arith.cmpi ne, %sign3A_915, %sign3A_922 : i32
      %rem3A_924 = arith.remsi %rem3A_906, %jit3A_907 : i32
      %ne3A_925 = arith.constant 0 : i32
      %ne3A_926 = arith.cmpi ne, %rem3A_924, %ne3A_925 : i32
      %and3A_927 = arith.andi %ne3A_923, %ne3A_926 : i1
      %sub3A_928 = arith.constant 1 : i32
      %sub3A_929 = arith.subi %div3A_908, %sub3A_928 : i32
      %select_n3A_930 = arith.select %and3A_927, %sub3A_929, %div3A_908 : i32
      %mul3A_931 = arith.constant 64 : i32
      %mul3A_932 = arith.muli %select_n3A_904, %mul3A_931 : i32
      %mul3A_933 = arith.constant 2 : i32
      %mul3A_934 = arith.muli %select_n3A_930, %mul3A_933 : i32
      %mul3A_935 = arith.constant 64 : i32
      %mul3A_936 = arith.muli %mul3A_934, %mul3A_935 : i32
      %get3A_937 = arith.constant 8 : index
      %get3A_938 = memref.load %arg11[%get3A_937] : memref<32xi32, #tpu.memory_space<smem>>
      %jit3A_939 = arith.constant 64 : i32
      %div3A_940 = arith.divsi %get3A_938, %jit3A_939 : i32
      %sign3A_941 = arith.constant 0 : i32
      %sign3A_942 = arith.cmpi sgt, %get3A_938, %sign3A_941 : i32
      %sign3A_943 = arith.extui %sign3A_942 : i1 to i32
      %sign3A_944 = arith.constant 0 : i32
      %sign3A_945 = arith.cmpi slt, %get3A_938, %sign3A_944 : i32
      %sign3A_946 = arith.extui %sign3A_945 : i1 to i32
      %sign3A_947 = arith.subi %sign3A_943, %sign3A_946 : i32
      %sign3A_948 = arith.constant 0 : i32
      %sign3A_949 = arith.cmpi sgt, %jit3A_939, %sign3A_948 : i32
      %sign3A_950 = arith.extui %sign3A_949 : i1 to i32
      %sign3A_951 = arith.constant 0 : i32
      %sign3A_952 = arith.cmpi slt, %jit3A_939, %sign3A_951 : i32
      %sign3A_953 = arith.extui %sign3A_952 : i1 to i32
      %sign3A_954 = arith.subi %sign3A_950, %sign3A_953 : i32
      %ne3A_955 = arith.cmpi ne, %sign3A_947, %sign3A_954 : i32
      %rem3A_956 = arith.remsi %get3A_938, %jit3A_939 : i32
      %ne3A_957 = arith.constant 0 : i32
      %ne3A_958 = arith.cmpi ne, %rem3A_956, %ne3A_957 : i32
      %and3A_959 = arith.andi %ne3A_955, %ne3A_958 : i1
      %sub3A_960 = arith.constant 1 : i32
      %sub3A_961 = arith.subi %div3A_940, %sub3A_960 : i32
      %select_n3A_962 = arith.select %and3A_959, %sub3A_961, %div3A_940 : i32
      %rem3A_963 = arith.constant 64 : i32
      %rem3A_964 = arith.remsi %get3A_938, %rem3A_963 : i32
      %jit3A_965 = arith.constant 2 : i32
      %div3A_966 = arith.divsi %rem3A_964, %jit3A_965 : i32
      %sign3A_967 = arith.constant 0 : i32
      %sign3A_968 = arith.cmpi sgt, %rem3A_964, %sign3A_967 : i32
      %sign3A_969 = arith.extui %sign3A_968 : i1 to i32
      %sign3A_970 = arith.constant 0 : i32
      %sign3A_971 = arith.cmpi slt, %rem3A_964, %sign3A_970 : i32
      %sign3A_972 = arith.extui %sign3A_971 : i1 to i32
      %sign3A_973 = arith.subi %sign3A_969, %sign3A_972 : i32
      %sign3A_974 = arith.constant 0 : i32
      %sign3A_975 = arith.cmpi sgt, %jit3A_965, %sign3A_974 : i32
      %sign3A_976 = arith.extui %sign3A_975 : i1 to i32
      %sign3A_977 = arith.constant 0 : i32
      %sign3A_978 = arith.cmpi slt, %jit3A_965, %sign3A_977 : i32
      %sign3A_979 = arith.extui %sign3A_978 : i1 to i32
      %sign3A_980 = arith.subi %sign3A_976, %sign3A_979 : i32
      %ne3A_981 = arith.cmpi ne, %sign3A_973, %sign3A_980 : i32
      %rem3A_982 = arith.remsi %rem3A_964, %jit3A_965 : i32
      %ne3A_983 = arith.constant 0 : i32
      %ne3A_984 = arith.cmpi ne, %rem3A_982, %ne3A_983 : i32
      %and3A_985 = arith.andi %ne3A_981, %ne3A_984 : i1
      %sub3A_986 = arith.constant 1 : i32
      %sub3A_987 = arith.subi %div3A_966, %sub3A_986 : i32
      %select_n3A_988 = arith.select %and3A_985, %sub3A_987, %div3A_966 : i32
      %mul3A_989 = arith.constant 64 : i32
      %mul3A_990 = arith.muli %select_n3A_962, %mul3A_989 : i32
      %mul3A_991 = arith.constant 2 : i32
      %mul3A_992 = arith.muli %select_n3A_988, %mul3A_991 : i32
      %mul3A_993 = arith.constant 64 : i32
      %mul3A_994 = arith.muli %mul3A_992, %mul3A_993 : i32
      %get3A_995 = arith.constant 9 : index
      %get3A_996 = memref.load %arg11[%get3A_995] : memref<32xi32, #tpu.memory_space<smem>>
      %jit3A_997 = arith.constant 64 : i32
      %div3A_998 = arith.divsi %get3A_996, %jit3A_997 : i32
      %sign3A_999 = arith.constant 0 : i32
      %sign3A_1000 = arith.cmpi sgt, %get3A_996, %sign3A_999 : i32
      %sign3A_1001 = arith.extui %sign3A_1000 : i1 to i32
      %sign3A_1002 = arith.constant 0 : i32
      %sign3A_1003 = arith.cmpi slt, %get3A_996, %sign3A_1002 : i32
      %sign3A_1004 = arith.extui %sign3A_1003 : i1 to i32
      %sign3A_1005 = arith.subi %sign3A_1001, %sign3A_1004 : i32
      %sign3A_1006 = arith.constant 0 : i32
      %sign3A_1007 = arith.cmpi sgt, %jit3A_997, %sign3A_1006 : i32
      %sign3A_1008 = arith.extui %sign3A_1007 : i1 to i32
      %sign3A_1009 = arith.constant 0 : i32
      %sign3A_1010 = arith.cmpi slt, %jit3A_997, %sign3A_1009 : i32
      %sign3A_1011 = arith.extui %sign3A_1010 : i1 to i32
      %sign3A_1012 = arith.subi %sign3A_1008, %sign3A_1011 : i32
      %ne3A_1013 = arith.cmpi ne, %sign3A_1005, %sign3A_1012 : i32
      %rem3A_1014 = arith.remsi %get3A_996, %jit3A_997 : i32
      %ne3A_1015 = arith.constant 0 : i32
      %ne3A_1016 = arith.cmpi ne, %rem3A_1014, %ne3A_1015 : i32
      %and3A_1017 = arith.andi %ne3A_1013, %ne3A_1016 : i1
      %sub3A_1018 = arith.constant 1 : i32
      %sub3A_1019 = arith.subi %div3A_998, %sub3A_1018 : i32
      %select_n3A_1020 = arith.select %and3A_1017, %sub3A_1019, %div3A_998 : i32
      %rem3A_1021 = arith.constant 64 : i32
      %rem3A_1022 = arith.remsi %get3A_996, %rem3A_1021 : i32
      %jit3A_1023 = arith.constant 2 : i32
      %div3A_1024 = arith.divsi %rem3A_1022, %jit3A_1023 : i32
      %sign3A_1025 = arith.constant 0 : i32
      %sign3A_1026 = arith.cmpi sgt, %rem3A_1022, %sign3A_1025 : i32
      %sign3A_1027 = arith.extui %sign3A_1026 : i1 to i32
      %sign3A_1028 = arith.constant 0 : i32
      %sign3A_1029 = arith.cmpi slt, %rem3A_1022, %sign3A_1028 : i32
      %sign3A_1030 = arith.extui %sign3A_1029 : i1 to i32
      %sign3A_1031 = arith.subi %sign3A_1027, %sign3A_1030 : i32
      %sign3A_1032 = arith.constant 0 : i32
      %sign3A_1033 = arith.cmpi sgt, %jit3A_1023, %sign3A_1032 : i32
      %sign3A_1034 = arith.extui %sign3A_1033 : i1 to i32
      %sign3A_1035 = arith.constant 0 : i32
      %sign3A_1036 = arith.cmpi slt, %jit3A_1023, %sign3A_1035 : i32
      %sign3A_1037 = arith.extui %sign3A_1036 : i1 to i32
      %sign3A_1038 = arith.subi %sign3A_1034, %sign3A_1037 : i32
      %ne3A_1039 = arith.cmpi ne, %sign3A_1031, %sign3A_1038 : i32
      %rem3A_1040 = arith.remsi %rem3A_1022, %jit3A_1023 : i32
      %ne3A_1041 = arith.constant 0 : i32
      %ne3A_1042 = arith.cmpi ne, %rem3A_1040, %ne3A_1041 : i32
      %and3A_1043 = arith.andi %ne3A_1039, %ne3A_1042 : i1
      %sub3A_1044 = arith.constant 1 : i32
      %sub3A_1045 = arith.subi %div3A_1024, %sub3A_1044 : i32
      %select_n3A_1046 = arith.select %and3A_1043, %sub3A_1045, %div3A_1024 : i32
      %mul3A_1047 = arith.constant 64 : i32
      %mul3A_1048 = arith.muli %select_n3A_1020, %mul3A_1047 : i32
      %mul3A_1049 = arith.constant 2 : i32
      %mul3A_1050 = arith.muli %select_n3A_1046, %mul3A_1049 : i32
      %mul3A_1051 = arith.constant 64 : i32
      %mul3A_1052 = arith.muli %mul3A_1050, %mul3A_1051 : i32
      %get3A_1053 = arith.constant 10 : index
      %get3A_1054 = memref.load %arg11[%get3A_1053] : memref<32xi32, #tpu.memory_space<smem>>
      %jit3A_1055 = arith.constant 64 : i32
      %div3A_1056 = arith.divsi %get3A_1054, %jit3A_1055 : i32
      %sign3A_1057 = arith.constant 0 : i32
      %sign3A_1058 = arith.cmpi sgt, %get3A_1054, %sign3A_1057 : i32
      %sign3A_1059 = arith.extui %sign3A_1058 : i1 to i32
      %sign3A_1060 = arith.constant 0 : i32
      %sign3A_1061 = arith.cmpi slt, %get3A_1054, %sign3A_1060 : i32
      %sign3A_1062 = arith.extui %sign3A_1061 : i1 to i32
      %sign3A_1063 = arith.subi %sign3A_1059, %sign3A_1062 : i32
      %sign3A_1064 = arith.constant 0 : i32
      %sign3A_1065 = arith.cmpi sgt, %jit3A_1055, %sign3A_1064 : i32
      %sign3A_1066 = arith.extui %sign3A_1065 : i1 to i32
      %sign3A_1067 = arith.constant 0 : i32
      %sign3A_1068 = arith.cmpi slt, %jit3A_1055, %sign3A_1067 : i32
      %sign3A_1069 = arith.extui %sign3A_1068 : i1 to i32
      %sign3A_1070 = arith.subi %sign3A_1066, %sign3A_1069 : i32
      %ne3A_1071 = arith.cmpi ne, %sign3A_1063, %sign3A_1070 : i32
      %rem3A_1072 = arith.remsi %get3A_1054, %jit3A_1055 : i32
      %ne3A_1073 = arith.constant 0 : i32
      %ne3A_1074 = arith.cmpi ne, %rem3A_1072, %ne3A_1073 : i32
      %and3A_1075 = arith.andi %ne3A_1071, %ne3A_1074 : i1
      %sub3A_1076 = arith.constant 1 : i32
      %sub3A_1077 = arith.subi %div3A_1056, %sub3A_1076 : i32
      %select_n3A_1078 = arith.select %and3A_1075, %sub3A_1077, %div3A_1056 : i32
      %rem3A_1079 = arith.constant 64 : i32
      %rem3A_1080 = arith.remsi %get3A_1054, %rem3A_1079 : i32
      %jit3A_1081 = arith.constant 2 : i32
      %div3A_1082 = arith.divsi %rem3A_1080, %jit3A_1081 : i32
      %sign3A_1083 = arith.constant 0 : i32
      %sign3A_1084 = arith.cmpi sgt, %rem3A_1080, %sign3A_1083 : i32
      %sign3A_1085 = arith.extui %sign3A_1084 : i1 to i32
      %sign3A_1086 = arith.constant 0 : i32
      %sign3A_1087 = arith.cmpi slt, %rem3A_1080, %sign3A_1086 : i32
      %sign3A_1088 = arith.extui %sign3A_1087 : i1 to i32
      %sign3A_1089 = arith.subi %sign3A_1085, %sign3A_1088 : i32
      %sign3A_1090 = arith.constant 0 : i32
      %sign3A_1091 = arith.cmpi sgt, %jit3A_1081, %sign3A_1090 : i32
      %sign3A_1092 = arith.extui %sign3A_1091 : i1 to i32
      %sign3A_1093 = arith.constant 0 : i32
      %sign3A_1094 = arith.cmpi slt, %jit3A_1081, %sign3A_1093 : i32
      %sign3A_1095 = arith.extui %sign3A_1094 : i1 to i32
      %sign3A_1096 = arith.subi %sign3A_1092, %sign3A_1095 : i32
      %ne3A_1097 = arith.cmpi ne, %sign3A_1089, %sign3A_1096 : i32
      %rem3A_1098 = arith.remsi %rem3A_1080, %jit3A_1081 : i32
      %ne3A_1099 = arith.constant 0 : i32
      %ne3A_1100 = arith.cmpi ne, %rem3A_1098, %ne3A_1099 : i32
      %and3A_1101 = arith.andi %ne3A_1097, %ne3A_1100 : i1
      %sub3A_1102 = arith.constant 1 : i32
      %sub3A_1103 = arith.subi %div3A_1082, %sub3A_1102 : i32
      %select_n3A_1104 = arith.select %and3A_1101, %sub3A_1103, %div3A_1082 : i32
      %mul3A_1105 = arith.constant 64 : i32
      %mul3A_1106 = arith.muli %select_n3A_1078, %mul3A_1105 : i32
      %mul3A_1107 = arith.constant 2 : i32
      %mul3A_1108 = arith.muli %select_n3A_1104, %mul3A_1107 : i32
      %mul3A_1109 = arith.constant 64 : i32
      %mul3A_1110 = arith.muli %mul3A_1108, %mul3A_1109 : i32
      %get3A_1111 = arith.constant 11 : index
      %get3A_1112 = memref.load %arg11[%get3A_1111] : memref<32xi32, #tpu.memory_space<smem>>
      %jit3A_1113 = arith.constant 64 : i32
      %div3A_1114 = arith.divsi %get3A_1112, %jit3A_1113 : i32
      %sign3A_1115 = arith.constant 0 : i32
      %sign3A_1116 = arith.cmpi sgt, %get3A_1112, %sign3A_1115 : i32
      %sign3A_1117 = arith.extui %sign3A_1116 : i1 to i32
      %sign3A_1118 = arith.constant 0 : i32
      %sign3A_1119 = arith.cmpi slt, %get3A_1112, %sign3A_1118 : i32
      %sign3A_1120 = arith.extui %sign3A_1119 : i1 to i32
      %sign3A_1121 = arith.subi %sign3A_1117, %sign3A_1120 : i32
      %sign3A_1122 = arith.constant 0 : i32
      %sign3A_1123 = arith.cmpi sgt, %jit3A_1113, %sign3A_1122 : i32
      %sign3A_1124 = arith.extui %sign3A_1123 : i1 to i32
      %sign3A_1125 = arith.constant 0 : i32
      %sign3A_1126 = arith.cmpi slt, %jit3A_1113, %sign3A_1125 : i32
      %sign3A_1127 = arith.extui %sign3A_1126 : i1 to i32
      %sign3A_1128 = arith.subi %sign3A_1124, %sign3A_1127 : i32
      %ne3A_1129 = arith.cmpi ne, %sign3A_1121, %sign3A_1128 : i32
      %rem3A_1130 = arith.remsi %get3A_1112, %jit3A_1113 : i32
      %ne3A_1131 = arith.constant 0 : i32
      %ne3A_1132 = arith.cmpi ne, %rem3A_1130, %ne3A_1131 : i32
      %and3A_1133 = arith.andi %ne3A_1129, %ne3A_1132 : i1
      %sub3A_1134 = arith.constant 1 : i32
      %sub3A_1135 = arith.subi %div3A_1114, %sub3A_1134 : i32
      %select_n3A_1136 = arith.select %and3A_1133, %sub3A_1135, %div3A_1114 : i32
      %rem3A_1137 = arith.constant 64 : i32
      %rem3A_1138 = arith.remsi %get3A_1112, %rem3A_1137 : i32
      %jit3A_1139 = arith.constant 2 : i32
      %div3A_1140 = arith.divsi %rem3A_1138, %jit3A_1139 : i32
      %sign3A_1141 = arith.constant 0 : i32
      %sign3A_1142 = arith.cmpi sgt, %rem3A_1138, %sign3A_1141 : i32
      %sign3A_1143 = arith.extui %sign3A_1142 : i1 to i32
      %sign3A_1144 = arith.constant 0 : i32
      %sign3A_1145 = arith.cmpi slt, %rem3A_1138, %sign3A_1144 : i32
      %sign3A_1146 = arith.extui %sign3A_1145 : i1 to i32
      %sign3A_1147 = arith.subi %sign3A_1143, %sign3A_1146 : i32
      %sign3A_1148 = arith.constant 0 : i32
      %sign3A_1149 = arith.cmpi sgt, %jit3A_1139, %sign3A_1148 : i32
      %sign3A_1150 = arith.extui %sign3A_1149 : i1 to i32
      %sign3A_1151 = arith.constant 0 : i32
      %sign3A_1152 = arith.cmpi slt, %jit3A_1139, %sign3A_1151 : i32
      %sign3A_1153 = arith.extui %sign3A_1152 : i1 to i32
      %sign3A_1154 = arith.subi %sign3A_1150, %sign3A_1153 : i32
      %ne3A_1155 = arith.cmpi ne, %sign3A_1147, %sign3A_1154 : i32
      %rem3A_1156 = arith.remsi %rem3A_1138, %jit3A_1139 : i32
      %ne3A_1157 = arith.constant 0 : i32
      %ne3A_1158 = arith.cmpi ne, %rem3A_1156, %ne3A_1157 : i32
      %and3A_1159 = arith.andi %ne3A_1155, %ne3A_1158 : i1
      %sub3A_1160 = arith.constant 1 : i32
      %sub3A_1161 = arith.subi %div3A_1140, %sub3A_1160 : i32
      %select_n3A_1162 = arith.select %and3A_1159, %sub3A_1161, %div3A_1140 : i32
      %mul3A_1163 = arith.constant 64 : i32
      %mul3A_1164 = arith.muli %select_n3A_1136, %mul3A_1163 : i32
      %mul3A_1165 = arith.constant 2 : i32
      %mul3A_1166 = arith.muli %select_n3A_1162, %mul3A_1165 : i32
      %mul3A_1167 = arith.constant 64 : i32
      %mul3A_1168 = arith.muli %mul3A_1166, %mul3A_1167 : i32
      %get3A_1169 = arith.constant 12 : index
      %get3A_1170 = memref.load %arg11[%get3A_1169] : memref<32xi32, #tpu.memory_space<smem>>
      %jit3A_1171 = arith.constant 64 : i32
      %div3A_1172 = arith.divsi %get3A_1170, %jit3A_1171 : i32
      %sign3A_1173 = arith.constant 0 : i32
      %sign3A_1174 = arith.cmpi sgt, %get3A_1170, %sign3A_1173 : i32
      %sign3A_1175 = arith.extui %sign3A_1174 : i1 to i32
      %sign3A_1176 = arith.constant 0 : i32
      %sign3A_1177 = arith.cmpi slt, %get3A_1170, %sign3A_1176 : i32
      %sign3A_1178 = arith.extui %sign3A_1177 : i1 to i32
      %sign3A_1179 = arith.subi %sign3A_1175, %sign3A_1178 : i32
      %sign3A_1180 = arith.constant 0 : i32
      %sign3A_1181 = arith.cmpi sgt, %jit3A_1171, %sign3A_1180 : i32
      %sign3A_1182 = arith.extui %sign3A_1181 : i1 to i32
      %sign3A_1183 = arith.constant 0 : i32
      %sign3A_1184 = arith.cmpi slt, %jit3A_1171, %sign3A_1183 : i32
      %sign3A_1185 = arith.extui %sign3A_1184 : i1 to i32
      %sign3A_1186 = arith.subi %sign3A_1182, %sign3A_1185 : i32
      %ne3A_1187 = arith.cmpi ne, %sign3A_1179, %sign3A_1186 : i32
      %rem3A_1188 = arith.remsi %get3A_1170, %jit3A_1171 : i32
      %ne3A_1189 = arith.constant 0 : i32
      %ne3A_1190 = arith.cmpi ne, %rem3A_1188, %ne3A_1189 : i32
      %and3A_1191 = arith.andi %ne3A_1187, %ne3A_1190 : i1
      %sub3A_1192 = arith.constant 1 : i32
      %sub3A_1193 = arith.subi %div3A_1172, %sub3A_1192 : i32
      %select_n3A_1194 = arith.select %and3A_1191, %sub3A_1193, %div3A_1172 : i32
      %rem3A_1195 = arith.constant 64 : i32
      %rem3A_1196 = arith.remsi %get3A_1170, %rem3A_1195 : i32
      %jit3A_1197 = arith.constant 2 : i32
      %div3A_1198 = arith.divsi %rem3A_1196, %jit3A_1197 : i32
      %sign3A_1199 = arith.constant 0 : i32
      %sign3A_1200 = arith.cmpi sgt, %rem3A_1196, %sign3A_1199 : i32
      %sign3A_1201 = arith.extui %sign3A_1200 : i1 to i32
      %sign3A_1202 = arith.constant 0 : i32
      %sign3A_1203 = arith.cmpi slt, %rem3A_1196, %sign3A_1202 : i32
      %sign3A_1204 = arith.extui %sign3A_1203 : i1 to i32
      %sign3A_1205 = arith.subi %sign3A_1201, %sign3A_1204 : i32
      %sign3A_1206 = arith.constant 0 : i32
      %sign3A_1207 = arith.cmpi sgt, %jit3A_1197, %sign3A_1206 : i32
      %sign3A_1208 = arith.extui %sign3A_1207 : i1 to i32
      %sign3A_1209 = arith.constant 0 : i32
      %sign3A_1210 = arith.cmpi slt, %jit3A_1197, %sign3A_1209 : i32
      %sign3A_1211 = arith.extui %sign3A_1210 : i1 to i32
      %sign3A_1212 = arith.subi %sign3A_1208, %sign3A_1211 : i32
      %ne3A_1213 = arith.cmpi ne, %sign3A_1205, %sign3A_1212 : i32
      %rem3A_1214 = arith.remsi %rem3A_1196, %jit3A_1197 : i32
      %ne3A_1215 = arith.constant 0 : i32
      %ne3A_1216 = arith.cmpi ne, %rem3A_1214, %ne3A_1215 : i32
      %and3A_1217 = arith.andi %ne3A_1213, %ne3A_1216 : i1
      %sub3A_1218 = arith.constant 1 : i32
      %sub3A_1219 = arith.subi %div3A_1198, %sub3A_1218 : i32
      %select_n3A_1220 = arith.select %and3A_1217, %sub3A_1219, %div3A_1198 : i32
      %mul3A_1221 = arith.constant 64 : i32
      %mul3A_1222 = arith.muli %select_n3A_1194, %mul3A_1221 : i32
      %mul3A_1223 = arith.constant 2 : i32
      %mul3A_1224 = arith.muli %select_n3A_1220, %mul3A_1223 : i32
      %mul3A_1225 = arith.constant 64 : i32
      %mul3A_1226 = arith.muli %mul3A_1224, %mul3A_1225 : i32
      %get3A_1227 = arith.constant 13 : index
      %get3A_1228 = memref.load %arg11[%get3A_1227] : memref<32xi32, #tpu.memory_space<smem>>
      %jit3A_1229 = arith.constant 64 : i32
      %div3A_1230 = arith.divsi %get3A_1228, %jit3A_1229 : i32
      %sign3A_1231 = arith.constant 0 : i32
      %sign3A_1232 = arith.cmpi sgt, %get3A_1228, %sign3A_1231 : i32
      %sign3A_1233 = arith.extui %sign3A_1232 : i1 to i32
      %sign3A_1234 = arith.constant 0 : i32
      %sign3A_1235 = arith.cmpi slt, %get3A_1228, %sign3A_1234 : i32
      %sign3A_1236 = arith.extui %sign3A_1235 : i1 to i32
      %sign3A_1237 = arith.subi %sign3A_1233, %sign3A_1236 : i32
      %sign3A_1238 = arith.constant 0 : i32
      %sign3A_1239 = arith.cmpi sgt, %jit3A_1229, %sign3A_1238 : i32
      %sign3A_1240 = arith.extui %sign3A_1239 : i1 to i32
      %sign3A_1241 = arith.constant 0 : i32
      %sign3A_1242 = arith.cmpi slt, %jit3A_1229, %sign3A_1241 : i32
      %sign3A_1243 = arith.extui %sign3A_1242 : i1 to i32
      %sign3A_1244 = arith.subi %sign3A_1240, %sign3A_1243 : i32
      %ne3A_1245 = arith.cmpi ne, %sign3A_1237, %sign3A_1244 : i32
      %rem3A_1246 = arith.remsi %get3A_1228, %jit3A_1229 : i32
      %ne3A_1247 = arith.constant 0 : i32
      %ne3A_1248 = arith.cmpi ne, %rem3A_1246, %ne3A_1247 : i32
      %and3A_1249 = arith.andi %ne3A_1245, %ne3A_1248 : i1
      %sub3A_1250 = arith.constant 1 : i32
      %sub3A_1251 = arith.subi %div3A_1230, %sub3A_1250 : i32
      %select_n3A_1252 = arith.select %and3A_1249, %sub3A_1251, %div3A_1230 : i32
      %rem3A_1253 = arith.constant 64 : i32
      %rem3A_1254 = arith.remsi %get3A_1228, %rem3A_1253 : i32
      %jit3A_1255 = arith.constant 2 : i32
      %div3A_1256 = arith.divsi %rem3A_1254, %jit3A_1255 : i32
      %sign3A_1257 = arith.constant 0 : i32
      %sign3A_1258 = arith.cmpi sgt, %rem3A_1254, %sign3A_1257 : i32
      %sign3A_1259 = arith.extui %sign3A_1258 : i1 to i32
      %sign3A_1260 = arith.constant 0 : i32
      %sign3A_1261 = arith.cmpi slt, %rem3A_1254, %sign3A_1260 : i32
      %sign3A_1262 = arith.extui %sign3A_1261 : i1 to i32
      %sign3A_1263 = arith.subi %sign3A_1259, %sign3A_1262 : i32
      %sign3A_1264 = arith.constant 0 : i32
      %sign3A_1265 = arith.cmpi sgt, %jit3A_1255, %sign3A_1264 : i32
      %sign3A_1266 = arith.extui %sign3A_1265 : i1 to i32
      %sign3A_1267 = arith.constant 0 : i32
      %sign3A_1268 = arith.cmpi slt, %jit3A_1255, %sign3A_1267 : i32
      %sign3A_1269 = arith.extui %sign3A_1268 : i1 to i32
      %sign3A_1270 = arith.subi %sign3A_1266, %sign3A_1269 : i32
      %ne3A_1271 = arith.cmpi ne, %sign3A_1263, %sign3A_1270 : i32
      %rem3A_1272 = arith.remsi %rem3A_1254, %jit3A_1255 : i32
      %ne3A_1273 = arith.constant 0 : i32
      %ne3A_1274 = arith.cmpi ne, %rem3A_1272, %ne3A_1273 : i32
      %and3A_1275 = arith.andi %ne3A_1271, %ne3A_1274 : i1
      %sub3A_1276 = arith.constant 1 : i32
      %sub3A_1277 = arith.subi %div3A_1256, %sub3A_1276 : i32
      %select_n3A_1278 = arith.select %and3A_1275, %sub3A_1277, %div3A_1256 : i32
      %mul3A_1279 = arith.constant 64 : i32
      %mul3A_1280 = arith.muli %select_n3A_1252, %mul3A_1279 : i32
      %mul3A_1281 = arith.constant 2 : i32
      %mul3A_1282 = arith.muli %select_n3A_1278, %mul3A_1281 : i32
      %mul3A_1283 = arith.constant 64 : i32
      %mul3A_1284 = arith.muli %mul3A_1282, %mul3A_1283 : i32
      %get3A_1285 = arith.constant 14 : index
      %get3A_1286 = memref.load %arg11[%get3A_1285] : memref<32xi32, #tpu.memory_space<smem>>
      %jit3A_1287 = arith.constant 64 : i32
      %div3A_1288 = arith.divsi %get3A_1286, %jit3A_1287 : i32
      %sign3A_1289 = arith.constant 0 : i32
      %sign3A_1290 = arith.cmpi sgt, %get3A_1286, %sign3A_1289 : i32
      %sign3A_1291 = arith.extui %sign3A_1290 : i1 to i32
      %sign3A_1292 = arith.constant 0 : i32
      %sign3A_1293 = arith.cmpi slt, %get3A_1286, %sign3A_1292 : i32
      %sign3A_1294 = arith.extui %sign3A_1293 : i1 to i32
      %sign3A_1295 = arith.subi %sign3A_1291, %sign3A_1294 : i32
      %sign3A_1296 = arith.constant 0 : i32
      %sign3A_1297 = arith.cmpi sgt, %jit3A_1287, %sign3A_1296 : i32
      %sign3A_1298 = arith.extui %sign3A_1297 : i1 to i32
      %sign3A_1299 = arith.constant 0 : i32
      %sign3A_1300 = arith.cmpi slt, %jit3A_1287, %sign3A_1299 : i32
      %sign3A_1301 = arith.extui %sign3A_1300 : i1 to i32
      %sign3A_1302 = arith.subi %sign3A_1298, %sign3A_1301 : i32
      %ne3A_1303 = arith.cmpi ne, %sign3A_1295, %sign3A_1302 : i32
      %rem3A_1304 = arith.remsi %get3A_1286, %jit3A_1287 : i32
      %ne3A_1305 = arith.constant 0 : i32
      %ne3A_1306 = arith.cmpi ne, %rem3A_1304, %ne3A_1305 : i32
      %and3A_1307 = arith.andi %ne3A_1303, %ne3A_1306 : i1
      %sub3A_1308 = arith.constant 1 : i32
      %sub3A_1309 = arith.subi %div3A_1288, %sub3A_1308 : i32
      %select_n3A_1310 = arith.select %and3A_1307, %sub3A_1309, %div3A_1288 : i32
      %rem3A_1311 = arith.constant 64 : i32
      %rem3A_1312 = arith.remsi %get3A_1286, %rem3A_1311 : i32
      %jit3A_1313 = arith.constant 2 : i32
      %div3A_1314 = arith.divsi %rem3A_1312, %jit3A_1313 : i32
      %sign3A_1315 = arith.constant 0 : i32
      %sign3A_1316 = arith.cmpi sgt, %rem3A_1312, %sign3A_1315 : i32
      %sign3A_1317 = arith.extui %sign3A_1316 : i1 to i32
      %sign3A_1318 = arith.constant 0 : i32
      %sign3A_1319 = arith.cmpi slt, %rem3A_1312, %sign3A_1318 : i32
      %sign3A_1320 = arith.extui %sign3A_1319 : i1 to i32
      %sign3A_1321 = arith.subi %sign3A_1317, %sign3A_1320 : i32
      %sign3A_1322 = arith.constant 0 : i32
      %sign3A_1323 = arith.cmpi sgt, %jit3A_1313, %sign3A_1322 : i32
      %sign3A_1324 = arith.extui %sign3A_1323 : i1 to i32
      %sign3A_1325 = arith.constant 0 : i32
      %sign3A_1326 = arith.cmpi slt, %jit3A_1313, %sign3A_1325 : i32
      %sign3A_1327 = arith.extui %sign3A_1326 : i1 to i32
      %sign3A_1328 = arith.subi %sign3A_1324, %sign3A_1327 : i32
      %ne3A_1329 = arith.cmpi ne, %sign3A_1321, %sign3A_1328 : i32
      %rem3A_1330 = arith.remsi %rem3A_1312, %jit3A_1313 : i32
      %ne3A_1331 = arith.constant 0 : i32
      %ne3A_1332 = arith.cmpi ne, %rem3A_1330, %ne3A_1331 : i32
      %and3A_1333 = arith.andi %ne3A_1329, %ne3A_1332 : i1
      %sub3A_1334 = arith.constant 1 : i32
      %sub3A_1335 = arith.subi %div3A_1314, %sub3A_1334 : i32
      %select_n3A_1336 = arith.select %and3A_1333, %sub3A_1335, %div3A_1314 : i32
      %mul3A_1337 = arith.constant 64 : i32
      %mul3A_1338 = arith.muli %select_n3A_1310, %mul3A_1337 : i32
      %mul3A_1339 = arith.constant 2 : i32
      %mul3A_1340 = arith.muli %select_n3A_1336, %mul3A_1339 : i32
      %mul3A_1341 = arith.constant 64 : i32
      %mul3A_1342 = arith.muli %mul3A_1340, %mul3A_1341 : i32
      %get3A_1343 = arith.constant 15 : index
      %get3A_1344 = memref.load %arg11[%get3A_1343] : memref<32xi32, #tpu.memory_space<smem>>
      %jit3A_1345 = arith.constant 64 : i32
      %div3A_1346 = arith.divsi %get3A_1344, %jit3A_1345 : i32
      %sign3A_1347 = arith.constant 0 : i32
      %sign3A_1348 = arith.cmpi sgt, %get3A_1344, %sign3A_1347 : i32
      %sign3A_1349 = arith.extui %sign3A_1348 : i1 to i32
      %sign3A_1350 = arith.constant 0 : i32
      %sign3A_1351 = arith.cmpi slt, %get3A_1344, %sign3A_1350 : i32
      %sign3A_1352 = arith.extui %sign3A_1351 : i1 to i32
      %sign3A_1353 = arith.subi %sign3A_1349, %sign3A_1352 : i32
      %sign3A_1354 = arith.constant 0 : i32
      %sign3A_1355 = arith.cmpi sgt, %jit3A_1345, %sign3A_1354 : i32
      %sign3A_1356 = arith.extui %sign3A_1355 : i1 to i32
      %sign3A_1357 = arith.constant 0 : i32
      %sign3A_1358 = arith.cmpi slt, %jit3A_1345, %sign3A_1357 : i32
      %sign3A_1359 = arith.extui %sign3A_1358 : i1 to i32
      %sign3A_1360 = arith.subi %sign3A_1356, %sign3A_1359 : i32
      %ne3A_1361 = arith.cmpi ne, %sign3A_1353, %sign3A_1360 : i32
      %rem3A_1362 = arith.remsi %get3A_1344, %jit3A_1345 : i32
      %ne3A_1363 = arith.constant 0 : i32
      %ne3A_1364 = arith.cmpi ne, %rem3A_1362, %ne3A_1363 : i32
      %and3A_1365 = arith.andi %ne3A_1361, %ne3A_1364 : i1
      %sub3A_1366 = arith.constant 1 : i32
      %sub3A_1367 = arith.subi %div3A_1346, %sub3A_1366 : i32
      %select_n3A_1368 = arith.select %and3A_1365, %sub3A_1367, %div3A_1346 : i32
      %rem3A_1369 = arith.constant 64 : i32
      %rem3A_1370 = arith.remsi %get3A_1344, %rem3A_1369 : i32
      %jit3A_1371 = arith.constant 2 : i32
      %div3A_1372 = arith.divsi %rem3A_1370, %jit3A_1371 : i32
      %sign3A_1373 = arith.constant 0 : i32
      %sign3A_1374 = arith.cmpi sgt, %rem3A_1370, %sign3A_1373 : i32
      %sign3A_1375 = arith.extui %sign3A_1374 : i1 to i32
      %sign3A_1376 = arith.constant 0 : i32
      %sign3A_1377 = arith.cmpi slt, %rem3A_1370, %sign3A_1376 : i32
      %sign3A_1378 = arith.extui %sign3A_1377 : i1 to i32
      %sign3A_1379 = arith.subi %sign3A_1375, %sign3A_1378 : i32
      %sign3A_1380 = arith.constant 0 : i32
      %sign3A_1381 = arith.cmpi sgt, %jit3A_1371, %sign3A_1380 : i32
      %sign3A_1382 = arith.extui %sign3A_1381 : i1 to i32
      %sign3A_1383 = arith.constant 0 : i32
      %sign3A_1384 = arith.cmpi slt, %jit3A_1371, %sign3A_1383 : i32
      %sign3A_1385 = arith.extui %sign3A_1384 : i1 to i32
      %sign3A_1386 = arith.subi %sign3A_1382, %sign3A_1385 : i32
      %ne3A_1387 = arith.cmpi ne, %sign3A_1379, %sign3A_1386 : i32
      %rem3A_1388 = arith.remsi %rem3A_1370, %jit3A_1371 : i32
      %ne3A_1389 = arith.constant 0 : i32
      %ne3A_1390 = arith.cmpi ne, %rem3A_1388, %ne3A_1389 : i32
      %and3A_1391 = arith.andi %ne3A_1387, %ne3A_1390 : i1
      %sub3A_1392 = arith.constant 1 : i32
      %sub3A_1393 = arith.subi %div3A_1372, %sub3A_1392 : i32
      %select_n3A_1394 = arith.select %and3A_1391, %sub3A_1393, %div3A_1372 : i32
      %mul3A_1395 = arith.constant 64 : i32
      %mul3A_1396 = arith.muli %select_n3A_1368, %mul3A_1395 : i32
      %mul3A_1397 = arith.constant 2 : i32
      %mul3A_1398 = arith.muli %select_n3A_1394, %mul3A_1397 : i32
      %mul3A_1399 = arith.constant 64 : i32
      %mul3A_1400 = arith.muli %mul3A_1398, %mul3A_1399 : i32
      %get3A_1401 = arith.constant 16 : index
      %get3A_1402 = memref.load %arg11[%get3A_1401] : memref<32xi32, #tpu.memory_space<smem>>
      %jit3A_1403 = arith.constant 64 : i32
      %div3A_1404 = arith.divsi %get3A_1402, %jit3A_1403 : i32
      %sign3A_1405 = arith.constant 0 : i32
      %sign3A_1406 = arith.cmpi sgt, %get3A_1402, %sign3A_1405 : i32
      %sign3A_1407 = arith.extui %sign3A_1406 : i1 to i32
      %sign3A_1408 = arith.constant 0 : i32
      %sign3A_1409 = arith.cmpi slt, %get3A_1402, %sign3A_1408 : i32
      %sign3A_1410 = arith.extui %sign3A_1409 : i1 to i32
      %sign3A_1411 = arith.subi %sign3A_1407, %sign3A_1410 : i32
      %sign3A_1412 = arith.constant 0 : i32
      %sign3A_1413 = arith.cmpi sgt, %jit3A_1403, %sign3A_1412 : i32
      %sign3A_1414 = arith.extui %sign3A_1413 : i1 to i32
      %sign3A_1415 = arith.constant 0 : i32
      %sign3A_1416 = arith.cmpi slt, %jit3A_1403, %sign3A_1415 : i32
      %sign3A_1417 = arith.extui %sign3A_1416 : i1 to i32
      %sign3A_1418 = arith.subi %sign3A_1414, %sign3A_1417 : i32
      %ne3A_1419 = arith.cmpi ne, %sign3A_1411, %sign3A_1418 : i32
      %rem3A_1420 = arith.remsi %get3A_1402, %jit3A_1403 : i32
      %ne3A_1421 = arith.constant 0 : i32
      %ne3A_1422 = arith.cmpi ne, %rem3A_1420, %ne3A_1421 : i32
      %and3A_1423 = arith.andi %ne3A_1419, %ne3A_1422 : i1
      %sub3A_1424 = arith.constant 1 : i32
      %sub3A_1425 = arith.subi %div3A_1404, %sub3A_1424 : i32
      %select_n3A_1426 = arith.select %and3A_1423, %sub3A_1425, %div3A_1404 : i32
      %rem3A_1427 = arith.constant 64 : i32
      %rem3A_1428 = arith.remsi %get3A_1402, %rem3A_1427 : i32
      %jit3A_1429 = arith.constant 2 : i32
      %div3A_1430 = arith.divsi %rem3A_1428, %jit3A_1429 : i32
      %sign3A_1431 = arith.constant 0 : i32
      %sign3A_1432 = arith.cmpi sgt, %rem3A_1428, %sign3A_1431 : i32
      %sign3A_1433 = arith.extui %sign3A_1432 : i1 to i32
      %sign3A_1434 = arith.constant 0 : i32
      %sign3A_1435 = arith.cmpi slt, %rem3A_1428, %sign3A_1434 : i32
      %sign3A_1436 = arith.extui %sign3A_1435 : i1 to i32
      %sign3A_1437 = arith.subi %sign3A_1433, %sign3A_1436 : i32
      %sign3A_1438 = arith.constant 0 : i32
      %sign3A_1439 = arith.cmpi sgt, %jit3A_1429, %sign3A_1438 : i32
      %sign3A_1440 = arith.extui %sign3A_1439 : i1 to i32
      %sign3A_1441 = arith.constant 0 : i32
      %sign3A_1442 = arith.cmpi slt, %jit3A_1429, %sign3A_1441 : i32
      %sign3A_1443 = arith.extui %sign3A_1442 : i1 to i32
      %sign3A_1444 = arith.subi %sign3A_1440, %sign3A_1443 : i32
      %ne3A_1445 = arith.cmpi ne, %sign3A_1437, %sign3A_1444 : i32
      %rem3A_1446 = arith.remsi %rem3A_1428, %jit3A_1429 : i32
      %ne3A_1447 = arith.constant 0 : i32
      %ne3A_1448 = arith.cmpi ne, %rem3A_1446, %ne3A_1447 : i32
      %and3A_1449 = arith.andi %ne3A_1445, %ne3A_1448 : i1
      %sub3A_1450 = arith.constant 1 : i32
      %sub3A_1451 = arith.subi %div3A_1430, %sub3A_1450 : i32
      %select_n3A_1452 = arith.select %and3A_1449, %sub3A_1451, %div3A_1430 : i32
      %mul3A_1453 = arith.constant 64 : i32
      %mul3A_1454 = arith.muli %select_n3A_1426, %mul3A_1453 : i32
      %mul3A_1455 = arith.constant 2 : i32
      %mul3A_1456 = arith.muli %select_n3A_1452, %mul3A_1455 : i32
      %mul3A_1457 = arith.constant 64 : i32
      %mul3A_1458 = arith.muli %mul3A_1456, %mul3A_1457 : i32
      %get3A_1459 = arith.constant 17 : index
      %get3A_1460 = memref.load %arg11[%get3A_1459] : memref<32xi32, #tpu.memory_space<smem>>
      %jit3A_1461 = arith.constant 64 : i32
      %div3A_1462 = arith.divsi %get3A_1460, %jit3A_1461 : i32
      %sign3A_1463 = arith.constant 0 : i32
      %sign3A_1464 = arith.cmpi sgt, %get3A_1460, %sign3A_1463 : i32
      %sign3A_1465 = arith.extui %sign3A_1464 : i1 to i32
      %sign3A_1466 = arith.constant 0 : i32
      %sign3A_1467 = arith.cmpi slt, %get3A_1460, %sign3A_1466 : i32
      %sign3A_1468 = arith.extui %sign3A_1467 : i1 to i32
      %sign3A_1469 = arith.subi %sign3A_1465, %sign3A_1468 : i32
      %sign3A_1470 = arith.constant 0 : i32
      %sign3A_1471 = arith.cmpi sgt, %jit3A_1461, %sign3A_1470 : i32
      %sign3A_1472 = arith.extui %sign3A_1471 : i1 to i32
      %sign3A_1473 = arith.constant 0 : i32
      %sign3A_1474 = arith.cmpi slt, %jit3A_1461, %sign3A_1473 : i32
      %sign3A_1475 = arith.extui %sign3A_1474 : i1 to i32
      %sign3A_1476 = arith.subi %sign3A_1472, %sign3A_1475 : i32
      %ne3A_1477 = arith.cmpi ne, %sign3A_1469, %sign3A_1476 : i32
      %rem3A_1478 = arith.remsi %get3A_1460, %jit3A_1461 : i32
      %ne3A_1479 = arith.constant 0 : i32
      %ne3A_1480 = arith.cmpi ne, %rem3A_1478, %ne3A_1479 : i32
      %and3A_1481 = arith.andi %ne3A_1477, %ne3A_1480 : i1
      %sub3A_1482 = arith.constant 1 : i32
      %sub3A_1483 = arith.subi %div3A_1462, %sub3A_1482 : i32
      %select_n3A_1484 = arith.select %and3A_1481, %sub3A_1483, %div3A_1462 : i32
      %rem3A_1485 = arith.constant 64 : i32
      %rem3A_1486 = arith.remsi %get3A_1460, %rem3A_1485 : i32
      %jit3A_1487 = arith.constant 2 : i32
      %div3A_1488 = arith.divsi %rem3A_1486, %jit3A_1487 : i32
      %sign3A_1489 = arith.constant 0 : i32
      %sign3A_1490 = arith.cmpi sgt, %rem3A_1486, %sign3A_1489 : i32
      %sign3A_1491 = arith.extui %sign3A_1490 : i1 to i32
      %sign3A_1492 = arith.constant 0 : i32
      %sign3A_1493 = arith.cmpi slt, %rem3A_1486, %sign3A_1492 : i32
      %sign3A_1494 = arith.extui %sign3A_1493 : i1 to i32
      %sign3A_1495 = arith.subi %sign3A_1491, %sign3A_1494 : i32
      %sign3A_1496 = arith.constant 0 : i32
      %sign3A_1497 = arith.cmpi sgt, %jit3A_1487, %sign3A_1496 : i32
      %sign3A_1498 = arith.extui %sign3A_1497 : i1 to i32
      %sign3A_1499 = arith.constant 0 : i32
      %sign3A_1500 = arith.cmpi slt, %jit3A_1487, %sign3A_1499 : i32
      %sign3A_1501 = arith.extui %sign3A_1500 : i1 to i32
      %sign3A_1502 = arith.subi %sign3A_1498, %sign3A_1501 : i32
      %ne3A_1503 = arith.cmpi ne, %sign3A_1495, %sign3A_1502 : i32
      %rem3A_1504 = arith.remsi %rem3A_1486, %jit3A_1487 : i32
      %ne3A_1505 = arith.constant 0 : i32
      %ne3A_1506 = arith.cmpi ne, %rem3A_1504, %ne3A_1505 : i32
      %and3A_1507 = arith.andi %ne3A_1503, %ne3A_1506 : i1
      %sub3A_1508 = arith.constant 1 : i32
      %sub3A_1509 = arith.subi %div3A_1488, %sub3A_1508 : i32
      %select_n3A_1510 = arith.select %and3A_1507, %sub3A_1509, %div3A_1488 : i32
      %mul3A_1511 = arith.constant 64 : i32
      %mul3A_1512 = arith.muli %select_n3A_1484, %mul3A_1511 : i32
      %mul3A_1513 = arith.constant 2 : i32
      %mul3A_1514 = arith.muli %select_n3A_1510, %mul3A_1513 : i32
      %mul3A_1515 = arith.constant 64 : i32
      %mul3A_1516 = arith.muli %mul3A_1514, %mul3A_1515 : i32
      %get3A_1517 = arith.constant 18 : index
      %get3A_1518 = memref.load %arg11[%get3A_1517] : memref<32xi32, #tpu.memory_space<smem>>
      %jit3A_1519 = arith.constant 64 : i32
      %div3A_1520 = arith.divsi %get3A_1518, %jit3A_1519 : i32
      %sign3A_1521 = arith.constant 0 : i32
      %sign3A_1522 = arith.cmpi sgt, %get3A_1518, %sign3A_1521 : i32
      %sign3A_1523 = arith.extui %sign3A_1522 : i1 to i32
      %sign3A_1524 = arith.constant 0 : i32
      %sign3A_1525 = arith.cmpi slt, %get3A_1518, %sign3A_1524 : i32
      %sign3A_1526 = arith.extui %sign3A_1525 : i1 to i32
      %sign3A_1527 = arith.subi %sign3A_1523, %sign3A_1526 : i32
      %sign3A_1528 = arith.constant 0 : i32
      %sign3A_1529 = arith.cmpi sgt, %jit3A_1519, %sign3A_1528 : i32
      %sign3A_1530 = arith.extui %sign3A_1529 : i1 to i32
      %sign3A_1531 = arith.constant 0 : i32
      %sign3A_1532 = arith.cmpi slt, %jit3A_1519, %sign3A_1531 : i32
      %sign3A_1533 = arith.extui %sign3A_1532 : i1 to i32
      %sign3A_1534 = arith.subi %sign3A_1530, %sign3A_1533 : i32
      %ne3A_1535 = arith.cmpi ne, %sign3A_1527, %sign3A_1534 : i32
      %rem3A_1536 = arith.remsi %get3A_1518, %jit3A_1519 : i32
      %ne3A_1537 = arith.constant 0 : i32
      %ne3A_1538 = arith.cmpi ne, %rem3A_1536, %ne3A_1537 : i32
      %and3A_1539 = arith.andi %ne3A_1535, %ne3A_1538 : i1
      %sub3A_1540 = arith.constant 1 : i32
      %sub3A_1541 = arith.subi %div3A_1520, %sub3A_1540 : i32
      %select_n3A_1542 = arith.select %and3A_1539, %sub3A_1541, %div3A_1520 : i32
      %rem3A_1543 = arith.constant 64 : i32
      %rem3A_1544 = arith.remsi %get3A_1518, %rem3A_1543 : i32
      %jit3A_1545 = arith.constant 2 : i32
      %div3A_1546 = arith.divsi %rem3A_1544, %jit3A_1545 : i32
      %sign3A_1547 = arith.constant 0 : i32
      %sign3A_1548 = arith.cmpi sgt, %rem3A_1544, %sign3A_1547 : i32
      %sign3A_1549 = arith.extui %sign3A_1548 : i1 to i32
      %sign3A_1550 = arith.constant 0 : i32
      %sign3A_1551 = arith.cmpi slt, %rem3A_1544, %sign3A_1550 : i32
      %sign3A_1552 = arith.extui %sign3A_1551 : i1 to i32
      %sign3A_1553 = arith.subi %sign3A_1549, %sign3A_1552 : i32
      %sign3A_1554 = arith.constant 0 : i32
      %sign3A_1555 = arith.cmpi sgt, %jit3A_1545, %sign3A_1554 : i32
      %sign3A_1556 = arith.extui %sign3A_1555 : i1 to i32
      %sign3A_1557 = arith.constant 0 : i32
      %sign3A_1558 = arith.cmpi slt, %jit3A_1545, %sign3A_1557 : i32
      %sign3A_1559 = arith.extui %sign3A_1558 : i1 to i32
      %sign3A_1560 = arith.subi %sign3A_1556, %sign3A_1559 : i32
      %ne3A_1561 = arith.cmpi ne, %sign3A_1553, %sign3A_1560 : i32
      %rem3A_1562 = arith.remsi %rem3A_1544, %jit3A_1545 : i32
      %ne3A_1563 = arith.constant 0 : i32
      %ne3A_1564 = arith.cmpi ne, %rem3A_1562, %ne3A_1563 : i32
      %and3A_1565 = arith.andi %ne3A_1561, %ne3A_1564 : i1
      %sub3A_1566 = arith.constant 1 : i32
      %sub3A_1567 = arith.subi %div3A_1546, %sub3A_1566 : i32
      %select_n3A_1568 = arith.select %and3A_1565, %sub3A_1567, %div3A_1546 : i32
      %mul3A_1569 = arith.constant 64 : i32
      %mul3A_1570 = arith.muli %select_n3A_1542, %mul3A_1569 : i32
      %mul3A_1571 = arith.constant 2 : i32
      %mul3A_1572 = arith.muli %select_n3A_1568, %mul3A_1571 : i32
      %mul3A_1573 = arith.constant 64 : i32
      %mul3A_1574 = arith.muli %mul3A_1572, %mul3A_1573 : i32
      %get3A_1575 = arith.constant 19 : index
      %get3A_1576 = memref.load %arg11[%get3A_1575] : memref<32xi32, #tpu.memory_space<smem>>
      %jit3A_1577 = arith.constant 64 : i32
      %div3A_1578 = arith.divsi %get3A_1576, %jit3A_1577 : i32
      %sign3A_1579 = arith.constant 0 : i32
      %sign3A_1580 = arith.cmpi sgt, %get3A_1576, %sign3A_1579 : i32
      %sign3A_1581 = arith.extui %sign3A_1580 : i1 to i32
      %sign3A_1582 = arith.constant 0 : i32
      %sign3A_1583 = arith.cmpi slt, %get3A_1576, %sign3A_1582 : i32
      %sign3A_1584 = arith.extui %sign3A_1583 : i1 to i32
      %sign3A_1585 = arith.subi %sign3A_1581, %sign3A_1584 : i32
      %sign3A_1586 = arith.constant 0 : i32
      %sign3A_1587 = arith.cmpi sgt, %jit3A_1577, %sign3A_1586 : i32
      %sign3A_1588 = arith.extui %sign3A_1587 : i1 to i32
      %sign3A_1589 = arith.constant 0 : i32
      %sign3A_1590 = arith.cmpi slt, %jit3A_1577, %sign3A_1589 : i32
      %sign3A_1591 = arith.extui %sign3A_1590 : i1 to i32
      %sign3A_1592 = arith.subi %sign3A_1588, %sign3A_1591 : i32
      %ne3A_1593 = arith.cmpi ne, %sign3A_1585, %sign3A_1592 : i32
      %rem3A_1594 = arith.remsi %get3A_1576, %jit3A_1577 : i32
      %ne3A_1595 = arith.constant 0 : i32
      %ne3A_1596 = arith.cmpi ne, %rem3A_1594, %ne3A_1595 : i32
      %and3A_1597 = arith.andi %ne3A_1593, %ne3A_1596 : i1
      %sub3A_1598 = arith.constant 1 : i32
      %sub3A_1599 = arith.subi %div3A_1578, %sub3A_1598 : i32
      %select_n3A_1600 = arith.select %and3A_1597, %sub3A_1599, %div3A_1578 : i32
      %rem3A_1601 = arith.constant 64 : i32
      %rem3A_1602 = arith.remsi %get3A_1576, %rem3A_1601 : i32
      %jit3A_1603 = arith.constant 2 : i32
      %div3A_1604 = arith.divsi %rem3A_1602, %jit3A_1603 : i32
      %sign3A_1605 = arith.constant 0 : i32
      %sign3A_1606 = arith.cmpi sgt, %rem3A_1602, %sign3A_1605 : i32
      %sign3A_1607 = arith.extui %sign3A_1606 : i1 to i32
      %sign3A_1608 = arith.constant 0 : i32
      %sign3A_1609 = arith.cmpi slt, %rem3A_1602, %sign3A_1608 : i32
      %sign3A_1610 = arith.extui %sign3A_1609 : i1 to i32
      %sign3A_1611 = arith.subi %sign3A_1607, %sign3A_1610 : i32
      %sign3A_1612 = arith.constant 0 : i32
      %sign3A_1613 = arith.cmpi sgt, %jit3A_1603, %sign3A_1612 : i32
      %sign3A_1614 = arith.extui %sign3A_1613 : i1 to i32
      %sign3A_1615 = arith.constant 0 : i32
      %sign3A_1616 = arith.cmpi slt, %jit3A_1603, %sign3A_1615 : i32
      %sign3A_1617 = arith.extui %sign3A_1616 : i1 to i32
      %sign3A_1618 = arith.subi %sign3A_1614, %sign3A_1617 : i32
      %ne3A_1619 = arith.cmpi ne, %sign3A_1611, %sign3A_1618 : i32
      %rem3A_1620 = arith.remsi %rem3A_1602, %jit3A_1603 : i32
      %ne3A_1621 = arith.constant 0 : i32
      %ne3A_1622 = arith.cmpi ne, %rem3A_1620, %ne3A_1621 : i32
      %and3A_1623 = arith.andi %ne3A_1619, %ne3A_1622 : i1
      %sub3A_1624 = arith.constant 1 : i32
      %sub3A_1625 = arith.subi %div3A_1604, %sub3A_1624 : i32
      %select_n3A_1626 = arith.select %and3A_1623, %sub3A_1625, %div3A_1604 : i32
      %mul3A_1627 = arith.constant 64 : i32
      %mul3A_1628 = arith.muli %select_n3A_1600, %mul3A_1627 : i32
      %mul3A_1629 = arith.constant 2 : i32
      %mul3A_1630 = arith.muli %select_n3A_1626, %mul3A_1629 : i32
      %mul3A_1631 = arith.constant 64 : i32
      %mul3A_1632 = arith.muli %mul3A_1630, %mul3A_1631 : i32
      %get3A_1633 = arith.constant 20 : index
      %get3A_1634 = memref.load %arg11[%get3A_1633] : memref<32xi32, #tpu.memory_space<smem>>
      %jit3A_1635 = arith.constant 64 : i32
      %div3A_1636 = arith.divsi %get3A_1634, %jit3A_1635 : i32
      %sign3A_1637 = arith.constant 0 : i32
      %sign3A_1638 = arith.cmpi sgt, %get3A_1634, %sign3A_1637 : i32
      %sign3A_1639 = arith.extui %sign3A_1638 : i1 to i32
      %sign3A_1640 = arith.constant 0 : i32
      %sign3A_1641 = arith.cmpi slt, %get3A_1634, %sign3A_1640 : i32
      %sign3A_1642 = arith.extui %sign3A_1641 : i1 to i32
      %sign3A_1643 = arith.subi %sign3A_1639, %sign3A_1642 : i32
      %sign3A_1644 = arith.constant 0 : i32
      %sign3A_1645 = arith.cmpi sgt, %jit3A_1635, %sign3A_1644 : i32
      %sign3A_1646 = arith.extui %sign3A_1645 : i1 to i32
      %sign3A_1647 = arith.constant 0 : i32
      %sign3A_1648 = arith.cmpi slt, %jit3A_1635, %sign3A_1647 : i32
      %sign3A_1649 = arith.extui %sign3A_1648 : i1 to i32
      %sign3A_1650 = arith.subi %sign3A_1646, %sign3A_1649 : i32
      %ne3A_1651 = arith.cmpi ne, %sign3A_1643, %sign3A_1650 : i32
      %rem3A_1652 = arith.remsi %get3A_1634, %jit3A_1635 : i32
      %ne3A_1653 = arith.constant 0 : i32
      %ne3A_1654 = arith.cmpi ne, %rem3A_1652, %ne3A_1653 : i32
      %and3A_1655 = arith.andi %ne3A_1651, %ne3A_1654 : i1
      %sub3A_1656 = arith.constant 1 : i32
      %sub3A_1657 = arith.subi %div3A_1636, %sub3A_1656 : i32
      %select_n3A_1658 = arith.select %and3A_1655, %sub3A_1657, %div3A_1636 : i32
      %rem3A_1659 = arith.constant 64 : i32
      %rem3A_1660 = arith.remsi %get3A_1634, %rem3A_1659 : i32
      %jit3A_1661 = arith.constant 2 : i32
      %div3A_1662 = arith.divsi %rem3A_1660, %jit3A_1661 : i32
      %sign3A_1663 = arith.constant 0 : i32
      %sign3A_1664 = arith.cmpi sgt, %rem3A_1660, %sign3A_1663 : i32
      %sign3A_1665 = arith.extui %sign3A_1664 : i1 to i32
      %sign3A_1666 = arith.constant 0 : i32
      %sign3A_1667 = arith.cmpi slt, %rem3A_1660, %sign3A_1666 : i32
      %sign3A_1668 = arith.extui %sign3A_1667 : i1 to i32
      %sign3A_1669 = arith.subi %sign3A_1665, %sign3A_1668 : i32
      %sign3A_1670 = arith.constant 0 : i32
      %sign3A_1671 = arith.cmpi sgt, %jit3A_1661, %sign3A_1670 : i32
      %sign3A_1672 = arith.extui %sign3A_1671 : i1 to i32
      %sign3A_1673 = arith.constant 0 : i32
      %sign3A_1674 = arith.cmpi slt, %jit3A_1661, %sign3A_1673 : i32
      %sign3A_1675 = arith.extui %sign3A_1674 : i1 to i32
      %sign3A_1676 = arith.subi %sign3A_1672, %sign3A_1675 : i32
      %ne3A_1677 = arith.cmpi ne, %sign3A_1669, %sign3A_1676 : i32
      %rem3A_1678 = arith.remsi %rem3A_1660, %jit3A_1661 : i32
      %ne3A_1679 = arith.constant 0 : i32
      %ne3A_1680 = arith.cmpi ne, %rem3A_1678, %ne3A_1679 : i32
      %and3A_1681 = arith.andi %ne3A_1677, %ne3A_1680 : i1
      %sub3A_1682 = arith.constant 1 : i32
      %sub3A_1683 = arith.subi %div3A_1662, %sub3A_1682 : i32
      %select_n3A_1684 = arith.select %and3A_1681, %sub3A_1683, %div3A_1662 : i32
      %mul3A_1685 = arith.constant 64 : i32
      %mul3A_1686 = arith.muli %select_n3A_1658, %mul3A_1685 : i32
      %mul3A_1687 = arith.constant 2 : i32
      %mul3A_1688 = arith.muli %select_n3A_1684, %mul3A_1687 : i32
      %mul3A_1689 = arith.constant 64 : i32
      %mul3A_1690 = arith.muli %mul3A_1688, %mul3A_1689 : i32
      %get3A_1691 = arith.constant 21 : index
      %get3A_1692 = memref.load %arg11[%get3A_1691] : memref<32xi32, #tpu.memory_space<smem>>
      %jit3A_1693 = arith.constant 64 : i32
      %div3A_1694 = arith.divsi %get3A_1692, %jit3A_1693 : i32
      %sign3A_1695 = arith.constant 0 : i32
      %sign3A_1696 = arith.cmpi sgt, %get3A_1692, %sign3A_1695 : i32
      %sign3A_1697 = arith.extui %sign3A_1696 : i1 to i32
      %sign3A_1698 = arith.constant 0 : i32
      %sign3A_1699 = arith.cmpi slt, %get3A_1692, %sign3A_1698 : i32
      %sign3A_1700 = arith.extui %sign3A_1699 : i1 to i32
      %sign3A_1701 = arith.subi %sign3A_1697, %sign3A_1700 : i32
      %sign3A_1702 = arith.constant 0 : i32
      %sign3A_1703 = arith.cmpi sgt, %jit3A_1693, %sign3A_1702 : i32
      %sign3A_1704 = arith.extui %sign3A_1703 : i1 to i32
      %sign3A_1705 = arith.constant 0 : i32
      %sign3A_1706 = arith.cmpi slt, %jit3A_1693, %sign3A_1705 : i32
      %sign3A_1707 = arith.extui %sign3A_1706 : i1 to i32
      %sign3A_1708 = arith.subi %sign3A_1704, %sign3A_1707 : i32
      %ne3A_1709 = arith.cmpi ne, %sign3A_1701, %sign3A_1708 : i32
      %rem3A_1710 = arith.remsi %get3A_1692, %jit3A_1693 : i32
      %ne3A_1711 = arith.constant 0 : i32
      %ne3A_1712 = arith.cmpi ne, %rem3A_1710, %ne3A_1711 : i32
      %and3A_1713 = arith.andi %ne3A_1709, %ne3A_1712 : i1
      %sub3A_1714 = arith.constant 1 : i32
      %sub3A_1715 = arith.subi %div3A_1694, %sub3A_1714 : i32
      %select_n3A_1716 = arith.select %and3A_1713, %sub3A_1715, %div3A_1694 : i32
      %rem3A_1717 = arith.constant 64 : i32
      %rem3A_1718 = arith.remsi %get3A_1692, %rem3A_1717 : i32
      %jit3A_1719 = arith.constant 2 : i32
      %div3A_1720 = arith.divsi %rem3A_1718, %jit3A_1719 : i32
      %sign3A_1721 = arith.constant 0 : i32
      %sign3A_1722 = arith.cmpi sgt, %rem3A_1718, %sign3A_1721 : i32
      %sign3A_1723 = arith.extui %sign3A_1722 : i1 to i32
      %sign3A_1724 = arith.constant 0 : i32
      %sign3A_1725 = arith.cmpi slt, %rem3A_1718, %sign3A_1724 : i32
      %sign3A_1726 = arith.extui %sign3A_1725 : i1 to i32
      %sign3A_1727 = arith.subi %sign3A_1723, %sign3A_1726 : i32
      %sign3A_1728 = arith.constant 0 : i32
      %sign3A_1729 = arith.cmpi sgt, %jit3A_1719, %sign3A_1728 : i32
      %sign3A_1730 = arith.extui %sign3A_1729 : i1 to i32
      %sign3A_1731 = arith.constant 0 : i32
      %sign3A_1732 = arith.cmpi slt, %jit3A_1719, %sign3A_1731 : i32
      %sign3A_1733 = arith.extui %sign3A_1732 : i1 to i32
      %sign3A_1734 = arith.subi %sign3A_1730, %sign3A_1733 : i32
      %ne3A_1735 = arith.cmpi ne, %sign3A_1727, %sign3A_1734 : i32
      %rem3A_1736 = arith.remsi %rem3A_1718, %jit3A_1719 : i32
      %ne3A_1737 = arith.constant 0 : i32
      %ne3A_1738 = arith.cmpi ne, %rem3A_1736, %ne3A_1737 : i32
      %and3A_1739 = arith.andi %ne3A_1735, %ne3A_1738 : i1
      %sub3A_1740 = arith.constant 1 : i32
      %sub3A_1741 = arith.subi %div3A_1720, %sub3A_1740 : i32
      %select_n3A_1742 = arith.select %and3A_1739, %sub3A_1741, %div3A_1720 : i32
      %mul3A_1743 = arith.constant 64 : i32
      %mul3A_1744 = arith.muli %select_n3A_1716, %mul3A_1743 : i32
      %mul3A_1745 = arith.constant 2 : i32
      %mul3A_1746 = arith.muli %select_n3A_1742, %mul3A_1745 : i32
      %mul3A_1747 = arith.constant 64 : i32
      %mul3A_1748 = arith.muli %mul3A_1746, %mul3A_1747 : i32
      %get3A_1749 = arith.constant 22 : index
      %get3A_1750 = memref.load %arg11[%get3A_1749] : memref<32xi32, #tpu.memory_space<smem>>
      %jit3A_1751 = arith.constant 64 : i32
      %div3A_1752 = arith.divsi %get3A_1750, %jit3A_1751 : i32
      %sign3A_1753 = arith.constant 0 : i32
      %sign3A_1754 = arith.cmpi sgt, %get3A_1750, %sign3A_1753 : i32
      %sign3A_1755 = arith.extui %sign3A_1754 : i1 to i32
      %sign3A_1756 = arith.constant 0 : i32
      %sign3A_1757 = arith.cmpi slt, %get3A_1750, %sign3A_1756 : i32
      %sign3A_1758 = arith.extui %sign3A_1757 : i1 to i32
      %sign3A_1759 = arith.subi %sign3A_1755, %sign3A_1758 : i32
      %sign3A_1760 = arith.constant 0 : i32
      %sign3A_1761 = arith.cmpi sgt, %jit3A_1751, %sign3A_1760 : i32
      %sign3A_1762 = arith.extui %sign3A_1761 : i1 to i32
      %sign3A_1763 = arith.constant 0 : i32
      %sign3A_1764 = arith.cmpi slt, %jit3A_1751, %sign3A_1763 : i32
      %sign3A_1765 = arith.extui %sign3A_1764 : i1 to i32
      %sign3A_1766 = arith.subi %sign3A_1762, %sign3A_1765 : i32
      %ne3A_1767 = arith.cmpi ne, %sign3A_1759, %sign3A_1766 : i32
      %rem3A_1768 = arith.remsi %get3A_1750, %jit3A_1751 : i32
      %ne3A_1769 = arith.constant 0 : i32
      %ne3A_1770 = arith.cmpi ne, %rem3A_1768, %ne3A_1769 : i32
      %and3A_1771 = arith.andi %ne3A_1767, %ne3A_1770 : i1
      %sub3A_1772 = arith.constant 1 : i32
      %sub3A_1773 = arith.subi %div3A_1752, %sub3A_1772 : i32
      %select_n3A_1774 = arith.select %and3A_1771, %sub3A_1773, %div3A_1752 : i32
      %rem3A_1775 = arith.constant 64 : i32
      %rem3A_1776 = arith.remsi %get3A_1750, %rem3A_1775 : i32
      %jit3A_1777 = arith.constant 2 : i32
      %div3A_1778 = arith.divsi %rem3A_1776, %jit3A_1777 : i32
      %sign3A_1779 = arith.constant 0 : i32
      %sign3A_1780 = arith.cmpi sgt, %rem3A_1776, %sign3A_1779 : i32
      %sign3A_1781 = arith.extui %sign3A_1780 : i1 to i32
      %sign3A_1782 = arith.constant 0 : i32
      %sign3A_1783 = arith.cmpi slt, %rem3A_1776, %sign3A_1782 : i32
      %sign3A_1784 = arith.extui %sign3A_1783 : i1 to i32
      %sign3A_1785 = arith.subi %sign3A_1781, %sign3A_1784 : i32
      %sign3A_1786 = arith.constant 0 : i32
      %sign3A_1787 = arith.cmpi sgt, %jit3A_1777, %sign3A_1786 : i32
      %sign3A_1788 = arith.extui %sign3A_1787 : i1 to i32
      %sign3A_1789 = arith.constant 0 : i32
      %sign3A_1790 = arith.cmpi slt, %jit3A_1777, %sign3A_1789 : i32
      %sign3A_1791 = arith.extui %sign3A_1790 : i1 to i32
      %sign3A_1792 = arith.subi %sign3A_1788, %sign3A_1791 : i32
      %ne3A_1793 = arith.cmpi ne, %sign3A_1785, %sign3A_1792 : i32
      %rem3A_1794 = arith.remsi %rem3A_1776, %jit3A_1777 : i32
      %ne3A_1795 = arith.constant 0 : i32
      %ne3A_1796 = arith.cmpi ne, %rem3A_1794, %ne3A_1795 : i32
      %and3A_1797 = arith.andi %ne3A_1793, %ne3A_1796 : i1
      %sub3A_1798 = arith.constant 1 : i32
      %sub3A_1799 = arith.subi %div3A_1778, %sub3A_1798 : i32
      %select_n3A_1800 = arith.select %and3A_1797, %sub3A_1799, %div3A_1778 : i32
      %mul3A_1801 = arith.constant 64 : i32
      %mul3A_1802 = arith.muli %select_n3A_1774, %mul3A_1801 : i32
      %mul3A_1803 = arith.constant 2 : i32
      %mul3A_1804 = arith.muli %select_n3A_1800, %mul3A_1803 : i32
      %mul3A_1805 = arith.constant 64 : i32
      %mul3A_1806 = arith.muli %mul3A_1804, %mul3A_1805 : i32
      %get3A_1807 = arith.constant 23 : index
      %get3A_1808 = memref.load %arg11[%get3A_1807] : memref<32xi32, #tpu.memory_space<smem>>
      %jit3A_1809 = arith.constant 64 : i32
      %div3A_1810 = arith.divsi %get3A_1808, %jit3A_1809 : i32
      %sign3A_1811 = arith.constant 0 : i32
      %sign3A_1812 = arith.cmpi sgt, %get3A_1808, %sign3A_1811 : i32
      %sign3A_1813 = arith.extui %sign3A_1812 : i1 to i32
      %sign3A_1814 = arith.constant 0 : i32
      %sign3A_1815 = arith.cmpi slt, %get3A_1808, %sign3A_1814 : i32
      %sign3A_1816 = arith.extui %sign3A_1815 : i1 to i32
      %sign3A_1817 = arith.subi %sign3A_1813, %sign3A_1816 : i32
      %sign3A_1818 = arith.constant 0 : i32
      %sign3A_1819 = arith.cmpi sgt, %jit3A_1809, %sign3A_1818 : i32
      %sign3A_1820 = arith.extui %sign3A_1819 : i1 to i32
      %sign3A_1821 = arith.constant 0 : i32
      %sign3A_1822 = arith.cmpi slt, %jit3A_1809, %sign3A_1821 : i32
      %sign3A_1823 = arith.extui %sign3A_1822 : i1 to i32
      %sign3A_1824 = arith.subi %sign3A_1820, %sign3A_1823 : i32
      %ne3A_1825 = arith.cmpi ne, %sign3A_1817, %sign3A_1824 : i32
      %rem3A_1826 = arith.remsi %get3A_1808, %jit3A_1809 : i32
      %ne3A_1827 = arith.constant 0 : i32
      %ne3A_1828 = arith.cmpi ne, %rem3A_1826, %ne3A_1827 : i32
      %and3A_1829 = arith.andi %ne3A_1825, %ne3A_1828 : i1
      %sub3A_1830 = arith.constant 1 : i32
      %sub3A_1831 = arith.subi %div3A_1810, %sub3A_1830 : i32
      %select_n3A_1832 = arith.select %and3A_1829, %sub3A_1831, %div3A_1810 : i32
      %rem3A_1833 = arith.constant 64 : i32
      %rem3A_1834 = arith.remsi %get3A_1808, %rem3A_1833 : i32
      %jit3A_1835 = arith.constant 2 : i32
      %div3A_1836 = arith.divsi %rem3A_1834, %jit3A_1835 : i32
      %sign3A_1837 = arith.constant 0 : i32
      %sign3A_1838 = arith.cmpi sgt, %rem3A_1834, %sign3A_1837 : i32
      %sign3A_1839 = arith.extui %sign3A_1838 : i1 to i32
      %sign3A_1840 = arith.constant 0 : i32
      %sign3A_1841 = arith.cmpi slt, %rem3A_1834, %sign3A_1840 : i32
      %sign3A_1842 = arith.extui %sign3A_1841 : i1 to i32
      %sign3A_1843 = arith.subi %sign3A_1839, %sign3A_1842 : i32
      %sign3A_1844 = arith.constant 0 : i32
      %sign3A_1845 = arith.cmpi sgt, %jit3A_1835, %sign3A_1844 : i32
      %sign3A_1846 = arith.extui %sign3A_1845 : i1 to i32
      %sign3A_1847 = arith.constant 0 : i32
      %sign3A_1848 = arith.cmpi slt, %jit3A_1835, %sign3A_1847 : i32
      %sign3A_1849 = arith.extui %sign3A_1848 : i1 to i32
      %sign3A_1850 = arith.subi %sign3A_1846, %sign3A_1849 : i32
      %ne3A_1851 = arith.cmpi ne, %sign3A_1843, %sign3A_1850 : i32
      %rem3A_1852 = arith.remsi %rem3A_1834, %jit3A_1835 : i32
      %ne3A_1853 = arith.constant 0 : i32
      %ne3A_1854 = arith.cmpi ne, %rem3A_1852, %ne3A_1853 : i32
      %and3A_1855 = arith.andi %ne3A_1851, %ne3A_1854 : i1
      %sub3A_1856 = arith.constant 1 : i32
      %sub3A_1857 = arith.subi %div3A_1836, %sub3A_1856 : i32
      %select_n3A_1858 = arith.select %and3A_1855, %sub3A_1857, %div3A_1836 : i32
      %mul3A_1859 = arith.constant 64 : i32
      %mul3A_1860 = arith.muli %select_n3A_1832, %mul3A_1859 : i32
      %mul3A_1861 = arith.constant 2 : i32
      %mul3A_1862 = arith.muli %select_n3A_1858, %mul3A_1861 : i32
      %mul3A_1863 = arith.constant 64 : i32
      %mul3A_1864 = arith.muli %mul3A_1862, %mul3A_1863 : i32
      %get3A_1865 = arith.constant 24 : index
      %get3A_1866 = memref.load %arg11[%get3A_1865] : memref<32xi32, #tpu.memory_space<smem>>
      %jit3A_1867 = arith.constant 64 : i32
      %div3A_1868 = arith.divsi %get3A_1866, %jit3A_1867 : i32
      %sign3A_1869 = arith.constant 0 : i32
      %sign3A_1870 = arith.cmpi sgt, %get3A_1866, %sign3A_1869 : i32
      %sign3A_1871 = arith.extui %sign3A_1870 : i1 to i32
      %sign3A_1872 = arith.constant 0 : i32
      %sign3A_1873 = arith.cmpi slt, %get3A_1866, %sign3A_1872 : i32
      %sign3A_1874 = arith.extui %sign3A_1873 : i1 to i32
      %sign3A_1875 = arith.subi %sign3A_1871, %sign3A_1874 : i32
      %sign3A_1876 = arith.constant 0 : i32
      %sign3A_1877 = arith.cmpi sgt, %jit3A_1867, %sign3A_1876 : i32
      %sign3A_1878 = arith.extui %sign3A_1877 : i1 to i32
      %sign3A_1879 = arith.constant 0 : i32
      %sign3A_1880 = arith.cmpi slt, %jit3A_1867, %sign3A_1879 : i32
      %sign3A_1881 = arith.extui %sign3A_1880 : i1 to i32
      %sign3A_1882 = arith.subi %sign3A_1878, %sign3A_1881 : i32
      %ne3A_1883 = arith.cmpi ne, %sign3A_1875, %sign3A_1882 : i32
      %rem3A_1884 = arith.remsi %get3A_1866, %jit3A_1867 : i32
      %ne3A_1885 = arith.constant 0 : i32
      %ne3A_1886 = arith.cmpi ne, %rem3A_1884, %ne3A_1885 : i32
      %and3A_1887 = arith.andi %ne3A_1883, %ne3A_1886 : i1
      %sub3A_1888 = arith.constant 1 : i32
      %sub3A_1889 = arith.subi %div3A_1868, %sub3A_1888 : i32
      %select_n3A_1890 = arith.select %and3A_1887, %sub3A_1889, %div3A_1868 : i32
      %rem3A_1891 = arith.constant 64 : i32
      %rem3A_1892 = arith.remsi %get3A_1866, %rem3A_1891 : i32
      %jit3A_1893 = arith.constant 2 : i32
      %div3A_1894 = arith.divsi %rem3A_1892, %jit3A_1893 : i32
      %sign3A_1895 = arith.constant 0 : i32
      %sign3A_1896 = arith.cmpi sgt, %rem3A_1892, %sign3A_1895 : i32
      %sign3A_1897 = arith.extui %sign3A_1896 : i1 to i32
      %sign3A_1898 = arith.constant 0 : i32
      %sign3A_1899 = arith.cmpi slt, %rem3A_1892, %sign3A_1898 : i32
      %sign3A_1900 = arith.extui %sign3A_1899 : i1 to i32
      %sign3A_1901 = arith.subi %sign3A_1897, %sign3A_1900 : i32
      %sign3A_1902 = arith.constant 0 : i32
      %sign3A_1903 = arith.cmpi sgt, %jit3A_1893, %sign3A_1902 : i32
      %sign3A_1904 = arith.extui %sign3A_1903 : i1 to i32
      %sign3A_1905 = arith.constant 0 : i32
      %sign3A_1906 = arith.cmpi slt, %jit3A_1893, %sign3A_1905 : i32
      %sign3A_1907 = arith.extui %sign3A_1906 : i1 to i32
      %sign3A_1908 = arith.subi %sign3A_1904, %sign3A_1907 : i32
      %ne3A_1909 = arith.cmpi ne, %sign3A_1901, %sign3A_1908 : i32
      %rem3A_1910 = arith.remsi %rem3A_1892, %jit3A_1893 : i32
      %ne3A_1911 = arith.constant 0 : i32
      %ne3A_1912 = arith.cmpi ne, %rem3A_1910, %ne3A_1911 : i32
      %and3A_1913 = arith.andi %ne3A_1909, %ne3A_1912 : i1
      %sub3A_1914 = arith.constant 1 : i32
      %sub3A_1915 = arith.subi %div3A_1894, %sub3A_1914 : i32
      %select_n3A_1916 = arith.select %and3A_1913, %sub3A_1915, %div3A_1894 : i32
      %mul3A_1917 = arith.constant 64 : i32
      %mul3A_1918 = arith.muli %select_n3A_1890, %mul3A_1917 : i32
      %mul3A_1919 = arith.constant 2 : i32
      %mul3A_1920 = arith.muli %select_n3A_1916, %mul3A_1919 : i32
      %mul3A_1921 = arith.constant 64 : i32
      %mul3A_1922 = arith.muli %mul3A_1920, %mul3A_1921 : i32
      %dma_start3A = arith.constant 0 : i32
      %dma_start3A_1923 = arith.constant 0 : i32
      %dma_start3A_1924 = arith.constant 0 : i32
      %dma_start3A_1925 = arith.constant 0 : i32
      %dma_start3A_1926 = tpu.memref_slice %arg12[%dma_start3A, %dma_start3A_1923, %dma_start3A_1924, %dma_start3A_1925] : memref<25x3x64x128xf32, #tpu.memory_space<any>> -> memref<1x3x64x128xf32, #tpu.memory_space<any>>
      %dma_start3A_1927 = tpu.memref_squeeze %dma_start3A_1926 : memref<1x3x64x128xf32, #tpu.memory_space<any>> -> memref<3x64x128xf32, #tpu.memory_space<any>>
      %dma_start3A_1928 = arith.constant 0 : i32
      %dma_start3A_1929 = tpu.memref_slice %arg10[%dma_start3A_1928, %mul3A_526, %mul3A_530] : memref<3x4096x4096xf32, #tpu.memory_space<any>> -> memref<3x64x128xf32, #tpu.memory_space<any>>
      tpu.enqueue_dma source(%dma_start3A_1929 : memref<3x64x128xf32, #tpu.memory_space<any>>) target(%dma_start3A_1927 : memref<3x64x128xf32, #tpu.memory_space<any>>) target_semaphore(%arg14 : memref<!tpu.dma_semaphore, #tpu.memory_space<semaphore_mem>>)
      %dma_start3A_1930 = arith.constant 1 : i32
      %dma_start3A_1931 = arith.constant 0 : i32
      %dma_start3A_1932 = arith.constant 0 : i32
      %dma_start3A_1933 = arith.constant 0 : i32
      %dma_start3A_1934 = tpu.memref_slice %arg12[%dma_start3A_1930, %dma_start3A_1931, %dma_start3A_1932, %dma_start3A_1933] : memref<25x3x64x128xf32, #tpu.memory_space<any>> -> memref<1x3x64x128xf32, #tpu.memory_space<any>>
      %dma_start3A_1935 = tpu.memref_squeeze %dma_start3A_1934 : memref<1x3x64x128xf32, #tpu.memory_space<any>> -> memref<3x64x128xf32, #tpu.memory_space<any>>
      %dma_start3A_1936 = arith.constant 0 : i32
      %dma_start3A_1937 = tpu.memref_slice %arg10[%dma_start3A_1936, %mul3A_584, %mul3A_588] : memref<3x4096x4096xf32, #tpu.memory_space<any>> -> memref<3x64x128xf32, #tpu.memory_space<any>>
      tpu.enqueue_dma source(%dma_start3A_1937 : memref<3x64x128xf32, #tpu.memory_space<any>>) target(%dma_start3A_1935 : memref<3x64x128xf32, #tpu.memory_space<any>>) target_semaphore(%arg14 : memref<!tpu.dma_semaphore, #tpu.memory_space<semaphore_mem>>)
      %dma_start3A_1938 = arith.constant 2 : i32
      %dma_start3A_1939 = arith.constant 0 : i32
      %dma_start3A_1940 = arith.constant 0 : i32
      %dma_start3A_1941 = arith.constant 0 : i32
      %dma_start3A_1942 = tpu.memref_slice %arg12[%dma_start3A_1938, %dma_start3A_1939, %dma_start3A_1940, %dma_start3A_1941] : memref<25x3x64x128xf32, #tpu.memory_space<any>> -> memref<1x3x64x128xf32, #tpu.memory_space<any>>
      %dma_start3A_1943 = tpu.memref_squeeze %dma_start3A_1942 : memref<1x3x64x128xf32, #tpu.memory_space<any>> -> memref<3x64x128xf32, #tpu.memory_space<any>>
      %dma_start3A_1944 = arith.constant 0 : i32
      %dma_start3A_1945 = tpu.memref_slice %arg10[%dma_start3A_1944, %mul3A_642, %mul3A_646] : memref<3x4096x4096xf32, #tpu.memory_space<any>> -> memref<3x64x128xf32, #tpu.memory_space<any>>
      tpu.enqueue_dma source(%dma_start3A_1945 : memref<3x64x128xf32, #tpu.memory_space<any>>) target(%dma_start3A_1943 : memref<3x64x128xf32, #tpu.memory_space<any>>) target_semaphore(%arg14 : memref<!tpu.dma_semaphore, #tpu.memory_space<semaphore_mem>>)
      %dma_start3A_1946 = arith.constant 3 : i32
      %dma_start3A_1947 = arith.constant 0 : i32
      %dma_start3A_1948 = arith.constant 0 : i32
      %dma_start3A_1949 = arith.constant 0 : i32
      %dma_start3A_1950 = tpu.memref_slice %arg12[%dma_start3A_1946, %dma_start3A_1947, %dma_start3A_1948, %dma_start3A_1949] : memref<25x3x64x128xf32, #tpu.memory_space<any>> -> memref<1x3x64x128xf32, #tpu.memory_space<any>>
      %dma_start3A_1951 = tpu.memref_squeeze %dma_start3A_1950 : memref<1x3x64x128xf32, #tpu.memory_space<any>> -> memref<3x64x128xf32, #tpu.memory_space<any>>
      %dma_start3A_1952 = arith.constant 0 : i32
      %dma_start3A_1953 = tpu.memref_slice %arg10[%dma_start3A_1952, %mul3A_700, %mul3A_704] : memref<3x4096x4096xf32, #tpu.memory_space<any>> -> memref<3x64x128xf32, #tpu.memory_space<any>>
      tpu.enqueue_dma source(%dma_start3A_1953 : memref<3x64x128xf32, #tpu.memory_space<any>>) target(%dma_start3A_1951 : memref<3x64x128xf32, #tpu.memory_space<any>>) target_semaphore(%arg14 : memref<!tpu.dma_semaphore, #tpu.memory_space<semaphore_mem>>)
      %dma_start3A_1954 = arith.constant 4 : i32
      %dma_start3A_1955 = arith.constant 0 : i32
      %dma_start3A_1956 = arith.constant 0 : i32
      %dma_start3A_1957 = arith.constant 0 : i32
      %dma_start3A_1958 = tpu.memref_slice %arg12[%dma_start3A_1954, %dma_start3A_1955, %dma_start3A_1956, %dma_start3A_1957] : memref<25x3x64x128xf32, #tpu.memory_space<any>> -> memref<1x3x64x128xf32, #tpu.memory_space<any>>
      %dma_start3A_1959 = tpu.memref_squeeze %dma_start3A_1958 : memref<1x3x64x128xf32, #tpu.memory_space<any>> -> memref<3x64x128xf32, #tpu.memory_space<any>>
      %dma_start3A_1960 = arith.constant 0 : i32
      %dma_start3A_1961 = tpu.memref_slice %arg10[%dma_start3A_1960, %mul3A_758, %mul3A_762] : memref<3x4096x4096xf32, #tpu.memory_space<any>> -> memref<3x64x128xf32, #tpu.memory_space<any>>
      tpu.enqueue_dma source(%dma_start3A_1961 : memref<3x64x128xf32, #tpu.memory_space<any>>) target(%dma_start3A_1959 : memref<3x64x128xf32, #tpu.memory_space<any>>) target_semaphore(%arg14 : memref<!tpu.dma_semaphore, #tpu.memory_space<semaphore_mem>>)
      %dma_start3A_1962 = arith.constant 5 : i32
      %dma_start3A_1963 = arith.constant 0 : i32
      %dma_start3A_1964 = arith.constant 0 : i32
      %dma_start3A_1965 = arith.constant 0 : i32
      %dma_start3A_1966 = tpu.memref_slice %arg12[%dma_start3A_1962, %dma_start3A_1963, %dma_start3A_1964, %dma_start3A_1965] : memref<25x3x64x128xf32, #tpu.memory_space<any>> -> memref<1x3x64x128xf32, #tpu.memory_space<any>>
      %dma_start3A_1967 = tpu.memref_squeeze %dma_start3A_1966 : memref<1x3x64x128xf32, #tpu.memory_space<any>> -> memref<3x64x128xf32, #tpu.memory_space<any>>
      %dma_start3A_1968 = arith.constant 0 : i32
      %dma_start3A_1969 = tpu.memref_slice %arg10[%dma_start3A_1968, %mul3A_816, %mul3A_820] : memref<3x4096x4096xf32, #tpu.memory_space<any>> -> memref<3x64x128xf32, #tpu.memory_space<any>>
      tpu.enqueue_dma source(%dma_start3A_1969 : memref<3x64x128xf32, #tpu.memory_space<any>>) target(%dma_start3A_1967 : memref<3x64x128xf32, #tpu.memory_space<any>>) target_semaphore(%arg14 : memref<!tpu.dma_semaphore, #tpu.memory_space<semaphore_mem>>)
      %dma_start3A_1970 = arith.constant 6 : i32
      %dma_start3A_1971 = arith.constant 0 : i32
      %dma_start3A_1972 = arith.constant 0 : i32
      %dma_start3A_1973 = arith.constant 0 : i32
      %dma_start3A_1974 = tpu.memref_slice %arg12[%dma_start3A_1970, %dma_start3A_1971, %dma_start3A_1972, %dma_start3A_1973] : memref<25x3x64x128xf32, #tpu.memory_space<any>> -> memref<1x3x64x128xf32, #tpu.memory_space<any>>
      %dma_start3A_1975 = tpu.memref_squeeze %dma_start3A_1974 : memref<1x3x64x128xf32, #tpu.memory_space<any>> -> memref<3x64x128xf32, #tpu.memory_space<any>>
      %dma_start3A_1976 = arith.constant 0 : i32
      %dma_start3A_1977 = tpu.memref_slice %arg10[%dma_start3A_1976, %mul3A_874, %mul3A_878] : memref<3x4096x4096xf32, #tpu.memory_space<any>> -> memref<3x64x128xf32, #tpu.memory_space<any>>
      tpu.enqueue_dma source(%dma_start3A_1977 : memref<3x64x128xf32, #tpu.memory_space<any>>) target(%dma_start3A_1975 : memref<3x64x128xf32, #tpu.memory_space<any>>) target_semaphore(%arg14 : memref<!tpu.dma_semaphore, #tpu.memory_space<semaphore_mem>>)
      %dma_start3A_1978 = arith.constant 7 : i32
      %dma_start3A_1979 = arith.constant 0 : i32
      %dma_start3A_1980 = arith.constant 0 : i32
      %dma_start3A_1981 = arith.constant 0 : i32
      %dma_start3A_1982 = tpu.memref_slice %arg12[%dma_start3A_1978, %dma_start3A_1979, %dma_start3A_1980, %dma_start3A_1981] : memref<25x3x64x128xf32, #tpu.memory_space<any>> -> memref<1x3x64x128xf32, #tpu.memory_space<any>>
      %dma_start3A_1983 = tpu.memref_squeeze %dma_start3A_1982 : memref<1x3x64x128xf32, #tpu.memory_space<any>> -> memref<3x64x128xf32, #tpu.memory_space<any>>
      %dma_start3A_1984 = arith.constant 0 : i32
      %dma_start3A_1985 = tpu.memref_slice %arg10[%dma_start3A_1984, %mul3A_932, %mul3A_936] : memref<3x4096x4096xf32, #tpu.memory_space<any>> -> memref<3x64x128xf32, #tpu.memory_space<any>>
      tpu.enqueue_dma source(%dma_start3A_1985 : memref<3x64x128xf32, #tpu.memory_space<any>>) target(%dma_start3A_1983 : memref<3x64x128xf32, #tpu.memory_space<any>>) target_semaphore(%arg14 : memref<!tpu.dma_semaphore, #tpu.memory_space<semaphore_mem>>)
      %dma_start3A_1986 = arith.constant 8 : i32
      %dma_start3A_1987 = arith.constant 0 : i32
      %dma_start3A_1988 = arith.constant 0 : i32
      %dma_start3A_1989 = arith.constant 0 : i32
      %dma_start3A_1990 = tpu.memref_slice %arg12[%dma_start3A_1986, %dma_start3A_1987, %dma_start3A_1988, %dma_start3A_1989] : memref<25x3x64x128xf32, #tpu.memory_space<any>> -> memref<1x3x64x128xf32, #tpu.memory_space<any>>
      %dma_start3A_1991 = tpu.memref_squeeze %dma_start3A_1990 : memref<1x3x64x128xf32, #tpu.memory_space<any>> -> memref<3x64x128xf32, #tpu.memory_space<any>>
      %dma_start3A_1992 = arith.constant 0 : i32
      %dma_start3A_1993 = tpu.memref_slice %arg10[%dma_start3A_1992, %mul3A_990, %mul3A_994] : memref<3x4096x4096xf32, #tpu.memory_space<any>> -> memref<3x64x128xf32, #tpu.memory_space<any>>
      tpu.enqueue_dma source(%dma_start3A_1993 : memref<3x64x128xf32, #tpu.memory_space<any>>) target(%dma_start3A_1991 : memref<3x64x128xf32, #tpu.memory_space<any>>) target_semaphore(%arg14 : memref<!tpu.dma_semaphore, #tpu.memory_space<semaphore_mem>>)
      %dma_start3A_1994 = arith.constant 9 : i32
      %dma_start3A_1995 = arith.constant 0 : i32
      %dma_start3A_1996 = arith.constant 0 : i32
      %dma_start3A_1997 = arith.constant 0 : i32
      %dma_start3A_1998 = tpu.memref_slice %arg12[%dma_start3A_1994, %dma_start3A_1995, %dma_start3A_1996, %dma_start3A_1997] : memref<25x3x64x128xf32, #tpu.memory_space<any>> -> memref<1x3x64x128xf32, #tpu.memory_space<any>>
      %dma_start3A_1999 = tpu.memref_squeeze %dma_start3A_1998 : memref<1x3x64x128xf32, #tpu.memory_space<any>> -> memref<3x64x128xf32, #tpu.memory_space<any>>
      %dma_start3A_2000 = arith.constant 0 : i32
      %dma_start3A_2001 = tpu.memref_slice %arg10[%dma_start3A_2000, %mul3A_1048, %mul3A_1052] : memref<3x4096x4096xf32, #tpu.memory_space<any>> -> memref<3x64x128xf32, #tpu.memory_space<any>>
      tpu.enqueue_dma source(%dma_start3A_2001 : memref<3x64x128xf32, #tpu.memory_space<any>>) target(%dma_start3A_1999 : memref<3x64x128xf32, #tpu.memory_space<any>>) target_semaphore(%arg14 : memref<!tpu.dma_semaphore, #tpu.memory_space<semaphore_mem>>)
      %dma_start3A_2002 = arith.constant 10 : i32
      %dma_start3A_2003 = arith.constant 0 : i32
      %dma_start3A_2004 = arith.constant 0 : i32
      %dma_start3A_2005 = arith.constant 0 : i32
      %dma_start3A_2006 = tpu.memref_slice %arg12[%dma_start3A_2002, %dma_start3A_2003, %dma_start3A_2004, %dma_start3A_2005] : memref<25x3x64x128xf32, #tpu.memory_space<any>> -> memref<1x3x64x128xf32, #tpu.memory_space<any>>
      %dma_start3A_2007 = tpu.memref_squeeze %dma_start3A_2006 : memref<1x3x64x128xf32, #tpu.memory_space<any>> -> memref<3x64x128xf32, #tpu.memory_space<any>>
      %dma_start3A_2008 = arith.constant 0 : i32
      %dma_start3A_2009 = tpu.memref_slice %arg10[%dma_start3A_2008, %mul3A_1106, %mul3A_1110] : memref<3x4096x4096xf32, #tpu.memory_space<any>> -> memref<3x64x128xf32, #tpu.memory_space<any>>
      tpu.enqueue_dma source(%dma_start3A_2009 : memref<3x64x128xf32, #tpu.memory_space<any>>) target(%dma_start3A_2007 : memref<3x64x128xf32, #tpu.memory_space<any>>) target_semaphore(%arg14 : memref<!tpu.dma_semaphore, #tpu.memory_space<semaphore_mem>>)
      %dma_start3A_2010 = arith.constant 11 : i32
      %dma_start3A_2011 = arith.constant 0 : i32
      %dma_start3A_2012 = arith.constant 0 : i32
      %dma_start3A_2013 = arith.constant 0 : i32
      %dma_start3A_2014 = tpu.memref_slice %arg12[%dma_start3A_2010, %dma_start3A_2011, %dma_start3A_2012, %dma_start3A_2013] : memref<25x3x64x128xf32, #tpu.memory_space<any>> -> memref<1x3x64x128xf32, #tpu.memory_space<any>>
      %dma_start3A_2015 = tpu.memref_squeeze %dma_start3A_2014 : memref<1x3x64x128xf32, #tpu.memory_space<any>> -> memref<3x64x128xf32, #tpu.memory_space<any>>
      %dma_start3A_2016 = arith.constant 0 : i32
      %dma_start3A_2017 = tpu.memref_slice %arg10[%dma_start3A_2016, %mul3A_1164, %mul3A_1168] : memref<3x4096x4096xf32, #tpu.memory_space<any>> -> memref<3x64x128xf32, #tpu.memory_space<any>>
      tpu.enqueue_dma source(%dma_start3A_2017 : memref<3x64x128xf32, #tpu.memory_space<any>>) target(%dma_start3A_2015 : memref<3x64x128xf32, #tpu.memory_space<any>>) target_semaphore(%arg14 : memref<!tpu.dma_semaphore, #tpu.memory_space<semaphore_mem>>)
      %dma_start3A_2018 = arith.constant 12 : i32
      %dma_start3A_2019 = arith.constant 0 : i32
      %dma_start3A_2020 = arith.constant 0 : i32
      %dma_start3A_2021 = arith.constant 0 : i32
      %dma_start3A_2022 = tpu.memref_slice %arg12[%dma_start3A_2018, %dma_start3A_2019, %dma_start3A_2020, %dma_start3A_2021] : memref<25x3x64x128xf32, #tpu.memory_space<any>> -> memref<1x3x64x128xf32, #tpu.memory_space<any>>
      %dma_start3A_2023 = tpu.memref_squeeze %dma_start3A_2022 : memref<1x3x64x128xf32, #tpu.memory_space<any>> -> memref<3x64x128xf32, #tpu.memory_space<any>>
      %dma_start3A_2024 = arith.constant 0 : i32
      %dma_start3A_2025 = tpu.memref_slice %arg10[%dma_start3A_2024, %mul3A_1222, %mul3A_1226] : memref<3x4096x4096xf32, #tpu.memory_space<any>> -> memref<3x64x128xf32, #tpu.memory_space<any>>
      tpu.enqueue_dma source(%dma_start3A_2025 : memref<3x64x128xf32, #tpu.memory_space<any>>) target(%dma_start3A_2023 : memref<3x64x128xf32, #tpu.memory_space<any>>) target_semaphore(%arg14 : memref<!tpu.dma_semaphore, #tpu.memory_space<semaphore_mem>>)
      %dma_start3A_2026 = arith.constant 13 : i32
      %dma_start3A_2027 = arith.constant 0 : i32
      %dma_start3A_2028 = arith.constant 0 : i32
      %dma_start3A_2029 = arith.constant 0 : i32
      %dma_start3A_2030 = tpu.memref_slice %arg12[%dma_start3A_2026, %dma_start3A_2027, %dma_start3A_2028, %dma_start3A_2029] : memref<25x3x64x128xf32, #tpu.memory_space<any>> -> memref<1x3x64x128xf32, #tpu.memory_space<any>>
      %dma_start3A_2031 = tpu.memref_squeeze %dma_start3A_2030 : memref<1x3x64x128xf32, #tpu.memory_space<any>> -> memref<3x64x128xf32, #tpu.memory_space<any>>
      %dma_start3A_2032 = arith.constant 0 : i32
      %dma_start3A_2033 = tpu.memref_slice %arg10[%dma_start3A_2032, %mul3A_1280, %mul3A_1284] : memref<3x4096x4096xf32, #tpu.memory_space<any>> -> memref<3x64x128xf32, #tpu.memory_space<any>>
      tpu.enqueue_dma source(%dma_start3A_2033 : memref<3x64x128xf32, #tpu.memory_space<any>>) target(%dma_start3A_2031 : memref<3x64x128xf32, #tpu.memory_space<any>>) target_semaphore(%arg14 : memref<!tpu.dma_semaphore, #tpu.memory_space<semaphore_mem>>)
      %dma_start3A_2034 = arith.constant 14 : i32
      %dma_start3A_2035 = arith.constant 0 : i32
      %dma_start3A_2036 = arith.constant 0 : i32
      %dma_start3A_2037 = arith.constant 0 : i32
      %dma_start3A_2038 = tpu.memref_slice %arg12[%dma_start3A_2034, %dma_start3A_2035, %dma_start3A_2036, %dma_start3A_2037] : memref<25x3x64x128xf32, #tpu.memory_space<any>> -> memref<1x3x64x128xf32, #tpu.memory_space<any>>
      %dma_start3A_2039 = tpu.memref_squeeze %dma_start3A_2038 : memref<1x3x64x128xf32, #tpu.memory_space<any>> -> memref<3x64x128xf32, #tpu.memory_space<any>>
      %dma_start3A_2040 = arith.constant 0 : i32
      %dma_start3A_2041 = tpu.memref_slice %arg10[%dma_start3A_2040, %mul3A_1338, %mul3A_1342] : memref<3x4096x4096xf32, #tpu.memory_space<any>> -> memref<3x64x128xf32, #tpu.memory_space<any>>
      tpu.enqueue_dma source(%dma_start3A_2041 : memref<3x64x128xf32, #tpu.memory_space<any>>) target(%dma_start3A_2039 : memref<3x64x128xf32, #tpu.memory_space<any>>) target_semaphore(%arg14 : memref<!tpu.dma_semaphore, #tpu.memory_space<semaphore_mem>>)
      %dma_start3A_2042 = arith.constant 15 : i32
      %dma_start3A_2043 = arith.constant 0 : i32
      %dma_start3A_2044 = arith.constant 0 : i32
      %dma_start3A_2045 = arith.constant 0 : i32
      %dma_start3A_2046 = tpu.memref_slice %arg12[%dma_start3A_2042, %dma_start3A_2043, %dma_start3A_2044, %dma_start3A_2045] : memref<25x3x64x128xf32, #tpu.memory_space<any>> -> memref<1x3x64x128xf32, #tpu.memory_space<any>>
      %dma_start3A_2047 = tpu.memref_squeeze %dma_start3A_2046 : memref<1x3x64x128xf32, #tpu.memory_space<any>> -> memref<3x64x128xf32, #tpu.memory_space<any>>
      %dma_start3A_2048 = arith.constant 0 : i32
      %dma_start3A_2049 = tpu.memref_slice %arg10[%dma_start3A_2048, %mul3A_1396, %mul3A_1400] : memref<3x4096x4096xf32, #tpu.memory_space<any>> -> memref<3x64x128xf32, #tpu.memory_space<any>>
      tpu.enqueue_dma source(%dma_start3A_2049 : memref<3x64x128xf32, #tpu.memory_space<any>>) target(%dma_start3A_2047 : memref<3x64x128xf32, #tpu.memory_space<any>>) target_semaphore(%arg14 : memref<!tpu.dma_semaphore, #tpu.memory_space<semaphore_mem>>)
      %dma_start3A_2050 = arith.constant 16 : i32
      %dma_start3A_2051 = arith.constant 0 : i32
      %dma_start3A_2052 = arith.constant 0 : i32
      %dma_start3A_2053 = arith.constant 0 : i32
      %dma_start3A_2054 = tpu.memref_slice %arg12[%dma_start3A_2050, %dma_start3A_2051, %dma_start3A_2052, %dma_start3A_2053] : memref<25x3x64x128xf32, #tpu.memory_space<any>> -> memref<1x3x64x128xf32, #tpu.memory_space<any>>
      %dma_start3A_2055 = tpu.memref_squeeze %dma_start3A_2054 : memref<1x3x64x128xf32, #tpu.memory_space<any>> -> memref<3x64x128xf32, #tpu.memory_space<any>>
      %dma_start3A_2056 = arith.constant 0 : i32
      %dma_start3A_2057 = tpu.memref_slice %arg10[%dma_start3A_2056, %mul3A_1454, %mul3A_1458] : memref<3x4096x4096xf32, #tpu.memory_space<any>> -> memref<3x64x128xf32, #tpu.memory_space<any>>
      tpu.enqueue_dma source(%dma_start3A_2057 : memref<3x64x128xf32, #tpu.memory_space<any>>) target(%dma_start3A_2055 : memref<3x64x128xf32, #tpu.memory_space<any>>) target_semaphore(%arg14 : memref<!tpu.dma_semaphore, #tpu.memory_space<semaphore_mem>>)
      %dma_start3A_2058 = arith.constant 17 : i32
      %dma_start3A_2059 = arith.constant 0 : i32
      %dma_start3A_2060 = arith.constant 0 : i32
      %dma_start3A_2061 = arith.constant 0 : i32
      %dma_start3A_2062 = tpu.memref_slice %arg12[%dma_start3A_2058, %dma_start3A_2059, %dma_start3A_2060, %dma_start3A_2061] : memref<25x3x64x128xf32, #tpu.memory_space<any>> -> memref<1x3x64x128xf32, #tpu.memory_space<any>>
      %dma_start3A_2063 = tpu.memref_squeeze %dma_start3A_2062 : memref<1x3x64x128xf32, #tpu.memory_space<any>> -> memref<3x64x128xf32, #tpu.memory_space<any>>
      %dma_start3A_2064 = arith.constant 0 : i32
      %dma_start3A_2065 = tpu.memref_slice %arg10[%dma_start3A_2064, %mul3A_1512, %mul3A_1516] : memref<3x4096x4096xf32, #tpu.memory_space<any>> -> memref<3x64x128xf32, #tpu.memory_space<any>>
      tpu.enqueue_dma source(%dma_start3A_2065 : memref<3x64x128xf32, #tpu.memory_space<any>>) target(%dma_start3A_2063 : memref<3x64x128xf32, #tpu.memory_space<any>>) target_semaphore(%arg14 : memref<!tpu.dma_semaphore, #tpu.memory_space<semaphore_mem>>)
      %dma_start3A_2066 = arith.constant 18 : i32
      %dma_start3A_2067 = arith.constant 0 : i32
      %dma_start3A_2068 = arith.constant 0 : i32
      %dma_start3A_2069 = arith.constant 0 : i32
      %dma_start3A_2070 = tpu.memref_slice %arg12[%dma_start3A_2066, %dma_start3A_2067, %dma_start3A_2068, %dma_start3A_2069] : memref<25x3x64x128xf32, #tpu.memory_space<any>> -> memref<1x3x64x128xf32, #tpu.memory_space<any>>
      %dma_start3A_2071 = tpu.memref_squeeze %dma_start3A_2070 : memref<1x3x64x128xf32, #tpu.memory_space<any>> -> memref<3x64x128xf32, #tpu.memory_space<any>>
      %dma_start3A_2072 = arith.constant 0 : i32
      %dma_start3A_2073 = tpu.memref_slice %arg10[%dma_start3A_2072, %mul3A_1570, %mul3A_1574] : memref<3x4096x4096xf32, #tpu.memory_space<any>> -> memref<3x64x128xf32, #tpu.memory_space<any>>
      tpu.enqueue_dma source(%dma_start3A_2073 : memref<3x64x128xf32, #tpu.memory_space<any>>) target(%dma_start3A_2071 : memref<3x64x128xf32, #tpu.memory_space<any>>) target_semaphore(%arg14 : memref<!tpu.dma_semaphore, #tpu.memory_space<semaphore_mem>>)
      %dma_start3A_2074 = arith.constant 19 : i32
      %dma_start3A_2075 = arith.constant 0 : i32
      %dma_start3A_2076 = arith.constant 0 : i32
      %dma_start3A_2077 = arith.constant 0 : i32
      %dma_start3A_2078 = tpu.memref_slice %arg12[%dma_start3A_2074, %dma_start3A_2075, %dma_start3A_2076, %dma_start3A_2077] : memref<25x3x64x128xf32, #tpu.memory_space<any>> -> memref<1x3x64x128xf32, #tpu.memory_space<any>>
      %dma_start3A_2079 = tpu.memref_squeeze %dma_start3A_2078 : memref<1x3x64x128xf32, #tpu.memory_space<any>> -> memref<3x64x128xf32, #tpu.memory_space<any>>
      %dma_start3A_2080 = arith.constant 0 : i32
      %dma_start3A_2081 = tpu.memref_slice %arg10[%dma_start3A_2080, %mul3A_1628, %mul3A_1632] : memref<3x4096x4096xf32, #tpu.memory_space<any>> -> memref<3x64x128xf32, #tpu.memory_space<any>>
      tpu.enqueue_dma source(%dma_start3A_2081 : memref<3x64x128xf32, #tpu.memory_space<any>>) target(%dma_start3A_2079 : memref<3x64x128xf32, #tpu.memory_space<any>>) target_semaphore(%arg14 : memref<!tpu.dma_semaphore, #tpu.memory_space<semaphore_mem>>)
      %dma_start3A_2082 = arith.constant 20 : i32
      %dma_start3A_2083 = arith.constant 0 : i32
      %dma_start3A_2084 = arith.constant 0 : i32
      %dma_start3A_2085 = arith.constant 0 : i32
      %dma_start3A_2086 = tpu.memref_slice %arg12[%dma_start3A_2082, %dma_start3A_2083, %dma_start3A_2084, %dma_start3A_2085] : memref<25x3x64x128xf32, #tpu.memory_space<any>> -> memref<1x3x64x128xf32, #tpu.memory_space<any>>
      %dma_start3A_2087 = tpu.memref_squeeze %dma_start3A_2086 : memref<1x3x64x128xf32, #tpu.memory_space<any>> -> memref<3x64x128xf32, #tpu.memory_space<any>>
      %dma_start3A_2088 = arith.constant 0 : i32
      %dma_start3A_2089 = tpu.memref_slice %arg10[%dma_start3A_2088, %mul3A_1686, %mul3A_1690] : memref<3x4096x4096xf32, #tpu.memory_space<any>> -> memref<3x64x128xf32, #tpu.memory_space<any>>
      tpu.enqueue_dma source(%dma_start3A_2089 : memref<3x64x128xf32, #tpu.memory_space<any>>) target(%dma_start3A_2087 : memref<3x64x128xf32, #tpu.memory_space<any>>) target_semaphore(%arg14 : memref<!tpu.dma_semaphore, #tpu.memory_space<semaphore_mem>>)
      %dma_start3A_2090 = arith.constant 21 : i32
      %dma_start3A_2091 = arith.constant 0 : i32
      %dma_start3A_2092 = arith.constant 0 : i32
      %dma_start3A_2093 = arith.constant 0 : i32
      %dma_start3A_2094 = tpu.memref_slice %arg12[%dma_start3A_2090, %dma_start3A_2091, %dma_start3A_2092, %dma_start3A_2093] : memref<25x3x64x128xf32, #tpu.memory_space<any>> -> memref<1x3x64x128xf32, #tpu.memory_space<any>>
      %dma_start3A_2095 = tpu.memref_squeeze %dma_start3A_2094 : memref<1x3x64x128xf32, #tpu.memory_space<any>> -> memref<3x64x128xf32, #tpu.memory_space<any>>
      %dma_start3A_2096 = arith.constant 0 : i32
      %dma_start3A_2097 = tpu.memref_slice %arg10[%dma_start3A_2096, %mul3A_1744, %mul3A_1748] : memref<3x4096x4096xf32, #tpu.memory_space<any>> -> memref<3x64x128xf32, #tpu.memory_space<any>>
      tpu.enqueue_dma source(%dma_start3A_2097 : memref<3x64x128xf32, #tpu.memory_space<any>>) target(%dma_start3A_2095 : memref<3x64x128xf32, #tpu.memory_space<any>>) target_semaphore(%arg14 : memref<!tpu.dma_semaphore, #tpu.memory_space<semaphore_mem>>)
      %dma_start3A_2098 = arith.constant 22 : i32
      %dma_start3A_2099 = arith.constant 0 : i32
      %dma_start3A_2100 = arith.constant 0 : i32
      %dma_start3A_2101 = arith.constant 0 : i32
      %dma_start3A_2102 = tpu.memref_slice %arg12[%dma_start3A_2098, %dma_start3A_2099, %dma_start3A_2100, %dma_start3A_2101] : memref<25x3x64x128xf32, #tpu.memory_space<any>> -> memref<1x3x64x128xf32, #tpu.memory_space<any>>
      %dma_start3A_2103 = tpu.memref_squeeze %dma_start3A_2102 : memref<1x3x64x128xf32, #tpu.memory_space<any>> -> memref<3x64x128xf32, #tpu.memory_space<any>>
      %dma_start3A_2104 = arith.constant 0 : i32
      %dma_start3A_2105 = tpu.memref_slice %arg10[%dma_start3A_2104, %mul3A_1802, %mul3A_1806] : memref<3x4096x4096xf32, #tpu.memory_space<any>> -> memref<3x64x128xf32, #tpu.memory_space<any>>
      tpu.enqueue_dma source(%dma_start3A_2105 : memref<3x64x128xf32, #tpu.memory_space<any>>) target(%dma_start3A_2103 : memref<3x64x128xf32, #tpu.memory_space<any>>) target_semaphore(%arg14 : memref<!tpu.dma_semaphore, #tpu.memory_space<semaphore_mem>>)
      %dma_start3A_2106 = arith.constant 23 : i32
      %dma_start3A_2107 = arith.constant 0 : i32
      %dma_start3A_2108 = arith.constant 0 : i32
      %dma_start3A_2109 = arith.constant 0 : i32
      %dma_start3A_2110 = tpu.memref_slice %arg12[%dma_start3A_2106, %dma_start3A_2107, %dma_start3A_2108, %dma_start3A_2109] : memref<25x3x64x128xf32, #tpu.memory_space<any>> -> memref<1x3x64x128xf32, #tpu.memory_space<any>>
      %dma_start3A_2111 = tpu.memref_squeeze %dma_start3A_2110 : memref<1x3x64x128xf32, #tpu.memory_space<any>> -> memref<3x64x128xf32, #tpu.memory_space<any>>
      %dma_start3A_2112 = arith.constant 0 : i32
      %dma_start3A_2113 = tpu.memref_slice %arg10[%dma_start3A_2112, %mul3A_1860, %mul3A_1864] : memref<3x4096x4096xf32, #tpu.memory_space<any>> -> memref<3x64x128xf32, #tpu.memory_space<any>>
      tpu.enqueue_dma source(%dma_start3A_2113 : memref<3x64x128xf32, #tpu.memory_space<any>>) target(%dma_start3A_2111 : memref<3x64x128xf32, #tpu.memory_space<any>>) target_semaphore(%arg14 : memref<!tpu.dma_semaphore, #tpu.memory_space<semaphore_mem>>)
      %dma_start3A_2114 = arith.constant 24 : i32
      %dma_start3A_2115 = arith.constant 0 : i32
      %dma_start3A_2116 = arith.constant 0 : i32
      %dma_start3A_2117 = arith.constant 0 : i32
      %dma_start3A_2118 = tpu.memref_slice %arg12[%dma_start3A_2114, %dma_start3A_2115, %dma_start3A_2116, %dma_start3A_2117] : memref<25x3x64x128xf32, #tpu.memory_space<any>> -> memref<1x3x64x128xf32, #tpu.memory_space<any>>
      %dma_start3A_2119 = tpu.memref_squeeze %dma_start3A_2118 : memref<1x3x64x128xf32, #tpu.memory_space<any>> -> memref<3x64x128xf32, #tpu.memory_space<any>>
      %dma_start3A_2120 = arith.constant 0 : i32
      %dma_start3A_2121 = tpu.memref_slice %arg10[%dma_start3A_2120, %mul3A_1918, %mul3A_1922] : memref<3x4096x4096xf32, #tpu.memory_space<any>> -> memref<3x64x128xf32, #tpu.memory_space<any>>
      tpu.enqueue_dma source(%dma_start3A_2121 : memref<3x64x128xf32, #tpu.memory_space<any>>) target(%dma_start3A_2119 : memref<3x64x128xf32, #tpu.memory_space<any>>) target_semaphore(%arg14 : memref<!tpu.dma_semaphore, #tpu.memory_space<semaphore_mem>>)
      %dma_wait3A = arith.constant 0 : i32
      %dma_wait3A_2122 = arith.constant 0 : i32
      %dma_wait3A_2123 = arith.constant 0 : i32
      %dma_wait3A_2124 = arith.constant 0 : i32
      %dma_wait3A_2125 = tpu.memref_slice %arg12[%dma_wait3A, %dma_wait3A_2122, %dma_wait3A_2123, %dma_wait3A_2124] : memref<25x3x64x128xf32, #tpu.memory_space<any>> -> memref<1x3x64x128xf32, #tpu.memory_space<any>>
      %dma_wait3A_2126 = tpu.memref_squeeze %dma_wait3A_2125 : memref<1x3x64x128xf32, #tpu.memory_space<any>> -> memref<3x64x128xf32, #tpu.memory_space<any>>
      %dma_wait3A_2127 = arith.constant 0 : i32
      %dma_wait3A_2128 = tpu.memref_slice %arg10[%dma_wait3A_2127, %mul3A_526, %mul3A_530] : memref<3x4096x4096xf32, #tpu.memory_space<any>> -> memref<3x64x128xf32, #tpu.memory_space<any>>
      tpu.wait_dma2 semaphore(%arg14 : memref<!tpu.dma_semaphore, #tpu.memory_space<semaphore_mem>>) src(%dma_wait3A_2128 : memref<3x64x128xf32, #tpu.memory_space<any>>) dst(%dma_wait3A_2126 : memref<3x64x128xf32, #tpu.memory_space<any>>)
      %dma_wait3A_2129 = arith.constant 1 : i32
      %dma_wait3A_2130 = arith.constant 0 : i32
      %dma_wait3A_2131 = arith.constant 0 : i32
      %dma_wait3A_2132 = arith.constant 0 : i32
      %dma_wait3A_2133 = tpu.memref_slice %arg12[%dma_wait3A_2129, %dma_wait3A_2130, %dma_wait3A_2131, %dma_wait3A_2132] : memref<25x3x64x128xf32, #tpu.memory_space<any>> -> memref<1x3x64x128xf32, #tpu.memory_space<any>>
      %dma_wait3A_2134 = tpu.memref_squeeze %dma_wait3A_2133 : memref<1x3x64x128xf32, #tpu.memory_space<any>> -> memref<3x64x128xf32, #tpu.memory_space<any>>
      %dma_wait3A_2135 = arith.constant 0 : i32
      %dma_wait3A_2136 = tpu.memref_slice %arg10[%dma_wait3A_2135, %mul3A_584, %mul3A_588] : memref<3x4096x4096xf32, #tpu.memory_space<any>> -> memref<3x64x128xf32, #tpu.memory_space<any>>
      tpu.wait_dma2 semaphore(%arg14 : memref<!tpu.dma_semaphore, #tpu.memory_space<semaphore_mem>>) src(%dma_wait3A_2136 : memref<3x64x128xf32, #tpu.memory_space<any>>) dst(%dma_wait3A_2134 : memref<3x64x128xf32, #tpu.memory_space<any>>)
      %dma_wait3A_2137 = arith.constant 2 : i32
      %dma_wait3A_2138 = arith.constant 0 : i32
      %dma_wait3A_2139 = arith.constant 0 : i32
      %dma_wait3A_2140 = arith.constant 0 : i32
      %dma_wait3A_2141 = tpu.memref_slice %arg12[%dma_wait3A_2137, %dma_wait3A_2138, %dma_wait3A_2139, %dma_wait3A_2140] : memref<25x3x64x128xf32, #tpu.memory_space<any>> -> memref<1x3x64x128xf32, #tpu.memory_space<any>>
      %dma_wait3A_2142 = tpu.memref_squeeze %dma_wait3A_2141 : memref<1x3x64x128xf32, #tpu.memory_space<any>> -> memref<3x64x128xf32, #tpu.memory_space<any>>
      %dma_wait3A_2143 = arith.constant 0 : i32
      %dma_wait3A_2144 = tpu.memref_slice %arg10[%dma_wait3A_2143, %mul3A_642, %mul3A_646] : memref<3x4096x4096xf32, #tpu.memory_space<any>> -> memref<3x64x128xf32, #tpu.memory_space<any>>
      tpu.wait_dma2 semaphore(%arg14 : memref<!tpu.dma_semaphore, #tpu.memory_space<semaphore_mem>>) src(%dma_wait3A_2144 : memref<3x64x128xf32, #tpu.memory_space<any>>) dst(%dma_wait3A_2142 : memref<3x64x128xf32, #tpu.memory_space<any>>)
      %dma_wait3A_2145 = arith.constant 3 : i32
      %dma_wait3A_2146 = arith.constant 0 : i32
      %dma_wait3A_2147 = arith.constant 0 : i32
      %dma_wait3A_2148 = arith.constant 0 : i32
      %dma_wait3A_2149 = tpu.memref_slice %arg12[%dma_wait3A_2145, %dma_wait3A_2146, %dma_wait3A_2147, %dma_wait3A_2148] : memref<25x3x64x128xf32, #tpu.memory_space<any>> -> memref<1x3x64x128xf32, #tpu.memory_space<any>>
      %dma_wait3A_2150 = tpu.memref_squeeze %dma_wait3A_2149 : memref<1x3x64x128xf32, #tpu.memory_space<any>> -> memref<3x64x128xf32, #tpu.memory_space<any>>
      %dma_wait3A_2151 = arith.constant 0 : i32
      %dma_wait3A_2152 = tpu.memref_slice %arg10[%dma_wait3A_2151, %mul3A_700, %mul3A_704] : memref<3x4096x4096xf32, #tpu.memory_space<any>> -> memref<3x64x128xf32, #tpu.memory_space<any>>
      tpu.wait_dma2 semaphore(%arg14 : memref<!tpu.dma_semaphore, #tpu.memory_space<semaphore_mem>>) src(%dma_wait3A_2152 : memref<3x64x128xf32, #tpu.memory_space<any>>) dst(%dma_wait3A_2150 : memref<3x64x128xf32, #tpu.memory_space<any>>)
      %dma_wait3A_2153 = arith.constant 4 : i32
      %dma_wait3A_2154 = arith.constant 0 : i32
      %dma_wait3A_2155 = arith.constant 0 : i32
      %dma_wait3A_2156 = arith.constant 0 : i32
      %dma_wait3A_2157 = tpu.memref_slice %arg12[%dma_wait3A_2153, %dma_wait3A_2154, %dma_wait3A_2155, %dma_wait3A_2156] : memref<25x3x64x128xf32, #tpu.memory_space<any>> -> memref<1x3x64x128xf32, #tpu.memory_space<any>>
      %dma_wait3A_2158 = tpu.memref_squeeze %dma_wait3A_2157 : memref<1x3x64x128xf32, #tpu.memory_space<any>> -> memref<3x64x128xf32, #tpu.memory_space<any>>
      %dma_wait3A_2159 = arith.constant 0 : i32
      %dma_wait3A_2160 = tpu.memref_slice %arg10[%dma_wait3A_2159, %mul3A_758, %mul3A_762] : memref<3x4096x4096xf32, #tpu.memory_space<any>> -> memref<3x64x128xf32, #tpu.memory_space<any>>
      tpu.wait_dma2 semaphore(%arg14 : memref<!tpu.dma_semaphore, #tpu.memory_space<semaphore_mem>>) src(%dma_wait3A_2160 : memref<3x64x128xf32, #tpu.memory_space<any>>) dst(%dma_wait3A_2158 : memref<3x64x128xf32, #tpu.memory_space<any>>)
      %dma_wait3A_2161 = arith.constant 5 : i32
      %dma_wait3A_2162 = arith.constant 0 : i32
      %dma_wait3A_2163 = arith.constant 0 : i32
      %dma_wait3A_2164 = arith.constant 0 : i32
      %dma_wait3A_2165 = tpu.memref_slice %arg12[%dma_wait3A_2161, %dma_wait3A_2162, %dma_wait3A_2163, %dma_wait3A_2164] : memref<25x3x64x128xf32, #tpu.memory_space<any>> -> memref<1x3x64x128xf32, #tpu.memory_space<any>>
      %dma_wait3A_2166 = tpu.memref_squeeze %dma_wait3A_2165 : memref<1x3x64x128xf32, #tpu.memory_space<any>> -> memref<3x64x128xf32, #tpu.memory_space<any>>
      %dma_wait3A_2167 = arith.constant 0 : i32
      %dma_wait3A_2168 = tpu.memref_slice %arg10[%dma_wait3A_2167, %mul3A_816, %mul3A_820] : memref<3x4096x4096xf32, #tpu.memory_space<any>> -> memref<3x64x128xf32, #tpu.memory_space<any>>
      tpu.wait_dma2 semaphore(%arg14 : memref<!tpu.dma_semaphore, #tpu.memory_space<semaphore_mem>>) src(%dma_wait3A_2168 : memref<3x64x128xf32, #tpu.memory_space<any>>) dst(%dma_wait3A_2166 : memref<3x64x128xf32, #tpu.memory_space<any>>)
      %dma_wait3A_2169 = arith.constant 6 : i32
      %dma_wait3A_2170 = arith.constant 0 : i32
      %dma_wait3A_2171 = arith.constant 0 : i32
      %dma_wait3A_2172 = arith.constant 0 : i32
      %dma_wait3A_2173 = tpu.memref_slice %arg12[%dma_wait3A_2169, %dma_wait3A_2170, %dma_wait3A_2171, %dma_wait3A_2172] : memref<25x3x64x128xf32, #tpu.memory_space<any>> -> memref<1x3x64x128xf32, #tpu.memory_space<any>>
      %dma_wait3A_2174 = tpu.memref_squeeze %dma_wait3A_2173 : memref<1x3x64x128xf32, #tpu.memory_space<any>> -> memref<3x64x128xf32, #tpu.memory_space<any>>
      %dma_wait3A_2175 = arith.constant 0 : i32
      %dma_wait3A_2176 = tpu.memref_slice %arg10[%dma_wait3A_2175, %mul3A_874, %mul3A_878] : memref<3x4096x4096xf32, #tpu.memory_space<any>> -> memref<3x64x128xf32, #tpu.memory_space<any>>
      tpu.wait_dma2 semaphore(%arg14 : memref<!tpu.dma_semaphore, #tpu.memory_space<semaphore_mem>>) src(%dma_wait3A_2176 : memref<3x64x128xf32, #tpu.memory_space<any>>) dst(%dma_wait3A_2174 : memref<3x64x128xf32, #tpu.memory_space<any>>)
      %dma_wait3A_2177 = arith.constant 7 : i32
      %dma_wait3A_2178 = arith.constant 0 : i32
      %dma_wait3A_2179 = arith.constant 0 : i32
      %dma_wait3A_2180 = arith.constant 0 : i32
      %dma_wait3A_2181 = tpu.memref_slice %arg12[%dma_wait3A_2177, %dma_wait3A_2178, %dma_wait3A_2179, %dma_wait3A_2180] : memref<25x3x64x128xf32, #tpu.memory_space<any>> -> memref<1x3x64x128xf32, #tpu.memory_space<any>>
      %dma_wait3A_2182 = tpu.memref_squeeze %dma_wait3A_2181 : memref<1x3x64x128xf32, #tpu.memory_space<any>> -> memref<3x64x128xf32, #tpu.memory_space<any>>
      %dma_wait3A_2183 = arith.constant 0 : i32
      %dma_wait3A_2184 = tpu.memref_slice %arg10[%dma_wait3A_2183, %mul3A_932, %mul3A_936] : memref<3x4096x4096xf32, #tpu.memory_space<any>> -> memref<3x64x128xf32, #tpu.memory_space<any>>
      tpu.wait_dma2 semaphore(%arg14 : memref<!tpu.dma_semaphore, #tpu.memory_space<semaphore_mem>>) src(%dma_wait3A_2184 : memref<3x64x128xf32, #tpu.memory_space<any>>) dst(%dma_wait3A_2182 : memref<3x64x128xf32, #tpu.memory_space<any>>)
      %dma_wait3A_2185 = arith.constant 8 : i32
      %dma_wait3A_2186 = arith.constant 0 : i32
      %dma_wait3A_2187 = arith.constant 0 : i32
      %dma_wait3A_2188 = arith.constant 0 : i32
      %dma_wait3A_2189 = tpu.memref_slice %arg12[%dma_wait3A_2185, %dma_wait3A_2186, %dma_wait3A_2187, %dma_wait3A_2188] : memref<25x3x64x128xf32, #tpu.memory_space<any>> -> memref<1x3x64x128xf32, #tpu.memory_space<any>>
      %dma_wait3A_2190 = tpu.memref_squeeze %dma_wait3A_2189 : memref<1x3x64x128xf32, #tpu.memory_space<any>> -> memref<3x64x128xf32, #tpu.memory_space<any>>
      %dma_wait3A_2191 = arith.constant 0 : i32
      %dma_wait3A_2192 = tpu.memref_slice %arg10[%dma_wait3A_2191, %mul3A_990, %mul3A_994] : memref<3x4096x4096xf32, #tpu.memory_space<any>> -> memref<3x64x128xf32, #tpu.memory_space<any>>
      tpu.wait_dma2 semaphore(%arg14 : memref<!tpu.dma_semaphore, #tpu.memory_space<semaphore_mem>>) src(%dma_wait3A_2192 : memref<3x64x128xf32, #tpu.memory_space<any>>) dst(%dma_wait3A_2190 : memref<3x64x128xf32, #tpu.memory_space<any>>)
      %dma_wait3A_2193 = arith.constant 9 : i32
      %dma_wait3A_2194 = arith.constant 0 : i32
      %dma_wait3A_2195 = arith.constant 0 : i32
      %dma_wait3A_2196 = arith.constant 0 : i32
      %dma_wait3A_2197 = tpu.memref_slice %arg12[%dma_wait3A_2193, %dma_wait3A_2194, %dma_wait3A_2195, %dma_wait3A_2196] : memref<25x3x64x128xf32, #tpu.memory_space<any>> -> memref<1x3x64x128xf32, #tpu.memory_space<any>>
      %dma_wait3A_2198 = tpu.memref_squeeze %dma_wait3A_2197 : memref<1x3x64x128xf32, #tpu.memory_space<any>> -> memref<3x64x128xf32, #tpu.memory_space<any>>
      %dma_wait3A_2199 = arith.constant 0 : i32
      %dma_wait3A_2200 = tpu.memref_slice %arg10[%dma_wait3A_2199, %mul3A_1048, %mul3A_1052] : memref<3x4096x4096xf32, #tpu.memory_space<any>> -> memref<3x64x128xf32, #tpu.memory_space<any>>
      tpu.wait_dma2 semaphore(%arg14 : memref<!tpu.dma_semaphore, #tpu.memory_space<semaphore_mem>>) src(%dma_wait3A_2200 : memref<3x64x128xf32, #tpu.memory_space<any>>) dst(%dma_wait3A_2198 : memref<3x64x128xf32, #tpu.memory_space<any>>)
      %dma_wait3A_2201 = arith.constant 10 : i32
      %dma_wait3A_2202 = arith.constant 0 : i32
      %dma_wait3A_2203 = arith.constant 0 : i32
      %dma_wait3A_2204 = arith.constant 0 : i32
      %dma_wait3A_2205 = tpu.memref_slice %arg12[%dma_wait3A_2201, %dma_wait3A_2202, %dma_wait3A_2203, %dma_wait3A_2204] : memref<25x3x64x128xf32, #tpu.memory_space<any>> -> memref<1x3x64x128xf32, #tpu.memory_space<any>>
      %dma_wait3A_2206 = tpu.memref_squeeze %dma_wait3A_2205 : memref<1x3x64x128xf32, #tpu.memory_space<any>> -> memref<3x64x128xf32, #tpu.memory_space<any>>
      %dma_wait3A_2207 = arith.constant 0 : i32
      %dma_wait3A_2208 = tpu.memref_slice %arg10[%dma_wait3A_2207, %mul3A_1106, %mul3A_1110] : memref<3x4096x4096xf32, #tpu.memory_space<any>> -> memref<3x64x128xf32, #tpu.memory_space<any>>
      tpu.wait_dma2 semaphore(%arg14 : memref<!tpu.dma_semaphore, #tpu.memory_space<semaphore_mem>>) src(%dma_wait3A_2208 : memref<3x64x128xf32, #tpu.memory_space<any>>) dst(%dma_wait3A_2206 : memref<3x64x128xf32, #tpu.memory_space<any>>)
      %dma_wait3A_2209 = arith.constant 11 : i32
      %dma_wait3A_2210 = arith.constant 0 : i32
      %dma_wait3A_2211 = arith.constant 0 : i32
      %dma_wait3A_2212 = arith.constant 0 : i32
      %dma_wait3A_2213 = tpu.memref_slice %arg12[%dma_wait3A_2209, %dma_wait3A_2210, %dma_wait3A_2211, %dma_wait3A_2212] : memref<25x3x64x128xf32, #tpu.memory_space<any>> -> memref<1x3x64x128xf32, #tpu.memory_space<any>>
      %dma_wait3A_2214 = tpu.memref_squeeze %dma_wait3A_2213 : memref<1x3x64x128xf32, #tpu.memory_space<any>> -> memref<3x64x128xf32, #tpu.memory_space<any>>
      %dma_wait3A_2215 = arith.constant 0 : i32
      %dma_wait3A_2216 = tpu.memref_slice %arg10[%dma_wait3A_2215, %mul3A_1164, %mul3A_1168] : memref<3x4096x4096xf32, #tpu.memory_space<any>> -> memref<3x64x128xf32, #tpu.memory_space<any>>
      tpu.wait_dma2 semaphore(%arg14 : memref<!tpu.dma_semaphore, #tpu.memory_space<semaphore_mem>>) src(%dma_wait3A_2216 : memref<3x64x128xf32, #tpu.memory_space<any>>) dst(%dma_wait3A_2214 : memref<3x64x128xf32, #tpu.memory_space<any>>)
      %dma_wait3A_2217 = arith.constant 12 : i32
      %dma_wait3A_2218 = arith.constant 0 : i32
      %dma_wait3A_2219 = arith.constant 0 : i32
      %dma_wait3A_2220 = arith.constant 0 : i32
      %dma_wait3A_2221 = tpu.memref_slice %arg12[%dma_wait3A_2217, %dma_wait3A_2218, %dma_wait3A_2219, %dma_wait3A_2220] : memref<25x3x64x128xf32, #tpu.memory_space<any>> -> memref<1x3x64x128xf32, #tpu.memory_space<any>>
      %dma_wait3A_2222 = tpu.memref_squeeze %dma_wait3A_2221 : memref<1x3x64x128xf32, #tpu.memory_space<any>> -> memref<3x64x128xf32, #tpu.memory_space<any>>
      %dma_wait3A_2223 = arith.constant 0 : i32
      %dma_wait3A_2224 = tpu.memref_slice %arg10[%dma_wait3A_2223, %mul3A_1222, %mul3A_1226] : memref<3x4096x4096xf32, #tpu.memory_space<any>> -> memref<3x64x128xf32, #tpu.memory_space<any>>
      tpu.wait_dma2 semaphore(%arg14 : memref<!tpu.dma_semaphore, #tpu.memory_space<semaphore_mem>>) src(%dma_wait3A_2224 : memref<3x64x128xf32, #tpu.memory_space<any>>) dst(%dma_wait3A_2222 : memref<3x64x128xf32, #tpu.memory_space<any>>)
      %dma_wait3A_2225 = arith.constant 13 : i32
      %dma_wait3A_2226 = arith.constant 0 : i32
      %dma_wait3A_2227 = arith.constant 0 : i32
      %dma_wait3A_2228 = arith.constant 0 : i32
      %dma_wait3A_2229 = tpu.memref_slice %arg12[%dma_wait3A_2225, %dma_wait3A_2226, %dma_wait3A_2227, %dma_wait3A_2228] : memref<25x3x64x128xf32, #tpu.memory_space<any>> -> memref<1x3x64x128xf32, #tpu.memory_space<any>>
      %dma_wait3A_2230 = tpu.memref_squeeze %dma_wait3A_2229 : memref<1x3x64x128xf32, #tpu.memory_space<any>> -> memref<3x64x128xf32, #tpu.memory_space<any>>
      %dma_wait3A_2231 = arith.constant 0 : i32
      %dma_wait3A_2232 = tpu.memref_slice %arg10[%dma_wait3A_2231, %mul3A_1280, %mul3A_1284] : memref<3x4096x4096xf32, #tpu.memory_space<any>> -> memref<3x64x128xf32, #tpu.memory_space<any>>
      tpu.wait_dma2 semaphore(%arg14 : memref<!tpu.dma_semaphore, #tpu.memory_space<semaphore_mem>>) src(%dma_wait3A_2232 : memref<3x64x128xf32, #tpu.memory_space<any>>) dst(%dma_wait3A_2230 : memref<3x64x128xf32, #tpu.memory_space<any>>)
      %dma_wait3A_2233 = arith.constant 14 : i32
      %dma_wait3A_2234 = arith.constant 0 : i32
      %dma_wait3A_2235 = arith.constant 0 : i32
      %dma_wait3A_2236 = arith.constant 0 : i32
      %dma_wait3A_2237 = tpu.memref_slice %arg12[%dma_wait3A_2233, %dma_wait3A_2234, %dma_wait3A_2235, %dma_wait3A_2236] : memref<25x3x64x128xf32, #tpu.memory_space<any>> -> memref<1x3x64x128xf32, #tpu.memory_space<any>>
      %dma_wait3A_2238 = tpu.memref_squeeze %dma_wait3A_2237 : memref<1x3x64x128xf32, #tpu.memory_space<any>> -> memref<3x64x128xf32, #tpu.memory_space<any>>
      %dma_wait3A_2239 = arith.constant 0 : i32
      %dma_wait3A_2240 = tpu.memref_slice %arg10[%dma_wait3A_2239, %mul3A_1338, %mul3A_1342] : memref<3x4096x4096xf32, #tpu.memory_space<any>> -> memref<3x64x128xf32, #tpu.memory_space<any>>
      tpu.wait_dma2 semaphore(%arg14 : memref<!tpu.dma_semaphore, #tpu.memory_space<semaphore_mem>>) src(%dma_wait3A_2240 : memref<3x64x128xf32, #tpu.memory_space<any>>) dst(%dma_wait3A_2238 : memref<3x64x128xf32, #tpu.memory_space<any>>)
      %dma_wait3A_2241 = arith.constant 15 : i32
      %dma_wait3A_2242 = arith.constant 0 : i32
      %dma_wait3A_2243 = arith.constant 0 : i32
      %dma_wait3A_2244 = arith.constant 0 : i32
      %dma_wait3A_2245 = tpu.memref_slice %arg12[%dma_wait3A_2241, %dma_wait3A_2242, %dma_wait3A_2243, %dma_wait3A_2244] : memref<25x3x64x128xf32, #tpu.memory_space<any>> -> memref<1x3x64x128xf32, #tpu.memory_space<any>>
      %dma_wait3A_2246 = tpu.memref_squeeze %dma_wait3A_2245 : memref<1x3x64x128xf32, #tpu.memory_space<any>> -> memref<3x64x128xf32, #tpu.memory_space<any>>
      %dma_wait3A_2247 = arith.constant 0 : i32
      %dma_wait3A_2248 = tpu.memref_slice %arg10[%dma_wait3A_2247, %mul3A_1396, %mul3A_1400] : memref<3x4096x4096xf32, #tpu.memory_space<any>> -> memref<3x64x128xf32, #tpu.memory_space<any>>
      tpu.wait_dma2 semaphore(%arg14 : memref<!tpu.dma_semaphore, #tpu.memory_space<semaphore_mem>>) src(%dma_wait3A_2248 : memref<3x64x128xf32, #tpu.memory_space<any>>) dst(%dma_wait3A_2246 : memref<3x64x128xf32, #tpu.memory_space<any>>)
      %dma_wait3A_2249 = arith.constant 16 : i32
      %dma_wait3A_2250 = arith.constant 0 : i32
      %dma_wait3A_2251 = arith.constant 0 : i32
      %dma_wait3A_2252 = arith.constant 0 : i32
      %dma_wait3A_2253 = tpu.memref_slice %arg12[%dma_wait3A_2249, %dma_wait3A_2250, %dma_wait3A_2251, %dma_wait3A_2252] : memref<25x3x64x128xf32, #tpu.memory_space<any>> -> memref<1x3x64x128xf32, #tpu.memory_space<any>>
      %dma_wait3A_2254 = tpu.memref_squeeze %dma_wait3A_2253 : memref<1x3x64x128xf32, #tpu.memory_space<any>> -> memref<3x64x128xf32, #tpu.memory_space<any>>
      %dma_wait3A_2255 = arith.constant 0 : i32
      %dma_wait3A_2256 = tpu.memref_slice %arg10[%dma_wait3A_2255, %mul3A_1454, %mul3A_1458] : memref<3x4096x4096xf32, #tpu.memory_space<any>> -> memref<3x64x128xf32, #tpu.memory_space<any>>
      tpu.wait_dma2 semaphore(%arg14 : memref<!tpu.dma_semaphore, #tpu.memory_space<semaphore_mem>>) src(%dma_wait3A_2256 : memref<3x64x128xf32, #tpu.memory_space<any>>) dst(%dma_wait3A_2254 : memref<3x64x128xf32, #tpu.memory_space<any>>)
      %dma_wait3A_2257 = arith.constant 17 : i32
      %dma_wait3A_2258 = arith.constant 0 : i32
      %dma_wait3A_2259 = arith.constant 0 : i32
      %dma_wait3A_2260 = arith.constant 0 : i32
      %dma_wait3A_2261 = tpu.memref_slice %arg12[%dma_wait3A_2257, %dma_wait3A_2258, %dma_wait3A_2259, %dma_wait3A_2260] : memref<25x3x64x128xf32, #tpu.memory_space<any>> -> memref<1x3x64x128xf32, #tpu.memory_space<any>>
      %dma_wait3A_2262 = tpu.memref_squeeze %dma_wait3A_2261 : memref<1x3x64x128xf32, #tpu.memory_space<any>> -> memref<3x64x128xf32, #tpu.memory_space<any>>
      %dma_wait3A_2263 = arith.constant 0 : i32
      %dma_wait3A_2264 = tpu.memref_slice %arg10[%dma_wait3A_2263, %mul3A_1512, %mul3A_1516] : memref<3x4096x4096xf32, #tpu.memory_space<any>> -> memref<3x64x128xf32, #tpu.memory_space<any>>
      tpu.wait_dma2 semaphore(%arg14 : memref<!tpu.dma_semaphore, #tpu.memory_space<semaphore_mem>>) src(%dma_wait3A_2264 : memref<3x64x128xf32, #tpu.memory_space<any>>) dst(%dma_wait3A_2262 : memref<3x64x128xf32, #tpu.memory_space<any>>)
      %dma_wait3A_2265 = arith.constant 18 : i32
      %dma_wait3A_2266 = arith.constant 0 : i32
      %dma_wait3A_2267 = arith.constant 0 : i32
      %dma_wait3A_2268 = arith.constant 0 : i32
      %dma_wait3A_2269 = tpu.memref_slice %arg12[%dma_wait3A_2265, %dma_wait3A_2266, %dma_wait3A_2267, %dma_wait3A_2268] : memref<25x3x64x128xf32, #tpu.memory_space<any>> -> memref<1x3x64x128xf32, #tpu.memory_space<any>>
      %dma_wait3A_2270 = tpu.memref_squeeze %dma_wait3A_2269 : memref<1x3x64x128xf32, #tpu.memory_space<any>> -> memref<3x64x128xf32, #tpu.memory_space<any>>
      %dma_wait3A_2271 = arith.constant 0 : i32
      %dma_wait3A_2272 = tpu.memref_slice %arg10[%dma_wait3A_2271, %mul3A_1570, %mul3A_1574] : memref<3x4096x4096xf32, #tpu.memory_space<any>> -> memref<3x64x128xf32, #tpu.memory_space<any>>
      tpu.wait_dma2 semaphore(%arg14 : memref<!tpu.dma_semaphore, #tpu.memory_space<semaphore_mem>>) src(%dma_wait3A_2272 : memref<3x64x128xf32, #tpu.memory_space<any>>) dst(%dma_wait3A_2270 : memref<3x64x128xf32, #tpu.memory_space<any>>)
      %dma_wait3A_2273 = arith.constant 19 : i32
      %dma_wait3A_2274 = arith.constant 0 : i32
      %dma_wait3A_2275 = arith.constant 0 : i32
      %dma_wait3A_2276 = arith.constant 0 : i32
      %dma_wait3A_2277 = tpu.memref_slice %arg12[%dma_wait3A_2273, %dma_wait3A_2274, %dma_wait3A_2275, %dma_wait3A_2276] : memref<25x3x64x128xf32, #tpu.memory_space<any>> -> memref<1x3x64x128xf32, #tpu.memory_space<any>>
      %dma_wait3A_2278 = tpu.memref_squeeze %dma_wait3A_2277 : memref<1x3x64x128xf32, #tpu.memory_space<any>> -> memref<3x64x128xf32, #tpu.memory_space<any>>
      %dma_wait3A_2279 = arith.constant 0 : i32
      %dma_wait3A_2280 = tpu.memref_slice %arg10[%dma_wait3A_2279, %mul3A_1628, %mul3A_1632] : memref<3x4096x4096xf32, #tpu.memory_space<any>> -> memref<3x64x128xf32, #tpu.memory_space<any>>
      tpu.wait_dma2 semaphore(%arg14 : memref<!tpu.dma_semaphore, #tpu.memory_space<semaphore_mem>>) src(%dma_wait3A_2280 : memref<3x64x128xf32, #tpu.memory_space<any>>) dst(%dma_wait3A_2278 : memref<3x64x128xf32, #tpu.memory_space<any>>)
      %dma_wait3A_2281 = arith.constant 20 : i32
      %dma_wait3A_2282 = arith.constant 0 : i32
      %dma_wait3A_2283 = arith.constant 0 : i32
      %dma_wait3A_2284 = arith.constant 0 : i32
      %dma_wait3A_2285 = tpu.memref_slice %arg12[%dma_wait3A_2281, %dma_wait3A_2282, %dma_wait3A_2283, %dma_wait3A_2284] : memref<25x3x64x128xf32, #tpu.memory_space<any>> -> memref<1x3x64x128xf32, #tpu.memory_space<any>>
      %dma_wait3A_2286 = tpu.memref_squeeze %dma_wait3A_2285 : memref<1x3x64x128xf32, #tpu.memory_space<any>> -> memref<3x64x128xf32, #tpu.memory_space<any>>
      %dma_wait3A_2287 = arith.constant 0 : i32
      %dma_wait3A_2288 = tpu.memref_slice %arg10[%dma_wait3A_2287, %mul3A_1686, %mul3A_1690] : memref<3x4096x4096xf32, #tpu.memory_space<any>> -> memref<3x64x128xf32, #tpu.memory_space<any>>
      tpu.wait_dma2 semaphore(%arg14 : memref<!tpu.dma_semaphore, #tpu.memory_space<semaphore_mem>>) src(%dma_wait3A_2288 : memref<3x64x128xf32, #tpu.memory_space<any>>) dst(%dma_wait3A_2286 : memref<3x64x128xf32, #tpu.memory_space<any>>)
      %dma_wait3A_2289 = arith.constant 21 : i32
      %dma_wait3A_2290 = arith.constant 0 : i32
      %dma_wait3A_2291 = arith.constant 0 : i32
      %dma_wait3A_2292 = arith.constant 0 : i32
      %dma_wait3A_2293 = tpu.memref_slice %arg12[%dma_wait3A_2289, %dma_wait3A_2290, %dma_wait3A_2291, %dma_wait3A_2292] : memref<25x3x64x128xf32, #tpu.memory_space<any>> -> memref<1x3x64x128xf32, #tpu.memory_space<any>>
      %dma_wait3A_2294 = tpu.memref_squeeze %dma_wait3A_2293 : memref<1x3x64x128xf32, #tpu.memory_space<any>> -> memref<3x64x128xf32, #tpu.memory_space<any>>
      %dma_wait3A_2295 = arith.constant 0 : i32
      %dma_wait3A_2296 = tpu.memref_slice %arg10[%dma_wait3A_2295, %mul3A_1744, %mul3A_1748] : memref<3x4096x4096xf32, #tpu.memory_space<any>> -> memref<3x64x128xf32, #tpu.memory_space<any>>
      tpu.wait_dma2 semaphore(%arg14 : memref<!tpu.dma_semaphore, #tpu.memory_space<semaphore_mem>>) src(%dma_wait3A_2296 : memref<3x64x128xf32, #tpu.memory_space<any>>) dst(%dma_wait3A_2294 : memref<3x64x128xf32, #tpu.memory_space<any>>)
      %dma_wait3A_2297 = arith.constant 22 : i32
      %dma_wait3A_2298 = arith.constant 0 : i32
      %dma_wait3A_2299 = arith.constant 0 : i32
      %dma_wait3A_2300 = arith.constant 0 : i32
      %dma_wait3A_2301 = tpu.memref_slice %arg12[%dma_wait3A_2297, %dma_wait3A_2298, %dma_wait3A_2299, %dma_wait3A_2300] : memref<25x3x64x128xf32, #tpu.memory_space<any>> -> memref<1x3x64x128xf32, #tpu.memory_space<any>>
      %dma_wait3A_2302 = tpu.memref_squeeze %dma_wait3A_2301 : memref<1x3x64x128xf32, #tpu.memory_space<any>> -> memref<3x64x128xf32, #tpu.memory_space<any>>
      %dma_wait3A_2303 = arith.constant 0 : i32
      %dma_wait3A_2304 = tpu.memref_slice %arg10[%dma_wait3A_2303, %mul3A_1802, %mul3A_1806] : memref<3x4096x4096xf32, #tpu.memory_space<any>> -> memref<3x64x128xf32, #tpu.memory_space<any>>
      tpu.wait_dma2 semaphore(%arg14 : memref<!tpu.dma_semaphore, #tpu.memory_space<semaphore_mem>>) src(%dma_wait3A_2304 : memref<3x64x128xf32, #tpu.memory_space<any>>) dst(%dma_wait3A_2302 : memref<3x64x128xf32, #tpu.memory_space<any>>)
      %dma_wait3A_2305 = arith.constant 23 : i32
      %dma_wait3A_2306 = arith.constant 0 : i32
      %dma_wait3A_2307 = arith.constant 0 : i32
      %dma_wait3A_2308 = arith.constant 0 : i32
      %dma_wait3A_2309 = tpu.memref_slice %arg12[%dma_wait3A_2305, %dma_wait3A_2306, %dma_wait3A_2307, %dma_wait3A_2308] : memref<25x3x64x128xf32, #tpu.memory_space<any>> -> memref<1x3x64x128xf32, #tpu.memory_space<any>>
      %dma_wait3A_2310 = tpu.memref_squeeze %dma_wait3A_2309 : memref<1x3x64x128xf32, #tpu.memory_space<any>> -> memref<3x64x128xf32, #tpu.memory_space<any>>
      %dma_wait3A_2311 = arith.constant 0 : i32
      %dma_wait3A_2312 = tpu.memref_slice %arg10[%dma_wait3A_2311, %mul3A_1860, %mul3A_1864] : memref<3x4096x4096xf32, #tpu.memory_space<any>> -> memref<3x64x128xf32, #tpu.memory_space<any>>
      tpu.wait_dma2 semaphore(%arg14 : memref<!tpu.dma_semaphore, #tpu.memory_space<semaphore_mem>>) src(%dma_wait3A_2312 : memref<3x64x128xf32, #tpu.memory_space<any>>) dst(%dma_wait3A_2310 : memref<3x64x128xf32, #tpu.memory_space<any>>)
      %dma_wait3A_2313 = arith.constant 24 : i32
      %dma_wait3A_2314 = arith.constant 0 : i32
      %dma_wait3A_2315 = arith.constant 0 : i32
      %dma_wait3A_2316 = arith.constant 0 : i32
      %dma_wait3A_2317 = tpu.memref_slice %arg12[%dma_wait3A_2313, %dma_wait3A_2314, %dma_wait3A_2315, %dma_wait3A_2316] : memref<25x3x64x128xf32, #tpu.memory_space<any>> -> memref<1x3x64x128xf32, #tpu.memory_space<any>>
      %dma_wait3A_2318 = tpu.memref_squeeze %dma_wait3A_2317 : memref<1x3x64x128xf32, #tpu.memory_space<any>> -> memref<3x64x128xf32, #tpu.memory_space<any>>
      %dma_wait3A_2319 = arith.constant 0 : i32
      %dma_wait3A_2320 = tpu.memref_slice %arg10[%dma_wait3A_2319, %mul3A_1918, %mul3A_1922] : memref<3x4096x4096xf32, #tpu.memory_space<any>> -> memref<3x64x128xf32, #tpu.memory_space<any>>
      tpu.wait_dma2 semaphore(%arg14 : memref<!tpu.dma_semaphore, #tpu.memory_space<semaphore_mem>>) src(%dma_wait3A_2320 : memref<3x64x128xf32, #tpu.memory_space<any>>) dst(%dma_wait3A_2318 : memref<3x64x128xf32, #tpu.memory_space<any>>)
    } else {
    }
    return
  }
  func.func @transform_0(%arg0: i32) -> (i32, i32, i32) {
    %c0_i32 = arith.constant 0 : i32
    %c0_i32_0 = arith.constant 0 : i32
    %c0_i32_1 = arith.constant 0 : i32
    return %c0_i32, %arg0, %c0_i32_0 : i32, i32, i32
  }
  func.func @transform_1(%arg0: i32) -> (i32, i32, i32) {
    %c0_i32 = arith.constant 0 : i32
    %c1_i32 = arith.constant 1 : i32
    %c0_i32_0 = arith.constant 0 : i32
    return %c0_i32, %arg0, %c1_i32 : i32, i32, i32
  }
  func.func @transform_2(%arg0: i32) -> (i32, i32, i32) {
    %c0_i32 = arith.constant 0 : i32
    %c2_i32 = arith.constant 2 : i32
    %c0_i32_0 = arith.constant 0 : i32
    return %c0_i32, %arg0, %c2_i32 : i32, i32, i32
  }
  func.func @transform_3(%arg0: i32) -> (i32, i32, i32) {
    %c0_i32 = arith.constant 0 : i32
    %c3_i32 = arith.constant 3 : i32
    %c0_i32_0 = arith.constant 0 : i32
    return %c0_i32, %arg0, %c3_i32 : i32, i32, i32
  }
  func.func @transform_4(%arg0: i32) -> (i32, i32, i32) {
    %c0_i32 = arith.constant 0 : i32
    %c4_i32 = arith.constant 4 : i32
    %c0_i32_0 = arith.constant 0 : i32
    return %c0_i32, %arg0, %c4_i32 : i32, i32, i32
  }
  func.func @transform_5(%arg0: i32) -> (i32, i32, i32) {
    %c0_i32 = arith.constant 0 : i32
    %c5_i32 = arith.constant 5 : i32
    %c0_i32_0 = arith.constant 0 : i32
    return %c0_i32, %arg0, %c5_i32 : i32, i32, i32
  }
  func.func @transform_6(%arg0: i32) -> (i32, i32, i32) {
    %c0_i32 = arith.constant 0 : i32
    %c6_i32 = arith.constant 6 : i32
    %c0_i32_0 = arith.constant 0 : i32
    return %c0_i32, %arg0, %c6_i32 : i32, i32, i32
  }
  func.func @transform_7(%arg0: i32) -> (i32, i32, i32) {
    %c0_i32 = arith.constant 0 : i32
    %c7_i32 = arith.constant 7 : i32
    %c0_i32_0 = arith.constant 0 : i32
    return %c0_i32, %arg0, %c7_i32 : i32, i32, i32
  }
  func.func @transform_8(%arg0: i32) -> i32 {
    %c0_i32 = arith.constant 0 : i32
    %c0_i32_0 = arith.constant 0 : i32
    return %c0_i32 : i32
  }
  func.func @transform_10(%arg0: i32) -> i32 {
    %c0_i32 = arith.constant 0 : i32
    %c0_i32_0 = arith.constant 0 : i32
    return %c0_i32 : i32
  }
}

</mosaic_0001>

<sc_bundles>
// kernel: kernel.4.cloned.1.call-start
scs
__scs_entry_jumppad:
0x0: {  	(pc) =	sbr.rel $0x88, $3  }
0x1: {  	(tag) =	ssettag $0x0;
	lr =	simm.s32 $0x1  }
0x2: {  	[smem:$0x3FA0] =	sst lr;
	_ =	strace $0xD0000000  }
0x3: {  	_ = 	snop  }
0x4: {  	_ = 	snop  }
0x5: {  	_ = 	snop  }
0x6: {  	_ = 	snop  }
0x7: {  	_ = 	snop  }
__scs_overlays_trampoline_lowered:
0x8: {  	[smem:$0x3FAF] =	sst s0  }
0x9: {  	[smem:$0x3FB0] =	sst s1  }
0xa: {  	[smem:$0x3FB1] =	sst s2  }
0xb: {  	[smem:$0x3FB2] =	sst s3  }
0xc: {  	[smem:$0x3FB3] =	sst s4  }
0xd: {  	[smem:$0x3FB4] =	sst s5  }
0xe: {  	[smem:$0x3FB5] =	sst s6  }
0xf: {  	[smem:$0x3FB6] =	sst s7  }
0x10: {  	[smem:$0x3FB7] =	sst s8  }
0x11: {  	[smem:$0x3FB8] =	sst s9;
	s0 =	simm.s32 @!p0 $0x0  }
0x12: {  	s1 =	sld [smem:$0x3F9E];
	s0 =	simm.s32 @p0 $0x1  }
0x13: {  	[smem:$0x3FB9] =	sst s0;
	s0 =	simm.s32 @!p1 $0x0  }
0x14: {  	s2 =	sld [smem:$0x3F9D];
	s0 =	simm.s32 @p1 $0x1  }
0x15: {  	[smem:$0x3FBA] =	sst s0;
	s0 =	simm.s32 @!p2 $0x0  }
0x16: {  	s3 =	sld [smem:$0x3FDB];
	s0 =	simm.s32 @p2 $0x1  }
0x17: {  	s4 =	simm.s32 $0x1BF5;
	[smem:$0x3FBC] =	sst s0  }
0x18: {  	s0 =	sld [smem:$0x3F9F];
	_ =	swait.ge [sflag:s4], $0x0  }
0x19: {  	s7 =	sld [smem:$0x3FA0]  }
0x1a: {  	s8 =	sadd.s32 $0xFFFFE003, lr  }
0x1b: {  	s9 =	sadd.s32 $0xFFFFFEF7, lr;
	s5 =	simm.s32 $0xFFFFFFFF;
	p2 =	slt.u32 s8, $0xFFFFF086  }
0x1c: {  	p1 =	slt.u32 s9, $0xF7A;
	s5 =	simm.s32 @!p2 $0x0  }
0x1d: {  	s5 =	simm.s32 @p1 $0x1;
	p0 =	seq.s32 s7, s2  }
0x1e: {  	s7 =	smul.u32 @!p0 $0xF7A, s2;
	p2 =	seq.s32 @!p0 s5, $0x0  }
0x1f: {  	s9 =	smul.u32 $0xF7A, s1;
	s8 =	simm.s32 @!p0 $0x1BF5;
	p2 =	por !p2, p0  }
0x20: {  	[sflag:s8] =	ssyncset.s32 @!p0 $0xFFFFF086;
	s6 =	sadd.s32 @!p0 s3, s7;
	s7 =	simm.s32 @!p0 $0x108  }
0x21: {  	s3 =	sadd.s32 s3, s9;
	s6 =	sadd.s32 @!p0 $0x88, s6;
	s7 =	simm.s32 @p2 $0x1082  }
0x22: {  	[simem:s7], [sflag:s8] =	dma.local @!p0 [hbm:s6], $0xF7A  }
0x23: {  	s9 =	sor.u32 $0xD0000000, s2;
	s6 =	simm.s32 $0x108;
	_ =	swait.ge @!p0 [sflag:s8], $0x0  }
0x24: {  	s3 =	sadd.s32 $0x88, s3;
	s6 =	simm.s32 @!p1 $0x1082;
	[sflag:s4] =	ssyncset.s32 $0xFFFFF086  }
0x25: {  	[simem:s6], [sflag:s4] =	dma.local [hbm:s3], $0xF7A  }
0x26: {  	[smem:$0x3FA0] =	sst s1;
	(tag) =	ssettag s2;
	_ =	strace s9  }
0x27: {  	s1 =	sld [smem:$0x3FB0]  }
0x28: {  	s2 =	sld [smem:$0x3FB1]  }
0x29: {  	s4 =	sld [smem:$0x3FB3]  }
0x2a: {  	p0 =	seq.s32 s5, $0x0;
	s5 =	sld [smem:$0x3FB4]  }
0x2b: {  	s6 =	sld [smem:$0x3FB5]  }
0x2c: {  	s7 =	sld [smem:$0x3FB6]  }
0x2d: {  	s3 =	simm.s32 $0x108;
	s8 =	sld [smem:$0x3FB7]  }
0x2e: {  	s3 =	simm.s32 @!p0 $0x1082;
	s9 =	sld [smem:$0x3FB8]  }
0x2f: {  	lr =	sadd.s32 s0, s3;
	s0 =	sld [smem:$0x3FAF]  }
0x30: {  	s3 =	sld [smem:$0x3FB2]  }
0x31: {  	[smem:$0x3FBB] =	sst s10  }
0x32: {  	s10 =	sld [smem:$0x3FB9];
	_ =	sdelay $0x3  }
0x33: {  	p0 =	seq.s32 s10, $0x1;
	s10 =	sld [smem:$0x3FBB];
	_ =	sdelay $0x3  }
0x34: {  	[smem:$0x3FBB] =	sst s10  }
0x35: {  	s10 =	sld [smem:$0x3FBA];
	_ =	sdelay $0x3  }
0x36: {  	p1 =	seq.s32 s10, $0x1;
	s10 =	sld [smem:$0x3FBB];
	_ =	sdelay $0x3  }
0x37: {  	[smem:$0x3FBB] =	sst s10  }
0x38: {  	s10 =	sld [smem:$0x3FBC]  }
0x39: {  	_ = 	snop;
	(pc) =	sbr.ind lr, $3  }
0x3a: {  	_ = 	snop  }
0x3b: {  	_ = 	snop  }
0x3c: {  	p2 =	seq.s32 s10, $0x1;
	s10 =	sld [smem:$0x3FBB]  }
0x3d: {  	_ =	shalt  }
0x3e: {  	_ =	shalt  }
0x3f: {  	_ =	shalt  }
0x40: {  	_ =	shalt  }
0x41: {  	_ =	shalt  }
0x42: {  	_ =	shalt  }
0x43: {  	_ =	shalt  }
0x44: {  	_ =	shalt  }
0x45: {  	_ =	shalt  }
0x46: {  	_ =	shalt  }
0x47: {  	_ =	shalt  }
0x48: {  	_ =	shalt  }
0x49: {  	_ =	shalt  }
0x4a: {  	_ =	shalt  }
0x4b: {  	_ =	shalt  }
0x4c: {  	_ =	shalt  }
0x4d: {  	_ =	shalt  }
0x4e: {  	_ =	shalt  }
0x4f: {  	_ =	shalt  }
0x50: {  	_ =	shalt  }
0x51: {  	_ =	shalt  }
0x52: {  	_ =	shalt  }
0x53: {  	_ =	shalt  }
0x54: {  	_ =	shalt  }
0x55: {  	_ =	shalt  }
0x56: {  	_ =	shalt  }
0x57: {  	_ =	shalt  }
0x58: {  	_ =	shalt  }
0x59: {  	_ =	shalt  }
0x5a: {  	_ =	shalt  }
0x5b: {  	_ =	shalt  }
0x5c: {  	_ =	shalt  }
0x5d: {  	_ =	shalt  }
0x5e: {  	_ =	shalt  }
0x5f: {  	_ =	shalt  }
0x60: {  	_ =	shalt  }
0x61: {  	_ =	shalt  }
0x62: {  	_ =	shalt  }
0x63: {  	_ =	shalt  }
0x64: {  	_ =	shalt  }
0x65: {  	_ =	shalt  }
0x66: {  	_ =	shalt  }
0x67: {  	_ =	shalt  }
0x68: {  	_ =	shalt  }
0x69: {  	_ =	shalt  }
0x6a: {  	_ =	shalt  }
0x6b: {  	_ =	shalt  }
0x6c: {  	_ =	shalt  }
0x6d: {  	_ =	shalt  }
0x6e: {  	_ =	shalt  }
0x6f: {  	_ =	shalt  }
0x70: {  	_ =	shalt  }
0x71: {  	_ =	shalt  }
0x72: {  	_ =	shalt  }
0x73: {  	_ =	shalt  }
0x74: {  	_ =	shalt  }
0x75: {  	_ =	shalt  }
0x76: {  	_ =	shalt  }
0x77: {  	_ =	shalt  }
0x78: {  	_ =	shalt  }
0x79: {  	_ =	shalt  }
0x7a: {  	_ =	shalt  }
0x7b: {  	_ =	shalt  }
0x7c: {  	_ =	shalt  }
0x7d: {  	_ =	shalt  }
0x7e: {  	_ =	shalt  }
0x7f: {  	_ =	shalt  }
0x80: {  	_ =	shalt  }
0x81: {  	_ =	shalt  }
0x82: {  	_ =	shalt  }
0x83: {  	_ =	shalt  }
0x84: {  	_ =	shalt  }
0x85: {  	_ =	shalt  }
0x86: {  	_ =	shalt  }
0x87: {  	_ =	shalt  }
.Lfunc_end0:
.L_simem_size_0:
called_computation_lowered:
.L_overlay_start_0:
0x88: {  	s2 =	sld [smem:$0x3FD9]  }
0x89: {  	s3 =	sld [smem:$0x3FFE];
	_ =	sdelay $0x1  }
0x8a: {  	s1 =	srdreg.scid  }
0x8b: {  	s0 =	sand.u32 $0x1, s1  }
0x8c: {  	s17 =	sshll.u32 s0, $0xA;
	s2 =	sadd.s32 s3, s2  }
0x8d: {  	s2 =	sadd.s32 s2, s17  }
0x8e: {  	[smem:$0x3FC7] =	sst s2  }
0x8f: {  	_ = 	snop  }
0x90: {  	s2 =	sld [smem:$0x3FD0];
	(tm) =	ssettm $0x1  }
0x91: {  	s18 =	sld [smem:$0x3FFB];
	_ =	sdelay $0x3  }
0x92: {  	_ =	strace s18  }
0x93: {  	s3 =	sld [smem:$0x3FFC];
	_ =	sdelay $0x3  }
0x94: {  	_ =	strace s3  }
0x95: {  	s3 =	sld [smem:$0x3FFD];
	_ =	sdelay $0x3  }
0x96: {  	_ =	strace s3  }
0x97: {  	_ =	strace $0x8FFFFFFF  }
0x98: {  	s19 =	sld [smem:$0x3FDB];
	_ =	sdelay $0x1  }
0x99: {  	s4 =	simm.s32 $_scs_section_size  }
0x9a: {  	s5 =	simm.s32 $_size__tile_overlayer_lowered;
	s6 =	simm.s32 $_tile_overlayer_lowered  }
0x9b: {  	s22 =	simm.s32 $0x1BFF;
	s21 =	sshll.u32 s6, $0x1;
	s3 =	sadd.s32 s4, s19  }
0x9c: {  	s7 =	simm.s32 $0x0;
	s20 =	sshll.u32 s5, $0x1;
	s5 =	sadd.s32 s21, s3  }
0x9d: {  	[timem:s7], [sflag:s22] =	dma.local [hbm:s5], s20  }
0x9e: {  	_ =	swait.ge [sflag:s22], s20  }
0x9f: {  	s4 =	ssub.s32 $0x0, s20;
	[sflag:s22] =	ssyncset.done $0x0  }
0xa0: {  	[sflag:s22] =	ssyncadd.s32 s4;
	_ =	sdelay $0x1  }
0xa1: {  	s23 =	simm.s32 $0x1B8B  }
0xa2: {  	_ =	swait.ge [sflag:s23], $0x1  }
0xa3: {  	[sflag:s23] =	ssyncset.done $0x0  }
0xa4: {  	s25 =	simm.s32 $0x1B8E;
	s24 =	sld [smem:$0x3FFE];
	[sflag:s23] =	ssyncadd.s32 $0xFFFFFFFF  }
0xa5: {  	s26 =	simm.s32 $execute0_lowered;
	[smem:$0x3FD2] =	sst s25  }
0xa6: {  	s5 =	sshll.u32 s26, $0x1;
	_ =	strace $0x80000046;
	[dreg:$0x1] =	wrdreg $0xFFFFFFFF  }
0xa7: {  	s28 =	simm.s32 $_size_execute0_lowered;
	s3 =	sadd.s32 s3, s5;
	[dreg:$0x0] =	wrdreg $0x0  }
0xa8: {  	s5 =	sshll.u32 s28, $0x1;
	[dreg:$0x2] =	wrdreg s3  }
0xa9: {  	[dreg:$0x3] =	wrdreg s5  }
0xaa: {  	[dreg:$0x4] =	wrdreg $0xC0  }
0xab: {  	_ =	task [dreg:s7], $0x5FFFF  }
0xac: {  	[dreg:$0x1] =	wrdreg $0xFFFFFFFF  }
0xad: {  	[dreg:$0x0] =	wrdreg $0x60  }
0xae: {  	[dreg:$0x2] =	wrdreg s24  }
0xaf: {  	[dreg:$0x3] =	wrdreg s2  }
0xb0: {  	[dreg:$0x4] =	wrdreg $0x9  }
0xb1: {  	_ =	task.clear_ibuf [dreg:s7], $0x5FFFF;
	_ =	strace $0x90000046  }
0xb2: {  	s29 =	simm.s32 $0x9;
	_ =	strace $0x80000048  }
0xb3: {  	_ =	swait.ge [sflag:s29], $0x1  }
0xb4: {  	[sflag:s29] =	ssyncadd.s32 $0xFFFFFFFF  }
0xb5: {  	_ =	strace $0x90000048  }
0xb6: {  	_ =	sfence  }
0xb7: {  	s30 =	sld [smem:$0x0];
	_ =	sdelay $0x2  }
0xb8: {  	s31 =	sshll.u32 s1, $0xD;
	s1 =	sshrl.u32 s1, $0x2  }
0xb9: {  	s3 =	sand.u32 $0x4000, s31;
	s1 =	sadd.s32 s1, s30  }
0xba: {  	s0 =	sor.u32 s3, s0;
	s1 =	sshll.u32 s1, $0x11  }
0xbb: {  	s0 =	sor.u32 s1, s0  }
0xbc: {  	s0 =	sadd.s32 $0x8F2B, s0  }
0xbd: {  	[sflag:s0] =	ssyncadd.remote.s32 $0x1  }
0xbe: {  	_ =	sfence.sel $0xFFFF  }
0xbf: {  	[dreg:$0x0] =	wrdreg $0xFFFFFFFF;
	(pc) =	sbr.abs _section_cstart, $3  }
0xc0: {  	[dreg:$0x1] =	wrdreg $0xFFFFFFFF  }
0xc1: {  	_ =	task.clear_ibuf [dreg:s7], $0x2FFFF;
	_ =	strace $0x9FFFFFFF  }
0xc2: {  	(tm) =	ssettm $0x7FFFFFFF  }
0xc3: {  	_ =	shalt  }
tec
execute0_lowered:
.L_overlay_start_1:
0x0: {  	(tag) =	ssettag $0x1  }
0x1: {  	s0 =	srdreg.scid;
	s1 =	stileid.u32  }
0x2: {  	s2 =	sand.u32 $0x1, s0;
	s17 =	sshll.u32 s1, $0x1  }
0x3: {  	s0 =	sor.u32 s2, s17  }
0x4: {  	s15 =	smul.u32 $0xA0, s0;
	_ =	sdelay $0x1  }
0x5: {  	v0 =	vmov s15  }
0x6: {  	v20 =	vmulhi.u32 $0x28F5C3, v0  }
0x7: {  	s3 =	simm.s32 $0x0  }
0x8: {  	[smem:$0x7FF] =	sst s3;
	v0 =	vmul.u32 $0xFFFFF9C0, v20  }
0x9: {  	[dreg:$0x3] =	wrdreg s2  }
0xa: {  	v47 =	vlaneseq.u32;
	[dreg:$0x4] =	wrdreg s0;
	v0 =	vadd.s32 s15, v0  }
0xb: {  	s2 =	rddreg [dreg:$0x1];
	_ =	strace $0x80000047;
	v19 =	vor.u32 v47, v0  }
0xc: {  	(v2sf) =	vpush v19, $0xD  }
0xd: {  	(v2sf) =	vpush v19, $0xC  }
0xe: {  	(v2sf) =	vpush v19, $0xE  }
0xf: {  	(v2sf) =	vpush v19, $0xF  }
0x10: {  	(v2sf) =	vpush v19, $0x9  }
0x11: {  	(v2sf) =	vpush v19, $0x8  }
0x12: {  	(v2sf) =	vpush v19, $0xA  }
0x13: {  	s0 =	sor.u32 $0x10, s15;
	(v2sf) =	vpush v19, $0xB  }
0x14: {  	v0 =	vmov s0;
	(v2sf) =	vpush v19, $0x5  }
0x15: {  	v0 =	vmulhi.u32 $0x51EB851F, v0;
	(v2sf) =	vpush v19, $0x4  }
0x16: {  	(v2sf) =	vpush v19, $0x6  }
0x17: {  	v17 =	vshrl.u32 v0, $0x9;
	(v2sf) =	vpush v19, $0x7  }
0x18: {  	v0 =	vmul.u32 $0xFFFFF9C0, v17;
	(v2sf) =	vpush v19, $0x1  }
0x19: {  	(v2sf) =	vpush v19, $0x0  }
0x1a: {  	v0 =	vadd.s32 s0, v0;
	(v2sf) =	vpush v19, $0x2  }
0x1b: {  	v18 =	vor.u32 v47, v0;
	s14 =	spop (v2sf);
	(v2sf) =	vpush v19, $0x3  }
0x1c: {  	s5 =	spop (v2sf);
	(v2sf) =	vpush v18, $0xD  }
0x1d: {  	s4 =	spop (v2sf);
	(v2sf) =	vpush v18, $0xC  }
0x1e: {  	s1 =	spop (v2sf);
	(v2sf) =	vpush v18, $0xE  }
0x1f: {  	s24 =	spop (v2sf);
	(v2sf) =	vpush v18, $0xF  }
0x20: {  	s20 =	spop (v2sf);
	(v2sf) =	vpush v18, $0x9  }
0x21: {  	s17 =	spop (v2sf);
	(v2sf) =	vpush v18, $0x8  }
0x22: {  	s12 =	spop (v2sf);
	(v2sf) =	vpush v18, $0xA  }
0x23: {  	s18 =	sadd.s32 $0x20, s15;
	s23 =	spop (v2sf);
	(v2sf) =	vpush v18, $0xB  }
0x24: {  	v0 =	vmov s18;
	s31 =	spop (v2sf);
	(v2sf) =	vpush v18, $0x5  }
0x25: {  	v0 =	vmulhi.u32 $0x51EB851F, v0;
	s21 =	spop (v2sf);
	(v2sf) =	vpush v18, $0x4  }
0x26: {  	s30 =	spop (v2sf);
	(v2sf) =	vpush v18, $0x6  }
0x27: {  	v15 =	vshrl.u32 v0, $0x9;
	s16 =	spop (v2sf);
	(v2sf) =	vpush v18, $0x7  }
0x28: {  	v0 =	vmul.u32 $0xFFFFF9C0, v15;
	s22 =	spop (v2sf);
	(v2sf) =	vpush v18, $0x1  }
0x29: {  	s13 =	spop (v2sf);
	(v2sf) =	vpush v18, $0x0  }
0x2a: {  	v0 =	vadd.s32 s18, v0;
	s8 =	spop (v2sf);
	(v2sf) =	vpush v18, $0x2  }
0x2b: {  	v16 =	vor.u32 v47, v0;
	s9 =	spop (v2sf);
	(v2sf) =	vpush v18, $0x3  }
0x2c: {  	s10 =	spop (v2sf);
	(v2sf) =	vpush v16, $0xD  }
0x2d: {  	(v2sf) =	vpush v16, $0xC;
	s11 =	spop (v2sf)  }
0x2e: {  	(v2sf) =	vpush v16, $0xE;
	s0 =	spop (v2sf)  }
0x2f: {  	(v2sf) =	vpush v16, $0xF;
	s7 =	spop (v2sf)  }
0x30: {  	(v2sf) =	vpush v16, $0x9;
	s6 =	spop (v2sf)  }
0x31: {  	(v2sf) =	vpush v16, $0x8;
	s29 =	spop (v2sf)  }
0x32: {  	(v2sf) =	vpush v16, $0xA;
	s25 =	spop (v2sf)  }
0x33: {  	(v2sf) =	vpush v16, $0xB;
	s18 =	spop (v2sf)  }
0x34: {  	[smem:$0x792] =	sst s18;
	s18 =	sadd.s32 $0x30, s15;
	s26 =	spop (v2sf)  }
0x35: {  	(v2sf) =	vpush v16, $0x5;
	v0 =	vmov s18;
	s28 =	spop (v2sf)  }
0x36: {  	(v2sf) =	vpush v16, $0x4;
	v0 =	vmulhi.u32 $0x51EB851F, v0;
	s19 =	spop (v2sf)  }
0x37: {  	(v2sf) =	vpush v16, $0x6;
	[smem:$0x793] =	sst s19;
	s19 =	spop (v2sf)  }
0x38: {  	(v2sf) =	vpush v16, $0x7;
	v13 =	vshrl.u32 v0, $0x9;
	[smem:$0x794] =	sst s19;
	s19 =	spop (v2sf)  }
0x39: {  	(v2sf) =	vpush v16, $0x1;
	v0 =	vmul.u32 $0xFFFFF9C0, v13;
	[smem:$0x795] =	sst s19;
	s19 =	spop (v2sf)  }
0x3a: {  	(v2sf) =	vpush v16, $0x0;
	[smem:$0x796] =	sst s19;
	s19 =	spop (v2sf)  }
0x3b: {  	(v2sf) =	vpush v16, $0x2;
	v0 =	vadd.s32 s18, v0;
	[smem:$0x797] =	sst s19;
	s19 =	spop (v2sf)  }
0x3c: {  	(v2sf) =	vpush v16, $0x3;
	s18 =	sadd.s32 $0x40, s15;
	v14 =	vor.u32 v47, v0;
	[smem:$0x798] =	sst s19;
	s19 =	spop (v2sf)  }
0x3d: {  	v0 =	vmov s18;
	(v2sf) =	vpush v14, $0xD;
	[smem:$0x799] =	sst s19;
	s19 =	spop (v2sf)  }
0x3e: {  	v0 =	vmulhi.u32 $0x51EB851F, v0;
	(v2sf) =	vpush v14, $0xC;
	[smem:$0x79A] =	sst s19;
	s19 =	spop (v2sf)  }
0x3f: {  	(v2sf) =	vpush v14, $0xE;
	[smem:$0x79B] =	sst s19;
	s19 =	spop (v2sf)  }
0x40: {  	v11 =	vshrl.u32 v0, $0x9;
	(v2sf) =	vpush v14, $0xF;
	[smem:$0x79C] =	sst s19;
	s19 =	spop (v2sf)  }
0x41: {  	v0 =	vmul.u32 $0xFFFFF9C0, v11;
	(v2sf) =	vpush v14, $0x9;
	[smem:$0x79D] =	sst s19;
	s19 =	spop (v2sf)  }
0x42: {  	(v2sf) =	vpush v14, $0x8;
	[smem:$0x79E] =	sst s19;
	s19 =	spop (v2sf)  }
0x43: {  	v0 =	vadd.s32 s18, v0;
	s18 =	sadd.s32 $0x50, s15;
	(v2sf) =	vpush v14, $0xA;
	[smem:$0x79F] =	sst s19  }
0x44: {  	s19 =	spop (v2sf);
	v12 =	vor.u32 v47, v0;
	v0 =	vmov s18;
	[dreg:$0x5] =	wrdreg s18;
	(v2sf) =	vpush v14, $0xB  }
0x45: {  	[smem:$0x7A0] =	sst s19;
	s19 =	spop (v2sf);
	v0 =	vmulhi.u32 $0x51EB851F, v0;
	(v2sf) =	vpush v14, $0x5  }
0x46: {  	[smem:$0x7A1] =	sst s19;
	s19 =	spop (v2sf);
	(v2sf) =	vpush v14, $0x4  }
0x47: {  	[smem:$0x7A2] =	sst s19;
	s19 =	spop (v2sf);
	v9 =	vshrl.u32 v0, $0x9;
	(v2sf) =	vpush v14, $0x6  }
0x48: {  	[smem:$0x7A3] =	sst s19;
	s19 =	spop (v2sf);
	v0 =	vmul.u32 $0xFFFFF9C0, v9;
	(v2sf) =	vpush v14, $0x7  }
0x49: {  	[smem:$0x7A4] =	sst s19;
	s19 =	spop (v2sf);
	(v2sf) =	vpush v14, $0x1  }
0x4a: {  	[smem:$0x7A5] =	sst s19;
	s19 =	spop (v2sf);
	v0 =	vadd.s32 s18, v0;
	s18 =	sadd.s32 $0x60, s15;
	(v2sf) =	vpush v14, $0x0  }
0x4b: {  	[smem:$0x7A6] =	sst s19;
	s19 =	spop (v2sf);
	v10 =	vor.u32 v47, v0;
	v0 =	vmov s18;
	(v2sf) =	vpush v14, $0x2  }
0x4c: {  	[smem:$0x7A7] =	sst s19;
	v0 =	vmulhi.u32 $0x51EB851F, v0;
	(v2sf) =	vpush v14, $0x3;
	s19 =	spop (v2sf)  }
0x4d: {  	[smem:$0x7A8] =	sst s19;
	(v2sf) =	vpush v12, $0xD;
	s19 =	spop (v2sf)  }
0x4e: {  	v7 =	vshrl.u32 v0, $0x9;
	[smem:$0x7A9] =	sst s19;
	(v2sf) =	vpush v12, $0xC;
	s19 =	spop (v2sf)  }
0x4f: {  	v0 =	vmul.u32 $0xFFFFF9C0, v7;
	[smem:$0x7AA] =	sst s19;
	(v2sf) =	vpush v12, $0xE;
	s19 =	spop (v2sf)  }
0x50: {  	[smem:$0x7AB] =	sst s19;
	(v2sf) =	vpush v12, $0xF;
	s19 =	spop (v2sf)  }
0x51: {  	v0 =	vadd.s32 s18, v0;
	s18 =	sadd.s32 $0x70, s15;
	[smem:$0x7AC] =	sst s19;
	(v2sf) =	vpush v12, $0x9;
	s19 =	spop (v2sf)  }
0x52: {  	v8 =	vor.u32 v47, v0;
	v0 =	vmov s18;
	[smem:$0x7AD] =	sst s19;
	(v2sf) =	vpush v12, $0x8;
	s19 =	spop (v2sf)  }
0x53: {  	v0 =	vmulhi.u32 $0x51EB851F, v0;
	[smem:$0x7AE] =	sst s19;
	(v2sf) =	vpush v12, $0xA;
	s19 =	spop (v2sf)  }
0x54: {  	[smem:$0x7AF] =	sst s19;
	(v2sf) =	vpush v12, $0xB;
	s19 =	spop (v2sf)  }
0x55: {  	v6 =	vshrl.u32 v0, $0x9;
	[smem:$0x7B0] =	sst s19;
	(v2sf) =	vpush v12, $0x5;
	s19 =	spop (v2sf)  }
0x56: {  	v0 =	vmul.u32 $0xFFFFF9C0, v6;
	[smem:$0x7B1] =	sst s19;
	s19 =	spop (v2sf)  }
0x57: {  	(v2sf) =	vpush v12, $0x4;
	[smem:$0x7B2] =	sst s19;
	s19 =	spop (v2sf)  }
0x58: {  	(v2sf) =	vpush v12, $0x6;
	v0 =	vadd.s32 s18, v0;
	s18 =	sadd.s32 $0x80, s15;
	[smem:$0x7B3] =	sst s19;
	s19 =	spop (v2sf)  }
0x59: {  	(v2sf) =	vpush v12, $0x7;
	v5 =	vor.u32 v47, v0;
	v0 =	vmov s18;
	[smem:$0x7B4] =	sst s19;
	s19 =	spop (v2sf)  }
0x5a: {  	(v2sf) =	vpush v12, $0x1;
	v0 =	vmulhi.u32 $0x51EB851F, v0;
	[smem:$0x7B5] =	sst s19;
	s19 =	spop (v2sf)  }
0x5b: {  	(v2sf) =	vpush v12, $0x0;
	[smem:$0x7B6] =	sst s19;
	s19 =	spop (v2sf)  }
0x5c: {  	(v2sf) =	vpush v12, $0x2;
	v1 =	vshrl.u32 v0, $0x9;
	[smem:$0x7B7] =	sst s19;
	s19 =	spop (v2sf)  }
0x5d: {  	(v2sf) =	vpush v12, $0x3;
	v0 =	vmul.u32 $0xFFFFF9C0, v1;
	[smem:$0x7B8] =	sst s19;
	s19 =	spop (v2sf)  }
0x5e: {  	(v2sf) =	vpush v10, $0xD;
	[smem:$0x7B9] =	sst s19;
	s19 =	spop (v2sf)  }
0x5f: {  	s15 =	sadd.s32 $0x90, s15;
	(v2sf) =	vpush v10, $0xC;
	v0 =	vadd.s32 s18, v0;
	[smem:$0x7BA] =	sst s19;
	s19 =	spop (v2sf)  }
0x60: {  	(v2sf) =	vpush v10, $0xE;
	v3 =	vor.u32 v47, v0;
	v0 =	vmov s15;
	[smem:$0x7BB] =	sst s19;
	s19 =	spop (v2sf)  }
0x61: {  	(v2sf) =	vpush v10, $0xF;
	v0 =	vmulhi.u32 $0x51EB851F, v0;
	[smem:$0x7BC] =	sst s19;
	s19 =	spop (v2sf)  }
0x62: {  	(v2sf) =	vpush v10, $0x9;
	[smem:$0x7BD] =	sst s19;
	s19 =	spop (v2sf)  }
0x63: {  	(v2sf) =	vpush v10, $0x8;
	v4 =	vshrl.u32 v0, $0x9;
	[smem:$0x7BE] =	sst s19;
	s19 =	spop (v2sf)  }
0x64: {  	(v2sf) =	vpush v10, $0xA;
	v0 =	vmul.u32 $0xFFFFF9C0, v4;
	[smem:$0x7BF] =	sst s19;
	s19 =	spop (v2sf)  }
0x65: {  	(v2sf) =	vpush v10, $0xB;
	[smem:$0x7C0] =	sst s19  }
0x66: {  	(v2sf) =	vpush v10, $0x5;
	s19 =	spop (v2sf);
	v0 =	vadd.s32 s15, v0;
	s15 =	stileid.u32  }
0x67: {  	[smem:$0x7C1] =	sst s19;
	(v2sf) =	vpush v10, $0x4;
	s19 =	spop (v2sf)  }
0x68: {  	[smem:$0x7C2] =	sst s19;
	(v2sf) =	vpush v10, $0x6;
	s19 =	spop (v2sf)  }
0x69: {  	[smem:$0x7C3] =	sst s19;
	(v2sf) =	vpush v10, $0x7;
	s19 =	spop (v2sf)  }
0x6a: {  	[smem:$0x7C4] =	sst s19;
	(v2sf) =	vpush v10, $0x1;
	s19 =	spop (v2sf)  }
0x6b: {  	[smem:$0x7C5] =	sst s19;
	(v2sf) =	vpush v10, $0x0;
	s19 =	spop (v2sf)  }
0x6c: {  	[smem:$0x7C6] =	sst s19;
	(v2sf) =	vpush v10, $0x2;
	s19 =	spop (v2sf)  }
0x6d: {  	[smem:$0x7C7] =	sst s19;
	(v2sf) =	vpush v10, $0x3;
	s19 =	spop (v2sf)  }
0x6e: {  	[smem:$0x7C8] =	sst s19;
	(v2sf) =	vpush v8, $0xD;
	s19 =	spop (v2sf)  }
0x6f: {  	[smem:$0x7C9] =	sst s19;
	(v2sf) =	vpush v8, $0xC;
	s19 =	spop (v2sf)  }
0x70: {  	[smem:$0x7CA] =	sst s19;
	(v2sf) =	vpush v8, $0xE;
	s19 =	spop (v2sf)  }
0x71: {  	[smem:$0x7CB] =	sst s19;
	(v2sf) =	vpush v8, $0xF;
	s19 =	spop (v2sf)  }
0x72: {  	[smem:$0x7CC] =	sst s19;
	(v2sf) =	vpush v8, $0x9;
	s19 =	spop (v2sf)  }
0x73: {  	[smem:$0x7CD] =	sst s19;
	(v2sf) =	vpush v8, $0x8;
	s19 =	spop (v2sf)  }
0x74: {  	[smem:$0x7CE] =	sst s19;
	(v2sf) =	vpush v8, $0xA;
	s19 =	spop (v2sf)  }
0x75: {  	[smem:$0x7CF] =	sst s19;
	(v2sf) =	vpush v8, $0xB;
	s19 =	spop (v2sf)  }
0x76: {  	[smem:$0x7D0] =	sst s19;
	(v2sf) =	vpush v8, $0x5;
	s19 =	spop (v2sf)  }
0x77: {  	[smem:$0x7D1] =	sst s19;
	(v2sf) =	vpush v8, $0x4;
	s19 =	spop (v2sf)  }
0x78: {  	[smem:$0x7D2] =	sst s19;
	(v2sf) =	vpush v8, $0x6;
	s19 =	spop (v2sf)  }
0x79: {  	[smem:$0x7D3] =	sst s19;
	(v2sf) =	vpush v8, $0x7;
	s19 =	spop (v2sf)  }
0x7a: {  	[smem:$0x7D4] =	sst s19;
	(v2sf) =	vpush v8, $0x1;
	s19 =	spop (v2sf)  }
0x7b: {  	[smem:$0x7D5] =	sst s19;
	(v2sf) =	vpush v8, $0x0;
	s19 =	spop (v2sf)  }
0x7c: {  	[smem:$0x7D6] =	sst s19;
	(v2sf) =	vpush v8, $0x2;
	s19 =	spop (v2sf)  }
0x7d: {  	[smem:$0x7D7] =	sst s19;
	(v2sf) =	vpush v8, $0x3;
	s19 =	spop (v2sf)  }
0x7e: {  	[smem:$0x7D8] =	sst s19;
	(v2sf) =	vpush v5, $0xD;
	s19 =	spop (v2sf)  }
0x7f: {  	[smem:$0x7D9] =	sst s19;
	(v2sf) =	vpush v5, $0xC;
	s19 =	spop (v2sf)  }
0x80: {  	[smem:$0x7DA] =	sst s19;
	(v2sf) =	vpush v5, $0xE;
	s19 =	spop (v2sf)  }
0x81: {  	[smem:$0x7DB] =	sst s19;
	(v2sf) =	vpush v5, $0xF;
	s19 =	spop (v2sf)  }
0x82: {  	[smem:$0x7DC] =	sst s19;
	(v2sf) =	vpush v5, $0x9;
	s19 =	spop (v2sf)  }
0x83: {  	[smem:$0x7DD] =	sst s19;
	(v2sf) =	vpush v5, $0x8;
	s19 =	spop (v2sf)  }
0x84: {  	[smem:$0x7DE] =	sst s19;
	(v2sf) =	vpush v5, $0xA;
	s19 =	spop (v2sf)  }
0x85: {  	[smem:$0x7DF] =	sst s19;
	(v2sf) =	vpush v5, $0xB;
	s19 =	spop (v2sf)  }
0x86: {  	[smem:$0x7E0] =	sst s19;
	(v2sf) =	vpush v5, $0x5;
	s19 =	spop (v2sf)  }
0x87: {  	[smem:$0x7E1] =	sst s19;
	(v2sf) =	vpush v5, $0x4;
	s19 =	spop (v2sf)  }
0x88: {  	[smem:$0x7E2] =	sst s19;
	(v2sf) =	vpush v5, $0x6;
	s19 =	spop (v2sf)  }
0x89: {  	[smem:$0x7E3] =	sst s19;
	(v2sf) =	vpush v5, $0x7;
	s19 =	spop (v2sf)  }
0x8a: {  	[smem:$0x7E4] =	sst s19;
	(v2sf) =	vpush v5, $0x1;
	s19 =	spop (v2sf)  }
0x8b: {  	[smem:$0x7E5] =	sst s19;
	(v2sf) =	vpush v5, $0x0;
	s19 =	spop (v2sf)  }
0x8c: {  	[smem:$0x7E6] =	sst s19;
	(v2sf) =	vpush v5, $0x2;
	s19 =	spop (v2sf)  }
0x8d: {  	[smem:$0x7E7] =	sst s19;
	(v2sf) =	vpush v5, $0x3;
	s19 =	spop (v2sf)  }
0x8e: {  	[smem:$0x7E8] =	sst s19;
	(v2sf) =	vpush v3, $0xD;
	s19 =	spop (v2sf)  }
0x8f: {  	[smem:$0x7E9] =	sst s19;
	(v2sf) =	vpush v3, $0xC;
	s19 =	spop (v2sf)  }
0x90: {  	[smem:$0x7EA] =	sst s19;
	(v2sf) =	vpush v3, $0xE;
	s19 =	spop (v2sf)  }
0x91: {  	[smem:$0x7EB] =	sst s19;
	(v2sf) =	vpush v3, $0xF;
	s19 =	spop (v2sf)  }
0x92: {  	[smem:$0x7EC] =	sst s19;
	(v2sf) =	vpush v3, $0x9;
	s19 =	spop (v2sf)  }
0x93: {  	[smem:$0x7ED] =	sst s19;
	(v2sf) =	vpush v3, $0x8;
	s19 =	spop (v2sf)  }
0x94: {  	[smem:$0x7EE] =	sst s19;
	(v2sf) =	vpush v3, $0xA;
	s19 =	spop (v2sf)  }
0x95: {  	[smem:$0x7EF] =	sst s19;
	(v2sf) =	vpush v3, $0xB;
	s19 =	spop (v2sf)  }
0x96: {  	[smem:$0x7F0] =	sst s19;
	(v2sf) =	vpush v3, $0x5;
	s19 =	spop (v2sf)  }
0x97: {  	[smem:$0x7F1] =	sst s19;
	(v2sf) =	vpush v3, $0x4;
	s19 =	spop (v2sf)  }
0x98: {  	[smem:$0x7F2] =	sst s19;
	(v2sf) =	vpush v3, $0x6;
	s19 =	spop (v2sf)  }
0x99: {  	[smem:$0x7F3] =	sst s19;
	(v2sf) =	vpush v3, $0x7;
	s19 =	spop (v2sf)  }
0x9a: {  	[smem:$0x7F4] =	sst s19;
	(v2sf) =	vpush v3, $0x1;
	s19 =	spop (v2sf)  }
0x9b: {  	[smem:$0x7F5] =	sst s19;
	(v2sf) =	vpush v3, $0x0;
	s19 =	spop (v2sf)  }
0x9c: {  	[smem:$0x7F6] =	sst s19;
	(v2sf) =	vpush v3, $0x2;
	s19 =	spop (v2sf)  }
0x9d: {  	v2 =	vor.u32 v47, v0;
	[smem:$0x7F7] =	sst s19;
	(v2sf) =	vpush v3, $0x3;
	s19 =	spop (v2sf)  }
0x9e: {  	[smem:$0x7F8] =	sst s19;
	(v2sf) =	vpush v2, $0xD;
	s19 =	spop (v2sf)  }
0x9f: {  	[smem:$0x7F9] =	sst s19;
	(v2sf) =	vpush v2, $0xC;
	s19 =	spop (v2sf)  }
0xa0: {  	[smem:$0x7FA] =	sst s19;
	(v2sf) =	vpush v2, $0xE;
	s19 =	spop (v2sf)  }
0xa1: {  	[smem:$0x7FB] =	sst s19;
	(v2sf) =	vpush v2, $0xF;
	s19 =	spop (v2sf)  }
0xa2: {  	[smem:$0x7FC] =	sst s19;
	(v2sf) =	vpush v2, $0x9;
	s19 =	spop (v2sf)  }
0xa3: {  	[smem:$0x7FD] =	sst s19;
	(v2sf) =	vpush v2, $0x8;
	s19 =	spop (v2sf)  }
0xa4: {  	[dreg:$0x1f] =	wrdreg s19;
	(v2sf) =	vpush v2, $0xA;
	s19 =	spop (v2sf)  }
0xa5: {  	[dreg:$0x1d] =	wrdreg s19;
	(v2sf) =	vpush v2, $0xB;
	s19 =	spop (v2sf)  }
0xa6: {  	[dreg:$0x1c] =	wrdreg s19;
	(v2sf) =	vpush v2, $0x5;
	s19 =	spop (v2sf)  }
0xa7: {  	[dreg:$0x1b] =	wrdreg s19;
	(v2sf) =	vpush v2, $0x4;
	s19 =	spop (v2sf)  }
0xa8: {  	[dreg:$0x1a] =	wrdreg s19;
	(v2sf) =	vpush v2, $0x6;
	s19 =	spop (v2sf)  }
0xa9: {  	[dreg:$0x19] =	wrdreg s19;
	(v2sf) =	vpush v2, $0x7;
	s19 =	spop (v2sf)  }
0xaa: {  	[dreg:$0x18] =	wrdreg s19;
	s19 =	spop (v2sf)  }
0xab: {  	(v2sf) =	vpush v2, $0x1;
	[dreg:$0x17] =	wrdreg s19;
	s19 =	spop (v2sf)  }
0xac: {  	(v2sf) =	vpush v2, $0x0;
	[dreg:$0x16] =	wrdreg s19;
	s19 =	spop (v2sf)  }
0xad: {  	(v2sf) =	vpush v2, $0x2;
	[dreg:$0x15] =	wrdreg s19;
	s19 =	spop (v2sf)  }
0xae: {  	(v2sf) =	vpush v2, $0x3;
	[dreg:$0x14] =	wrdreg s19;
	s19 =	spop (v2sf)  }
0xaf: {  	[dreg:$0x13] =	wrdreg s19;
	s19 =	spop (v2sf)  }
0xb0: {  	[dreg:$0x12] =	wrdreg s19;
	s19 =	spop (v2sf)  }
0xb1: {  	[dreg:$0x11] =	wrdreg s19;
	s19 =	spop (v2sf)  }
0xb2: {  	[dreg:$0x10] =	wrdreg s19;
	s19 =	spop (v2sf)  }
0xb3: {  	[dreg:$0xf] =	wrdreg s19;
	s19 =	spop (v2sf)  }
0xb4: {  	[dreg:$0xe] =	wrdreg s19;
	s19 =	spop (v2sf)  }
0xb5: {  	[dreg:$0xd] =	wrdreg s19;
	s19 =	spop (v2sf)  }
0xb6: {  	[dreg:$0xc] =	wrdreg s19;
	s19 =	spop (v2sf)  }
0xb7: {  	[dreg:$0xb] =	wrdreg s19;
	s19 =	spop (v2sf)  }
0xb8: {  	[dreg:$0xa] =	wrdreg s19;
	s19 =	spop (v2sf)  }
0xb9: {  	p0 =	seq.s32 s15, $0xF;
	[dreg:$0x9] =	wrdreg s19  }
.Ltmp0:
0xba: {  	s19 =	spop (v2sf);
	(pc) =	sbr.rel @p0 .LBB2_4-.Ltmp0, $4  }
0xbb: {  	[dreg:$0x8] =	wrdreg s19;
	s19 =	spop (v2sf)  }
0xbc: {  	[dreg:$0x7] =	wrdreg s19;
	s19 =	spop (v2sf)  }
0xbd: {  	[dreg:$0x6] =	wrdreg s19;
	s19 =	spop (v2sf)  }
0xbe: {  	[dreg:$0x1e] =	wrdreg s19  }
0xbf: {  	s19 =	smulhi.u32 $0x66666667, s14  }
0xc0: {  	s15 =	sshra.s32 s14, $0x1F;
	s18 =	smulhi.u32 $0x66666667, s5  }
0xc1: {  	s14 =	smul.u32 $0x66666667, s15;
	s15 =	sshra.s32 s5, $0x1F  }
0xc2: {  	s5 =	smul.u32 $0x66666667, s15  }
0xc3: {  	[smem:$0x688] =	sst s18;
	s18 =	smulhi.u32 $0x66666667, s4  }
0xc4: {  	s15 =	sshra.s32 s1, $0x1F;
	[smem:$0x687] =	sst s14;
	s14 =	smulhi.u32 $0x66666667, s1  }
0xc5: {  	s1 =	smul.u32 $0x66666667, s15  }
0xc6: {  	s15 =	smulhi.u32 $0x66666667, s17;
	[smem:$0x689] =	sst s5  }
0xc7: {  	[smem:$0x68A] =	sst s18;
	s5 =	sshra.s32 s4, $0x1F;
	s18 =	smulhi.u32 $0x66666667, s24  }
0xc8: {  	s4 =	smul.u32 $0x66666667, s5  }
0xc9: {  	s5 =	sshra.s32 s24, $0x1F;
	[smem:$0x68F] =	sst s15;
	s15 =	smulhi.u32 $0x66666667, s31  }
0xca: {  	[smem:$0x68D] =	sst s18;
	s18 =	sshra.s32 s17, $0x1F;
	s17 =	smulhi.u32 $0x66666667, s12  }
0xcb: {  	[smem:$0x68B] =	sst s4;
	s4 =	smul.u32 $0x66666667, s5  }
0xcc: {  	s5 =	sshra.s32 s12, $0x1F;
	s12 =	smulhi.u32 $0x66666667, s23  }
0xcd: {  	[smem:$0x692] =	sst s15;
	s15 =	smulhi.u32 $0x66666667, s16  }
0xce: {  	[smem:$0x68E] =	sst s4;
	s4 =	smul.u32 $0x66666667, s18;
	s18 =	sshra.s32 s31, $0x1F  }
0xcf: {  	s16 =	sshra.s32 s16, $0x1F;
	[smem:$0x691] =	sst s12;
	s12 =	smul.u32 $0x66666667, s18  }
0xd0: {  	[smem:$0x690] =	sst s4;
	s4 =	smul.u32 $0x66666667, s16  }
0xd1: {  	[smem:$0x693] =	sst s15;
	s15 =	sshra.s32 s22, $0x1F;
	s16 =	smulhi.u32 $0x66666667, s22  }
0xd2: {  	s22 =	smul.u32 $0x66666667, s15  }
0xd3: {  	s18 =	sshra.s32 s13, $0x1F;
	s15 =	smulhi.u32 $0x66666667, s13  }
0xd4: {  	s13 =	smul.u32 $0x66666667, s18  }
0xd5: {  	s18 =	smulhi.u32 $0x66666667, s8;
	_ =	sdelay $0x1  }
0xd6: {  	[smem:$0x694] =	sst s18;
	s18 =	sshra.s32 s8, $0x1F  }
0xd7: {  	s8 =	smul.u32 $0x66666667, s18  }
0xd8: {  	s18 =	smulhi.u32 $0x66666667, s9;
	s9 =	sshra.s32 s9, $0x1F  }
0xd9: {  	s9 =	smul.u32 $0x66666667, s9;
	_ =	sdelay $0x1  }
0xda: {  	[smem:$0x695] =	sst s9;
	s9 =	smulhi.u32 $0x66666667, s10  }
0xdb: {  	_ = 	snop  }
0xdc: {  	[smem:$0x696] =	sst s9;
	s9 =	smulhi.u32 $0x66666667, s11  }
0xdd: {  	s11 =	sshra.s32 s11, $0x1F  }
0xde: {  	[smem:$0x697] =	sst s9;
	s9 =	smul.u32 $0x66666667, s11  }
0xdf: {  	_ = 	snop  }
0xe0: {  	s11 =	sshra.s32 s0, $0x1F;
	[smem:$0x698] =	sst s9;
	s9 =	smulhi.u32 $0x66666667, s0  }
0xe1: {  	s0 =	smul.u32 $0x66666667, s11  }
0xe2: {  	s11 =	smulhi.u32 $0x66666667, s7;
	s7 =	sshra.s32 s7, $0x1F  }
0xe3: {  	[smem:$0x699] =	sst s0;
	s0 =	smul.u32 $0x66666667, s7  }
0xe4: {  	s7 =	smulhi.u32 $0x66666667, s6;
	s6 =	sshra.s32 s6, $0x1F  }
0xe5: {  	[smem:$0x69A] =	sst s0;
	s0 =	smul.u32 $0x66666667, s6  }
0xe6: {  	[smem:$0x69B] =	sst s7;
	s7 =	smulhi.u32 $0x66666667, s29;
	s29 =	sshra.s32 s29, $0x1F  }
0xe7: {  	[smem:$0x69C] =	sst s0;
	s0 =	smul.u32 $0x66666667, s29  }
0xe8: {  	_ = 	snop  }
0xe9: {  	[smem:$0x69E] =	sst s0  }
0xea: {  	s0 =	sld [smem:$0x792];
	_ =	sdelay $0x2  }
0xeb: {  	[smem:$0x69D] =	sst s7;
	s7 =	smulhi.u32 $0x66666667, s0;
	s0 =	sshra.s32 s0, $0x1F  }
0xec: {  	s0 =	smul.u32 $0x66666667, s0  }
0xed: {  	[smem:$0x69F] =	sst s7;
	s7 =	smulhi.u32 $0x66666667, s26;
	s26 =	sshra.s32 s26, $0x1F  }
0xee: {  	[smem:$0x6A0] =	sst s0;
	s0 =	smul.u32 $0x66666667, s26  }
0xef: {  	_ = 	snop  }
0xf0: {  	[smem:$0x6A2] =	sst s0  }
0xf1: {  	s0 =	sld [smem:$0x793];
	_ =	sdelay $0x2  }
0xf2: {  	[smem:$0x6A1] =	sst s7;
	s7 =	smulhi.u32 $0x66666667, s0;
	s0 =	sshra.s32 s0, $0x1F  }
0xf3: {  	s0 =	smul.u32 $0x66666667, s0;
	_ =	sdelay $0x1  }
0xf4: {  	[smem:$0x6A4] =	sst s0  }
0xf5: {  	s0 =	sld [smem:$0x794];
	_ =	sdelay $0x2  }
0xf6: {  	[smem:$0x6A3] =	sst s7;
	s7 =	smulhi.u32 $0x66666667, s0;
	s0 =	sshra.s32 s0, $0x1F  }
0xf7: {  	s0 =	smul.u32 $0x66666667, s0;
	_ =	sdelay $0x1  }
0xf8: {  	[smem:$0x6A6] =	sst s0  }
0xf9: {  	s0 =	sld [smem:$0x795];
	_ =	sdelay $0x2  }
0xfa: {  	[smem:$0x6A5] =	sst s7;
	s7 =	smulhi.u32 $0x66666667, s0;
	s0 =	sshra.s32 s0, $0x1F  }
0xfb: {  	s0 =	smul.u32 $0x66666667, s0;
	_ =	sdelay $0x1  }
0xfc: {  	[smem:$0x6A8] =	sst s0  }
0xfd: {  	s0 =	sld [smem:$0x796];
	_ =	sdelay $0x2  }
0xfe: {  	[smem:$0x6A7] =	sst s7;
	s7 =	smulhi.u32 $0x66666667, s0;
	s0 =	sshra.s32 s0, $0x1F  }
0xff: {  	s0 =	smul.u32 $0x66666667, s0;
	_ =	sdelay $0x1  }
0x100: {  	[smem:$0x6AA] =	sst s0  }
0x101: {  	s0 =	sld [smem:$0x797];
	_ =	sdelay $0x2  }
0x102: {  	[smem:$0x6A9] =	sst s7;
	s7 =	smulhi.u32 $0x66666667, s0;
	s0 =	sshra.s32 s0, $0x1F  }
0x103: {  	s0 =	smul.u32 $0x66666667, s0;
	_ =	sdelay $0x1  }
0x104: {  	[smem:$0x6AC] =	sst s0  }
0x105: {  	s0 =	sld [smem:$0x798];
	_ =	sdelay $0x2  }
0x106: {  	[smem:$0x6AB] =	sst s7;
	s7 =	smulhi.u32 $0x66666667, s0;
	s0 =	sshra.s32 s0, $0x1F  }
0x107: {  	s0 =	smul.u32 $0x66666667, s0;
	_ =	sdelay $0x1  }
0x108: {  	[smem:$0x6AE] =	sst s0  }
0x109: {  	s0 =	sld [smem:$0x799];
	_ =	sdelay $0x2  }
0x10a: {  	[smem:$0x6AD] =	sst s7;
	s7 =	smulhi.u32 $0x66666667, s0;
	s0 =	sshra.s32 s0, $0x1F  }
0x10b: {  	s0 =	smul.u32 $0x66666667, s0;
	_ =	sdelay $0x1  }
0x10c: {  	[smem:$0x6B0] =	sst s0  }
0x10d: {  	s0 =	sld [smem:$0x79A];
	_ =	sdelay $0x2  }
0x10e: {  	[smem:$0x6AF] =	sst s7;
	s7 =	smulhi.u32 $0x66666667, s0;
	s0 =	sshra.s32 s0, $0x1F  }
0x10f: {  	s0 =	smul.u32 $0x66666667, s0;
	_ =	sdelay $0x1  }
0x110: {  	[smem:$0x6B2] =	sst s0  }
0x111: {  	s0 =	sld [smem:$0x79B];
	_ =	sdelay $0x2  }
0x112: {  	[smem:$0x6B1] =	sst s7;
	s7 =	smulhi.u32 $0x66666667, s0;
	s0 =	sshra.s32 s0, $0x1F  }
0x113: {  	s0 =	smul.u32 $0x66666667, s0;
	_ =	sdelay $0x1  }
0x114: {  	[smem:$0x6B4] =	sst s0  }
0x115: {  	s0 =	sld [smem:$0x79C];
	_ =	sdelay $0x2  }
0x116: {  	[smem:$0x6B3] =	sst s7;
	s7 =	smulhi.u32 $0x66666667, s0;
	s0 =	sshra.s32 s0, $0x1F  }
0x117: {  	s0 =	smul.u32 $0x66666667, s0;
	_ =	sdelay $0x1  }
0x118: {  	[smem:$0x6B6] =	sst s0  }
0x119: {  	s0 =	sld [smem:$0x79D];
	_ =	sdelay $0x2  }
0x11a: {  	[smem:$0x6B5] =	sst s7;
	s7 =	smulhi.u32 $0x66666667, s0;
	s0 =	sshra.s32 s0, $0x1F  }
0x11b: {  	s0 =	smul.u32 $0x66666667, s0;
	_ =	sdelay $0x1  }
0x11c: {  	[smem:$0x6B8] =	sst s0  }
0x11d: {  	s0 =	sld [smem:$0x79E];
	_ =	sdelay $0x2  }
0x11e: {  	[smem:$0x6B7] =	sst s7;
	s7 =	smulhi.u32 $0x66666667, s0;
	s0 =	sshra.s32 s0, $0x1F  }
0x11f: {  	s0 =	smul.u32 $0x66666667, s0;
	_ =	sdelay $0x1  }
0x120: {  	[smem:$0x6BA] =	sst s0  }
0x121: {  	s0 =	sld [smem:$0x79F];
	_ =	sdelay $0x2  }
0x122: {  	[smem:$0x6B9] =	sst s7;
	s7 =	smulhi.u32 $0x66666667, s0;
	s0 =	sshra.s32 s0, $0x1F  }
0x123: {  	s0 =	smul.u32 $0x66666667, s0;
	_ =	sdelay $0x1  }
0x124: {  	[smem:$0x6BC] =	sst s0  }
0x125: {  	s0 =	sld [smem:$0x7A0];
	_ =	sdelay $0x2  }
0x126: {  	[smem:$0x6BB] =	sst s7;
	s7 =	smulhi.u32 $0x66666667, s0;
	s0 =	sshra.s32 s0, $0x1F  }
0x127: {  	s0 =	smul.u32 $0x66666667, s0;
	_ =	sdelay $0x1  }
0x128: {  	[smem:$0x6BE] =	sst s0  }
0x129: {  	s0 =	sld [smem:$0x7A1];
	_ =	sdelay $0x2  }
0x12a: {  	[smem:$0x6BD] =	sst s7;
	s7 =	smulhi.u32 $0x66666667, s0;
	s0 =	sshra.s32 s0, $0x1F  }
0x12b: {  	s0 =	smul.u32 $0x66666667, s0;
	_ =	sdelay $0x1  }
0x12c: {  	[smem:$0x6C0] =	sst s0  }
0x12d: {  	s0 =	sld [smem:$0x7A2];
	_ =	sdelay $0x2  }
0x12e: {  	[smem:$0x6BF] =	sst s7;
	s7 =	smulhi.u32 $0x66666667, s0;
	s0 =	sshra.s32 s0, $0x1F  }
0x12f: {  	s0 =	smul.u32 $0x66666667, s0;
	_ =	sdelay $0x1  }
0x130: {  	[smem:$0x6C2] =	sst s0  }
0x131: {  	s0 =	sld [smem:$0x7A3];
	_ =	sdelay $0x2  }
0x132: {  	[smem:$0x6C1] =	sst s7;
	s7 =	smulhi.u32 $0x66666667, s0;
	s0 =	sshra.s32 s0, $0x1F  }
0x133: {  	s0 =	smul.u32 $0x66666667, s0;
	_ =	sdelay $0x1  }
0x134: {  	[smem:$0x6C4] =	sst s0  }
0x135: {  	s0 =	sld [smem:$0x7A4];
	_ =	sdelay $0x2  }
0x136: {  	[smem:$0x6C3] =	sst s7;
	s7 =	smulhi.u32 $0x66666667, s0;
	s0 =	sshra.s32 s0, $0x1F  }
0x137: {  	s0 =	smul.u32 $0x66666667, s0;
	_ =	sdelay $0x1  }
0x138: {  	[smem:$0x6C6] =	sst s0  }
0x139: {  	s0 =	sld [smem:$0x7A5];
	_ =	sdelay $0x2  }
0x13a: {  	[smem:$0x6C5] =	sst s7;
	s7 =	smulhi.u32 $0x66666667, s0;
	s0 =	sshra.s32 s0, $0x1F  }
0x13b: {  	s0 =	smul.u32 $0x66666667, s0;
	_ =	sdelay $0x1  }
0x13c: {  	[smem:$0x6C8] =	sst s0  }
0x13d: {  	s0 =	sld [smem:$0x7A6];
	_ =	sdelay $0x2  }
0x13e: {  	[smem:$0x6C7] =	sst s7;
	s7 =	smulhi.u32 $0x66666667, s0;
	s0 =	sshra.s32 s0, $0x1F  }
0x13f: {  	s0 =	smul.u32 $0x66666667, s0;
	_ =	sdelay $0x1  }
0x140: {  	[smem:$0x6CA] =	sst s0  }
0x141: {  	s0 =	sld [smem:$0x7A7];
	_ =	sdelay $0x2  }
0x142: {  	[smem:$0x6C9] =	sst s7;
	s7 =	smulhi.u32 $0x66666667, s0;
	s0 =	sshra.s32 s0, $0x1F  }
0x143: {  	s0 =	smul.u32 $0x66666667, s0;
	_ =	sdelay $0x1  }
0x144: {  	[smem:$0x6CC] =	sst s0  }
0x145: {  	s0 =	sld [smem:$0x7A8];
	_ =	sdelay $0x2  }
0x146: {  	[smem:$0x6CB] =	sst s7;
	s7 =	smulhi.u32 $0x66666667, s0;
	s0 =	sshra.s32 s0, $0x1F  }
0x147: {  	s0 =	smul.u32 $0x66666667, s0;
	_ =	sdelay $0x1  }
0x148: {  	[smem:$0x6CE] =	sst s0  }
0x149: {  	s0 =	sld [smem:$0x7A9];
	_ =	sdelay $0x2  }
0x14a: {  	[smem:$0x6CD] =	sst s7;
	s7 =	smulhi.u32 $0x66666667, s0;
	s0 =	sshra.s32 s0, $0x1F  }
0x14b: {  	s0 =	smul.u32 $0x66666667, s0;
	_ =	sdelay $0x1  }
0x14c: {  	[smem:$0x6D0] =	sst s0  }
0x14d: {  	s0 =	sld [smem:$0x7AA];
	_ =	sdelay $0x2  }
0x14e: {  	[smem:$0x6CF] =	sst s7;
	s7 =	smulhi.u32 $0x66666667, s0;
	s0 =	sshra.s32 s0, $0x1F  }
0x14f: {  	s0 =	smul.u32 $0x66666667, s0;
	_ =	sdelay $0x1  }
0x150: {  	[smem:$0x6D2] =	sst s0  }
0x151: {  	s0 =	sld [smem:$0x7AB];
	_ =	sdelay $0x2  }
0x152: {  	[smem:$0x6D1] =	sst s7;
	s7 =	smulhi.u32 $0x66666667, s0;
	s0 =	sshra.s32 s0, $0x1F  }
0x153: {  	s0 =	smul.u32 $0x66666667, s0;
	_ =	sdelay $0x1  }
0x154: {  	[smem:$0x6D4] =	sst s0  }
0x155: {  	s0 =	sld [smem:$0x7AC];
	_ =	sdelay $0x2  }
0x156: {  	[smem:$0x6D3] =	sst s7;
	s7 =	smulhi.u32 $0x66666667, s0;
	s0 =	sshra.s32 s0, $0x1F  }
0x157: {  	s0 =	smul.u32 $0x66666667, s0;
	_ =	sdelay $0x1  }
0x158: {  	[smem:$0x6D6] =	sst s0  }
0x159: {  	s0 =	sld [smem:$0x7AD];
	_ =	sdelay $0x2  }
0x15a: {  	[smem:$0x6D5] =	sst s7;
	s7 =	smulhi.u32 $0x66666667, s0;
	s0 =	sshra.s32 s0, $0x1F  }
0x15b: {  	s0 =	smul.u32 $0x66666667, s0;
	_ =	sdelay $0x1  }
0x15c: {  	[smem:$0x6D8] =	sst s0  }
0x15d: {  	s0 =	sld [smem:$0x7AE];
	_ =	sdelay $0x2  }
0x15e: {  	[smem:$0x6D7] =	sst s7;
	s7 =	smulhi.u32 $0x66666667, s0;
	s0 =	sshra.s32 s0, $0x1F  }
0x15f: {  	s0 =	smul.u32 $0x66666667, s0;
	_ =	sdelay $0x1  }
0x160: {  	[smem:$0x6DA] =	sst s0  }
0x161: {  	s0 =	sld [smem:$0x7AF];
	_ =	sdelay $0x2  }
0x162: {  	[smem:$0x6D9] =	sst s7;
	s7 =	smulhi.u32 $0x66666667, s0;
	s0 =	sshra.s32 s0, $0x1F  }
0x163: {  	s0 =	smul.u32 $0x66666667, s0;
	_ =	sdelay $0x1  }
0x164: {  	[smem:$0x6DC] =	sst s0  }
0x165: {  	s0 =	sld [smem:$0x7B0];
	_ =	sdelay $0x2  }
0x166: {  	[smem:$0x6DB] =	sst s7;
	s7 =	smulhi.u32 $0x66666667, s0;
	s0 =	sshra.s32 s0, $0x1F  }
0x167: {  	s0 =	smul.u32 $0x66666667, s0;
	_ =	sdelay $0x1  }
0x168: {  	[smem:$0x6DE] =	sst s0  }
0x169: {  	s0 =	sld [smem:$0x7B1];
	_ =	sdelay $0x2  }
0x16a: {  	[smem:$0x6DD] =	sst s7;
	s7 =	smulhi.u32 $0x66666667, s0;
	s0 =	sshra.s32 s0, $0x1F  }
0x16b: {  	s0 =	smul.u32 $0x66666667, s0;
	_ =	sdelay $0x1  }
0x16c: {  	[smem:$0x6E0] =	sst s0  }
0x16d: {  	s0 =	sld [smem:$0x7B2];
	_ =	sdelay $0x2  }
0x16e: {  	[smem:$0x6DF] =	sst s7;
	s7 =	smulhi.u32 $0x66666667, s0;
	s0 =	sshra.s32 s0, $0x1F  }
0x16f: {  	s0 =	smul.u32 $0x66666667, s0;
	_ =	sdelay $0x1  }
0x170: {  	[smem:$0x6E2] =	sst s0  }
0x171: {  	s0 =	sld [smem:$0x7B3];
	_ =	sdelay $0x2  }
0x172: {  	[smem:$0x6E1] =	sst s7;
	s7 =	smulhi.u32 $0x66666667, s0;
	s0 =	sshra.s32 s0, $0x1F  }
0x173: {  	s0 =	smul.u32 $0x66666667, s0;
	_ =	sdelay $0x1  }
0x174: {  	[smem:$0x6E4] =	sst s0  }
0x175: {  	s0 =	sld [smem:$0x7B4];
	_ =	sdelay $0x2  }
0x176: {  	[smem:$0x6E3] =	sst s7;
	s7 =	smulhi.u32 $0x66666667, s0;
	s0 =	sshra.s32 s0, $0x1F  }
0x177: {  	s0 =	smul.u32 $0x66666667, s0;
	_ =	sdelay $0x1  }
0x178: {  	[smem:$0x6E6] =	sst s0  }
0x179: {  	s0 =	sld [smem:$0x7B5];
	_ =	sdelay $0x2  }
0x17a: {  	[smem:$0x6E5] =	sst s7;
	s7 =	smulhi.u32 $0x66666667, s0;
	s0 =	sshra.s32 s0, $0x1F  }
0x17b: {  	s0 =	smul.u32 $0x66666667, s0;
	_ =	sdelay $0x1  }
0x17c: {  	[smem:$0x6E8] =	sst s0  }
0x17d: {  	s0 =	sld [smem:$0x7B6];
	_ =	sdelay $0x2  }
0x17e: {  	[smem:$0x6E7] =	sst s7;
	s7 =	smulhi.u32 $0x66666667, s0;
	s0 =	sshra.s32 s0, $0x1F  }
0x17f: {  	s0 =	smul.u32 $0x66666667, s0;
	_ =	sdelay $0x1  }
0x180: {  	[smem:$0x6EA] =	sst s0  }
0x181: {  	s0 =	sld [smem:$0x7B7];
	_ =	sdelay $0x2  }
0x182: {  	[smem:$0x6E9] =	sst s7;
	s7 =	smulhi.u32 $0x66666667, s0;
	s0 =	sshra.s32 s0, $0x1F  }
0x183: {  	s0 =	smul.u32 $0x66666667, s0;
	_ =	sdelay $0x1  }
0x184: {  	[smem:$0x6EC] =	sst s0  }
0x185: {  	s0 =	sld [smem:$0x7B8];
	_ =	sdelay $0x2  }
0x186: {  	[smem:$0x6EB] =	sst s7;
	s7 =	smulhi.u32 $0x66666667, s0;
	s0 =	sshra.s32 s0, $0x1F  }
0x187: {  	s0 =	smul.u32 $0x66666667, s0;
	_ =	sdelay $0x1  }
0x188: {  	[smem:$0x6EE] =	sst s0  }
0x189: {  	s0 =	sld [smem:$0x7B9];
	_ =	sdelay $0x2  }
0x18a: {  	[smem:$0x6ED] =	sst s7;
	s7 =	smulhi.u32 $0x66666667, s0;
	s0 =	sshra.s32 s0, $0x1F  }
0x18b: {  	s0 =	smul.u32 $0x66666667, s0;
	_ =	sdelay $0x1  }
0x18c: {  	[smem:$0x6F0] =	sst s0  }
0x18d: {  	s0 =	sld [smem:$0x7BA];
	_ =	sdelay $0x2  }
0x18e: {  	[smem:$0x6EF] =	sst s7;
	s7 =	smulhi.u32 $0x66666667, s0;
	s0 =	sshra.s32 s0, $0x1F  }
0x18f: {  	s0 =	smul.u32 $0x66666667, s0;
	_ =	sdelay $0x1  }
0x190: {  	[smem:$0x6F2] =	sst s0  }
0x191: {  	s0 =	sld [smem:$0x7BB];
	_ =	sdelay $0x2  }
0x192: {  	[smem:$0x6F1] =	sst s7;
	s7 =	smulhi.u32 $0x66666667, s0;
	s0 =	sshra.s32 s0, $0x1F  }
0x193: {  	s0 =	smul.u32 $0x66666667, s0;
	_ =	sdelay $0x1  }
0x194: {  	[smem:$0x6F4] =	sst s0  }
0x195: {  	s0 =	sld [smem:$0x7BC];
	_ =	sdelay $0x2  }
0x196: {  	[smem:$0x6F3] =	sst s7;
	s7 =	smulhi.u32 $0x66666667, s0;
	s0 =	sshra.s32 s0, $0x1F  }
0x197: {  	s0 =	smul.u32 $0x66666667, s0;
	_ =	sdelay $0x1  }
0x198: {  	[smem:$0x6F6] =	sst s0  }
0x199: {  	s0 =	sld [smem:$0x7BD];
	_ =	sdelay $0x2  }
0x19a: {  	[smem:$0x6F5] =	sst s7;
	s7 =	smulhi.u32 $0x66666667, s0;
	s0 =	sshra.s32 s0, $0x1F  }
0x19b: {  	s0 =	smul.u32 $0x66666667, s0;
	_ =	sdelay $0x1  }
0x19c: {  	[smem:$0x6F8] =	sst s0  }
0x19d: {  	s0 =	sld [smem:$0x7BE];
	_ =	sdelay $0x2  }
0x19e: {  	[smem:$0x6F7] =	sst s7;
	s7 =	smulhi.u32 $0x66666667, s0;
	s0 =	sshra.s32 s0, $0x1F  }
0x19f: {  	s0 =	smul.u32 $0x66666667, s0;
	_ =	sdelay $0x1  }
0x1a0: {  	[smem:$0x6FA] =	sst s0  }
0x1a1: {  	s0 =	sld [smem:$0x7BF];
	_ =	sdelay $0x2  }
0x1a2: {  	[smem:$0x6F9] =	sst s7;
	s7 =	smulhi.u32 $0x66666667, s0;
	s0 =	sshra.s32 s0, $0x1F  }
0x1a3: {  	s0 =	smul.u32 $0x66666667, s0;
	_ =	sdelay $0x1  }
0x1a4: {  	[smem:$0x6FC] =	sst s0  }
0x1a5: {  	s0 =	sld [smem:$0x7C0];
	_ =	sdelay $0x2  }
0x1a6: {  	[smem:$0x6FB] =	sst s7;
	s7 =	smulhi.u32 $0x66666667, s0;
	s0 =	sshra.s32 s0, $0x1F  }
0x1a7: {  	s0 =	smul.u32 $0x66666667, s0;
	_ =	sdelay $0x1  }
0x1a8: {  	[smem:$0x6FE] =	sst s0  }
0x1a9: {  	s0 =	sld [smem:$0x7C1];
	_ =	sdelay $0x2  }
0x1aa: {  	[smem:$0x6FD] =	sst s7;
	s7 =	smulhi.u32 $0x66666667, s0;
	s0 =	sshra.s32 s0, $0x1F  }
0x1ab: {  	s0 =	smul.u32 $0x66666667, s0;
	_ =	sdelay $0x1  }
0x1ac: {  	[smem:$0x700] =	sst s0  }
0x1ad: {  	s0 =	sld [smem:$0x7C2];
	_ =	sdelay $0x2  }
0x1ae: {  	[smem:$0x6FF] =	sst s7;
	s7 =	smulhi.u32 $0x66666667, s0;
	s0 =	sshra.s32 s0, $0x1F  }
0x1af: {  	s0 =	smul.u32 $0x66666667, s0;
	_ =	sdelay $0x1  }
0x1b0: {  	[smem:$0x702] =	sst s0  }
0x1b1: {  	s0 =	sld [smem:$0x7C3];
	_ =	sdelay $0x2  }
0x1b2: {  	[smem:$0x701] =	sst s7;
	s7 =	smulhi.u32 $0x66666667, s0;
	s0 =	sshra.s32 s0, $0x1F  }
0x1b3: {  	s0 =	smul.u32 $0x66666667, s0;
	_ =	sdelay $0x1  }
0x1b4: {  	[smem:$0x704] =	sst s0  }
0x1b5: {  	s0 =	sld [smem:$0x7C4];
	_ =	sdelay $0x2  }
0x1b6: {  	[smem:$0x703] =	sst s7;
	s7 =	smulhi.u32 $0x66666667, s0  }
0x1b7: {  	_ = 	snop  }
0x1b8: {  	s6 =	sshra.s32 s25, $0x1F;
	s29 =	smulhi.u32 $0x66666667, s25;
	[smem:$0x705] =	sst s7  }
0x1b9: {  	s25 =	smul.u32 $0x66666667, s6;
	s7 =	sld [smem:$0x687]  }
0x1ba: {  	s6 =	sshra.s32 s28, $0x1F;
	s26 =	smulhi.u32 $0x66666667, s28  }
0x1bb: {  	s28 =	smul.u32 $0x66666667, s6  }
0x1bc: {  	s0 =	sshra.s32 s0, $0x1F;
	s6 =	sadd.s32 s7, s19;
	s7 =	sld [smem:$0x688]  }
0x1bd: {  	s0 =	smul.u32 $0x66666667, s0;
	s19 =	sld [smem:$0x689]  }
0x1be: {  	_ = 	snop  }
0x1bf: {  	[smem:$0x706] =	sst s0  }
0x1c0: {  	s0 =	sadd.s32 s19, s7;
	s7 =	sld [smem:$0x7C5];
	_ =	sdelay $0x1  }
0x1c1: {  	[smem:$0x68C] =	sst s14  }
0x1c2: {  	[smem:$0x725] =	sst s0;
	s19 =	smulhi.u32 $0x66666667, s7  }
0x1c3: {  	s0 =	sshra.s32 s7, $0x1F;
	s7 =	sld [smem:$0x68A]  }
0x1c4: {  	s24 =	smulhi.u32 $0x66666667, s20;
	s14 =	sshra.s32 s20, $0x1F;
	[smem:$0x707] =	sst s19  }
0x1c5: {  	s20 =	smul.u32 $0x66666667, s14;
	s14 =	sshra.s32 s23, $0x1F;
	s19 =	sld [smem:$0x68B]  }
0x1c6: {  	s23 =	smul.u32 $0x66666667, s14  }
0x1c7: {  	s31 =	smulhi.u32 $0x66666667, s21;
	[smem:$0x724] =	sst s6  }
0x1c8: {  	s21 =	sshra.s32 s21, $0x1F;
	s6 =	sadd.s32 s19, s7;
	s19 =	sld [smem:$0x68C]  }
0x1c9: {  	s14 =	smul.u32 $0x66666667, s21;
	[smem:$0x726] =	sst s6  }
0x1ca: {  	s21 =	smulhi.u32 $0x66666667, s30;
	s30 =	sshra.s32 s30, $0x1F;
	s6 =	sld [smem:$0x68D]  }
0x1cb: {  	s30 =	smul.u32 $0x66666667, s30;
	s1 =	sadd.s32 s1, s19;
	s19 =	sld [smem:$0x68E]  }
0x1cc: {  	_ = 	snop  }
0x1cd: {  	s30 =	sadd.s32 s30, s21;
	s21 =	sld [smem:$0x7CA]  }
0x1ce: {  	s7 =	smul.u32 $0x66666667, s0;
	s0 =	sadd.s32 s19, s6;
	s6 =	sld [smem:$0x7C6]  }
0x1cf: {  	[smem:$0x730] =	sst s30  }
0x1d0: {  	s5 =	smul.u32 $0x66666667, s5;
	[smem:$0x728] =	sst s1  }
0x1d1: {  	[smem:$0x729] =	sst s0;
	s19 =	smulhi.u32 $0x66666667, s6  }
0x1d2: {  	s0 =	sshra.s32 s6, $0x1F;
	s6 =	sadd.s32 s20, s24;
	s20 =	sld [smem:$0x690]  }
0x1d3: {  	s24 =	sadd.s32 s5, s17;
	s17 =	sld [smem:$0x691]  }
0x1d4: {  	[smem:$0x708] =	sst s19  }
0x1d5: {  	s19 =	sld [smem:$0x68F]  }
0x1d6: {  	[smem:$0x727] =	sst s6  }
0x1d7: {  	[smem:$0x72C] =	sst s24  }
0x1d8: {  	s1 =	sadd.s32 s20, s19;
	s19 =	sld [smem:$0x692]  }
0x1d9: {  	s20 =	sadd.s32 s14, s31;
	s31 =	sld [smem:$0x693]  }
0x1da: {  	[smem:$0x72B] =	sst s1  }
0x1db: {  	s1 =	sld [smem:$0x7C7]  }
0x1dc: {  	s14 =	sld [smem:$0x7C9]  }
0x1dd: {  	s6 =	smul.u32 $0x66666667, s0;
	[smem:$0x72E] =	sst s20  }
0x1de: {  	s20 =	sld [smem:$0x695];
	s5 =	smulhi.u32 $0x66666667, s1  }
0x1df: {  	s0 =	sshra.s32 s1, $0x1F;
	s1 =	sadd.s32 s23, s17;
	s23 =	sld [smem:$0x7C8]  }
0x1e0: {  	s17 =	sadd.s32 s13, s15;
	s13 =	sld [smem:$0x69A]  }
0x1e1: {  	s15 =	sld [smem:$0x69C]  }
0x1e2: {  	[smem:$0x72D] =	sst s1  }
0x1e3: {  	[smem:$0x732] =	sst s17  }
0x1e4: {  	s1 =	sadd.s32 s12, s19;
	s19 =	sld [smem:$0x694]  }
0x1e5: {  	s17 =	sld [smem:$0x69E]  }
0x1e6: {  	s12 =	sadd.s32 s22, s16;
	[smem:$0x72A] =	sst s1  }
0x1e7: {  	[smem:$0x72F] =	sst s12  }
0x1e8: {  	s0 =	smul.u32 $0x66666667, s0;
	s1 =	sadd.s32 s4, s31;
	s31 =	sld [smem:$0x698]  }
0x1e9: {  	s4 =	sld [smem:$0x699]  }
0x1ea: {  	s16 =	smulhi.u32 $0x66666667, s14;
	[smem:$0x709] =	sst s0  }
0x1eb: {  	s22 =	smulhi.u32 $0x66666667, s21;
	[smem:$0x731] =	sst s1  }
0x1ec: {  	[smem:$0x70B] =	sst s16  }
0x1ed: {  	[smem:$0x70C] =	sst s22  }
0x1ee: {  	s24 =	smulhi.u32 $0x66666667, s23;
	s0 =	sshra.s32 s23, $0x1F;
	s23 =	sld [smem:$0x696]  }
0x1ef: {  	s16 =	sld [smem:$0x69D]  }
0x1f0: {  	s22 =	sld [smem:$0x6A0]  }
0x1f1: {  	s30 =	smul.u32 $0x66666667, s0;
	s0 =	sshra.s32 s14, $0x1F;
	s14 =	sld [smem:$0x69B]  }
0x1f2: {  	s1 =	sadd.s32 s8, s19;
	[smem:$0x70A] =	sst s24  }
0x1f3: {  	[smem:$0x733] =	sst s1  }
0x1f4: {  	s24 =	sld [smem:$0x697]  }
0x1f5: {  	s8 =	smul.u32 $0x66666667, s0;
	s0 =	sadd.s32 s20, s18;
	s18 =	sld [smem:$0x7CC]  }
0x1f6: {  	s20 =	sadd.s32 s25, s29;
	s25 =	sld [smem:$0x7CD]  }
0x1f7: {  	s10 =	sshra.s32 s10, $0x1F;
	[smem:$0x734] =	sst s0  }
0x1f8: {  	s10 =	smul.u32 $0x66666667, s10;
	[smem:$0x73C] =	sst s20  }
0x1f9: {  	s0 =	sshra.s32 s21, $0x1F;
	s21 =	sld [smem:$0x69F]  }
0x1fa: {  	s1 =	sadd.s32 s10, s23;
	s23 =	sld [smem:$0x6A1]  }
0x1fb: {  	s20 =	sld [smem:$0x6AC]  }
0x1fc: {  	[smem:$0x735] =	sst s1  }
0x1fd: {  	s10 =	smul.u32 $0x66666667, s0;
	s0 =	sadd.s32 s4, s9;
	s9 =	sld [smem:$0x7CB]  }
0x1fe: {  	s4 =	sld [smem:$0x6A3]  }
0x1ff: {  	[smem:$0x738] =	sst s0  }
0x200: {  	s1 =	sadd.s32 s31, s24;
	s24 =	sld [smem:$0x6A2]  }
0x201: {  	s31 =	sadd.s32 s28, s26;
	[smem:$0x736] =	sst s1  }
0x202: {  	[smem:$0x73E] =	sst s31  }
0x203: {  	s1 =	sadd.s32 s13, s11;
	s11 =	sld [smem:$0x6A5]  }
0x204: {  	s19 =	smulhi.u32 $0x66666667, s18;
	s13 =	sld [smem:$0x7CE]  }
0x205: {  	s29 =	smulhi.u32 $0x66666667, s25;
	[smem:$0x739] =	sst s1  }
0x206: {  	[smem:$0x70F] =	sst s19  }
0x207: {  	[smem:$0x711] =	sst s29  }
0x208: {  	s12 =	smulhi.u32 $0x66666667, s9;
	s0 =	sshra.s32 s9, $0x1F;
	s9 =	sld [smem:$0x6A4]  }
0x209: {  	s1 =	sadd.s32 s15, s14;
	s15 =	sld [smem:$0x6A7]  }
0x20a: {  	s19 =	sld [smem:$0x6AB]  }
0x20b: {  	[smem:$0x737] =	sst s1  }
0x20c: {  	s1 =	sadd.s32 s22, s21;
	s21 =	sld [smem:$0x7CF]  }
0x20d: {  	[smem:$0x70D] =	sst s12  }
0x20e: {  	s0 =	smul.u32 $0x66666667, s0;
	[smem:$0x73D] =	sst s1  }
0x20f: {  	s12 =	sld [smem:$0x6A6]  }
0x210: {  	[smem:$0x70E] =	sst s0  }
0x211: {  	s0 =	sadd.s32 s17, s16;
	s16 =	sld [smem:$0x6A8]  }
0x212: {  	s17 =	sld [smem:$0x6A9]  }
0x213: {  	s14 =	smulhi.u32 $0x66666667, s13;
	s1 =	sadd.s32 s9, s4;
	[smem:$0x73B] =	sst s0  }
0x214: {  	s0 =	sshra.s32 s18, $0x1F;
	[smem:$0x740] =	sst s1  }
0x215: {  	[smem:$0x713] =	sst s14;
	s0 =	smul.u32 $0x66666667, s0  }
0x216: {  	s18 =	sld [smem:$0x6AA]  }
0x217: {  	s22 =	smulhi.u32 $0x66666667, s21;
	[smem:$0x710] =	sst s0;
	s0 =	sadd.s32 s24, s23  }
0x218: {  	[smem:$0x73A] =	sst s0;
	s0 =	sshra.s32 s25, $0x1F  }
0x219: {  	s1 =	sadd.s32 s16, s15;
	[smem:$0x715] =	sst s22;
	s0 =	smul.u32 $0x66666667, s0  }
0x21a: {  	[smem:$0x73F] =	sst s1  }
0x21b: {  	[smem:$0x712] =	sst s0;
	s0 =	sadd.s32 s12, s11  }
0x21c: {  	[smem:$0x741] =	sst s0;
	s0 =	sshra.s32 s13, $0x1F  }
0x21d: {  	s1 =	sadd.s32 s18, s17;
	s23 =	sld [smem:$0x6AD];
	s0 =	smul.u32 $0x66666667, s0  }
0x21e: {  	[smem:$0x742] =	sst s1  }
0x21f: {  	[smem:$0x714] =	sst s0;
	s0 =	sadd.s32 s20, s19  }
0x220: {  	[smem:$0x743] =	sst s0  }
0x221: {  	s24 =	sld [smem:$0x6AE]  }
0x222: {  	s25 =	sld [smem:$0x6AF]  }
0x223: {  	s26 =	sld [smem:$0x6B0]  }
0x224: {  	s28 =	sld [smem:$0x6B1]  }
0x225: {  	s29 =	sld [smem:$0x6B2]  }
0x226: {  	s31 =	sld [smem:$0x7D0]  }
0x227: {  	s9 =	sld [smem:$0x6B3]  }
0x228: {  	s11 =	sld [smem:$0x6B4]  }
0x229: {  	s12 =	sld [smem:$0x6B5]  }
0x22a: {  	s13 =	sld [smem:$0x6B6]  }
0x22b: {  	s14 =	sld [smem:$0x6B7]  }
0x22c: {  	s15 =	sld [smem:$0x6B8]  }
0x22d: {  	s16 =	sld [smem:$0x7D1]  }
0x22e: {  	s18 =	sld [smem:$0x6B9]  }
0x22f: {  	s19 =	sld [smem:$0x6BA]  }
0x230: {  	s0 =	sshra.s32 s21, $0x1F;
	s20 =	sld [smem:$0x6BB]  }
0x231: {  	s0 =	smul.u32 $0x66666667, s0;
	s21 =	sld [smem:$0x6BC]  }
0x232: {  	s22 =	sld [smem:$0x6BD]  }
0x233: {  	[smem:$0x716] =	sst s0  }
0x234: {  	s1 =	sadd.s32 s24, s23;
	s23 =	sld [smem:$0x6BE]  }
0x235: {  	s24 =	sld [smem:$0x7D2]  }
0x236: {  	[smem:$0x744] =	sst s1  }
0x237: {  	s1 =	sadd.s32 s26, s25;
	s26 =	sld [smem:$0x6BF]  }
0x238: {  	s0 =	sadd.s32 s29, s28;
	s28 =	sld [smem:$0x6C0]  }
0x239: {  	s29 =	sld [smem:$0x6C1]  }
0x23a: {  	[smem:$0x745] =	sst s1  }
0x23b: {  	[smem:$0x746] =	sst s0  }
0x23c: {  	s4 =	smulhi.u32 $0x66666667, s31;
	s0 =	sshra.s32 s31, $0x1F;
	s31 =	sld [smem:$0x6C2]  }
0x23d: {  	s1 =	sadd.s32 s11, s9;
	s9 =	sld [smem:$0x6C3]  }
0x23e: {  	s11 =	sld [smem:$0x6C4]  }
0x23f: {  	s17 =	smulhi.u32 $0x66666667, s16;
	[smem:$0x717] =	sst s4  }
0x240: {  	[smem:$0x748] =	sst s1  }
0x241: {  	[smem:$0x719] =	sst s17  }
0x242: {  	s1 =	sadd.s32 s13, s12;
	s12 =	sld [smem:$0x7D3]  }
0x243: {  	s17 =	sld [smem:$0x6C8]  }
0x244: {  	s4 =	sld [smem:$0x6D1]  }
0x245: {  	[smem:$0x749] =	sst s1  }
0x246: {  	s0 =	smul.u32 $0x66666667, s0;
	s1 =	sadd.s32 s19, s18;
	s18 =	sld [smem:$0x6C9]  }
0x247: {  	s19 =	sld [smem:$0x6CA]  }
0x248: {  	s25 =	smulhi.u32 $0x66666667, s24;
	[smem:$0x718] =	sst s0  }
0x249: {  	[smem:$0x74B] =	sst s1  }
0x24a: {  	[smem:$0x71B] =	sst s25  }
0x24b: {  	s0 =	sadd.s32 s15, s14;
	s14 =	sld [smem:$0x6C5]  }
0x24c: {  	s15 =	sld [smem:$0x6C6]  }
0x24d: {  	s1 =	sadd.s32 s21, s20;
	s20 =	sld [smem:$0x7D4]  }
0x24e: {  	s25 =	sld [smem:$0x6CE]  }
0x24f: {  	[smem:$0x747] =	sst s0  }
0x250: {  	[smem:$0x74C] =	sst s1  }
0x251: {  	s0 =	sshra.s32 s16, $0x1F;
	s16 =	sld [smem:$0x6C7]  }
0x252: {  	s1 =	sadd.s32 s28, s26;
	s26 =	sld [smem:$0x6CF]  }
0x253: {  	s28 =	sld [smem:$0x6D0]  }
0x254: {  	[smem:$0x74A] =	sst s1  }
0x255: {  	s13 =	smulhi.u32 $0x66666667, s12;
	s1 =	sadd.s32 s31, s29;
	s29 =	sld [smem:$0x7D5]  }
0x256: {  	[smem:$0x74E] =	sst s1  }
0x257: {  	[smem:$0x71D] =	sst s13  }
0x258: {  	s13 =	sld [smem:$0x6D5]  }
0x259: {  	s0 =	smul.u32 $0x66666667, s0;
	s1 =	sadd.s32 s15, s14;
	s14 =	sld [smem:$0x6D6]  }
0x25a: {  	s15 =	sld [smem:$0x7D6]  }
0x25b: {  	[smem:$0x71A] =	sst s0  }
0x25c: {  	[smem:$0x751] =	sst s1  }
0x25d: {  	s0 =	sadd.s32 s23, s22;
	s22 =	sld [smem:$0x6CB]  }
0x25e: {  	s23 =	sld [smem:$0x6CC]  }
0x25f: {  	s1 =	sadd.s32 s17, s16;
	s17 =	sld [smem:$0x6D7]  }
0x260: {  	s21 =	smulhi.u32 $0x66666667, s20;
	[smem:$0x74D] =	sst s0  }
0x261: {  	[smem:$0x74F] =	sst s1  }
0x262: {  	[smem:$0x71F] =	sst s21  }
0x263: {  	s0 =	sshra.s32 s24, $0x1F;
	s24 =	sld [smem:$0x6CD];
	s31 =	smulhi.u32 $0x66666667, s29  }
0x264: {  	s21 =	sld [smem:$0x6DB]  }
0x265: {  	[smem:$0x722] =	sst s31  }
0x266: {  	s1 =	sadd.s32 s23, s22;
	s22 =	sld [smem:$0x6DC]  }
0x267: {  	s0 =	smul.u32 $0x66666667, s0;
	s23 =	sld [smem:$0x7D7]  }
0x268: {  	s31 =	sld [smem:$0x6E0]  }
0x269: {  	[smem:$0x71C] =	sst s0  }
0x26a: {  	[smem:$0x753] =	sst s1  }
0x26b: {  	s16 =	smulhi.u32 $0x66666667, s15;
	s0 =	sadd.s32 s11, s9;
	s9 =	sld [smem:$0x6D2]  }
0x26c: {  	s11 =	sld [smem:$0x6D3]  }
0x26d: {  	[smem:$0x723] =	sst s16  }
0x26e: {  	s1 =	sadd.s32 s25, s24;
	s24 =	sld [smem:$0x6DD]  }
0x26f: {  	s25 =	sld [smem:$0x6DE]  }
0x270: {  	s16 =	sld [smem:$0x6E6]  }
0x271: {  	[smem:$0x750] =	sst s0  }
0x272: {  	[smem:$0x754] =	sst s1  }
0x273: {  	s0 =	sshra.s32 s12, $0x1F;
	s12 =	sld [smem:$0x6D4]  }
0x274: {  	s0 =	smul.u32 $0x66666667, s0;
	s1 =	sadd.s32 s9, s4;
	s9 =	sld [smem:$0x6E1]  }
0x275: {  	s4 =	sld [smem:$0x6EE]  }
0x276: {  	[smem:$0x71E] =	sst s0  }
0x277: {  	[smem:$0x756] =	sst s1  }
0x278: {  	s0 =	sadd.s32 s19, s18;
	s18 =	sld [smem:$0x6D8]  }
0x279: {  	s19 =	sld [smem:$0x6D9]  }
0x27a: {  	s1 =	sadd.s32 s12, s11;
	s11 =	sld [smem:$0x6E2]  }
0x27b: {  	s12 =	sld [smem:$0x7D8]  }
0x27c: {  	[smem:$0x752] =	sst s0  }
0x27d: {  	[smem:$0x758] =	sst s1  }
0x27e: {  	s0 =	sshra.s32 s20, $0x1F;
	s20 =	sld [smem:$0x6DA]  }
0x27f: {  	s0 =	smul.u32 $0x66666667, s0;
	s1 =	sadd.s32 s18, s17;
	s17 =	sld [smem:$0x6E7]  }
0x280: {  	s18 =	sld [smem:$0x6E8]  }
0x281: {  	[smem:$0x720] =	sst s0  }
0x282: {  	[smem:$0x757] =	sst s1  }
0x283: {  	s0 =	sadd.s32 s28, s26;
	s26 =	sld [smem:$0x6DF]  }
0x284: {  	s1 =	sadd.s32 s20, s19;
	s19 =	sld [smem:$0x7D9]  }
0x285: {  	s20 =	sld [smem:$0x6E9]  }
0x286: {  	[smem:$0x755] =	sst s0  }
0x287: {  	s0 =	sshra.s32 s29, $0x1F;
	[smem:$0x75B] =	sst s1;
	s1 =	sadd.s32 s25, s24  }
0x288: {  	s0 =	smul.u32 $0x66666667, s0;
	[smem:$0x75D] =	sst s1  }
0x289: {  	s1 =	sadd.s32 s31, s26;
	s31 =	sld [smem:$0x6EC]  }
0x28a: {  	[smem:$0x721] =	sst s0  }
0x28b: {  	[smem:$0x75A] =	sst s1  }
0x28c: {  	s0 =	sadd.s32 s14, s13;
	s13 =	sld [smem:$0x6E3]  }
0x28d: {  	s14 =	sld [smem:$0x6E4]  }
0x28e: {  	[smem:$0x759] =	sst s0  }
0x28f: {  	s0 =	sshra.s32 s15, $0x1F;
	s15 =	sld [smem:$0x6E5]  }
0x290: {  	s28 =	smul.u32 $0x66666667, s0;
	s0 =	sadd.s32 s22, s21;
	s21 =	sld [smem:$0x6EA]  }
0x291: {  	s22 =	sld [smem:$0x6EB]  }
0x292: {  	[smem:$0x75C] =	sst s0  }
0x293: {  	s1 =	sadd.s32 s14, s13;
	s13 =	sld [smem:$0x6F1]  }
0x294: {  	s14 =	sld [smem:$0x6F2]  }
0x295: {  	s0 =	sshra.s32 s23, $0x1F;
	[smem:$0x760] =	sst s1  }
0x296: {  	s26 =	smul.u32 $0x66666667, s0;
	s0 =	sadd.s32 s11, s9;
	s9 =	sld [smem:$0x7DA]  }
0x297: {  	s11 =	sld [smem:$0x6EF]  }
0x298: {  	s1 =	sadd.s32 s16, s15;
	s15 =	sld [smem:$0x6F3]  }
0x299: {  	s16 =	sld [smem:$0x6F4]  }
0x29a: {  	[smem:$0x75E] =	sst s0  }
0x29b: {  	s25 =	smulhi.u32 $0x66666667, s12;
	[smem:$0x761] =	sst s1  }
0x29c: {  	s0 =	sshra.s32 s12, $0x1F;
	s1 =	sadd.s32 s21, s20;
	s12 =	sld [smem:$0x6F0]  }
0x29d: {  	[smem:$0x762] =	sst s1  }
0x29e: {  	s24 =	smul.u32 $0x66666667, s0;
	s0 =	sadd.s32 s18, s17;
	s17 =	sld [smem:$0x7DB]  }
0x29f: {  	s1 =	sadd.s32 s31, s22;
	s18 =	sld [smem:$0x6F5]  }
0x2a0: {  	[smem:$0x763] =	sst s1  }
0x2a1: {  	s1 =	sld [smem:$0x6ED]  }
0x2a2: {  	s31 =	sld [smem:$0x6F6]  }
0x2a3: {  	[smem:$0x75F] =	sst s0;
	s0 =	sshra.s32 s19, $0x1F  }
0x2a4: {  	s21 =	smul.u32 $0x66666667, s0;
	s0 =	sadd.s32 s4, s1;
	s4 =	sld [smem:$0x6F7]  }
0x2a5: {  	s1 =	sadd.s32 s12, s11;
	s11 =	sld [smem:$0x6F9]  }
0x2a6: {  	s12 =	sld [smem:$0x6FA]  }
0x2a7: {  	[smem:$0x764] =	sst s0  }
0x2a8: {  	[smem:$0x765] =	sst s1  }
0x2a9: {  	s22 =	smulhi.u32 $0x66666667, s9;
	s0 =	sshra.s32 s9, $0x1F;
	s9 =	sld [smem:$0x6F8]  }
0x2aa: {  	s1 =	sadd.s32 s14, s13;
	s13 =	sld [smem:$0x7DC]  }
0x2ab: {  	s14 =	sld [smem:$0x6FB]  }
0x2ac: {  	[smem:$0x766] =	sst s1  }
0x2ad: {  	s20 =	smul.u32 $0x66666667, s0;
	s0 =	sadd.s32 s16, s15;
	s15 =	sld [smem:$0x6FC]  }
0x2ae: {  	s16 =	sld [smem:$0x6FD]  }
0x2af: {  	s1 =	sadd.s32 s31, s18;
	s31 =	sld [smem:$0x6FE]  }
0x2b0: {  	[smem:$0x768] =	sst s0  }
0x2b1: {  	[smem:$0x769] =	sst s1  }
0x2b2: {  	s1 =	sadd.s32 s9, s4;
	s4 =	sld [smem:$0x6FF]  }
0x2b3: {  	s0 =	sshra.s32 s17, $0x1F;
	s9 =	sld [smem:$0x700]  }
0x2b4: {  	s18 =	smul.u32 $0x66666667, s0;
	s0 =	sadd.s32 s12, s11;
	s11 =	sld [smem:$0x7DD]  }
0x2b5: {  	s29 =	smulhi.u32 $0x66666667, s23;
	s12 =	sld [smem:$0x701]  }
0x2b6: {  	s23 =	smulhi.u32 $0x66666667, s19;
	[smem:$0x767] =	sst s1  }
0x2b7: {  	s19 =	smulhi.u32 $0x66666667, s17;
	[smem:$0x76B] =	sst s0  }
0x2b8: {  	s17 =	smulhi.u32 $0x66666667, s13;
	s0 =	sshra.s32 s13, $0x1F;
	s13 =	sld [smem:$0x702]  }
0x2b9: {  	s1 =	sadd.s32 s15, s14;
	s14 =	sld [smem:$0x703]  }
0x2ba: {  	[smem:$0x76C] =	sst s1  }
0x2bb: {  	s1 =	sadd.s32 s31, s16;
	s31 =	sld [smem:$0x704]  }
0x2bc: {  	[smem:$0x76D] =	sst s1  }
0x2bd: {  	s15 =	smul.u32 $0x66666667, s0;
	s0 =	sadd.s32 s9, s4;
	s9 =	sld [smem:$0x705]  }
0x2be: {  	s4 =	sld [smem:$0x708]  }
0x2bf: {  	[smem:$0x76A] =	sst s0  }
0x2c0: {  	s16 =	smulhi.u32 $0x66666667, s11;
	s0 =	sshra.s32 s11, $0x1F;
	s11 =	sld [smem:$0x706]  }
0x2c1: {  	s1 =	sadd.s32 s13, s12;
	s12 =	sld [smem:$0x7DE]  }
0x2c2: {  	[smem:$0x76E] =	sst s1  }
0x2c3: {  	s1 =	sadd.s32 s31, s14;
	s31 =	sld [smem:$0x707]  }
0x2c4: {  	[smem:$0x770] =	sst s1  }
0x2c5: {  	s14 =	smul.u32 $0x66666667, s0;
	s0 =	sadd.s32 s11, s9;
	s9 =	sld [smem:$0x7DF]  }
0x2c6: {  	[smem:$0x771] =	sst s0  }
0x2c7: {  	s1 =	sadd.s32 s7, s31;
	s7 =	sld [smem:$0x709]  }
0x2c8: {  	s31 =	sld [smem:$0x70A]  }
0x2c9: {  	[smem:$0x76F] =	sst s1  }
0x2ca: {  	s1 =	sadd.s32 s6, s4;
	s4 =	sld [smem:$0x70B]  }
0x2cb: {  	s6 =	sld [smem:$0x7E0]  }
0x2cc: {  	s13 =	smulhi.u32 $0x66666667, s12;
	s0 =	sshra.s32 s12, $0x1F;
	[smem:$0x772] =	sst s1  }
0x2cd: {  	s12 =	smul.u32 $0x66666667, s0;
	s0 =	sadd.s32 s7, s5;
	s5 =	sld [smem:$0x70C]  }
0x2ce: {  	s7 =	sld [smem:$0x70D]  }
0x2cf: {  	s1 =	sadd.s32 s30, s31;
	s30 =	sld [smem:$0x70F]  }
0x2d0: {  	s31 =	sld [smem:$0x710]  }
0x2d1: {  	[smem:$0x773] =	sst s0  }
0x2d2: {  	[smem:$0x774] =	sst s1  }
0x2d3: {  	s1 =	sadd.s32 s8, s4;
	s8 =	sld [smem:$0x70E]  }
0x2d4: {  	s4 =	sld [smem:$0x711]  }
0x2d5: {  	s11 =	smulhi.u32 $0x66666667, s9;
	s0 =	sshra.s32 s9, $0x1F;
	[smem:$0x775] =	sst s1  }
0x2d6: {  	s9 =	smul.u32 $0x66666667, s0;
	s0 =	sadd.s32 s10, s5;
	s5 =	sld [smem:$0x712]  }
0x2d7: {  	s10 =	smulhi.u32 $0x66666667, s6;
	[smem:$0x776] =	sst s0  }
0x2d8: {  	s0 =	sshra.s32 s6, $0x1F;
	s1 =	sadd.s32 s8, s7;
	s6 =	sld [smem:$0x7E1]  }
0x2d9: {  	[smem:$0x778] =	sst s1  }
0x2da: {  	s1 =	sadd.s32 s31, s30;
	s30 =	sld [smem:$0x713]  }
0x2db: {  	s31 =	sld [smem:$0x714]  }
0x2dc: {  	[smem:$0x779] =	sst s1  }
0x2dd: {  	s8 =	smul.u32 $0x66666667, s0;
	s0 =	sadd.s32 s5, s4;
	s5 =	sld [smem:$0x715]  }
0x2de: {  	[smem:$0x777] =	sst s0  }
0x2df: {  	s7 =	smulhi.u32 $0x66666667, s6;
	s0 =	sshra.s32 s6, $0x1F;
	s6 =	sld [smem:$0x716]  }
0x2e0: {  	s1 =	sadd.s32 s31, s30;
	s30 =	sld [smem:$0x717]  }
0x2e1: {  	s26 =	sadd.s32 s26, s29;
	s31 =	sld [smem:$0x718]  }
0x2e2: {  	[smem:$0x783] =	sst s26  }
0x2e3: {  	[smem:$0x77B] =	sst s1;
	s1 =	sadd.s32 s6, s5  }
0x2e4: {  	s6 =	smul.u32 $0x66666667, s0;
	s0 =	sadd.s32 s31, s30;
	s30 =	sld [smem:$0x719]  }
0x2e5: {  	s31 =	sld [smem:$0x71A]  }
0x2e6: {  	s26 =	sld [smem:$0x7E6]  }
0x2e7: {  	[smem:$0x77C] =	sst s1  }
0x2e8: {  	s1 =	sadd.s32 s31, s30;
	s30 =	sld [smem:$0x71B]  }
0x2e9: {  	s31 =	sld [smem:$0x71C]  }
0x2ea: {  	s4 =	sld [smem:$0x7E2]  }
0x2eb: {  	[smem:$0x77A] =	sst s1  }
0x2ec: {  	s1 =	sadd.s32 s31, s30;
	s30 =	sld [smem:$0x71D]  }
0x2ed: {  	s31 =	sld [smem:$0x71E]  }
0x2ee: {  	[smem:$0x77D] =	sst s0  }
0x2ef: {  	s0 =	sshra.s32 s4, $0x1F;
	[smem:$0x77E] =	sst s1  }
0x2f0: {  	s1 =	smul.u32 $0x66666667, s0;
	s0 =	sadd.s32 s31, s30;
	s30 =	sld [smem:$0x7E3]  }
0x2f1: {  	s31 =	sld [smem:$0x720]  }
0x2f2: {  	s5 =	smulhi.u32 $0x66666667, s4;
	[smem:$0x780] =	sst s0  }
0x2f3: {  	s4 =	smulhi.u32 $0x66666667, s30;
	s0 =	sshra.s32 s30, $0x1F;
	s30 =	sld [smem:$0x71F]  }
0x2f4: {  	s24 =	sadd.s32 s24, s25;
	s25 =	sld [smem:$0x7E5]  }
0x2f5: {  	[smem:$0x784] =	sst s24  }
0x2f6: {  	s30 =	sadd.s32 s31, s30;
	s31 =	sld [smem:$0x722]  }
0x2f7: {  	[smem:$0x781] =	sst s30  }
0x2f8: {  	s29 =	sadd.s32 s20, s22;
	s30 =	sld [smem:$0x721]  }
0x2f9: {  	s22 =	sadd.s32 s14, s16;
	s14 =	sld [smem:$0x7E7];
	s12 =	sadd.s32 s12, s13  }
0x2fa: {  	[smem:$0x786] =	sst s12  }
0x2fb: {  	s6 =	sadd.s32 s6, s7;
	s30 =	sadd.s32 s30, s31;
	s31 =	sld [smem:$0x723]  }
0x2fc: {  	[smem:$0x785] =	sst s6;
	s1 =	sadd.s32 s1, s5;
	s0 =	smul.u32 $0x66666667, s0  }
0x2fd: {  	[smem:$0x787] =	sst s1  }
0x2fe: {  	s0 =	sadd.s32 s0, s4;
	s28 =	sadd.s32 s28, s31;
	s31 =	sld [smem:$0x7E4]  }
0x2ff: {  	[smem:$0x788] =	sst s0  }
0x300: {  	s16 =	smulhi.u32 $0x66666667, s14;
	[smem:$0x77F] =	sst s30  }
0x301: {  	[smem:$0x782] =	sst s28;
	s28 =	smulhi.u32 $0x66666667, s31;
	s30 =	sshra.s32 s31, $0x1F  }
0x302: {  	s31 =	sadd.s32 s18, s19;
	s19 =	sld [smem:$0x7E9];
	s24 =	smul.u32 $0x66666667, s30  }
0x303: {  	s30 =	sadd.s32 s21, s23;
	s21 =	smulhi.u32 $0x66666667, s25;
	s23 =	sshra.s32 s25, $0x1F  }
0x304: {  	s18 =	smul.u32 $0x66666667, s23;
	s23 =	sadd.s32 s15, s17;
	s17 =	sshra.s32 s26, $0x1F  }
0x305: {  	s25 =	sadd.s32 s9, s11;
	s11 =	sshra.s32 s14, $0x1F;
	s13 =	smul.u32 $0x66666667, s17  }
0x306: {  	s17 =	smul.u32 $0x66666667, s11;
	s11 =	sld [smem:$0x724]  }
0x307: {  	s15 =	smulhi.u32 $0x66666667, s26;
	s4 =	sadd.s32 s24, s28;
	s24 =	sld [smem:$0x728]  }
0x308: {  	s20 =	smulhi.u32 $0x66666667, s19;
	s5 =	sshra.s32 s19, $0x1F;
	s28 =	sld [smem:$0x729]  }
0x309: {  	s26 =	sadd.s32 s8, s10;
	[smem:$0x789] =	sst s4;
	s7 =	smul.u32 $0x66666667, s5  }
0x30a: {  	s8 =	sadd.s32 s13, s15;
	s10 =	sadd.s32 s17, s16;
	s13 =	sld [smem:$0x725]  }
0x30b: {  	[smem:$0x78B] =	sst s10  }
0x30c: {  	s0 =	sadd.s32 s7, s20;
	s20 =	sld [smem:$0x727]  }
0x30d: {  	s10 =	sld [smem:$0x72A]  }
0x30e: {  	s12 =	sshra.s32 s11, $0x1;
	[smem:$0x78D] =	sst s0  }
0x30f: {  	s4 =	sshrl.u32 s11, $0x1F;
	s0 =	sshra.s32 s11, $0x7;
	s11 =	sld [smem:$0x726]  }
0x310: {  	s14 =	sshra.s32 s13, $0x1;
	s5 =	sshrl.u32 s13, $0x1F;
	s1 =	sshra.s32 s13, $0x7  }
0x311: {  	vm2 =	vcmask $0xB08;
	[tilespmem:$0x1FFE0] =	vst v1;
	s13 =	sld [smem:$0x72E];
	s16 =	sshra.s32 s20, $0x1;
	s19 =	sshra.s32 s10, $0x1  }
0x312: {  	[tilespmem:$0x1FFF0] =	vst v4;
	s21 =	sadd.s32 s18, s21;
	s18 =	sshra.s32 s28, $0x1;
	v0 =	vmov s14;
	v1 =	vmov s16;
	v4 =	vmov s19;
	s19 =	sld [smem:$0x72B]  }
0x313: {  	vm0 =	vcmask $0x1310;
	v0 =	vsel vm2, s12, v0;
	s15 =	sshra.s32 s11, $0x1;
	v1 =	vsel vm2, s18, v1;
	s18 =	sld [smem:$0x72D]  }
0x314: {  	v0 =	vsel vm0, s15, v0;
	s15 =	sld [smem:$0x72C]  }
0x315: {  	vm1 =	vcmask $0x1B18;
	s17 =	sshra.s32 s24, $0x1;
	s6 =	sshra.s32 s11, $0x7;
	s9 =	sshra.s32 s19, $0x1  }
0x316: {  	v41 =	vsel vm1, s17, v0;
	s14 =	sshra.s32 s18, $0x1;
	v0 =	vsel vm0, s9, v1;
	s9 =	sshrl.u32 s11, $0x1F;
	s11 =	sld [smem:$0x731]  }
0x317: {  	s16 =	sshra.s32 s13, $0x1;
	s12 =	sshra.s32 s15, $0x1;
	v1 =	vsel vm2, s14, v4;
	s14 =	sld [smem:$0x72F]  }
0x318: {  	v56 =	vsel vm1, s12, v0;
	v0 =	vsel vm0, s16, v1;
	s16 =	sld [smem:$0x730];
	_ =	sdelay $0x1  }
0x319: {  	s17 =	sshra.s32 s14, $0x1  }
0x31a: {  	v1 =	vmov s17;
	s12 =	sshra.s32 s16, $0x1;
	s17 =	sshra.s32 s11, $0x1  }
0x31b: {  	v62 =	vsel vm1, s12, v0;
	v0 =	vsel vm2, s17, v1;
	s17 =	sld [smem:$0x732];
	s12 =	sshrl.u32 s20, $0x1F  }
0x31c: {  	v4 =	vmov s12;
	s12 =	sld [smem:$0x733];
	_ =	sdelay $0x1  }
0x31d: {  	[smem:$0x78A] =	sst s8;
	s8 =	sshra.s32 s17, $0x1  }
0x31e: {  	v1 =	vmov s5;
	v0 =	vsel vm0, s8, v0;
	s8 =	sshra.s32 s12, $0x1  }
0x31f: {  	s7 =	sshrl.u32 s24, $0x1F;
	v1 =	vsel vm2, s4, v1;
	s4 =	sshra.s32 s24, $0x7;
	s24 =	sshrl.u32 s28, $0x1F;
	v34 =	vsel vm1, s8, v0  }
0x320: {  	s5 =	sshra.s32 s28, $0x7;
	s28 =	sshrl.u32 s10, $0x1F;
	v0 =	vsel vm0, s9, v1;
	v1 =	vsel vm2, s24, v4;
	s24 =	sshrl.u32 s19, $0x1F;
	v4 =	vmov s1  }
0x321: {  	s9 =	sshrl.u32 s15, $0x1F;
	v31 =	vsel vm1, s7, v0;
	v0 =	vsel vm0, s24, v1;
	v1 =	vmov s28;
	s24 =	sshrl.u32 s18, $0x1F;
	s28 =	sshrl.u32 s14, $0x1F  }
0x322: {  	s1 =	sshra.s32 s19, $0x7;
	v27 =	vsel vm1, s9, v0;
	v0 =	vsel vm2, s24, v1;
	v1 =	vmov s28;
	s24 =	sshrl.u32 s13, $0x1F;
	s28 =	sshrl.u32 s11, $0x1F  }
0x323: {  	s19 =	sshrl.u32 s16, $0x1F;
	s7 =	sshra.s32 s20, $0x7;
	s20 =	sshrl.u32 s17, $0x1F;
	v0 =	vsel vm0, s24, v0;
	v1 =	vsel vm2, s28, v1  }
0x324: {  	s28 =	sshrl.u32 s12, $0x1F;
	v21 =	vsel vm1, s19, v0;
	v0 =	vsel vm0, s20, v1;
	v1 =	vsel vm2, s0, v4  }
0x325: {  	[tilespmem:$0x1FE90] =	vst v15;
	s10 =	sshra.s32 s10, $0x7;
	v15 =	vsel vm1, s28, v0;
	v0 =	vsel vm0, s6, v1;
	v1 =	vmov s7  }
0x326: {  	[tilespmem:$0x1FE50] =	vst v17;
	s24 =	sshra.s32 s18, $0x7;
	s19 =	sshra.s32 s12, $0x7;
	s12 =	sld [smem:$0x735];
	v17 =	vsel vm1, s4, v0;
	v0 =	vsel vm2, s5, v1;
	v1 =	vmov s10  }
0x327: {  	s20 =	sshra.s32 s16, $0x7;
	s16 =	sshra.s32 s14, $0x7;
	v1 =	vsel vm2, s24, v1;
	s24 =	sld [smem:$0x734]  }
0x328: {  	[tilespmem:$0x1FFD0] =	vst v6;
	s13 =	sshra.s32 s13, $0x7;
	s0 =	sshra.s32 s15, $0x7;
	s15 =	sshra.s32 s11, $0x7;
	v6 =	vmov s16;
	v0 =	vsel vm0, s1, v0  }
0x329: {  	[tilespmem:$0x1FF00] =	vst v13;
	s18 =	sshra.s32 s17, $0x7;
	v6 =	vsel vm2, s15, v6;
	s10 =	sld [smem:$0x73A];
	v13 =	vsel vm1, s0, v0;
	v0 =	vsel vm0, s13, v1;
	s13 =	sshra.s32 s12, $0x1  }
0x32a: {  	[tilespmem:$0x1FF70] =	vst v11;
	v11 =	vsel vm1, s20, v0;
	v0 =	vsel vm0, s18, v6;
	v6 =	vmov s13;
	s20 =	sld [smem:$0x737];
	s28 =	sshra.s32 s24, $0x1  }
0x32b: {  	v6 =	vsel vm2, s28, v6;
	s28 =	sld [smem:$0x739]  }
0x32c: {  	s11 =	sld [smem:$0x736];
	s8 =	sshrl.u32 s24, $0x1F;
	s0 =	sshra.s32 s24, $0x7  }
0x32d: {  	[tilespmem:$0x1FFC0] =	vst v7;
	v4 =	vsel vm1, s19, v0;
	s24 =	sld [smem:$0x738];
	s19 =	sshra.s32 s10, $0x1;
	s15 =	sshra.s32 s20, $0x1  }
0x32e: {  	[tilespmem:$0x1FFB0] =	vst v9;
	v9 =	vmov s19;
	s19 =	sld [smem:$0x73B];
	v7 =	vmov s15;
	s18 =	sshra.s32 s28, $0x1  }
0x32f: {  	v7 =	vsel vm2, s18, v7;
	s18 =	sld [smem:$0x73D];
	_ =	sdelay $0x1  }
0x330: {  	s17 =	sld [smem:$0x73C];
	s14 =	sshra.s32 s11, $0x1  }
0x331: {  	v6 =	vsel vm0, s14, v6;
	s16 =	sshra.s32 s24, $0x1;
	s9 =	sshra.s32 s19, $0x1;
	s13 =	sshra.s32 s18, $0x1  }
0x332: {  	v0 =	vsel vm1, s16, v6;
	v6 =	vsel vm0, s9, v7;
	v7 =	vsel vm2, s13, v9;
	s13 =	sld [smem:$0x73E]  }
0x333: {  	s7 =	sshrl.u32 s12, $0x1F;
	s4 =	sshra.s32 s12, $0x7  }
0x334: {  	s1 =	sshra.s32 s11, $0x7;
	s12 =	sshra.s32 s17, $0x1;
	s15 =	sld [smem:$0x73F]  }
0x335: {  	s9 =	sshrl.u32 s11, $0x1F;
	s11 =	sld [smem:$0x741];
	s14 =	sshra.s32 s13, $0x1  }
0x336: {  	[tilespmem:$0x1FDD0] =	vst v0;
	v0 =	vsel vm1, s12, v6;
	v6 =	vsel vm0, s14, v7;
	s14 =	sld [smem:$0x740];
	_ =	sdelay $0x1  }
0x337: {  	s16 =	sshra.s32 s15, $0x1  }
0x338: {  	v7 =	vmov s16;
	s16 =	sshra.s32 s11, $0x1;
	s12 =	sshra.s32 s14, $0x1  }
0x339: {  	v48 =	vsel vm1, s12, v6;
	v6 =	vsel vm2, s16, v7;
	s16 =	sld [smem:$0x742];
	s12 =	sshrl.u32 s20, $0x1F  }
0x33a: {  	v9 =	vmov s12;
	s12 =	sld [smem:$0x743];
	_ =	sdelay $0x1  }
0x33b: {  	s6 =	sshrl.u32 s24, $0x1F;
	v7 =	vmov s7;
	s7 =	sshra.s32 s16, $0x1  }
0x33c: {  	s5 =	sshra.s32 s24, $0x7;
	s24 =	sshrl.u32 s28, $0x1F;
	v7 =	vsel vm2, s8, v7;
	v6 =	vsel vm0, s7, v6;
	s8 =	sshra.s32 s12, $0x1  }
0x33d: {  	s7 =	sshra.s32 s28, $0x7;
	s28 =	sshrl.u32 s10, $0x1F;
	v55 =	vsel vm1, s8, v6;
	v6 =	vsel vm0, s9, v7;
	v7 =	vsel vm2, s24, v9;
	s24 =	sshrl.u32 s19, $0x1F  }
0x33e: {  	s9 =	sshrl.u32 s17, $0x1F;
	v58 =	vsel vm1, s6, v6;
	v6 =	vsel vm0, s24, v7;
	v7 =	vmov s28;
	s24 =	sshrl.u32 s18, $0x1F;
	s28 =	sshrl.u32 s15, $0x1F  }
0x33f: {  	s6 =	sshra.s32 s20, $0x7;
	v45 =	vsel vm1, s9, v6;
	v6 =	vsel vm2, s24, v7;
	v7 =	vmov s28;
	s24 =	sshrl.u32 s13, $0x1F;
	s28 =	sshrl.u32 s11, $0x1F  }
0x340: {  	v9 =	vmov s4;
	s20 =	sshrl.u32 s14, $0x1F;
	v6 =	vsel vm0, s24, v6;
	v7 =	vsel vm2, s28, v7;
	s24 =	sshrl.u32 s16, $0x1F;
	s28 =	sshrl.u32 s12, $0x1F  }
0x341: {  	v33 =	vsel vm1, s20, v6;
	v6 =	vsel vm0, s24, v7;
	v7 =	vsel vm2, s0, v9;
	s0 =	sshra.s32 s17, $0x7;
	s17 =	sshra.s32 s13, $0x7;
	s13 =	sld [smem:$0x745]  }
0x342: {  	s20 =	sshra.s32 s15, $0x7;
	v32 =	vsel vm1, s28, v6;
	s28 =	sshra.s32 s12, $0x7;
	s12 =	sld [smem:$0x746]  }
0x343: {  	s10 =	sshra.s32 s10, $0x7;
	v6 =	vsel vm0, s1, v7;
	v7 =	vmov s6;
	v9 =	vmov s20;
	s20 =	sld [smem:$0x747]  }
0x344: {  	s4 =	sshra.s32 s19, $0x7;
	s8 =	sshra.s32 s18, $0x7;
	v28 =	vsel vm1, s5, v6;
	v6 =	vsel vm2, s7, v7;
	v7 =	vmov s10;
	s5 =	sld [smem:$0x744]  }
0x345: {  	s19 =	sshra.s32 s11, $0x7;
	s10 =	sld [smem:$0x74A];
	v6 =	vsel vm0, s4, v6;
	v7 =	vsel vm2, s8, v7  }
0x346: {  	s18 =	sshra.s32 s14, $0x7;
	s24 =	sshra.s32 s16, $0x7;
	v9 =	vsel vm2, s19, v9;
	s19 =	sld [smem:$0x74B];
	v25 =	vsel vm1, s0, v6;
	v6 =	vsel vm0, s17, v7  }
0x347: {  	s14 =	sshra.s32 s13, $0x1;
	v7 =	vsel vm1, s18, v6;
	v6 =	vsel vm0, s24, v9;
	s24 =	sld [smem:$0x749]  }
0x348: {  	s11 =	sshra.s32 s5, $0x1;
	v9 =	vmov s14;
	s18 =	sld [smem:$0x74D]  }
0x349: {  	s6 =	sshrl.u32 s13, $0x1F;
	s15 =	sshra.s32 s12, $0x1;
	v6 =	vsel vm1, s28, v6;
	v9 =	vsel vm2, s11, v9;
	s28 =	sld [smem:$0x748]  }
0x34a: {  	s1 =	sshra.s32 s13, $0x7;
	s11 =	sshra.s32 s10, $0x1;
	v9 =	vsel vm0, s15, v9;
	s15 =	sld [smem:$0x74C]  }
0x34b: {  	s16 =	sshra.s32 s20, $0x1;
	s4 =	sshra.s32 s12, $0x7;
	v23 =	vmov s11;
	s11 =	sld [smem:$0x74E]  }
0x34c: {  	v22 =	vmov s16;
	s13 =	sshra.s32 s19, $0x1;
	s9 =	sshra.s32 s24, $0x1;
	s14 =	sshra.s32 s18, $0x1  }
0x34d: {  	s17 =	sshra.s32 s28, $0x1;
	v22 =	vsel vm2, s9, v22;
	s9 =	sshrl.u32 s12, $0x1F;
	s12 =	sld [smem:$0x751]  }
0x34e: {  	[tilespmem:$0x1FDE0] =	vst v0;
	v43 =	vsel vm2, s14, v23;
	s7 =	sshra.s32 s15, $0x1;
	v0 =	vsel vm1, s17, v9;
	v9 =	vsel vm0, s13, v22;
	s16 =	sshra.s32 s11, $0x1;
	s13 =	sld [smem:$0x74F]  }
0x34f: {  	[tilespmem:$0x1FDF0] =	vst v0;
	v0 =	vsel vm1, s7, v9;
	v9 =	vsel vm0, s16, v43;
	s16 =	sld [smem:$0x750];
	_ =	sdelay $0x1  }
0x350: {  	s17 =	sshra.s32 s13, $0x1  }
0x351: {  	v44 =	vmov s17;
	s14 =	sshra.s32 s16, $0x1;
	s17 =	sshra.s32 s12, $0x1  }
0x352: {  	[tilespmem:$0x1FE00] =	vst v0;
	v0 =	vsel vm1, s14, v9;
	v9 =	vsel vm2, s17, v44;
	s17 =	sld [smem:$0x752];
	s14 =	sshrl.u32 s20, $0x1F  }
0x353: {  	v49 =	vmov s14;
	s14 =	sld [smem:$0x753]  }
0x354: {  	v53 =	vmov s1;
	s8 =	sshrl.u32 s5, $0x1F;
	s0 =	sshra.s32 s5, $0x7;
	s1 =	sshra.s32 s19, $0x7  }
0x355: {  	v46 =	vmov s6;
	s6 =	sshrl.u32 s28, $0x1F;
	s5 =	sshra.s32 s28, $0x7;
	s7 =	sshra.s32 s17, $0x1  }
0x356: {  	v54 =	vsel vm2, s0, v53;
	s28 =	sshrl.u32 s24, $0x1F;
	v22 =	vsel vm2, s8, v46;
	s0 =	sshra.s32 s15, $0x7;
	v9 =	vsel vm0, s7, v9;
	s8 =	sshra.s32 s14, $0x1  }
0x357: {  	[tilespmem:$0x1FE10] =	vst v0;
	v50 =	vsel vm2, s28, v49;
	s28 =	sshrl.u32 s10, $0x1F;
	s7 =	sshra.s32 s24, $0x7;
	s24 =	sshrl.u32 s19, $0x1F;
	v0 =	vsel vm1, s8, v9;
	v9 =	vsel vm0, s9, v22  }
0x358: {  	v51 =	vmov s28;
	s28 =	sshrl.u32 s13, $0x1F;
	s9 =	sshrl.u32 s15, $0x1F;
	[tilespmem:$0x1FE20] =	vst v0;
	v0 =	vsel vm1, s6, v9;
	v9 =	vsel vm0, s24, v50;
	s24 =	sshrl.u32 s18, $0x1F  }
0x359: {  	v52 =	vmov s28;
	s28 =	sshrl.u32 s12, $0x1F;
	s8 =	sshra.s32 s18, $0x7;
	[tilespmem:$0x1FE30] =	vst v0;
	v0 =	vsel vm1, s9, v9;
	v9 =	vsel vm2, s24, v51;
	s24 =	sshrl.u32 s11, $0x1F  }
0x35a: {  	v22 =	vsel vm2, s28, v52;
	s6 =	sshra.s32 s20, $0x7;
	s20 =	sshrl.u32 s16, $0x1F;
	v9 =	vsel vm0, s24, v9;
	s24 =	sshrl.u32 s17, $0x1F  }
0x35b: {  	s28 =	sshrl.u32 s14, $0x1F;
	s18 =	sshra.s32 s11, $0x7;
	s11 =	sld [smem:$0x754];
	v59 =	vsel vm1, s20, v9;
	v9 =	vsel vm0, s24, v22  }
0x35c: {  	s19 =	sshra.s32 s16, $0x7;
	s15 =	sshra.s32 s10, $0x7;
	s10 =	sld [smem:$0x75A];
	v57 =	vmov s6;
	v44 =	vsel vm1, s28, v9;
	v9 =	vsel vm0, s4, v54  }
0x35d: {  	v60 =	vmov s15;
	s20 =	sshra.s32 s12, $0x7;
	s24 =	sshra.s32 s13, $0x7;
	s13 =	sld [smem:$0x755];
	v38 =	vsel vm1, s5, v9;
	v9 =	vsel vm2, s7, v57  }
0x35e: {  	v22 =	vsel vm2, s8, v60;
	s28 =	sshra.s32 s17, $0x7;
	v61 =	vmov s24;
	s12 =	sshra.s32 s11, $0x1;
	s24 =	sld [smem:$0x758];
	v9 =	vsel vm0, s1, v9  }
0x35f: {  	s8 =	sshrl.u32 s11, $0x1F;
	s5 =	sshra.s32 s14, $0x7;
	v63 =	vsel vm2, s20, v61;
	s20 =	sld [smem:$0x757];
	v36 =	vsel vm1, s0, v9;
	v9 =	vsel vm0, s18, v22  }
0x360: {  	s14 =	sshra.s32 s13, $0x1;
	s6 =	sshrl.u32 s13, $0x1F;
	v29 =	vsel vm1, s19, v9;
	v9 =	vsel vm0, s28, v63;
	s28 =	sld [smem:$0x759]  }
0x361: {  	s4 =	sshra.s32 s13, $0x7;
	s0 =	sshra.s32 s11, $0x7;
	s11 =	sld [smem:$0x756]  }
0x362: {  	s13 =	sld [smem:$0x75E];
	v24 =	vmov s14;
	s16 =	sshra.s32 s20, $0x1;
	s19 =	sshra.s32 s10, $0x1;
	v23 =	vsel vm1, s5, v9  }
0x363: {  	v9 =	vsel vm2, s12, v24;
	v26 =	vmov s16;
	v24 =	vmov s19;
	s19 =	sld [smem:$0x75B];
	s18 =	sshra.s32 s28, $0x1  }
0x364: {  	s15 =	sshra.s32 s11, $0x1;
	v22 =	vsel vm2, s18, v26;
	s18 =	sld [smem:$0x75D]  }
0x365: {  	v9 =	vsel vm0, s15, v9;
	s15 =	sld [smem:$0x75C]  }
0x366: {  	s17 =	sshra.s32 s24, $0x1;
	s1 =	sshra.s32 s11, $0x7;
	s9 =	sshra.s32 s19, $0x1  }
0x367: {  	[tilespmem:$0x1FE40] =	vst v0;
	v0 =	vsel vm1, s17, v9;
	v9 =	vsel vm0, s9, v22;
	s9 =	sshrl.u32 s11, $0x1F;
	s11 =	sld [smem:$0x761];
	s14 =	sshra.s32 s18, $0x1  }
0x368: {  	s16 =	sshra.s32 s13, $0x1;
	s12 =	sshra.s32 s15, $0x1;
	v30 =	vsel vm2, s14, v24;
	s14 =	sld [smem:$0x75F]  }
0x369: {  	[tilespmem:$0x1FE60] =	vst v0;
	v0 =	vsel vm1, s12, v9;
	v9 =	vsel vm0, s16, v30;
	s16 =	sld [smem:$0x760];
	_ =	sdelay $0x1  }
0x36a: {  	s17 =	sshra.s32 s14, $0x1  }
0x36b: {  	v35 =	vmov s17;
	s12 =	sshra.s32 s16, $0x1;
	s17 =	sshra.s32 s11, $0x1  }
0x36c: {  	[tilespmem:$0x1FE70] =	vst v0;
	v0 =	vsel vm1, s12, v9;
	v9 =	vsel vm2, s17, v35;
	s17 =	sld [smem:$0x762];
	s12 =	sshrl.u32 s20, $0x1F  }
0x36d: {  	v39 =	vmov s12;
	s12 =	sld [smem:$0x763];
	_ =	sdelay $0x1  }
0x36e: {  	v37 =	vmov s6;
	s6 =	sshrl.u32 s24, $0x1F;
	s5 =	sshra.s32 s24, $0x7;
	s7 =	sshra.s32 s17, $0x1  }
0x36f: {  	v46 =	vmov s4;
	s24 =	sshrl.u32 s28, $0x1F;
	s4 =	sshra.s32 s19, $0x7;
	v22 =	vsel vm2, s8, v37;
	v9 =	vsel vm0, s7, v9;
	s8 =	sshra.s32 s12, $0x1  }
0x370: {  	v40 =	vsel vm2, s24, v39;
	s24 =	sshrl.u32 s19, $0x1F;
	s7 =	sshra.s32 s28, $0x7;
	s28 =	sshrl.u32 s10, $0x1F;
	v52 =	vsel vm1, s8, v9;
	v9 =	vsel vm0, s9, v22  }
0x371: {  	v42 =	vmov s28;
	s9 =	sshrl.u32 s15, $0x1F;
	s28 =	sshrl.u32 s14, $0x1F;
	v53 =	vsel vm1, s6, v9;
	v9 =	vsel vm0, s24, v40;
	s24 =	sshrl.u32 s18, $0x1F  }
0x372: {  	s19 =	sshrl.u32 s16, $0x1F;
	v43 =	vmov s28;
	s28 =	sshrl.u32 s11, $0x1F;
	v57 =	vsel vm1, s9, v9;
	v9 =	vsel vm2, s24, v42;
	s24 =	sshrl.u32 s13, $0x1F  }
0x373: {  	v51 =	vsel vm2, s0, v46;
	s10 =	sshra.s32 s10, $0x7;
	s6 =	sshra.s32 s20, $0x7;
	s20 =	sshrl.u32 s17, $0x1F;
	v22 =	vsel vm2, s28, v43;
	v9 =	vsel vm0, s24, v9  }
0x374: {  	v60 =	vmov s10;
	s28 =	sshrl.u32 s12, $0x1F;
	v49 =	vsel vm1, s19, v9;
	v9 =	vsel vm0, s20, v22  }
0x375: {  	v54 =	vmov s6;
	s24 =	sshra.s32 s18, $0x7;
	s19 =	sshra.s32 s12, $0x7;
	s12 =	sld [smem:$0x765];
	v42 =	vsel vm1, s28, v9;
	v9 =	vsel vm0, s1, v51  }
0x376: {  	s0 =	sshra.s32 s15, $0x7;
	v22 =	vsel vm2, s24, v60;
	s24 =	sld [smem:$0x764];
	v43 =	vsel vm1, s5, v9;
	v9 =	vsel vm2, s7, v54  }
0x377: {  	s13 =	sshra.s32 s13, $0x7;
	s20 =	sshra.s32 s16, $0x7;
	s16 =	sshra.s32 s14, $0x7;
	v9 =	vsel vm0, s4, v9  }
0x378: {  	s15 =	sshra.s32 s11, $0x7;
	v26 =	vmov s16;
	v24 =	vsel vm1, s0, v9;
	v9 =	vsel vm0, s13, v22;
	s13 =	sshra.s32 s12, $0x1  }
0x379: {  	s18 =	sshra.s32 s17, $0x7;
	v26 =	vsel vm2, s15, v26;
	s28 =	sshra.s32 s24, $0x1;
	v39 =	vsel vm1, s20, v9;
	v61 =	vmov s13;
	s20 =	sld [smem:$0x767]  }
0x37a: {  	v9 =	vsel vm0, s18, v26;
	v26 =	vsel vm2, s28, v61;
	s28 =	sld [smem:$0x769];
	_ =	sdelay $0x1  }
0x37b: {  	s15 =	sshra.s32 s20, $0x1  }
0x37c: {  	s10 =	sld [smem:$0x76A];
	v30 =	vmov s15;
	s18 =	sshra.s32 s28, $0x1  }
0x37d: {  	v30 =	vsel vm2, s18, v30;
	s18 =	sld [smem:$0x76D]  }
0x37e: {  	s11 =	sld [smem:$0x766]  }
0x37f: {  	s17 =	sld [smem:$0x76C];
	v22 =	vsel vm1, s19, v9;
	s19 =	sshra.s32 s10, $0x1  }
0x380: {  	v35 =	vmov s19;
	s19 =	sld [smem:$0x76B];
	s13 =	sshra.s32 s18, $0x1  }
0x381: {  	s14 =	sshra.s32 s11, $0x1;
	v37 =	vsel vm2, s13, v35;
	s13 =	sld [smem:$0x76E]  }
0x382: {  	s8 =	sshrl.u32 s24, $0x1F;
	s0 =	sshra.s32 s24, $0x7;
	s24 =	sld [smem:$0x768]  }
0x383: {  	s4 =	sshra.s32 s11, $0x7;
	s15 =	sld [smem:$0x76F];
	s9 =	sshra.s32 s19, $0x1  }
0x384: {  	v26 =	vsel vm0, s14, v26;
	v63 =	vsel vm0, s9, v30;
	s9 =	sshrl.u32 s11, $0x1F;
	s11 =	sld [smem:$0x771];
	s14 =	sshra.s32 s13, $0x1  }
0x385: {  	s16 =	sshra.s32 s24, $0x1;
	v40 =	vsel vm0, s14, v37;
	s14 =	sld [smem:$0x770]  }
0x386: {  	[tilespmem:$0x1FE80] =	vst v0;
	s6 =	sshrl.u32 s12, $0x1F;
	v0 =	vsel vm1, s16, v26;
	s16 =	sshra.s32 s15, $0x1  }
0x387: {  	s1 =	sshra.s32 s12, $0x7;
	s12 =	sshra.s32 s17, $0x1;
	v46 =	vmov s16;
	s16 =	sshra.s32 s11, $0x1  }
0x388: {  	[tilespmem:$0x1FEA0] =	vst v0;
	v0 =	vsel vm1, s12, v63;
	v50 =	vsel vm2, s16, v46;
	s16 =	sld [smem:$0x772];
	s12 =	sshra.s32 s14, $0x1  }
0x389: {  	[tilespmem:$0x1FEB0] =	vst v0;
	v0 =	vsel vm1, s12, v40;
	s12 =	sshrl.u32 s20, $0x1F  }
0x38a: {  	v54 =	vmov s12;
	s12 =	sld [smem:$0x773]  }
0x38b: {  	v51 =	vmov s6;
	s6 =	sshrl.u32 s24, $0x1F;
	s7 =	sshra.s32 s16, $0x1  }
0x38c: {  	s5 =	sshra.s32 s24, $0x7;
	s24 =	sshrl.u32 s28, $0x1F;
	v30 =	vsel vm2, s8, v51;
	v26 =	vsel vm0, s7, v50;
	s7 =	sshra.s32 s28, $0x7  }
0x38d: {  	v60 =	vsel vm0, s9, v30;
	s28 =	sshrl.u32 s10, $0x1F;
	v61 =	vsel vm2, s24, v54;
	s24 =	sshrl.u32 s19, $0x1F;
	s8 =	sshra.s32 s12, $0x1  }
0x38e: {  	v35 =	vmov s28;
	[tilespmem:$0x1FEC0] =	vst v0;
	v63 =	vsel vm0, s24, v61;
	s24 =	sshrl.u32 s18, $0x1F;
	v0 =	vsel vm1, s8, v26  }
0x38f: {  	s9 =	sshrl.u32 s17, $0x1F;
	v37 =	vsel vm2, s24, v35;
	s24 =	sshrl.u32 s13, $0x1F;
	[tilespmem:$0x1FED0] =	vst v0;
	v0 =	vsel vm1, s6, v60  }
0x390: {  	s28 =	sshrl.u32 s15, $0x1F;
	v26 =	vsel vm0, s24, v37;
	[tilespmem:$0x1FEE0] =	vst v0;
	v0 =	vsel vm1, s9, v63;
	s9 =	sshrl.u32 s14, $0x1F  }
0x391: {  	v40 =	vmov s28;
	s28 =	sshrl.u32 s11, $0x1F;
	v54 =	vsel vm1, s9, v26;
	s9 =	sshra.s32 s10, $0x7  }
0x392: {  	v46 =	vmov s1;
	s1 =	sshra.s32 s19, $0x7;
	v30 =	vsel vm2, s28, v40;
	s19 =	sshrl.u32 s16, $0x1F;
	s24 =	sshra.s32 s18, $0x7;
	v40 =	vmov s9  }
0x393: {  	v51 =	vsel vm2, s0, v46;
	s0 =	sld [smem:$0x77B];
	v50 =	vsel vm0, s19, v30;
	s10 =	sshra.s32 s13, $0x7;
	v30 =	vsel vm2, s24, v40  }
0x394: {  	v46 =	vsel vm0, s10, v30;
	s10 =	sld [smem:$0x775]  }
0x395: {  	s6 =	sshra.s32 s20, $0x7;
	v63 =	vsel vm0, s4, v51;
	s4 =	sld [smem:$0x77D];
	s13 =	sshra.s32 s14, $0x7  }
0x396: {  	s15 =	sshra.s32 s15, $0x7;
	v35 =	vmov s6;
	v30 =	vsel vm1, s13, v46;
	s13 =	sld [smem:$0x777]  }
0x397: {  	v37 =	vsel vm2, s7, v35;
	s14 =	sshra.s32 s11, $0x7;
	s24 =	sld [smem:$0x774];
	s11 =	sshra.s32 s10, $0x1  }
0x398: {  	v26 =	vsel vm0, s1, v37;
	v37 =	vmov s15;
	s6 =	sshrl.u32 s10, $0x1F;
	s19 =	sshra.s32 s10, $0x7;
	s10 =	sld [smem:$0x77A]  }
0x399: {  	v37 =	vsel vm2, s14, v37;
	v51 =	vmov s11;
	s11 =	sld [smem:$0x776];
	s14 =	sshra.s32 s13, $0x1  }
0x39a: {  	s28 =	sshrl.u32 s12, $0x1F;
	s18 =	sshra.s32 s12, $0x7;
	v40 =	vmov s14;
	s14 =	sld [smem:$0x779]  }
0x39b: {  	v61 =	vsel vm1, s28, v50;
	s20 =	sshra.s32 s17, $0x7;
	s17 =	sshra.s32 s16, $0x7;
	s28 =	sshra.s32 s24, $0x1  }
0x39c: {  	s16 =	sld [smem:$0x778];
	v50 =	vsel vm0, s17, v37;
	v37 =	vsel vm2, s28, v51;
	s17 =	sshra.s32 s10, $0x1;
	s12 =	sshra.s32 s11, $0x1  }
0x39d: {  	v35 =	vsel vm1, s20, v26;
	s28 =	sld [smem:$0x77C];
	v46 =	vmov s17;
	s15 =	sshra.s32 s14, $0x1;
	v37 =	vsel vm0, s12, v37;
	s12 =	sshra.s32 s4, $0x1  }
0x39e: {  	v26 =	vsel vm1, s18, v50;
	s18 =	sshra.s32 s0, $0x1;
	v40 =	vsel vm2, s15, v40;
	v50 =	vsel vm2, s12, v46;
	s12 =	sld [smem:$0x77E]  }
0x39f: {  	v60 =	vsel vm0, s18, v40;
	s18 =	sld [smem:$0x77F]  }
0x3a0: {  	s1 =	sshra.s32 s16, $0x1  }
0x3a1: {  	s8 =	sshrl.u32 s24, $0x1F;
	s20 =	sshra.s32 s24, $0x7;
	s15 =	sshra.s32 s12, $0x1  }
0x3a2: {  	[tilespmem:$0x1FEF0] =	vst v0;
	s24 =	sshra.s32 s28, $0x1;
	v0 =	vsel vm1, s1, v37;
	s17 =	sshra.s32 s18, $0x1;
	v51 =	vsel vm0, s15, v50;
	s15 =	sld [smem:$0x781]  }
0x3a3: {  	s9 =	sshrl.u32 s11, $0x1F;
	[tilespmem:$0x1FF10] =	vst v0;
	v0 =	vsel vm1, s24, v60;
	v60 =	vmov s17;
	s17 =	sshra.s32 s11, $0x7;
	s11 =	sld [smem:$0x780]  }
0x3a4: {  	_ = 	snop  }
0x3a5: {  	[tilespmem:s3], [sflag:$0x2] =	stream.linear.gather [hbm4b:s2+s3], $0x20, $0x38;
	[tilespmem:$0x28C0] =	vst v63  }
0x3a6: {  	s1 =	sshra.s32 s15, $0x1;
	s24 =	sshra.s32 s11, $0x1  }
0x3a7: {  	[tilespmem:$0x1FF20] =	vst v0;
	v46 =	vsel vm2, s1, v60;
	s1 =	sld [smem:$0x782];
	v0 =	vsel vm1, s24, v51;
	s24 =	sshrl.u32 s13, $0x1F  }
0x3a8: {  	v51 =	vmov s24;
	s24 =	sld [smem:$0x783]  }
0x3a9: {  	v63 =	vsel vm1, s5, v63;
	s5 =	sshrl.u32 s14, $0x1F;
	s14 =	sshra.s32 s14, $0x7;
	v50 =	vmov s6  }
0x3aa: {  	s6 =	sshrl.u32 s16, $0x1F;
	s16 =	sshra.s32 s16, $0x7;
	v40 =	vsel vm2, s8, v50;
	s7 =	sshra.s32 s1, $0x1  }
0x3ab: {  	v60 =	vsel vm0, s9, v40;
	s9 =	sshrl.u32 s0, $0x1F;
	v50 =	vsel vm2, s5, v51;
	s5 =	sshrl.u32 s10, $0x1F;
	v37 =	vsel vm0, s7, v46;
	s8 =	sshra.s32 s24, $0x1  }
0x3ac: {  	[tilespmem:$0x1FF30] =	vst v0;
	s7 =	smov.u32 s10;
	v51 =	vsel vm0, s9, v50;
	s9 =	sshrl.u32 s4, $0x1F;
	s10 =	sshrl.u32 s18, $0x1F;
	v0 =	vsel vm1, s8, v37  }
0x3ad: {  	v50 =	vmov s10;
	s10 =	sshra.s32 s0, $0x7;
	s0 =	sshrl.u32 s1, $0x1F;
	s8 =	sshrl.u32 s28, $0x1F;
	[tilespmem:$0x1FF40] =	vst v0;
	v0 =	vsel vm1, s6, v60  }
0x3ae: {  	v60 =	vmov s5;
	s5 =	smov.u32 s4;
	s6 =	sshra.s32 s13, $0x7;
	s4 =	sshrl.u32 s15, $0x1F;
	[tilespmem:$0x1FF50] =	vst v0;
	v0 =	vsel vm1, s8, v51  }
0x3af: {  	s13 =	sshrl.u32 s12, $0x1F;
	v46 =	vsel vm2, s9, v60;
	v40 =	vsel vm2, s4, v50;
	v50 =	vmov s19;
	s9 =	sshrl.u32 s11, $0x1F;
	s8 =	sshra.s32 s28, $0x7  }
0x3b0: {  	s5 =	sshra.s32 s5, $0x7;
	s19 =	sshrl.u32 s24, $0x1F;
	s28 =	sshra.s32 s12, $0x7;
	v60 =	vsel vm2, s20, v50  }
0x3b1: {  	v37 =	vsel vm0, s13, v46;
	s13 =	smov.u32 s11;
	s20 =	sshra.s32 s7, $0x7;
	v50 =	vsel vm0, s17, v60;
	v60 =	vmov s6;
	s17 =	sld [smem:$0x7E8]  }
0x3b2: {  	s11 =	smov.u32 s1;
	v46 =	vsel vm1, s9, v37;
	s7 =	sshra.s32 s13, $0x7;
	v37 =	vsel vm2, s14, v60;
	v60 =	vmov s20;
	s20 =	sld [smem:$0x784]  }
0x3b3: {  	v51 =	vsel vm0, s0, v40;
	s13 =	sshra.s32 s15, $0x7;
	s14 =	sshra.s32 s18, $0x7;
	v37 =	vsel vm0, s10, v37;
	s10 =	sld [smem:$0x785]  }
0x3b4: {  	[tilespmem:$0x1FF60] =	vst v0;
	s15 =	sshra.s32 s11, $0x7;
	v50 =	vsel vm1, s16, v50;
	s16 =	sshra.s32 s24, $0x7;
	v40 =	vsel vm2, s5, v60;
	v0 =	vmov s14;
	s14 =	sld [smem:$0x786]  }
0x3b5: {  	s18 =	smulhi.u32 $0x66666667, s17;
	v40 =	vsel vm0, s28, v40;
	s28 =	sshra.s32 s30, $0x1;
	s24 =	sshra.s32 s20, $0x1  }
0x3b6: {  	v51 =	vsel vm1, s19, v51;
	v0 =	vsel vm2, s13, v0;
	s12 =	sshrl.u32 s20, $0x1F;
	s0 =	sshra.s32 s20, $0x7;
	s20 =	sld [smem:$0x7EA]  }
0x3b7: {  	s5 =	sshra.s32 s22, $0x1;
	s19 =	sshra.s32 s17, $0x1F;
	v40 =	vsel vm1, s7, v40;
	v0 =	vsel vm0, s15, v0;
	v1 =	vmov s28;
	s7 =	sld [smem:$0x7EB]  }
0x3b8: {  	v60 =	vsel vm1, s8, v37;
	s8 =	sshra.s32 s29, $0x1;
	s1 =	smul.u32 $0x66666667, s19;
	[smem:$0x78E] =	sst s18;
	v37 =	vsel vm1, s16, v0;
	v0 =	vsel vm2, s24, v1  }
0x3b9: {  	s9 =	sshra.s32 s23, $0x1;
	s13 =	sshra.s32 s31, $0x1;
	[smem:$0x78C] =	sst s0;
	v1 =	vmov s5;
	v0 =	vsel vm0, s8, v0  }
0x3ba: {  	s15 =	sshra.s32 s14, $0x1;
	[smem:$0x78F] =	sst s1;
	v1 =	vsel vm2, s9, v1;
	v0 =	vsel vm1, s13, v0  }
0x3bb: {  	s17 =	sshra.s32 s25, $0x1;
	s13 =	sld [smem:$0x787];
	s0 =	sshra.s32 s20, $0x1F;
	[tilespmem:$0x1FF80] =	vst v0;
	v0 =	vsel vm0, s15, v1  }
0x3bc: {  	s11 =	sshra.s32 s10, $0x1;
	s4 =	smul.u32 $0x66666667, s0;
	v0 =	vsel vm1, s17, v0;
	s17 =	sld [smem:$0x788]  }
0x3bd: {  	v9 =	vmov v20;
	s16 =	sshra.s32 s26, $0x1;
	v20 =	vmov s11;
	s0 =	sld [smem:$0x789]  }
0x3be: {  	s28 =	smulhi.u32 $0x66666667, s20;
	v1 =	vsel vm2, s16, v20;
	s18 =	sshra.s32 s13, $0x1;
	[smem:$0x791] =	sst s4  }
0x3bf: {  	[tilespmem:$0x1FF90] =	vst v0;
	s4 =	sld [smem:$0x7EC];
	v0 =	vsel vm0, s18, v1;
	s19 =	sshra.s32 s17, $0x1  }
0x3c0: {  	v34 =	vcombine.low v34, v62;
	s1 =	sshra.s32 s21, $0x1;
	[smem:$0x790] =	sst s28;
	v1 =	vimm.s32 $0xECA86420;
	v0 =	vsel vm1, s19, v0  }
0x3c1: {  	s11 =	sshra.s32 s7, $0x1F;
	v1 =	vunpack.c.l.s4.s8 v1;
	[tilespmem:$0x1FFA0] =	vst v0;
	v0 =	vcombine.low v56, v41;
	v56 =	vmov s1;
	s1 =	sld [smem:$0x78A]  }
0x3c2: {  	v27 =	vcombine.low v27, v31;
	v15 =	vcombine.low v15, v21;
	s28 =	sld [smem:$0x78B];
	s6 =	sshra.s32 s0, $0x1;
	s9 =	smulhi.u32 $0x66666667, s4  }
0x3c3: {  	s24 =	sshrl.u32 s30, $0x1F;
	s5 =	smov.u32 s21;
	v20 =	vmul.u32 $0x2, v47;
	v21 =	vunpack.c.0.s8.s32 v1;
	v1 =	vsel vm2, s6, v56;
	s6 =	smul.u32 $0x66666667, s11  }
0x3c4: {  	v13 =	vcombine.low v13, v17;
	v4 =	vcombine.low v4, v11;
	v17 =	vmov s24;
	s11 =	sshra.s32 s4, $0x1F;
	s4 =	sld [smem:$0x7ED];
	s21 =	sshra.s32 s1, $0x1  }
0x3c5: {  	s20 =	sshrl.u32 s23, $0x1F;
	v11 =	vperm.xlane v34, v20;
	v15 =	vperm.xlane v15, v20;
	s19 =	sshra.s32 s23, $0x7;
	s23 =	sshra.s32 s28, $0x1;
	v1 =	vsel vm0, s21, v1  }
0x3c6: {  	s30 =	sshra.s32 s30, $0x7;
	s24 =	sshra.s32 s14, $0x7;
	v0 =	vperm.xlane v0, v21;
	v56 =	vsel vm1, s23, v1;
	v1 =	vperm.xlane v27, v21  }
0x3c7: {  	vm3 =	vmmov $0xff;
	s15 =	sshrl.u32 s29, $0x1F;
	s16 =	sshrl.u32 s31, $0x1F;
	v4 =	vperm.xlane v4, v20;
	v13 =	vperm.xlane v13, v21;
	s8 =	smulhi.u32 $0x66666667, s4  }
0x3c8: {  	v0 =	vsel vm3, v11, v0;
	v11 =	vsel vm2, s12, v17;
	s23 =	sshrl.u32 s14, $0x1F;
	s14 =	sshra.s32 s4, $0x1F;
	s4 =	sshrl.u32 s5, $0x1F;
	v1 =	vsel vm3, v15, v1  }
0x3c9: {  	s18 =	sshra.s32 s31, $0x7;
	s31 =	smulhi.u32 $0x66666667, s7;
	s7 =	sshrl.u32 s22, $0x1F;
	v4 =	vsel vm3, v4, v13;
	v41 =	vmov s4;
	v13 =	vadd.s32 v1, v0  }
0x3ca: {  	s29 =	sshra.s32 s29, $0x7;
	s22 =	sshra.s32 s22, $0x7;
	s11 =	smul.u32 $0x66666667, s11;
	v0 =	vmov s7;
	v15 =	vadd.s32 v1, v4;
	v1 =	vmul.u32 $0xFFFFFFFB, v13  }
0x3cb: {  	s12 =	sshrl.u32 s25, $0x1F;
	s21 =	sshra.s32 s26, $0x7;
	s14 =	smul.u32 $0x66666667, s14;
	v4 =	vsel vm0, s15, v11;
	v11 =	vsel vm2, s20, v0;
	v17 =	vmul.u32 $0x5, v15  }
0x3cc: {  	s4 =	sshrl.u32 s0, $0x1F;
	s7 =	sld [smem:$0x7EE];
	s20 =	sshrl.u32 s26, $0x1F;
	v0 =	vsel vm1, s16, v4;
	v4 =	vsel vm0, s23, v11;
	v1 =	vadd.s32 v19, v1  }
0x3cd: {  	s26 =	sshrl.u32 s10, $0x1F;
	s23 =	sshra.s32 s10, $0x7;
	v19 =	vadd.s32 v17, v1;
	v1 =	vsel vm1, s12, v4;
	s12 =	simm.s32 $0x2  }
0x3ce: {  	v11 =	vmov s26;
	s10 =	sshrl.u32 s1, $0x1F;
	s26 =	smov.u32 s17;
	_ =	swait.ge [sflag:s12], $0x20  }
0x3cf: {  	s15 =	smulhi.u32 $0x66666667, s7;
	s16 =	sshra.s32 s7, $0x1F;
	v4 =	vsel vm2, s20, v11;
	v11 =	vsel vm2, s4, v41;
	s4 =	sld [smem:$0x78C]  }
0x3d0: {  	s7 =	smov.u32 s5;
	v17 =	vmov s30;
	s30 =	sshrl.u32 s28, $0x1F;
	v11 =	vsel vm0, s10, v11;
	s10 =	sld [smem:$0x7EF]  }
0x3d1: {  	s5 =	sshrl.u32 s13, $0x1F;
	s16 =	smul.u32 $0x66666667, s16;
	v41 =	vsel vm1, s30, v11;
	s30 =	sld [smem:$0x7F1]  }
0x3d2: {  	s20 =	sshrl.u32 s17, $0x1F;
	v4 =	vsel vm0, s5, v4;
	[sflag:s12] =	ssyncset.done $0x0;
	v11 =	vmov s22;
	s22 =	sshra.s32 s7, $0x7  }
0x3d3: {  	v34 =	vsel vm1, s20, v4;
	[sflag:s12] =	ssyncadd.s32 $0xFFFFFFE0;
	v4 =	vsel vm2, s4, v17;
	s20 =	smulhi.u32 $0x66666667, s10;
	v17 =	vmov s23;
	s23 =	sld [smem:$0x7F0]  }
0x3d4: {  	s5 =	sshra.s32 s10, $0x1F;
	s10 =	sshra.s32 s30, $0x1F;
	s4 =	sld [smem:$0x7F3]  }
0x3d5: {  	v47 =	vmov s22;
	v4 =	vsel vm0, s29, v4;
	s17 =	smul.u32 $0x66666667, s5;
	s29 =	sshra.s32 s1, $0x7;
	s1 =	sld [smem:$0x7F2]  }
0x3d6: {  	s13 =	sshra.s32 s13, $0x7;
	s22 =	smul.u32 $0x66666667, s10;
	s10 =	sld [smem:$0x791];
	v62 =	vsel vm1, s18, v4;
	v4 =	vsel vm2, s19, v11;
	v11 =	vsel vm2, s21, v17;
	v17 =	vld.idx.msk [tilespmem:v19+s3+$0x0], $0xffff  }
0x3d7: {  	v55 =	vcombine.low v55, v48;
	v27 =	vld [tilespmem:$0x1FDD0];
	s21 =	smulhi.u32 $0x66666667, s30;
	v4 =	vsel vm0, s24, v4;
	v11 =	vsel vm0, s13, v11;
	s24 =	sshra.s32 s26, $0x7;
	s26 =	sshra.s32 s0, $0x7  }
0x3d8: {  	v45 =	vcombine.low v45, v58;
	s30 =	sld [smem:$0x78D];
	s18 =	smulhi.u32 $0x66666667, s23;
	s19 =	sshra.s32 s23, $0x1F;
	v31 =	vsel vm1, s24, v11;
	v11 =	vsel vm2, s26, v47;
	v47 =	vld [tilespmem:$0x1FDE0]  }
0x3d9: {  	v32 =	vcombine.low v32, v33;
	v25 =	vcombine.low v25, v28;
	s13 =	sld [smem:$0x78E];
	s19 =	smul.u32 $0x66666667, s19  }
0x3da: {  	v6 =	vcombine.low v6, v7;
	v58 =	vperm.xlane v55, v20;
	s7 =	sshra.s32 s4, $0x1F;
	s23 =	smulhi.u32 $0x66666667, s1;
	s26 =	sld [smem:$0x78F]  }
0x3db: {  	v32 =	vperm.xlane v32, v20;
	s25 =	sshra.s32 s25, $0x7;
	v11 =	vsel vm0, s29, v11;
	s29 =	smul.u32 $0x66666667, s7;
	s7 =	sld [smem:$0x790];
	v7 =	vshra.s32 v17, $0x1F  }
0x3dc: {  	v6 =	vperm.xlane v6, v20;
	v4 =	vsel vm1, s25, v4;
	s5 =	sshra.s32 s1, $0x1F;
	s25 =	smulhi.u32 $0x66666667, s4;
	s0 =	sshra.s32 s30, $0x1;
	v7 =	vshrl.u32 v7, $0x1A  }
0x3dd: {  	v25 =	vperm.xlane v25, v21;
	s24 =	smul.u32 $0x66666667, s5;
	s5 =	sadd.s32 s26, s13;
	s13 =	sld [smem:$0x7F4];
	v27 =	vcombine.low v47, v27;
	v7 =	vadd.s32 v7, v17  }
0x3de: {  	v48 =	vmov s0;
	s26 =	sld [smem:$0x7F7];
	s0 =	sadd.s32 s10, s7;
	s10 =	sadd.s32 s6, s31;
	v47 =	vperm.xlane v45, v21;
	v7 =	vshrl.u32 v7, $0x6  }
0x3df: {  	v6 =	vsel vm3, v6, v25;
	s7 =	sadd.s32 s11, s9;
	s11 =	sadd.s32 s19, s18;
	s19 =	sld [smem:$0x7F6];
	v27 =	vperm.xlane v27, v21;
	v7 =	vshll.u32 v7, $0x6  }
0x3e0: {  	v15 =	vshll.u32 v15, $0x6;
	s18 =	sadd.s32 s29, s25;
	s4 =	smulhi.u32 $0x66666667, s13;
	s1 =	sshra.s32 s13, $0x1F;
	v55 =	vsel vm3, v32, v47;
	v7 =	vsub.s32 v17, v7  }
0x3e1: {  	s6 =	smul.u32 $0x66666667, s1;
	s1 =	sadd.s32 s14, s8;
	s14 =	sld [smem:$0x7F5];
	v17 =	vshll.u32 v9, $0x6;
	v27 =	vsel vm3, v58, v27;
	v58 =	vand.u32 $0xFF, v7  }
0x3e2: {  	s25 =	sshra.s32 s0, $0x1;
	s13 =	sadd.s32 s16, s15;
	s29 =	smulhi.u32 $0x66666667, s26;
	v45 =	vadd.s32 v55, v6;
	v25 =	vadd.s32 v55, v27;
	v6 =	vshrl.u32 v58, $0x7  }
0x3e3: {  	s16 =	sadd.s32 s22, s21;
	s31 =	sshra.s32 s26, $0x1F;
	s15 =	smulhi.u32 $0x66666667, s19;
	v13 =	vadd.s32 v17, v13;
	v27 =	vmul.u32 $0xFFFFFFFB, v25;
	v6 =	vadd.s32 v6, v7  }
0x3e4: {  	v33 =	vmul.u32 $0xC0, v19;
	s8 =	smulhi.u32 $0x66666667, s14;
	s9 =	sshra.s32 s14, $0x1F;
	s14 =	sadd.s32 s17, s20;
	v13 =	vsub.s32 v13, v15;
	v6 =	vand.u32 $0xFE, v6  }
0x3e5: {  	s17 =	sadd.s32 s24, s23;
	s23 =	smul.u32 $0x66666667, s31;
	s24 =	sshra.s32 s5, $0x1;
	v17 =	vadd.s32 v18, v27;
	v18 =	vmul.u32 $0x5, v45;
	v6 =	vsub.s32 v7, v6  }
0x3e6: {  	s26 =	sshra.s32 s28, $0x7;
	s20 =	sshra.s32 s19, $0x1F;
	s9 =	smul.u32 $0x66666667, s9;
	v13 =	vadd.s32 v33, v13;
	v7 =	vsel vm2, s24, v48;
	v6 =	vshll.u32 v6, $0x18  }
0x3e7: {  	s28 =	sshra.s32 s10, $0x1;
	s31 =	sshra.s32 s16, $0x1;
	s22 =	smul.u32 $0x66666667, s20;
	v15 =	vsel vm0, s25, v7;
	v7 =	vsel vm1, s26, v11;
	v17 =	vadd.s32 v18, v17  }
0x3e8: {  	s20 =	sadd.s32 s9, s8;
	s9 =	sadd.s32 s23, s29;
	s29 =	sshra.s32 s1, $0x1;
	v18 =	vshll.u32 v13, $0x1;
	v13 =	vshra.s32 v6, $0x18;
	v6 =	vsel vm1, s28, v15  }
0x3e9: {  	s21 =	sshra.s32 s7, $0x1;
	s15 =	sadd.s32 s22, s15;
	s22 =	sshra.s32 s11, $0x1;
	v15 =	vmov s31;
	v11 =	vadd.s32 v13, v18;
	v13 =	vmov s29  }
0x3ea: {  	s25 =	sshra.s32 s17, $0x1;
	[tilespmem:$0x20] =	vst v11;
	v11 =	vsel vm2, s21, v13;
	v13 =	vsel vm2, s22, v15  }
0x3eb: {  	v9 =	vld [tilespmem:$0x1FDF0];
	s29 =	sshra.s32 s18, $0x1;
	v13 =	vsel vm0, s25, v13  }
0x3ec: {  	s19 =	sadd.s32 s6, s4;
	s8 =	sshra.s32 s20, $0x1;
	v28 =	vsel vm1, s29, v13;
	v13 =	vld [tilespmem:$0x1FE00]  }
0x3ed: {  	s23 =	sshra.s32 s19, $0x1;
	v47 =	vmov s8  }
0x3ee: {  	s26 =	sshra.s32 s15, $0x1;
	v15 =	vsel vm2, s23, v47  }
0x3ef: {  	s31 =	sshra.s32 s9, $0x1;
	v15 =	vsel vm0, s26, v15  }
0x3f0: {  	v33 =	vsel vm1, s31, v15;
	v15 =	vld [tilespmem:$0x1FE20]  }
0x3f1: {  	v13 =	vcombine.low v13, v9;
	v9 =	vld [tilespmem:$0x1FE10];
	_ =	sdelay $0x2  }
0x3f2: {  	v48 =	vld.idx.msk [tilespmem:v17+s3+$0x0], $0xffff  }
0x3f3: {  	v55 =	vld [tilespmem:$0x1FE40]  }
0x3f4: {  	v44 =	vcombine.low v44, v59;
	v15 =	vcombine.low v15, v9;
	v9 =	vld [tilespmem:$0x1FE30]  }
0x3f5: {  	v23 =	vcombine.low v23, v29  }
0x3f6: {  	v36 =	vcombine.low v36, v38;
	v44 =	vperm.xlane v44, v20;
	s24 =	sshra.s32 s13, $0x1  }
0x3f7: {  	v23 =	vperm.xlane v23, v20;
	s28 =	sshra.s32 s14, $0x1;
	v11 =	vsel vm0, s24, v11;
	v58 =	vshra.s32 v48, $0x1F  }
0x3f8: {  	v36 =	vperm.xlane v36, v21;
	s21 =	sshrl.u32 s30, $0x1F;
	v27 =	vsel vm1, s28, v11;
	v29 =	vshrl.u32 v58, $0x1A  }
0x3f9: {  	s22 =	sshrl.u32 s5, $0x1F;
	v11 =	vmov s21;
	v29 =	vadd.s32 v29, v48;
	v47 =	vcombine.low v55, v9  }
0x3fa: {  	v11 =	vsel vm2, s22, v11;
	v13 =	vperm.xlane v13, v21;
	v29 =	vshrl.u32 v29, $0x6;
	v9 =	vld [tilespmem:$0x1FE50]  }
0x3fb: {  	s23 =	sshrl.u32 s0, $0x1F;
	v29 =	vshll.u32 v29, $0x6;
	v15 =	vperm.xlane v15, v20;
	v59 =	vperm.xlane v47, v21  }
0x3fc: {  	v23 =	vsel vm3, v23, v36;
	v11 =	vsel vm0, s23, v11;
	v29 =	vsub.s32 v48, v29  }
0x3fd: {  	v48 =	vand.u32 $0xFF, v29;
	v13 =	vsel vm3, v15, v13;
	v15 =	vsel vm3, v44, v59  }
0x3fe: {  	v55 =	vshll.u32 v45, $0x6;
	v59 =	vmul.u32 $0xC0, v17;
	v13 =	vadd.s32 v15, v13  }
0x3ff: {  	s31 =	sshrl.u32 s20, $0x1F;
	v44 =	vshll.u32 v9, $0x6;
	v32 =	vadd.s32 v15, v23;
	v15 =	vshrl.u32 v48, $0x7  }
0x400: {  	v48 =	vmov s31;
	v47 =	vmul.u32 $0xFFFFFFFB, v13;
	v15 =	vadd.s32 v15, v29  }
0x401: {  	s23 =	sshrl.u32 s19, $0x1F;
	v9 =	vld [tilespmem:$0x1FE60];
	v25 =	vadd.s32 v44, v25;
	v23 =	vmul.u32 $0x5, v32;
	v58 =	vand.u32 $0xFE, v15  }
0x402: {  	v25 =	vsub.s32 v25, v55;
	v55 =	vsel vm2, s23, v48;
	v48 =	vld [tilespmem:$0x1FE70];
	v16 =	vadd.s32 v16, v47  }
0x403: {  	v15 =	vadd.s32 v23, v16;
	v16 =	vsub.s32 v29, v58  }
0x404: {  	v38 =	vadd.s32 v59, v25;
	v44 =	vshll.u32 v16, $0x18  }
0x405: {  	v42 =	vcombine.low v42, v49;
	v16 =	vshll.u32 v38, $0x1;
	v25 =	vshra.s32 v44, $0x18  }
0x406: {  	v24 =	vcombine.low v24, v43;
	s24 =	sshrl.u32 s1, $0x1F;
	v25 =	vadd.s32 v25, v16  }
0x407: {  	v42 =	vperm.xlane v42, v20;
	s4 =	sshra.s32 s5, $0x7;
	s25 =	sshrl.u32 s10, $0x1F;
	s26 =	sshrl.u32 s7, $0x1F;
	v45 =	vmov s24;
	v44 =	vcombine.low v48, v9;
	v9 =	vld [tilespmem:$0x1FE80];
	[tilespmem:$0x30] =	vst v25  }
0x408: {  	v24 =	vperm.xlane v24, v21;
	s5 =	sshra.s32 s30, $0x7;
	s30 =	sshrl.u32 s16, $0x1F;
	s28 =	sshrl.u32 s13, $0x1F;
	v23 =	vsel vm1, s25, v11;
	v11 =	vsel vm2, s26, v45;
	v36 =	vld.idx.msk [tilespmem:v15+s3+$0x0], $0xffff  }
0x409: {  	s24 =	sld [smem:$0x7F8];
	v32 =	vshll.u32 v32, $0x6;
	v47 =	vmov s30;
	v11 =	vsel vm0, s28, v11;
	s28 =	sshrl.u32 s15, $0x1F  }
0x40a: {  	s29 =	sshrl.u32 s14, $0x1F;
	s20 =	sshra.s32 s20, $0x7;
	v59 =	vmov s5;
	s30 =	sshrl.u32 s9, $0x1F;
	v58 =	vsel vm0, s28, v55;
	v55 =	vcombine.low v57, v53  }
0x40b: {  	s8 =	sshra.s32 s1, $0x7;
	s21 =	sshrl.u32 s11, $0x1F;
	s31 =	sld [smem:$0x7F9];
	v38 =	vsel vm1, s30, v58;
	v48 =	vmov s20;
	v25 =	vsel vm1, s29, v11  }
0x40c: {  	s22 =	smulhi.u32 $0x66666667, s24;
	s26 =	sshrl.u32 s17, $0x1F;
	v11 =	vsel vm2, s21, v47;
	v47 =	vmov s8;
	v49 =	vperm.xlane v55, v21  }
0x40d: {  	s25 =	sshra.s32 s24, $0x1F;
	s24 =	sld [smem:$0x7FC];
	s29 =	sshrl.u32 s18, $0x1F;
	v11 =	vsel vm0, s26, v11;
	v52 =	vcombine.low v52, v9;
	v57 =	vshra.s32 v36, $0x1F  }
0x40e: {  	s6 =	smulhi.u32 $0x66666667, s31;
	s28 =	sld [smem:$0x7FD];
	v29 =	vsel vm1, s29, v11;
	v9 =	vcombine.low v22, v39;
	v22 =	vshrl.u32 v57, $0x1A  }
0x40f: {  	s5 =	smul.u32 $0x66666667, s25;
	v11 =	vsel vm2, s4, v59;
	v59 =	vperm.xlane v52, v20;
	v52 =	vld [tilespmem:$0x1FE90];
	v22 =	vadd.s32 v22, v36  }
0x410: {  	s0 =	sshra.s32 s0, $0x7;
	s25 =	smulhi.u32 $0x66666667, s24;
	v58 =	vperm.xlane v44, v21;
	v9 =	vperm.xlane v9, v20;
	v22 =	vshrl.u32 v22, $0x6  }
0x411: {  	s21 =	sld [smem:$0x7FA];
	s30 =	sshra.s32 s28, $0x1F;
	v42 =	vsel vm3, v42, v49;
	s29 =	smulhi.u32 $0x66666667, s28;
	v11 =	vsel vm0, s0, v11;
	v22 =	vshll.u32 v22, $0x6  }
0x412: {  	s23 =	sld [smem:$0x7FB];
	s4 =	sshra.s32 s31, $0x1F;
	s31 =	smul.u32 $0x66666667, s30;
	v39 =	vsel vm3, v59, v58;
	v9 =	vsel vm3, v9, v24;
	v22 =	vsub.s32 v36, v22  }
0x413: {  	s16 =	sshra.s32 s16, $0x7;
	s7 =	sshra.s32 s7, $0x7;
	s1 =	smul.u32 $0x66666667, s4;
	v43 =	vadd.s32 v42, v39;
	v9 =	vadd.s32 v42, v9;
	v55 =	vand.u32 $0xFF, v22  }
0x414: {  	s19 =	sshra.s32 s19, $0x7;
	s17 =	sshra.s32 s17, $0x7;
	s0 =	smulhi.u32 $0x66666667, s21;
	v53 =	vmul.u32 $0xFFFFFFFB, v43;
	v24 =	vshll.u32 v52, $0x6;
	v57 =	vshrl.u32 v55, $0x7  }
0x415: {  	s15 =	sshra.s32 s15, $0x7;
	s4 =	sshra.s32 s21, $0x1F;
	s21 =	smulhi.u32 $0x66666667, s23;
	v58 =	vmul.u32 $0x5, v9;
	v13 =	vadd.s32 v24, v13;
	v24 =	vadd.s32 v57, v22  }
0x416: {  	s20 =	rddreg [dreg:$0x1c];
	s8 =	smul.u32 $0x66666667, s4;
	s4 =	sshra.s32 s23, $0x1F;
	v59 =	vmul.u32 $0xC0, v15;
	v14 =	vadd.s32 v14, v53;
	v24 =	vand.u32 $0xFE, v24  }
0x417: {  	s23 =	smul.u32 $0x66666667, s4;
	s4 =	sshra.s32 s24, $0x1F;
	s6 =	sadd.s32 s1, s6;
	v32 =	vsub.s32 v13, v32;
	v13 =	vadd.s32 v58, v14;
	v14 =	vsub.s32 v22, v24  }
0x418: {  	s26 =	smul.u32 $0x66666667, s4;
	s4 =	sadd.s32 s5, s22;
	s30 =	sshra.s32 s6, $0x1;
	v42 =	vadd.s32 v59, v32;
	v44 =	vshll.u32 v14, $0x18  }
0x419: {  	s1 =	sadd.s32 s8, s0;
	s0 =	sadd.s32 s23, s21;
	s23 =	sshra.s32 s10, $0x7;
	v49 =	vmov s30;
	v14 =	vshll.u32 v42, $0x1;
	v45 =	vshra.s32 v44, $0x18  }
0x41a: {  	s8 =	sadd.s32 s31, s29;
	s29 =	rddreg [dreg:$0x1d];
	s31 =	sshra.s32 s4, $0x1;
	v52 =	vsel vm2, s19, v48;
	v48 =	vld [tilespmem:$0x1FEC0];
	v24 =	vsel vm1, s23, v11;
	v11 =	vadd.s32 v45, v14  }
0x41b: {  	s28 =	rddreg [dreg:$0x1f];
	s24 =	sshra.s32 s13, $0x7;
	s13 =	sshra.s32 s29, $0x1F;
	v53 =	vsel vm2, s31, v49;
	v49 =	vld [tilespmem:$0x1FED0];
	[tilespmem:$0x40] =	vst v11  }
0x41c: {  	s5 =	sadd.s32 s26, s25;
	s26 =	sshra.s32 s11, $0x7;
	s13 =	smul.u32 $0x66666667, s13;
	v36 =	vsel vm2, s7, v47;
	v47 =	vmov s16;
	v55 =	vld.idx.msk [tilespmem:v13+s3+$0x0], $0xffff  }
0x41d: {  	s25 =	sshra.s32 s14, $0x7;
	s11 =	sshra.s32 s28, $0x1F;
	s14 =	smulhi.u32 $0x66666667, s20;
	v58 =	vld [tilespmem:$0x1FEA0];
	v22 =	vsel vm0, s24, v36;
	v11 =	vsel vm2, s26, v47  }
0x41e: {  	s18 =	sshra.s32 s18, $0x7;
	s10 =	smul.u32 $0x66666667, s11;
	v59 =	vld [tilespmem:$0x1FEB0];
	s24 =	sshra.s32 s8, $0x1;
	v32 =	vsel vm1, s25, v22;
	v11 =	vsel vm0, s17, v11  }
0x41f: {  	s11 =	smulhi.u32 $0x66666667, s29;
	v22 =	vsel vm0, s15, v52;
	s25 =	sshra.s32 s5, $0x1;
	v52 =	vld [tilespmem:$0x1FEF0];
	v36 =	vsel vm1, s18, v11;
	v11 =	vmov s24  }
0x420: {  	s21 =	sshra.s32 s1, $0x1;
	s7 =	smulhi.u32 $0x66666667, s28;
	s28 =	rddreg [dreg:$0x19];
	v47 =	vsel vm2, s25, v11;
	v11 =	vld [tilespmem:$0x1FEE0]  }
0x421: {  	s16 =	sshra.s32 s20, $0x1F;
	v57 =	vsel vm0, s21, v53;
	v53 =	vcombine.low v61, v54;
	s21 =	smulhi.u32 $0x66666667, s28;
	v54 =	vshra.s32 v55, $0x1F  }
0x422: {  	v26 =	vcombine.low v26, v30;
	s9 =	sshra.s32 s9, $0x7;
	s23 =	rddreg [dreg:$0x1b];
	s15 =	smul.u32 $0x66666667, s16;
	v30 =	vshrl.u32 v54, $0x1A  }
0x423: {  	s29 =	rddreg [dreg:$0x18];
	v39 =	vsel vm1, s9, v22;
	s9 =	smulhi.u32 $0x66666667, s23;
	v30 =	vadd.s32 v30, v55  }
0x424: {  	v35 =	vcombine.low v35, v63;
	s16 =	sshra.s32 s23, $0x1F;
	s23 =	smulhi.u32 $0x66666667, s29;
	v44 =	vcombine.low v59, v58;
	s26 =	rddreg [dreg:$0x1a];
	v30 =	vshrl.u32 v30, $0x6  }
0x425: {  	s30 =	rddreg [dreg:$0x17];
	v45 =	vcombine.low v49, v48;
	s19 =	smulhi.u32 $0x66666667, s26;
	v11 =	vcombine.low v52, v11;
	v30 =	vshll.u32 v30, $0x6  }
0x426: {  	s31 =	sshra.s32 s30, $0x1F;
	v48 =	vperm.xlane v53, v20;
	v44 =	vperm.xlane v44, v21;
	s18 =	smul.u32 $0x66666667, s16;
	v30 =	vsub.s32 v55, v30;
	v55 =	vld [tilespmem:$0x1FF00]  }
0x427: {  	v45 =	vperm.xlane v45, v20;
	s16 =	sshra.s32 s26, $0x1F;
	s26 =	smul.u32 $0x66666667, s31;
	v11 =	vperm.xlane v11, v21  }
0x428: {  	v26 =	vperm.xlane v26, v20;
	v35 =	vperm.xlane v35, v21;
	s20 =	smul.u32 $0x66666667, s16  }
0x429: {  	s22 =	sshra.s32 s0, $0x1;
	s16 =	sshra.s32 s28, $0x1F;
	v44 =	vsel vm3, v45, v44;
	s25 =	smulhi.u32 $0x66666667, s30;
	v11 =	vsel vm3, v48, v11  }
0x42a: {  	v26 =	vsel vm3, v26, v35;
	v22 =	vsel vm1, s22, v57;
	s15 =	sadd.s32 s15, s14;
	s28 =	rddreg [dreg:$0x16];
	s22 =	smul.u32 $0x66666667, s16;
	v44 =	vadd.s32 v11, v44  }
0x42b: {  	s17 =	sadd.s32 s10, s7;
	s16 =	sshra.s32 s29, $0x1F;
	s29 =	smulhi.u32 $0x66666667, s28;
	v58 =	vand.u32 $0xFF, v30;
	v57 =	vmul.u32 $0xFFFFFFFB, v44;
	v35 =	vshll.u32 v55, $0x6  }
0x42c: {  	s30 =	sshra.s32 s28, $0x1F;
	s18 =	sadd.s32 s18, s9;
	s24 =	smul.u32 $0x66666667, s16;
	v35 =	vadd.s32 v35, v43;
	v43 =	vadd.s32 v11, v26;
	v11 =	vshrl.u32 v58, $0x7  }
0x42d: {  	v9 =	vshll.u32 v9, $0x6;
	s28 =	sshra.s32 s15, $0x1;
	s7 =	sadd.s32 s20, s19;
	s31 =	smul.u32 $0x66666667, s30;
	v11 =	vadd.s32 v11, v30;
	v26 =	vmul.u32 $0x5, v43  }
0x42e: {  	v61 =	vmul.u32 $0xC0, v13;
	s20 =	rddreg [dreg:$0x15];
	s14 =	sadd.s32 s26, s25;
	s25 =	sshra.s32 s18, $0x1;
	v12 =	vadd.s32 v12, v57;
	v59 =	vand.u32 $0xFE, v11  }
0x42f: {  	s10 =	sadd.s32 s22, s21;
	s21 =	smulhi.u32 $0x66666667, s20;
	s22 =	sshra.s32 s20, $0x1F;
	v9 =	vsub.s32 v35, v9;
	v11 =	vadd.s32 v26, v12;
	v12 =	vsub.s32 v30, v59  }
0x430: {  	v53 =	vld [tilespmem:$0x1FF20];
	s16 =	sadd.s32 s13, s11;
	v42 =	vmov s25;
	s9 =	sadd.s32 s24, s23;
	s23 =	smul.u32 $0x66666667, s22;
	v9 =	vadd.s32 v61, v9;
	v30 =	vshll.u32 v12, $0x18  }
0x431: {  	s30 =	sshra.s32 s14, $0x1;
	s24 =	sshra.s32 s17, $0x1;
	s11 =	sadd.s32 s31, s29;
	v45 =	vsel vm2, s28, v42;
	v54 =	vld [tilespmem:$0x1FF30];
	v12 =	vshll.u32 v9, $0x1;
	v9 =	vshra.s32 v30, $0x18  }
0x432: {  	s28 =	sshrl.u32 s8, $0x1F;
	v63 =	vsel vm0, s24, v47;
	v47 =	vmov s30;
	s13 =	sadd.s32 s23, s21;
	s23 =	sshra.s32 s9, $0x1;
	v55 =	vld [tilespmem:$0x1FF40];
	v9 =	vadd.s32 v9, v12  }
0x433: {  	v46 =	vcombine.low v51, v46;
	s29 =	sshra.s32 s7, $0x1;
	s31 =	sshrl.u32 s6, $0x1F;
	s25 =	sshra.s32 s11, $0x1;
	v52 =	vmov s28;
	v57 =	vld [tilespmem:$0x1FF50];
	[tilespmem:$0x50] =	vst v9;
	v9 =	vsel vm2, s23, v47  }
0x434: {  	v48 =	vmov s31;
	s31 =	sshrl.u32 s5, $0x1F;
	v58 =	vld [tilespmem:$0x1FF60];
	v30 =	vsel vm0, s29, v45;
	s29 =	sshra.s32 s13, $0x1;
	v9 =	vsel vm0, s25, v9  }
0x435: {  	v37 =	vcombine.low v37, v40;
	s21 =	sshrl.u32 s17, $0x1F;
	v45 =	vld.idx.msk [tilespmem:v11+s3+$0x0], $0xffff;
	v42 =	vsel vm1, s29, v9;
	v9 =	vsel vm2, s31, v52  }
0x436: {  	v50 =	vcombine.low v60, v50;
	v46 =	vperm.xlane v46, v20;
	v47 =	vsel vm0, s21, v9;
	v9 =	vld [tilespmem:$0x1FF10]  }
0x437: {  	v37 =	vperm.xlane v37, v20;
	v0 =	vcombine.low v1, v0;
	s26 =	sshra.s32 s16, $0x1;
	s24 =	sshrl.u32 s4, $0x1F  }
0x438: {  	v49 =	vsel vm2, s24, v48;
	v61 =	vperm.xlane v50, v21;
	v26 =	vsel vm1, s26, v63;
	s26 =	sshrl.u32 s1, $0x1F  }
0x439: {  	v1 =	vcombine.low v41, v34;
	s28 =	sshrl.u32 s14, $0x1F;
	v43 =	vshll.u32 v43, $0x6;
	v35 =	vsel vm0, s26, v49  }
0x43a: {  	v48 =	vcombine.low v55, v54;
	v37 =	vsel vm3, v37, v61;
	v54 =	vmov s28  }
0x43b: {  	s22 =	sshra.s32 s10, $0x1;
	v63 =	vld [tilespmem:$0x1FF70];
	v52 =	vcombine.low v58, v57;
	v59 =	vshra.s32 v45, $0x1F;
	v9 =	vcombine.low v53, v9  }
0x43c: {  	v30 =	vsel vm1, s22, v30;
	v48 =	vperm.xlane v48, v20;
	v51 =	vshrl.u32 v59, $0x1A  }
0x43d: {  	s30 =	sshrl.u32 s0, $0x1F;
	s22 =	sshrl.u32 s18, $0x1F;
	v52 =	vperm.xlane v52, v21;
	v60 =	vadd.s32 v51, v45;
	v9 =	vperm.xlane v9, v21  }
0x43e: {  	v35 =	vsel vm1, s30, v35;
	v49 =	vmov s22;
	v40 =	vshrl.u32 v60, $0x6  }
0x43f: {  	v46 =	vsel vm3, v46, v52;
	v40 =	vshll.u32 v40, $0x6;
	v9 =	vsel vm3, v48, v9  }
0x440: {  	s23 =	sshrl.u32 s15, $0x1F;
	v50 =	vshll.u32 v63, $0x6;
	v40 =	vsub.s32 v45, v40;
	v51 =	vadd.s32 v46, v9  }
0x441: {  	v49 =	vsel vm2, s23, v49;
	v45 =	vand.u32 $0xFF, v40;
	v9 =	vmul.u32 $0xFFFFFFFB, v51  }
0x442: {  	v44 =	vadd.s32 v50, v44;
	v46 =	vadd.s32 v46, v37;
	v45 =	vshrl.u32 v45, $0x7  }
0x443: {  	s8 =	sshra.s32 s8, $0x7;
	v37 =	vadd.s32 v45, v40;
	v9 =	vadd.s32 v10, v9;
	v10 =	vmul.u32 $0x5, v46  }
0x444: {  	v57 =	vmov s8;
	v48 =	vmul.u32 $0xC0, v11;
	v37 =	vand.u32 $0xFE, v37  }
0x445: {  	s29 =	sshrl.u32 s9, $0x1F;
	v43 =	vsub.s32 v44, v43;
	v9 =	vadd.s32 v10, v9;
	v10 =	vsub.s32 v40, v37  }
0x446: {  	s5 =	sshra.s32 s5, $0x7;
	v58 =	vsel vm2, s29, v54;
	v50 =	vadd.s32 v48, v43;
	v52 =	vshll.u32 v10, $0x18  }
0x447: {  	s24 =	sshrl.u32 s7, $0x1F;
	s30 =	sshra.s32 s17, $0x7;
	v54 =	vld [tilespmem:$0x1FF90];
	v60 =	vsel vm2, s5, v57;
	v10 =	vshll.u32 v50, $0x1;
	v43 =	vshra.s32 v52, $0x18  }
0x448: {  	s26 =	sshrl.u32 s10, $0x1F;
	v53 =	vsel vm0, s24, v49;
	v63 =	vsel vm0, s30, v60;
	v60 =	vld [tilespmem:$0x1FFB0];
	v43 =	vadd.s32 v43, v10  }
0x449: {  	v4 =	vcombine.low v4, v62;
	v7 =	vcombine.low v7, v31;
	s6 =	sshra.s32 s6, $0x7;
	v40 =	vsel vm1, s26, v53;
	v53 =	vld [tilespmem:$0x1FF80];
	[tilespmem:$0x60] =	vst v43  }
0x44a: {  	v0 =	vperm.xlane v0, v21;
	v1 =	vperm.xlane v1, v20;
	s4 =	sshra.s32 s4, $0x7;
	v55 =	vmov s6;
	v61 =	vld.idx.msk [tilespmem:v9+s3+$0x0], $0xffff  }
0x44b: {  	v4 =	vperm.xlane v4, v21;
	v7 =	vperm.xlane v7, v20;
	v59 =	vsel vm2, s4, v55;
	v55 =	vld [tilespmem:$0x1FFA0];
	_ =	sdelay $0x1  }
0x44c: {  	v0 =	vsel vm3, v1, v0;
	v4 =	vsel vm3, v7, v4  }
0x44d: {  	v62 =	vadd.s32 v0, v4;
	v6 =	vcombine.low v27, v6;
	s19 =	rddreg [dreg:$0x13];
	s31 =	sshrl.u32 s11, $0x1F;
	v49 =	vcombine.low v54, v53  }
0x44e: {  	s20 =	smulhi.u32 $0x66666667, s19;
	v31 =	vshll.u32 v60, $0x6;
	v43 =	vsel vm0, s31, v58;
	v58 =	vshra.s32 v61, $0x1F  }
0x44f: {  	s1 =	sshra.s32 s1, $0x7;
	s6 =	sshrl.u32 s13, $0x1F;
	s17 =	rddreg [dreg:$0x14];
	v50 =	vcombine.low v56, v55;
	v56 =	vperm.xlane v49, v21;
	v49 =	vshrl.u32 v58, $0x1A  }
0x450: {  	s22 =	rddreg [dreg:$0x12];
	s25 =	sshrl.u32 s16, $0x1F;
	s8 =	sshra.s32 s18, $0x7;
	v44 =	vsel vm0, s1, v59;
	v31 =	vadd.s32 v31, v51;
	v59 =	vadd.s32 v49, v61  }
0x451: {  	s23 =	smulhi.u32 $0x66666667, s22;
	s5 =	sshra.s32 s16, $0x7;
	s16 =	sshra.s32 s15, $0x7;
	v52 =	vmov s8;
	v57 =	vperm.xlane v50, v20;
	v1 =	vshrl.u32 v59, $0x6  }
0x452: {  	s18 =	smulhi.u32 $0x66666667, s17;
	s1 =	sshra.s32 s17, $0x1F;
	v37 =	vsel vm1, s25, v47;
	s25 =	rddreg [dreg:$0x11];
	v48 =	vsel vm2, s16, v52;
	v1 =	vshll.u32 v1, $0x6  }
0x453: {  	s0 =	sshra.s32 s0, $0x7;
	s1 =	smul.u32 $0x66666667, s1;
	s26 =	rddreg [dreg:$0x10];
	v45 =	vsel vm1, s6, v43;
	v34 =	vsel vm3, v57, v56;
	v1 =	vsub.s32 v61, v1  }
0x454: {  	s7 =	sshra.s32 s7, $0x7;
	s15 =	sshra.s32 s25, $0x1F;
	s28 =	smulhi.u32 $0x66666667, s26;
	v43 =	vsel vm1, s0, v44;
	v34 =	vadd.s32 v0, v34;
	v7 =	vand.u32 $0xFF, v1  }
0x455: {  	s10 =	sshra.s32 s10, $0x7;
	s15 =	smul.u32 $0x66666667, s15;
	s8 =	sshra.s32 s26, $0x1F;
	v44 =	vsel vm1, s5, v63;
	v61 =	vmul.u32 $0xFFFFFFFB, v34;
	v0 =	vshrl.u32 v7, $0x7  }
0x456: {  	s29 =	sshra.s32 s14, $0x7;
	s30 =	rddreg [dreg:$0xf];
	s8 =	smul.u32 $0x66666667, s8;
	v63 =	vshll.u32 v46, $0x6;
	v7 =	vmul.u32 $0x5, v62;
	v0 =	vadd.s32 v0, v1  }
0x457: {  	s17 =	sshra.s32 s9, $0x7;
	s16 =	sshra.s32 s30, $0x1F;
	s31 =	smulhi.u32 $0x66666667, s30;
	v4 =	vadd.s32 v8, v61;
	v8 =	vmul.u32 $0xC0, v9;
	v0 =	vand.u32 $0xFE, v0  }
0x458: {  	s1 =	sadd.s32 s1, s18;
	s16 =	smul.u32 $0x66666667, s16;
	s5 =	sshra.s32 s19, $0x1F;
	v31 =	vsub.s32 v31, v63;
	v7 =	vadd.s32 v7, v4;
	v0 =	vsub.s32 v1, v0  }
0x459: {  	v24 =	vcombine.low v32, v24;
	v52 =	vld [tilespmem:$0x1FFC0];
	s30 =	rddreg [dreg:$0xc];
	s6 =	sadd.s32 s8, s28;
	s21 =	smul.u32 $0x66666667, s5;
	v4 =	vadd.s32 v8, v31;
	v0 =	vshll.u32 v0, $0x18  }
0x45a: {  	v6 =	vperm.xlane v6, v21;
	s14 =	sshra.s32 s30, $0x1F;
	s8 =	sadd.s32 s16, s31;
	s31 =	smulhi.u32 $0x66666667, s30;
	v8 =	vshll.u32 v4, $0x1;
	v4 =	vshra.s32 v0, $0x18  }
0x45b: {  	v24 =	vperm.xlane v24, v21;
	v22 =	vcombine.low v26, v22;
	s5 =	sshra.s32 s22, $0x1F;
	s14 =	smul.u32 $0x66666667, s14;
	s4 =	sadd.s32 s21, s20;
	v4 =	vadd.s32 v4, v8  }
0x45c: {  	v60 =	vshll.u32 v62, $0x6;
	v46 =	vmov s29;
	v54 =	vcombine.low v39, v36;
	s24 =	smul.u32 $0x66666667, s5;
	s29 =	sshra.s32 s8, $0x1;
	s22 =	sshra.s32 s4, $0x1;
	[tilespmem:$0x70] =	vst v4  }
0x45d: {  	s18 =	sshra.s32 s11, $0x7;
	s5 =	smulhi.u32 $0x66666667, s25;
	s20 =	rddreg [dreg:$0xe];
	v53 =	vmov s29;
	v50 =	vmov s22;
	v49 =	vcombine.low v38, v29;
	v51 =	vld.idx.msk [tilespmem:v7+s3+$0x0], $0xffff  }
0x45e: {  	s26 =	sshra.s32 s1, $0x1;
	s21 =	smulhi.u32 $0x66666667, s20;
	s11 =	sshra.s32 s20, $0x1F;
	v29 =	vshll.u32 v52, $0x6;
	v1 =	vsel vm0, s7, v48;
	v48 =	vcombine.low v33, v28  }
0x45f: {  	s0 =	sadd.s32 s24, s23;
	s24 =	rddreg [dreg:$0xd];
	s23 =	smul.u32 $0x66666667, s11;
	v0 =	vsel vm1, s10, v1;
	v1 =	vsel vm2, s17, v46;
	v4 =	vcombine.low v25, v23  }
0x460: {  	s19 =	sshra.s32 s13, $0x7;
	s11 =	smulhi.u32 $0x66666667, s24;
	v29 =	vadd.s32 v29, v34;
	v27 =	vperm.xlane v48, v20;
	v1 =	vsel vm0, s18, v1;
	s18 =	rddreg [dreg:$0xb]  }
0x461: {  	s17 =	sshra.s32 s6, $0x1;
	v1 =	vsel vm1, s19, v1;
	v23 =	vperm.xlane v49, v20;
	s19 =	smulhi.u32 $0x66666667, s18;
	s20 =	sshra.s32 s18, $0x1F;
	v4 =	vperm.xlane v4, v21  }
0x462: {  	s25 =	sshra.s32 s24, $0x1F;
	s22 =	rddreg [dreg:$0xa];
	v6 =	vsel vm3, v27, v6;
	v27 =	vsel vm2, s17, v53;
	s17 =	smul.u32 $0x66666667, s20;
	v55 =	vshra.s32 v51, $0x1F  }
0x463: {  	s28 =	sshra.s32 s0, $0x1;
	s16 =	smul.u32 $0x66666667, s25;
	s24 =	sshra.s32 s22, $0x1F;
	v31 =	vperm.xlane v54, v20;
	v23 =	vsel vm3, v23, v4;
	v4 =	vshrl.u32 v55, $0x1A  }
0x464: {  	v36 =	vsub.s32 v29, v60;
	s7 =	sadd.s32 s23, s21;
	s23 =	smulhi.u32 $0x66666667, s22;
	v25 =	vsel vm2, s26, v50;
	s13 =	sadd.s32 s17, s19;
	v32 =	vadd.s32 v4, v51  }
0x465: {  	s25 =	sshra.s32 s7, $0x1;
	v24 =	vsel vm3, v31, v24;
	s26 =	smul.u32 $0x66666667, s24;
	v25 =	vsel vm0, s28, v25;
	s28 =	sshra.s32 s13, $0x1;
	v58 =	vshrl.u32 v32, $0x6  }
0x466: {  	s9 =	sadd.s32 s14, s31;
	s5 =	sadd.s32 s15, s5;
	v57 =	vsel vm0, s25, v27;
	v59 =	vmov s28;
	v27 =	vshll.u32 v58, $0x6  }
0x467: {  	s31 =	sshra.s32 s9, $0x1;
	s21 =	sshra.s32 s5, $0x1;
	s10 =	sadd.s32 s26, s23;
	v61 =	vadd.s32 v23, v6;
	v23 =	vadd.s32 v23, v24;
	v27 =	vsub.s32 v51, v27  }
0x468: {  	v6 =	vsel vm2, s31, v59;
	v4 =	vsel vm1, s21, v25;
	s21 =	sshra.s32 s10, $0x1;
	v62 =	vand.u32 $0xFF, v27  }
0x469: {  	s29 =	rddreg [dreg:$0x9];
	v63 =	vmul.u32 $0xFFFFFFFB, v61;
	v31 =	vsel vm0, s21, v6;
	v6 =	vshrl.u32 v62, $0x7  }
0x46a: {  	s30 =	smulhi.u32 $0x66666667, s29;
	v56 =	vmul.u32 $0xC0, v7;
	s18 =	sshra.s32 s29, $0x1F;
	s29 =	rddreg [dreg:$0x6];
	v38 =	vmul.u32 $0x5, v23;
	v6 =	vadd.s32 v6, v27  }
0x46b: {  	v48 =	vcombine.low v42, v30;
	s18 =	smul.u32 $0x66666667, s18;
	s23 =	rddreg [dreg:$0x7];
	v5 =	vadd.s32 v5, v63;
	v39 =	vand.u32 $0xFE, v6  }
0x46c: {  	v46 =	vld [tilespmem:$0x1FFD0];
	s17 =	rddreg [dreg:$0x8];
	s24 =	smulhi.u32 $0x66666667, s23;
	v24 =	vadd.s32 v56, v36;
	v5 =	vadd.s32 v38, v5;
	v41 =	vsub.s32 v27, v39  }
0x46d: {  	v22 =	vperm.xlane v22, v21;
	s19 =	sshra.s32 s29, $0x1F;
	s20 =	smulhi.u32 $0x66666667, s17;
	v6 =	vshll.u32 v24, $0x1;
	v24 =	vshll.u32 v41, $0x18  }
0x46e: {  	v50 =	vcombine.low v45, v40;
	v26 =	vperm.xlane v48, v20;
	s25 =	sshra.s32 s23, $0x1F;
	s19 =	smul.u32 $0x66666667, s19;
	v24 =	vshra.s32 v24, $0x18  }
0x46f: {  	s11 =	sadd.s32 s16, s11;
	v0 =	vcombine.low v1, v0;
	s14 =	sshra.s32 s17, $0x1F;
	s28 =	smul.u32 $0x66666667, s25;
	v24 =	vadd.s32 v24, v6  }
0x470: {  	v49 =	vcombine.low v37, v35;
	s26 =	sshra.s32 s11, $0x1;
	v30 =	vperm.xlane v50, v20;
	v22 =	vsel vm3, v26, v22;
	s22 =	smul.u32 $0x66666667, s14;
	s14 =	sadd.s32 s18, s30;
	[tilespmem:$0x80] =	vst v24  }
0x471: {  	v28 =	vshll.u32 v46, $0x6;
	v0 =	vperm.xlane v0, v20;
	s30 =	smulhi.u32 $0x66666667, s29;
	s29 =	sshrl.u32 s0, $0x1F;
	v56 =	vcombine.low v44, v43;
	s18 =	sadd.s32 s28, s24;
	v51 =	vld.idx.msk [tilespmem:v5+s3+$0x0], $0xffff  }
0x472: {  	v28 =	vadd.s32 v28, v61;
	v23 =	vshll.u32 v23, $0x6;
	s15 =	sadd.s32 s22, s20;
	v25 =	vsel vm1, s26, v57;
	s20 =	sshra.s32 s18, $0x1;
	s26 =	sshrl.u32 s4, $0x1F  }
0x473: {  	s17 =	sadd.s32 s19, s30;
	v23 =	vsub.s32 v28, v23;
	s24 =	sshra.s32 s15, $0x1;
	s4 =	sshra.s32 s4, $0x7;
	v47 =	vmov s20;
	v52 =	vmov s26  }
0x474: {  	s22 =	rddreg [dreg:$0x1e];
	s28 =	sshrl.u32 s1, $0x1F;
	s19 =	sshra.s32 s17, $0x1;
	v40 =	vmov s4;
	v4 =	vcombine.low v25, v4;
	v29 =	vsel vm2, s24, v47  }
0x475: {  	s31 =	sshra.s32 s14, $0x1;
	s23 =	smulhi.u32 $0x66666667, s22;
	s21 =	sshra.s32 s22, $0x1F;
	v32 =	vsel vm2, s28, v52;
	v29 =	vsel vm0, s19, v29;
	v24 =	vperm.xlane v49, v21  }
0x476: {  	s21 =	smul.u32 $0x66666667, s21;
	v54 =	vsel vm0, s29, v32;
	v27 =	vsel vm1, s31, v31;
	s31 =	sshrl.u32 s8, $0x1F;
	v55 =	vshra.s32 v51, $0x1F  }
0x477: {  	s20 =	sshrl.u32 s6, $0x1F;
	v57 =	vmov s31;
	v24 =	vsel vm3, v30, v24;
	v30 =	vshrl.u32 v55, $0x1A  }
0x478: {  	v32 =	vperm.xlane v56, v21;
	s16 =	sadd.s32 s21, s23;
	s21 =	sshrl.u32 s7, $0x1F;
	s23 =	sshrl.u32 s13, $0x1F;
	v1 =	vsel vm2, s20, v57;
	v30 =	vadd.s32 v30, v51  }
0x479: {  	s22 =	sshrl.u32 s11, $0x1F;
	v60 =	vmov s23;
	v1 =	vsel vm0, s21, v1;
	v30 =	vshrl.u32 v30, $0x6  }
0x47a: {  	s24 =	sshrl.u32 s9, $0x1F;
	s25 =	sshra.s32 s16, $0x1;
	v0 =	vsel vm3, v0, v32;
	v58 =	vsel vm1, s22, v1;
	v1 =	vshll.u32 v30, $0x6  }
0x47b: {  	v29 =	vsel vm1, s25, v29;
	v61 =	vsel vm2, s24, v60;
	v1 =	vsub.s32 v51, v1  }
0x47c: {  	s25 =	sshrl.u32 s10, $0x1F;
	v22 =	vadd.s32 v24, v22;
	v24 =	vadd.s32 v24, v0;
	v62 =	vand.u32 $0xFF, v1  }
0x47d: {  	s26 =	sshrl.u32 s14, $0x1F;
	v0 =	vsel vm0, s25, v61;
	v59 =	vmul.u32 $0xFFFFFFFB, v22;
	v63 =	vshrl.u32 v62, $0x7  }
0x47e: {  	v36 =	vmul.u32 $0x5, v24;
	v37 =	vsel vm1, s26, v0;
	v0 =	vadd.s32 v63, v1  }
0x47f: {  	s1 =	sshra.s32 s1, $0x7;
	v53 =	vmul.u32 $0xC0, v5;
	v3 =	vadd.s32 v3, v59;
	v31 =	vand.u32 $0xFE, v0  }
0x480: {  	s4 =	sshra.s32 s6, $0x7;
	s6 =	sshra.s32 s13, $0x7;
	v42 =	vsel vm2, s1, v40;
	v0 =	vadd.s32 v36, v3;
	v1 =	vsub.s32 v1, v31  }
0x481: {  	s28 =	sshrl.u32 s18, $0x1F;
	v44 =	vmov s6;
	v23 =	vadd.s32 v53, v23;
	v39 =	vshll.u32 v1, $0x18  }
0x482: {  	s0 =	sshra.s32 s0, $0x7;
	v38 =	vmov s28;
	v1 =	vshll.u32 v23, $0x1;
	v41 =	vshra.s32 v39, $0x18  }
0x483: {  	s30 =	sshrl.u32 s5, $0x1F;
	v28 =	vsel vm0, s0, v42;
	s31 =	sshra.s32 s8, $0x7;
	s8 =	sshra.s32 s18, $0x7;
	v27 =	vcombine.low v29, v27;
	v23 =	vadd.s32 v41, v1  }
0x484: {  	s29 =	sshrl.u32 s15, $0x1F;
	s15 =	sshra.s32 s15, $0x7;
	v4 =	vperm.xlane v4, v21;
	v26 =	vsel vm1, s30, v54;
	s13 =	sshra.s32 s9, $0x7;
	v45 =	vmov s8;
	[tilespmem:$0x90] =	vst v23  }
0x485: {  	v46 =	vsel vm2, s13, v44;
	v47 =	vsel vm2, s15, v45;
	s21 =	sshra.s32 s17, $0x7;
	v27 =	vperm.xlane v27, v20;
	v48 =	vld.idx.msk [tilespmem:v0+s3+$0x0], $0xffff  }
0x486: {  	v43 =	vmov s31;
	v25 =	vsel vm0, s21, v47;
	s22 =	sshra.s32 s5, $0x7;
	v26 =	vcombine.low v58, v26  }
0x487: {  	s19 =	sshra.s32 s7, $0x7;
	v28 =	vsel vm1, s22, v28;
	v4 =	vsel vm3, v27, v4;
	v30 =	vsel vm2, s4, v43  }
0x488: {  	s30 =	sshrl.u32 s17, $0x1F;
	s23 =	sshra.s32 s11, $0x7;
	s25 =	sshra.s32 s16, $0x7;
	v26 =	vperm.xlane v26, v21;
	v49 =	vsel vm0, s19, v30;
	v3 =	vsel vm2, s29, v38  }
0x489: {  	s18 =	sshrl.u32 s16, $0x1F;
	s20 =	sshra.s32 s10, $0x7;
	v25 =	vsel vm1, s25, v25;
	v29 =	vsel vm1, s23, v49;
	v3 =	vsel vm0, s30, v3  }
0x48a: {  	s24 =	sshra.s32 s14, $0x7;
	v3 =	vsel vm1, s18, v3;
	v23 =	vsel vm0, s20, v46;
	v50 =	vshra.s32 v48, $0x1F  }
0x48b: {  	v3 =	vcombine.low v3, v37;
	v23 =	vsel vm1, s24, v23;
	v30 =	vshrl.u32 v50, $0x1A  }
0x48c: {  	v28 =	vcombine.low v29, v28;
	v23 =	vcombine.low v25, v23;
	v51 =	vadd.s32 v30, v48  }
0x48d: {  	v53 =	vld [tilespmem:$0x1FFE0];
	v24 =	vshll.u32 v24, $0x6;
	v3 =	vperm.xlane v3, v20;
	v25 =	vshrl.u32 v51, $0x6  }
0x48e: {  	v21 =	vperm.xlane v28, v21;
	v20 =	vperm.xlane v23, v20;
	v52 =	vshll.u32 v25, $0x6  }
0x48f: {  	v57 =	vmul.u32 $0xC0, v0;
	v3 =	vsel vm3, v3, v26;
	v23 =	vsub.s32 v48, v52  }
0x490: {  	v4 =	vadd.s32 v3, v4;
	v20 =	vsel vm3, v20, v21;
	v55 =	vand.u32 $0xFF, v23  }
0x491: {  	v54 =	vmul.u32 $0xFFFFFFFB, v4;
	v20 =	vadd.s32 v3, v20;
	v3 =	vshrl.u32 v55, $0x7  }
0x492: {  	v56 =	vmul.u32 $0x5, v20;
	v25 =	vshll.u32 v53, $0x6;
	v3 =	vadd.s32 v3, v23  }
0x493: {  	v2 =	vadd.s32 v2, v54;
	v22 =	vadd.s32 v25, v22;
	v3 =	vand.u32 $0xFE, v3  }
0x494: {  	v2 =	vadd.s32 v56, v2;
	v22 =	vsub.s32 v22, v24;
	v3 =	vsub.s32 v23, v3  }
0x495: {  	v58 =	vadd.s32 v57, v22;
	v59 =	vshll.u32 v3, $0x18  }
0x496: {  	v3 =	vshll.u32 v58, $0x1;
	v60 =	vshra.s32 v59, $0x18  }
0x497: {  	v21 =	vadd.s32 v60, v3  }
0x498: {  	[tilespmem:$0xA0] =	vst v21  }
0x499: {  	v21 =	vld.idx.msk [tilespmem:v2+s3+$0x0], $0xffff;
	_ =	sdelay $0x4  }
0x49a: {  	v61 =	vshra.s32 v21, $0x1F  }
0x49b: {  	v22 =	vshrl.u32 v61, $0x1A  }
0x49c: {  	v22 =	vadd.s32 v22, v21  }
0x49d: {  	v63 =	vld [tilespmem:$0x1FFF0];
	v22 =	vshrl.u32 v22, $0x6  }
0x49e: {  	v22 =	vshll.u32 v22, $0x6  }
0x49f: {  	v21 =	vsub.s32 v21, v22  }
0x4a0: {  	v22 =	vand.u32 $0xFF, v21  }
0x4a1: {  	v22 =	vshrl.u32 v22, $0x7  }
0x4a2: {  	v20 =	vshll.u32 v20, $0x6;
	v24 =	vshll.u32 v63, $0x6;
	v22 =	vadd.s32 v22, v21  }
0x4a3: {  	v62 =	vmul.u32 $0xC0, v2;
	v4 =	vadd.s32 v24, v4;
	v22 =	vand.u32 $0xFE, v22  }
0x4a4: {  	v4 =	vsub.s32 v4, v20;
	v20 =	vsub.s32 v21, v22  }
0x4a5: {  	v4 =	vadd.s32 v62, v4;
	v20 =	vshll.u32 v20, $0x18  }
0x4a6: {  	v4 =	vshll.u32 v4, $0x1;
	v20 =	vshra.s32 v20, $0x18  }
0x4a7: {  	s1 =	simm.s32 $0x50;
	s26 =	rddreg [dreg:$0x0];
	v20 =	vadd.s32 v20, v4  }
0x4a8: {  	s5 =	simm.s32 $0xC0;
	s0 =	sadd.s32 $0xC00, s26;
	s4 =	simm.s32 $0x20;
	[tilespmem:$0xB0] =	vst v20  }
0x4a9: {  	[tilespmem:s5], [sflag:$0x1] =	stream.indirect.gather [hbm4b:s0+s1], $0x40, s4, s1, $0xb8;
	[tilespmem:$0x28C0] =	vst v63  }
0x4aa: {  	s6 =	simm.s32 $0x70;
	s7 =	simm.s32 $0x14C0;
	s8 =	simm.s32 $0x1  }
0x4ab: {  	[tilespmem:s7], [sflag:$0x1] =	stream.indirect.gather [hbm4b:s0+s1], $0x40, s6, s1, $0xb8;
	[tilespmem:$0x28C0] =	vst v63  }
0x4ac: {  	_ =	swait.ge [sflag:s8], $0x1400  }
0x4ad: {  	[sflag:s8] =	ssyncset.done $0x0  }
0x4ae: {  	s28 =	rddreg [dreg:$0x4];
	[sflag:s8] =	ssyncadd.s32 $0xFFFFEC00  }
0x4af: {  	s9 =	smul.u32 $0x500, s28;
	_ =	swait.ge [sflag:s8], $0x1400  }
0x4b0: {  	s10 =	sadd.s32 $0x13800, s26;
	[sflag:s8] =	ssyncset.done $0x0;
	s29 =	rddreg [dreg:$0x3]  }
0x4b1: {  	s9 =	sadd.s32 s10, s9;
	s11 =	ssub.s32 $0x2, s29;
	[sflag:s8] =	ssyncadd.s32 $0xFFFFEC00  }
0x4b2: {  	[hbm4b:s9+s3] =	stream.linear.scatter [tilespmem:s5], [sflag:$0x2], $0x1400, $0x38;
	[tilespmem:$0x28C0] =	vst v63  }
0x4b3: {  	s30 =	sshrl.u32 s11, $0x1  }
0x4b4: {  	s11 =	ssub.s32 s11, s30  }
0x4b5: {  	_ =	swait.ge [sflag:s12], $0x1400;
	s11 =	smax.u32 s11, $0x1  }
0x4b6: {  	s31 =	rddreg [dreg:$0x5];
	p0 =	sne.s32 s11, $0x1  }
.Ltmp1:
0x4b7: {  	[sflag:s12] =	ssyncset.done $0x0;
	s13 =	sshll.u32 s31, $0x3;
	(pc) =	sbr.rel @!p0 .LBB2_3-.Ltmp1, $4  }
0x4b8: {  	[sflag:s12] =	ssyncadd.s32 $0xFFFFEC00;
	s10 =	sadd.s32 s10, s13  }
0x4b9: {  	[hbm4b:s10+s3] =	stream.linear.scatter [tilespmem:s7], [sflag:$0x2], $0x1400, $0x38;
	[tilespmem:$0x28C0] =	vst v63  }
0x4ba: {  	_ =	swait.ge [sflag:s12], $0x1400  }
0x4bb: {  	s11 =	sadd.s32 $0xFFFFFFFF, s11;
	[sflag:s12] =	ssyncset.done $0x0  }
.LBB2_2:
0x4bc: {  	p0 =	sne.s32 s11, $0x1;
	s11 =	sadd.s32 $0xFFFFFFFF, s11;
	[sflag:s12] =	ssyncadd.s32 $0xFFFFEC00  }
0x4bd: {  	[tilespmem:s3], [sflag:$0x2] =	stream.linear.gather [hbm4b:s2+s3], $0x20, $0x38;
	[tilespmem:$0x28C0] =	vst v63  }
0x4be: {  	_ =	swait.ge [sflag:s12], $0x20  }
0x4bf: {  	[sflag:s12] =	ssyncset.done $0x0  }
0x4c0: {  	[sflag:s12] =	ssyncadd.s32 $0xFFFFFFE0  }
0x4c1: {  	v20 =	vld.idx.msk [tilespmem:v19+s3+$0x0], $0xffff;
	_ =	sdelay $0x5  }
0x4c2: {  	v21 =	vshra.s32 v20, $0x1F  }
0x4c3: {  	v21 =	vshrl.u32 v21, $0x1A  }
0x4c4: {  	v21 =	vadd.s32 v21, v20  }
0x4c5: {  	v21 =	vshrl.u32 v21, $0x6  }
0x4c6: {  	v21 =	vshll.u32 v21, $0x6  }
0x4c7: {  	v20 =	vsub.s32 v20, v21  }
0x4c8: {  	v21 =	vand.u32 $0xFF, v20  }
0x4c9: {  	v21 =	vshrl.u32 v21, $0x7  }
0x4ca: {  	v21 =	vadd.s32 v21, v20  }
0x4cb: {  	v21 =	vand.u32 $0xFE, v21  }
0x4cc: {  	v20 =	vsub.s32 v20, v21  }
0x4cd: {  	v20 =	vshll.u32 v20, $0x18  }
0x4ce: {  	v20 =	vshra.s32 v20, $0x18  }
0x4cf: {  	v20 =	vadd.s32 v20, v18  }
0x4d0: {  	[tilespmem:$0x20] =	vst v20  }
0x4d1: {  	v20 =	vld.idx.msk [tilespmem:v17+s3+$0x0], $0xffff;
	_ =	sdelay $0x5  }
0x4d2: {  	v21 =	vshra.s32 v20, $0x1F  }
0x4d3: {  	v21 =	vshrl.u32 v21, $0x1A  }
0x4d4: {  	v21 =	vadd.s32 v21, v20  }
0x4d5: {  	v21 =	vshrl.u32 v21, $0x6  }
0x4d6: {  	v21 =	vshll.u32 v21, $0x6  }
0x4d7: {  	v20 =	vsub.s32 v20, v21  }
0x4d8: {  	v21 =	vand.u32 $0xFF, v20  }
0x4d9: {  	v21 =	vshrl.u32 v21, $0x7  }
0x4da: {  	v21 =	vadd.s32 v21, v20  }
0x4db: {  	v21 =	vand.u32 $0xFE, v21  }
0x4dc: {  	v20 =	vsub.s32 v20, v21  }
0x4dd: {  	v20 =	vshll.u32 v20, $0x18  }
0x4de: {  	v20 =	vshra.s32 v20, $0x18  }
0x4df: {  	v20 =	vadd.s32 v20, v16  }
0x4e0: {  	[tilespmem:$0x30] =	vst v20  }
0x4e1: {  	v20 =	vld.idx.msk [tilespmem:v15+s3+$0x0], $0xffff;
	_ =	sdelay $0x5  }
0x4e2: {  	v21 =	vshra.s32 v20, $0x1F  }
0x4e3: {  	v21 =	vshrl.u32 v21, $0x1A  }
0x4e4: {  	v21 =	vadd.s32 v21, v20  }
0x4e5: {  	v21 =	vshrl.u32 v21, $0x6  }
0x4e6: {  	v21 =	vshll.u32 v21, $0x6  }
0x4e7: {  	v20 =	vsub.s32 v20, v21  }
0x4e8: {  	v21 =	vand.u32 $0xFF, v20  }
0x4e9: {  	v21 =	vshrl.u32 v21, $0x7  }
0x4ea: {  	v21 =	vadd.s32 v21, v20  }
0x4eb: {  	v21 =	vand.u32 $0xFE, v21  }
0x4ec: {  	v20 =	vsub.s32 v20, v21  }
0x4ed: {  	v20 =	vshll.u32 v20, $0x18  }
0x4ee: {  	v20 =	vshra.s32 v20, $0x18  }
0x4ef: {  	v20 =	vadd.s32 v20, v14  }
0x4f0: {  	[tilespmem:$0x40] =	vst v20  }
0x4f1: {  	v20 =	vld.idx.msk [tilespmem:v13+s3+$0x0], $0xffff;
	_ =	sdelay $0x5  }
0x4f2: {  	v21 =	vshra.s32 v20, $0x1F  }
0x4f3: {  	v21 =	vshrl.u32 v21, $0x1A  }
0x4f4: {  	v21 =	vadd.s32 v21, v20  }
0x4f5: {  	v21 =	vshrl.u32 v21, $0x6  }
0x4f6: {  	v21 =	vshll.u32 v21, $0x6  }
0x4f7: {  	v20 =	vsub.s32 v20, v21  }
0x4f8: {  	v21 =	vand.u32 $0xFF, v20  }
0x4f9: {  	v21 =	vshrl.u32 v21, $0x7  }
0x4fa: {  	v21 =	vadd.s32 v21, v20  }
0x4fb: {  	v21 =	vand.u32 $0xFE, v21  }
0x4fc: {  	v20 =	vsub.s32 v20, v21  }
0x4fd: {  	v20 =	vshll.u32 v20, $0x18  }
0x4fe: {  	v20 =	vshra.s32 v20, $0x18  }
0x4ff: {  	v20 =	vadd.s32 v20, v12  }
0x500: {  	[tilespmem:$0x50] =	vst v20  }
0x501: {  	v20 =	vld.idx.msk [tilespmem:v11+s3+$0x0], $0xffff;
	_ =	sdelay $0x5  }
0x502: {  	v21 =	vshra.s32 v20, $0x1F  }
0x503: {  	v21 =	vshrl.u32 v21, $0x1A  }
0x504: {  	v21 =	vadd.s32 v21, v20  }
0x505: {  	v21 =	vshrl.u32 v21, $0x6  }
0x506: {  	v21 =	vshll.u32 v21, $0x6  }
0x507: {  	v20 =	vsub.s32 v20, v21  }
0x508: {  	v21 =	vand.u32 $0xFF, v20  }
0x509: {  	v21 =	vshrl.u32 v21, $0x7  }
0x50a: {  	v21 =	vadd.s32 v21, v20  }
0x50b: {  	v21 =	vand.u32 $0xFE, v21  }
0x50c: {  	v20 =	vsub.s32 v20, v21  }
0x50d: {  	v20 =	vshll.u32 v20, $0x18  }
0x50e: {  	v20 =	vshra.s32 v20, $0x18  }
0x50f: {  	v20 =	vadd.s32 v20, v10  }
0x510: {  	[tilespmem:$0x60] =	vst v20  }
0x511: {  	v20 =	vld.idx.msk [tilespmem:v9+s3+$0x0], $0xffff;
	_ =	sdelay $0x5  }
0x512: {  	v21 =	vshra.s32 v20, $0x1F  }
0x513: {  	v21 =	vshrl.u32 v21, $0x1A  }
0x514: {  	v21 =	vadd.s32 v21, v20  }
0x515: {  	v21 =	vshrl.u32 v21, $0x6  }
0x516: {  	v21 =	vshll.u32 v21, $0x6  }
0x517: {  	v20 =	vsub.s32 v20, v21  }
0x518: {  	v21 =	vand.u32 $0xFF, v20  }
0x519: {  	v21 =	vshrl.u32 v21, $0x7  }
0x51a: {  	v21 =	vadd.s32 v21, v20  }
0x51b: {  	v21 =	vand.u32 $0xFE, v21  }
0x51c: {  	v20 =	vsub.s32 v20, v21  }
0x51d: {  	v20 =	vshll.u32 v20, $0x18  }
0x51e: {  	v20 =	vshra.s32 v20, $0x18  }
0x51f: {  	v20 =	vadd.s32 v20, v8  }
0x520: {  	[tilespmem:$0x70] =	vst v20  }
0x521: {  	v20 =	vld.idx.msk [tilespmem:v7+s3+$0x0], $0xffff;
	_ =	sdelay $0x5  }
0x522: {  	v21 =	vshra.s32 v20, $0x1F  }
0x523: {  	v21 =	vshrl.u32 v21, $0x1A  }
0x524: {  	v21 =	vadd.s32 v21, v20  }
0x525: {  	v21 =	vshrl.u32 v21, $0x6  }
0x526: {  	v21 =	vshll.u32 v21, $0x6  }
0x527: {  	v20 =	vsub.s32 v20, v21  }
0x528: {  	v21 =	vand.u32 $0xFF, v20  }
0x529: {  	v21 =	vshrl.u32 v21, $0x7  }
0x52a: {  	v21 =	vadd.s32 v21, v20  }
0x52b: {  	v21 =	vand.u32 $0xFE, v21  }
0x52c: {  	v20 =	vsub.s32 v20, v21  }
0x52d: {  	v20 =	vshll.u32 v20, $0x18  }
0x52e: {  	v20 =	vshra.s32 v20, $0x18  }
0x52f: {  	v20 =	vadd.s32 v20, v6  }
0x530: {  	[tilespmem:$0x80] =	vst v20  }
0x531: {  	v20 =	vld.idx.msk [tilespmem:v5+s3+$0x0], $0xffff;
	_ =	sdelay $0x5  }
0x532: {  	v21 =	vshra.s32 v20, $0x1F  }
0x533: {  	v21 =	vshrl.u32 v21, $0x1A  }
0x534: {  	v21 =	vadd.s32 v21, v20  }
0x535: {  	v21 =	vshrl.u32 v21, $0x6  }
0x536: {  	v21 =	vshll.u32 v21, $0x6  }
0x537: {  	v20 =	vsub.s32 v20, v21  }
0x538: {  	v21 =	vand.u32 $0xFF, v20  }
0x539: {  	v21 =	vshrl.u32 v21, $0x7  }
0x53a: {  	v21 =	vadd.s32 v21, v20  }
0x53b: {  	v21 =	vand.u32 $0xFE, v21  }
0x53c: {  	v20 =	vsub.s32 v20, v21  }
0x53d: {  	v20 =	vshll.u32 v20, $0x18  }
0x53e: {  	v20 =	vshra.s32 v20, $0x18  }
0x53f: {  	v20 =	vadd.s32 v20, v1  }
0x540: {  	[tilespmem:$0x90] =	vst v20  }
0x541: {  	v20 =	vld.idx.msk [tilespmem:v0+s3+$0x0], $0xffff;
	_ =	sdelay $0x5  }
0x542: {  	v21 =	vshra.s32 v20, $0x1F  }
0x543: {  	v21 =	vshrl.u32 v21, $0x1A  }
0x544: {  	v21 =	vadd.s32 v21, v20  }
0x545: {  	v21 =	vshrl.u32 v21, $0x6  }
0x546: {  	v21 =	vshll.u32 v21, $0x6  }
0x547: {  	v20 =	vsub.s32 v20, v21  }
0x548: {  	v21 =	vand.u32 $0xFF, v20  }
0x549: {  	v21 =	vshrl.u32 v21, $0x7  }
0x54a: {  	v21 =	vadd.s32 v21, v20  }
0x54b: {  	v21 =	vand.u32 $0xFE, v21  }
0x54c: {  	v20 =	vsub.s32 v20, v21  }
0x54d: {  	v20 =	vshll.u32 v20, $0x18  }
0x54e: {  	v20 =	vshra.s32 v20, $0x18  }
0x54f: {  	v20 =	vadd.s32 v20, v3  }
0x550: {  	[tilespmem:$0xA0] =	vst v20  }
0x551: {  	v20 =	vld.idx.msk [tilespmem:v2+s3+$0x0], $0xffff;
	_ =	sdelay $0x5  }
0x552: {  	v21 =	vshra.s32 v20, $0x1F  }
0x553: {  	v21 =	vshrl.u32 v21, $0x1A  }
0x554: {  	v21 =	vadd.s32 v21, v20  }
0x555: {  	v21 =	vshrl.u32 v21, $0x6  }
0x556: {  	v21 =	vshll.u32 v21, $0x6  }
0x557: {  	v20 =	vsub.s32 v20, v21  }
0x558: {  	v21 =	vand.u32 $0xFF, v20  }
0x559: {  	v21 =	vshrl.u32 v21, $0x7  }
0x55a: {  	v21 =	vadd.s32 v21, v20  }
0x55b: {  	v21 =	vand.u32 $0xFE, v21  }
0x55c: {  	v20 =	vsub.s32 v20, v21  }
0x55d: {  	v20 =	vshll.u32 v20, $0x18  }
0x55e: {  	v20 =	vshra.s32 v20, $0x18  }
0x55f: {  	v20 =	vadd.s32 v20, v4  }
0x560: {  	[tilespmem:$0xB0] =	vst v20  }
0x561: {  	[tilespmem:s5], [sflag:$0x1] =	stream.indirect.gather [hbm4b:s0+s1], $0x40, s4, s1, $0xb8;
	[tilespmem:$0x28C0] =	vst v63  }
0x562: {  	_ = 	snop  }
0x563: {  	[tilespmem:s7], [sflag:$0x1] =	stream.indirect.gather [hbm4b:s0+s1], $0x40, s6, s1, $0xb8;
	[tilespmem:$0x28C0] =	vst v63  }
0x564: {  	_ =	swait.ge [sflag:s8], $0x1400  }
0x565: {  	[sflag:s8] =	ssyncset.done $0x0  }
0x566: {  	[sflag:s8] =	ssyncadd.s32 $0xFFFFEC00  }
0x567: {  	_ =	swait.ge [sflag:s8], $0x1400  }
0x568: {  	[sflag:s8] =	ssyncset.done $0x0  }
0x569: {  	[sflag:s8] =	ssyncadd.s32 $0xFFFFEC00  }
0x56a: {  	[hbm4b:s9+s3] =	stream.linear.scatter [tilespmem:s5], [sflag:$0x2], $0x1400, $0x38;
	[tilespmem:$0x28C0] =	vst v63  }
0x56b: {  	_ =	swait.ge [sflag:s12], $0x1400  }
.Ltmp2:
0x56c: {  	[sflag:s12] =	ssyncset.done $0x0;
	(pc) =	sbr.rel @p0 .LBB2_2-.Ltmp2, $4  }
0x56d: {  	[sflag:s12] =	ssyncadd.s32 $0xFFFFEC00  }
0x56e: {  	[hbm4b:s10+s3] =	stream.linear.scatter [tilespmem:s7], [sflag:$0x2], $0x1400, $0x38;
	[tilespmem:$0x28C0] =	vst v63  }
0x56f: {  	_ =	swait.ge [sflag:s12], $0x1400  }
0x570: {  	[sflag:s12] =	ssyncset.done $0x0  }
.LBB2_3:
0x571: {  	[sflag:s12] =	ssyncadd.s32 $0xFFFFEC00;
	s15 =	stileid.u32  }
.LBB2_4:
0x572: {  	_ =	sfence.sel $0x180000  }
0x573: {  	[bflag:$0x0] =	sbarrier.arrive $0xFFFF  }
0x574: {  	_ =	strace $0x90000047  }
0x575: {  	[bflag:$0x2] =	sbarrier.arrive $0xFFFF  }
0x576: {  	p0 =	sne.s32 s15, $0x0;
	s0 =	rddreg [dreg:$0x2]  }
0x577: {  	s0 =	sadd.s32 @!p0 $0x100000, s0  }
0x578: {  	[sflag:s0] =	ssyncadd.tile.s32 @!p0 $0x1;
	_ =	shalt  }
.Lfunc_end2:
_tile_overlayer_lowered:
.L_overlay_start_2:
0x579: {  	(tag) =	ssettag $0x2  }
0x57a: {  	s0 =	rddreg [dreg:$0x0];
	s2 =	stileid.u32  }
0x57b: {  	s1 =	rddreg [dreg:$0x1];
	p0 =	sne.s32 s2, $0x0  }
0x57c: {  	s3 =	rddreg [dreg:$0x2];
	[bflag:$0x3] =	sbarrier.arrive $0xFFFF;
	s2 =	simm.s32 @!p0 $0x1C02  }
0x57d: {  	[timem:s3], [sflag:s2] =	dma.local @!p0 [hbm:s0], s1  }
0x57e: {  	s0 =	simm.s32 @!p0 $0x2  }
0x57f: {  	_ =	swait.ge @!p0 [sflag:s0], s1  }
0x580: {  	s1 =	ssub.s32 @!p0 $0x0, s1;
	[sflag:s0] =	ssyncset.done @!p0 $0x0  }
0x581: {  	[sflag:s0] =	ssyncadd.s32 @!p0 s1  }
0x582: {  	[bflag:$0x3] =	sbarrier.arrive $0xFFFF  }
0x583: {  	_ =	shalt  }

</sc_bundles>
